<compile_context>
chip_gen: v7x
topology: tpu7x:2x2x1
jax: 0.10.2.dev20260603
libtpu: 0.0.44.dev20260713+nightly
codegen_flags: <defaults>
</compile_context>

<pallas_src>
import functools

import jax
import jax.numpy as jnp
from jax import lax
from jax.experimental import pallas as pl
from jax.experimental.pallas import tpu as pltpu
from jax.experimental.pallas import tpu_sc as plsc

N = 10000
NP = 10240
F = 64
NE = 320000
E2 = NE + N
CH = 10368
E2P = 32 * CH
NBLK = CH // 64
CHF = 10112
NEP = 32 * CHF
NBF = CHF // 64
WIN = 985_600
NFULL = 50
LAST = 50_000_000 - NFULL * WIN
NPASS = NFULL + 1
TSLICE = WIN // 16
TSL_LAST = LAST // 16

_mesh = plsc.VectorSubcoreMesh(core_axis_name="c", subcore_axis_name="s",
                               num_cores=2, num_subcores=16)
_scp = pltpu.CompilerParams(needs_layout_passes=False,
                            use_tc_tiling_on_sc=False,
                            internal_scratch_in_bytes=0)


def _iota16():
    return lax.broadcasted_iota(jnp.int32, (16,), 0)


def _full16(v):
    return jnp.full((16,), v, jnp.int32)



def _mm_kernel(x_ref, w_ref, b_ref, o_ref):
    o_ref[...] = (
        jnp.dot(x_ref[...], w_ref[...], preferred_element_type=jnp.float32)
        + b_ref[...]
    )


def _mm(x, w, b):
    n, m = x.shape[0], w.shape[1]
    return pl.pallas_call(
        _mm_kernel,
        out_shape=jax.ShapeDtypeStruct((n, m), jnp.float32),
    )(x, w, b.reshape(1, m))


def _layer_pre_kernel(h_ref, w_ref, as_ref, ad_ref, ht_ref, asv_ref, adv_ref):
    ht = jnp.dot(h_ref[...], w_ref[...], preferred_element_type=jnp.float32)
    ht_ref[...] = jnp.concatenate([ht, jnp.zeros_like(ht)], axis=1)
    asv_ref[...] = jnp.sum(ht * as_ref[...], axis=1, keepdims=True)
    adv_ref[...] = jnp.sum(ht * ad_ref[...], axis=1, keepdims=True)


def _layer_pre(h, w, att_s, att_d):
    n, m = h.shape[0], w.shape[1]
    return pl.pallas_call(
        _layer_pre_kernel,
        out_shape=(
            jax.ShapeDtypeStruct((n, 2 * m), jnp.float32),
            jax.ShapeDtypeStruct((n, 1), jnp.float32),
            jax.ShapeDtypeStruct((n, 1), jnp.float32),
        ),
    )(h, w, att_s.reshape(1, m), att_d.reshape(1, m))


def _layer_mid_kernel(p_ref, s_ref, bc_ref, w_ref, as_ref, ad_ref,
                      ht_ref, asv_ref, adv_ref):
    rec = 1.0 / (jnp.sum(s_ref[...], axis=1, keepdims=True) + 1e-16)
    h = (p_ref[0] + p_ref[1]) * rec + bc_ref[...]
    h = jax.nn.relu(h)
    ht = jnp.dot(h, w_ref[...], preferred_element_type=jnp.float32)
    ht_ref[...] = jnp.concatenate([ht, jnp.zeros_like(ht)], axis=1)
    asv_ref[...] = jnp.sum(ht * as_ref[...], axis=1, keepdims=True)
    adv_ref[...] = jnp.sum(ht * ad_ref[...], axis=1, keepdims=True)


def _layer_mid(p, s2, bc, w, att_s, att_d):
    m = w.shape[1]
    return pl.pallas_call(
        _layer_mid_kernel,
        out_shape=(
            jax.ShapeDtypeStruct((N, 2 * m), jnp.float32),
            jax.ShapeDtypeStruct((N, 1), jnp.float32),
            jax.ShapeDtypeStruct((N, 1), jnp.float32),
        ),
    )(p, s2, bc.reshape(1, m), w, att_s.reshape(1, m), att_d.reshape(1, m))


def _final_tc_kernel(p_ref, s_ref, bc_ref, wa_ref, wb_ref, bm_ref,
                     u_ref, v_ref):
    rec = 1.0 / (jnp.sum(s_ref[...], axis=1, keepdims=True) + 1e-16)
    h = (p_ref[0] + p_ref[1]) * rec + bc_ref[...]
    h = jax.nn.sigmoid(h)
    u = (jnp.dot(h, wa_ref[...], preferred_element_type=jnp.float32)
         + bm_ref[...])
    v = jnp.dot(h, wb_ref[...], preferred_element_type=jnp.float32)
    z = jnp.zeros((N, 96), jnp.float32)
    u_ref[...] = jnp.concatenate([u, z], axis=1)
    v_ref[...] = jnp.concatenate([v, z], axis=1)


def _final_tc(p, s2, bc, wm1, bm1):
    return pl.pallas_call(
        _final_tc_kernel,
        out_shape=(
            jax.ShapeDtypeStruct((N, 128), jnp.float32),
            jax.ShapeDtypeStruct((N, 128), jnp.float32),
        ),
    )(p, s2, bc.reshape(1, F), wm1[:F], wm1[F:], bm1.reshape(1, 32))



@functools.partial(
    pl.kernel,
    mesh=_mesh,
    out_type=(
        jax.ShapeDtypeStruct((2, 16, NP), jnp.float32),
        jax.ShapeDtypeStruct((2, NP, F), jnp.float32),
    ),
    scratch_types=[
        pltpu.VMEM((CH,), jnp.int32),
        pltpu.VMEM((CH,), jnp.int32),
        pltpu.VMEM((N,), jnp.float32),
        pltpu.VMEM((N,), jnp.float32),
        pltpu.VMEM((NP,), jnp.float32),
        pltpu.VMEM((64, 128), jnp.float32),
        pltpu.VMEM((64, F), jnp.float32),
        pltpu.VMEM((64,), jnp.float32),
        pltpu.VMEM((64,), jnp.int32),
        pltpu.VMEM((64,), jnp.int32),
        pltpu.VMEM_SHARED((NP, F), jnp.float32),
        pltpu.SemaphoreType.DMA,
    ],
    compiler_params=_scp,
)
def _gat_edges_sc(src2, dst2, asv_h, adv_h, ht_h, zrows_h,
                  s_part, out_part,
                  sbuf, dbuf, asv_v, adv_v, s_loc, rows_v, rows64,
                  ev_v, sidx, didx, acc, sem):
    c = lax.axis_index("c")
    s = lax.axis_index("s")
    w = s * 2 + c
    base = w * CH
    iota = _iota16()

    pltpu.sync_copy(src2.at[w], sbuf)
    pltpu.sync_copy(dst2.at[w], dbuf)
    pltpu.sync_copy(asv_h, asv_v)
    pltpu.sync_copy(adv_h, adv_v)

    def _z(i, _):
        plsc.store_scatter(s_loc, [iota + i * 16],
                           jnp.zeros((16,), jnp.float32))
        return 0
    lax.fori_loop(0, NP // 16, _z, 0)

    pltpu.sync_copy(zrows_h, acc.at[pl.ds(s * 640, 640)])
    plsc.subcore_barrier()

    gidx = [iota + 16 * g for g in range(4)]
    cidx = [iota + 16 * j for j in range(4)]

    def _blk(b, _):
        for g in range(4):
            pos = b * 64 + g * 16 + iota
            si = plsc.load_gather(sbuf, [pos])
            di = plsc.load_gather(dbuf, [pos])
            plsc.store_scatter(sidx, [gidx[g]], si)
            plsc.store_scatter(didx, [gidx[g]], di)
            av = plsc.load_gather(asv_v, [si])
            dv = plsc.load_gather(adv_v, [di])
            a = av + dv
            a = jnp.where(a > 0, a, 0.2 * a)
            e = jnp.exp(a)
            e = jnp.where(base + pos < E2, e, 0.0)
            plsc.addupdate_scatter(s_loc, [di], e)
            plsc.store_scatter(ev_v, [gidx[g]], e)
        pltpu.async_copy(ht_h.at[sidx], rows_v, sem).wait()

        def _row(r, _):
            ri = _full16(r)
            a16 = plsc.load_gather(ev_v, [ri])
            for j in range(4):
                x = plsc.load_gather(rows_v, [ri, cidx[j]])
                plsc.store_scatter(rows64, [ri, cidx[j]], x * a16)
            return 0
        lax.fori_loop(0, 64, _row, 0)

        pltpu.sync_copy(rows64, acc.at[didx], add=True)
        return 0

    lax.fori_loop(0, NBLK, _blk, 0)

    pltpu.sync_copy(s_loc, s_part.at[c, s])

    plsc.subcore_barrier()
    pltpu.sync_copy(acc.at[pl.ds(s * 640, 640)],
                    out_part.at[c, pl.ds(s * 640, 640)])



@functools.partial(
    pl.kernel,
    mesh=_mesh,
    out_type=jax.ShapeDtypeStruct((N * N,), jnp.float32),
    scratch_types=[
        pltpu.VMEM((CHF,), jnp.int32),
        pltpu.VMEM((CHF,), jnp.int32),
        pltpu.VMEM((64,), jnp.float32),
        pltpu.VMEM((64,), jnp.int32),
        pltpu.VMEM((64,), jnp.int32),
        pltpu.VMEM((64,), jnp.int32),
        pltpu.VMEM((64, 128), jnp.float32),
        pltpu.VMEM((64, 128), jnp.float32),
        pltpu.VMEM((NBF, 64), jnp.float32),
        pltpu.VMEM((NBF, 64), jnp.int32),
        pltpu.VMEM((32,), jnp.float32),
        pltpu.VMEM((8,), jnp.float32),
        pltpu.VMEM_SHARED((WIN,), jnp.float32),
        pltpu.SemaphoreType.DMA,
    ],
    compiler_params=_scp,
)
def _final_sc(src2, dst2, u_h, v_h, wm2_h, bm2_h, zwin_h, o_h,
              ibuf, dbuf, cval, sidx, didx, scat_i, urows, vrows,
              wbuf, fbuf, wm2_v, bm2_v, win, sem):
    c = lax.axis_index("c")
    s = lax.axis_index("s")
    w = s * 2 + c
    base = w * CHF
    iota = _iota16()

    pltpu.sync_copy(src2.at[w], ibuf)
    pltpu.sync_copy(dst2.at[w], dbuf)
    pltpu.sync_copy(wm2_h, wm2_v)
    pltpu.sync_copy(bm2_h, bm2_v)

    pltpu.sync_copy(zwin_h, win.at[pl.ds(s * TSLICE, TSLICE)])

    gidx = [iota + 16 * g for g in range(4)]
    wjs = [plsc.load_gather(wm2_v, [_full16(j)]) for j in range(32)]
    bm2b = plsc.load_gather(bm2_v, [_full16(0)])

    def _blk(b, _):
        for g in range(4):
            pos = b * 64 + g * 16 + iota
            plsc.store_scatter(sidx, [gidx[g]], plsc.load_gather(ibuf, [pos]))
            plsc.store_scatter(didx, [gidx[g]], plsc.load_gather(dbuf, [pos]))
        pltpu.async_copy(u_h.at[sidx], urows, sem).wait()
        pltpu.async_copy(v_h.at[didx], vrows, sem).wait()
        bi = _full16(b)
        for g in range(4):
            accv = bm2b
            for j in range(32):
                cj = _full16(j)
                uz = plsc.load_gather(urows, [gidx[g], cj])
                vz = plsc.load_gather(vrows, [gidx[g], cj])
                z = jnp.maximum(uz + vz, 0.0)
                accv = accv + z * wjs[j]
            pos = b * 64 + g * 16 + iota
            si = plsc.load_gather(sidx, [gidx[g]])
            di = plsc.load_gather(didx, [gidx[g]])
            fl = si * N + di
            accv = jnp.where(base + pos < NE, accv, 0.0)
            plsc.store_scatter(wbuf, [bi, gidx[g]], accv)
            plsc.store_scatter(fbuf, [bi, gidx[g]], fl)
        return 0

    lax.fori_loop(0, NBF, _blk, 0)
    plsc.subcore_barrier()

    def _pass(p, _):
        lo = c * 50_000_000 + p * WIN

        def _scan(b, _):
            bi = _full16(b)
            for g in range(4):
                fl = plsc.load_gather(fbuf, [bi, gidx[g]])
                lw = fl - lo
                m = (lw >= 0) & (lw < WIN)
                vv = plsc.load_gather(wbuf, [bi, gidx[g]])
                idx = jnp.where(m, lw, lax.rem(fl, WIN))
                vv = jnp.where(m, vv, 0.0)
                plsc.store_scatter(scat_i, [gidx[g]], idx)
                plsc.store_scatter(cval, [gidx[g]], vv)
            pltpu.sync_copy(cval, win.at[scat_i], add=True)
            return 0

        lax.fori_loop(0, NBF, _scan, 0)
        plsc.subcore_barrier()

        @pl.when(p < NFULL)
        def _():
            off = c * 50_000_000 + p * WIN + s * TSLICE
            pltpu.sync_copy(win.at[pl.ds(s * TSLICE, TSLICE)],
                            o_h.at[pl.ds(off, TSLICE)])
            pltpu.sync_copy(zwin_h, win.at[pl.ds(s * TSLICE, TSLICE)])

        @pl.when(p == NFULL)
        def _():
            off = c * 50_000_000 + p * WIN + s * TSL_LAST
            pltpu.sync_copy(win.at[pl.ds(s * TSL_LAST, TSL_LAST)],
                            o_h.at[pl.ds(off, TSL_LAST)])
        plsc.subcore_barrier()
        return 0

    lax.fori_loop(0, NPASS, _pass, 0)



def kernel(x, edge_index, W1, b1, Wc1, as1, ad1, bc1, Wc2, as2, ad2, bc2,
           Wc3, as3, ad3, bc3, Wc4, as4, ad4, bc4, Wc5, as5, ad5, bc5,
           Wm1, bm1, Wm2, bm2):
    src, dst = edge_index[0], edge_index[1]
    loop = jnp.arange(N, dtype=src.dtype)
    pad2 = jnp.zeros((E2P - E2,), jnp.int32)
    src3 = jnp.concatenate([src, loop, pad2]).reshape(32, CH)
    dst3 = jnp.concatenate([dst, loop, pad2]).reshape(32, CH)
    padf = jnp.zeros((NEP - NE,), jnp.int32)
    srcf = jnp.concatenate([src, padf]).reshape(32, CHF)
    dstf = jnp.concatenate([dst, padf]).reshape(32, CHF)

    zrows = jnp.zeros((640, F), jnp.float32)
    zwin = jnp.zeros((TSLICE,), jnp.float32)

    h0 = _mm(x, W1, b1)
    ht, asv, adv = _layer_pre(h0, Wc1, as1, ad1)

    layers = [(Wc2, as2, ad2, bc1), (Wc3, as3, ad3, bc2),
              (Wc4, as4, ad4, bc3), (Wc5, as5, ad5, bc4)]
    for (Wn, a_s, a_d, bc) in layers:
        s_part, out_part = _gat_edges_sc(
            src3, dst3, asv[:, 0], adv[:, 0], ht, zrows)
        s2 = jnp.transpose(s_part.reshape(32, NP))[:N]
        ht, asv, adv = _layer_mid(out_part[:, :N], s2, bc, Wn, a_s, a_d)

    s_part, out_part = _gat_edges_sc(src3, dst3, asv[:, 0], adv[:, 0],
                                     ht, zrows)
    s2 = jnp.transpose(s_part.reshape(32, NP))[:N]
    u, v = _final_tc(out_part[:, :N], s2, bc5, Wm1, bm1)

    z = jax.nn.relu(u[:, :32][src] + v[:, :32][dst])
    e_out = z @ Wm2[:, 0] + bm2[0]
    return jnp.zeros((N, N), dtype=x.dtype).at[src, dst].add(e_out)

# --- scband reference (transcript-rebuilt; emitter-appended) ---
"""Pipeline reference for scband-model-17274358465009 (READ-ONLY COPY).

The authoritative reference and input builder live on the scoring server;
editing this copy changes nothing except your own understanding.
"""

import jax, jax.numpy as jnp
import numpy as np

N = 10000
NE = 320000
D = 128

def setup_inputs(seed: int = 0):
    key = jax.random.key(seed)
    ks = jax.random.split(key, 24)
    inp = {}
    inp["x"] = jax.random.normal(ks[0], (N, D), dtype=jnp.float32)
    inp["edge_index"] = jax.random.randint(ks[1], (2, NE), 0, N, dtype=jnp.int32)
    inp["W1"] = jax.random.normal(ks[2], (D, 32), dtype=jnp.float32) * 0.05
    inp["b1"] = jnp.zeros((32,), dtype=jnp.float32)
    dims = [32, 64, 64, 64, 64]
    for i in range(5):
        inp["Wc%d" % (i + 1)] = jax.random.normal(ks[3 + i], (dims[i], 64), dtype=jnp.float32) * 0.05
        inp["as%d" % (i + 1)] = jax.random.normal(ks[8 + i], (64,), dtype=jnp.float32) * 0.05
        inp["ad%d" % (i + 1)] = jax.random.normal(ks[13 + i], (64,), dtype=jnp.float32) * 0.05
        inp["bc%d" % (i + 1)] = jnp.zeros((64,), dtype=jnp.float32)
    inp["Wm1"] = jax.random.normal(ks[18], (128, 32), dtype=jnp.float32) * 0.05
    inp["bm1"] = jnp.zeros((32,), dtype=jnp.float32)
    inp["Wm2"] = jax.random.normal(ks[19], (32, 1), dtype=jnp.float32) * 0.05
    inp["bm2"] = jnp.zeros((1,), dtype=jnp.float32)
    return inp

def _gat(x, W, att_s, att_d, b, src, dst, n):
    # single-head GATConv with add_self_loops applied by caller (src/dst already include loops)
    h = x @ W
    a = (h @ att_s)[src] + (h @ att_d)[dst]
    a = jnp.where(a > 0, a, 0.2 * a)  # leaky_relu(0.2)
    m = jax.ops.segment_max(a, dst, num_segments=n)
    e = jnp.exp(a - jax.lax.stop_gradient(m)[dst])
    s = jax.ops.segment_sum(e, dst, num_segments=n)
    alpha = e / (s[dst] + 1e-16)
    out = jax.ops.segment_sum(alpha[:, None] * h[src], dst, num_segments=n)
    return out + b

def reference(x, edge_index, W1, b1, Wc1, as1, ad1, bc1, Wc2, as2, ad2, bc2, Wc3, as3, ad3, bc3, Wc4, as4, ad4, bc4, Wc5, as5, ad5, bc5, Wm1, bm1, Wm2, bm2):
    n = x.shape[0]
    src, dst = edge_index[0], edge_index[1]
    loop = jnp.arange(n, dtype=src.dtype)
    src2 = jnp.concatenate([src, loop])
    dst2 = jnp.concatenate([dst, loop])
    h = x @ W1 + b1
    h = jax.nn.relu(_gat(h, Wc1, as1, ad1, bc1, src2, dst2, n))
    h = jax.nn.relu(_gat(h, Wc2, as2, ad2, bc2, src2, dst2, n))
    h = jax.nn.relu(_gat(h, Wc3, as3, ad3, bc3, src2, dst2, n))
    h = jax.nn.relu(_gat(h, Wc4, as4, ad4, bc4, src2, dst2, n))
    h = jax.nn.sigmoid(_gat(h, Wc5, as5, ad5, bc5, src2, dst2, n))
    pair = jnp.concatenate([h[src], h[dst]], axis=1)
    e = (jax.nn.relu(pair @ Wm1 + bm1) @ Wm2 + bm2)[:, 0]
    return jnp.zeros((n, n), dtype=x.dtype).at[src, dst].add(e)

if __name__ == "__main__":
    import jax
    _d = setup_inputs()
    print(jax.jit(kernel)(*tuple(_d.values())))

</pallas_src>

<mosaic_0001>
#map = affine_map<(d0, d1) -> (0, 0)>
#map1 = affine_map<(d0, d1) -> (0)>
#map2 = affine_map<(d0, d1) -> (0, 0, 0)>
module attributes {stable_mosaic.version = 14 : i64} {
  func.func @_gat_edges_sc(%arg0: i32, %arg1: i32, %arg2: memref<32x10368xi32, #tpu.memory_space<hbm>>, %arg3: memref<32x10368xi32, #tpu.memory_space<hbm>>, %arg4: memref<10000xf32, #tpu.memory_space<hbm>>, %arg5: memref<10000xf32, #tpu.memory_space<hbm>>, %arg6: memref<10000x128xf32, #tpu.memory_space<hbm>>, %arg7: memref<640x64xf32, #tpu.memory_space<hbm>>, %arg8: memref<2x16x10240xf32, #tpu.memory_space<hbm>>, %arg9: memref<2x10240x64xf32, #tpu.memory_space<hbm>>, %arg10: memref<10368xi32, #tpu.memory_space<vmem>>, %arg11: memref<10368xi32, #tpu.memory_space<vmem>>, %arg12: memref<10000xf32, #tpu.memory_space<vmem>>, %arg13: memref<10000xf32, #tpu.memory_space<vmem>>, %arg14: memref<10240xf32, #tpu.memory_space<vmem>>, %arg15: memref<64x128xf32, #tpu.memory_space<vmem>>, %arg16: memref<64x64xf32, #tpu.memory_space<vmem>>, %arg17: memref<64xf32, #tpu.memory_space<vmem>>, %arg18: memref<64xi32, #tpu.memory_space<vmem>>, %arg19: memref<64xi32, #tpu.memory_space<vmem>>, %arg20: memref<10240x64xf32, #tpu.memory_space<vmem_shared>>, %arg21: memref<!tpu.dma_semaphore, #tpu.memory_space<semaphore_mem>>) attributes {dimension_semantics = [#tpu.dimension_semantics<core_parallel>, #tpu.dimension_semantics<subcore_parallel>], iteration_bounds = array<i64: 2, 16>, scalar_prefetch = 0 : i64, scratch_operands = 12 : i64, tpu.core_type = #tpu.core_type<sc_vector_subcore>, window_params = [{transform_indices = #map}, {transform_indices = #map}, {transform_indices = #map1}, {transform_indices = #map1}, {transform_indices = #map}, {transform_indices = #map}, {transform_indices = #map2}, {transform_indices = #map2}]} {
    %mul3A = arith.constant 2 : i32
    %mul3A_0 = arith.muli %arg1, %mul3A : i32
    %add3A = arith.addi %mul3A_0, %arg0 : i32
    %mul3A_1 = arith.constant 10368 : i32
    %mul3A_2 = arith.muli %add3A, %mul3A_1 : i32
    %iota3A = tpu.iota {dimensions = array<i32: 0>} : vector<16xi32>
    "tpu.region"() ({
      %run_scoped3A = tpu.sem_alloc : memref<!tpu.dma_semaphore, #tpu.memory_space<semaphore_mem>>
      %dma_start3A = arith.constant 0 : i32
      %dma_start3A_47 = tpu.memref_slice %arg2[%add3A, %dma_start3A] : memref<32x10368xi32, #tpu.memory_space<hbm>> -> memref<1x10368xi32, #tpu.memory_space<hbm>>
      %dma_start3A_48 = tpu.memref_squeeze %dma_start3A_47 : memref<1x10368xi32, #tpu.memory_space<hbm>> -> memref<10368xi32, #tpu.memory_space<hbm>>
      %dma_start3A_49 = arith.constant 0 : i32
      %dma_start3A_50 = tpu.memref_slice %arg2[%add3A, %dma_start3A_49] : memref<32x10368xi32, #tpu.memory_space<hbm>> -> memref<1x10368xi32, #tpu.memory_space<hbm>>
      %dma_start3A_51 = tpu.memref_squeeze %dma_start3A_50 : memref<1x10368xi32, #tpu.memory_space<hbm>> -> memref<10368xi32, #tpu.memory_space<hbm>>
      tpu.enqueue_dma source(%dma_start3A_51 : memref<10368xi32, #tpu.memory_space<hbm>>) target(%arg10 : memref<10368xi32, #tpu.memory_space<vmem>>) target_semaphore(%run_scoped3A : memref<!tpu.dma_semaphore, #tpu.memory_space<semaphore_mem>>)
      %dma_wait3A = arith.constant 0 : i32
      %dma_wait3A_52 = tpu.memref_slice %arg2[%add3A, %dma_wait3A] : memref<32x10368xi32, #tpu.memory_space<hbm>> -> memref<1x10368xi32, #tpu.memory_space<hbm>>
      %dma_wait3A_53 = tpu.memref_squeeze %dma_wait3A_52 : memref<1x10368xi32, #tpu.memory_space<hbm>> -> memref<10368xi32, #tpu.memory_space<hbm>>
      %dma_wait3A_54 = arith.constant 0 : i32
      %dma_wait3A_55 = tpu.memref_slice %arg2[%add3A, %dma_wait3A_54] : memref<32x10368xi32, #tpu.memory_space<hbm>> -> memref<1x10368xi32, #tpu.memory_space<hbm>>
      %dma_wait3A_56 = tpu.memref_squeeze %dma_wait3A_55 : memref<1x10368xi32, #tpu.memory_space<hbm>> -> memref<10368xi32, #tpu.memory_space<hbm>>
      tpu.wait_dma2 semaphore(%run_scoped3A : memref<!tpu.dma_semaphore, #tpu.memory_space<semaphore_mem>>) src(%dma_wait3A_56 : memref<10368xi32, #tpu.memory_space<hbm>>) dst(%arg10 : memref<10368xi32, #tpu.memory_space<vmem>>)
      tpu.yield
    }) : () -> ()
    "tpu.region"() ({
      %run_scoped3A = tpu.sem_alloc : memref<!tpu.dma_semaphore, #tpu.memory_space<semaphore_mem>>
      %dma_start3A = arith.constant 0 : i32
      %dma_start3A_47 = tpu.memref_slice %arg3[%add3A, %dma_start3A] : memref<32x10368xi32, #tpu.memory_space<hbm>> -> memref<1x10368xi32, #tpu.memory_space<hbm>>
      %dma_start3A_48 = tpu.memref_squeeze %dma_start3A_47 : memref<1x10368xi32, #tpu.memory_space<hbm>> -> memref<10368xi32, #tpu.memory_space<hbm>>
      %dma_start3A_49 = arith.constant 0 : i32
      %dma_start3A_50 = tpu.memref_slice %arg3[%add3A, %dma_start3A_49] : memref<32x10368xi32, #tpu.memory_space<hbm>> -> memref<1x10368xi32, #tpu.memory_space<hbm>>
      %dma_start3A_51 = tpu.memref_squeeze %dma_start3A_50 : memref<1x10368xi32, #tpu.memory_space<hbm>> -> memref<10368xi32, #tpu.memory_space<hbm>>
      tpu.enqueue_dma source(%dma_start3A_51 : memref<10368xi32, #tpu.memory_space<hbm>>) target(%arg11 : memref<10368xi32, #tpu.memory_space<vmem>>) target_semaphore(%run_scoped3A : memref<!tpu.dma_semaphore, #tpu.memory_space<semaphore_mem>>)
      %dma_wait3A = arith.constant 0 : i32
      %dma_wait3A_52 = tpu.memref_slice %arg3[%add3A, %dma_wait3A] : memref<32x10368xi32, #tpu.memory_space<hbm>> -> memref<1x10368xi32, #tpu.memory_space<hbm>>
      %dma_wait3A_53 = tpu.memref_squeeze %dma_wait3A_52 : memref<1x10368xi32, #tpu.memory_space<hbm>> -> memref<10368xi32, #tpu.memory_space<hbm>>
      %dma_wait3A_54 = arith.constant 0 : i32
      %dma_wait3A_55 = tpu.memref_slice %arg3[%add3A, %dma_wait3A_54] : memref<32x10368xi32, #tpu.memory_space<hbm>> -> memref<1x10368xi32, #tpu.memory_space<hbm>>
      %dma_wait3A_56 = tpu.memref_squeeze %dma_wait3A_55 : memref<1x10368xi32, #tpu.memory_space<hbm>> -> memref<10368xi32, #tpu.memory_space<hbm>>
      tpu.wait_dma2 semaphore(%run_scoped3A : memref<!tpu.dma_semaphore, #tpu.memory_space<semaphore_mem>>) src(%dma_wait3A_56 : memref<10368xi32, #tpu.memory_space<hbm>>) dst(%arg11 : memref<10368xi32, #tpu.memory_space<vmem>>)
      tpu.yield
    }) : () -> ()
    "tpu.region"() ({
      %run_scoped3A = tpu.sem_alloc : memref<!tpu.dma_semaphore, #tpu.memory_space<semaphore_mem>>
      tpu.enqueue_dma source(%arg4 : memref<10000xf32, #tpu.memory_space<hbm>>) target(%arg12 : memref<10000xf32, #tpu.memory_space<vmem>>) target_semaphore(%run_scoped3A : memref<!tpu.dma_semaphore, #tpu.memory_space<semaphore_mem>>)
      tpu.wait_dma2 semaphore(%run_scoped3A : memref<!tpu.dma_semaphore, #tpu.memory_space<semaphore_mem>>) src(%arg4 : memref<10000xf32, #tpu.memory_space<hbm>>) dst(%arg12 : memref<10000xf32, #tpu.memory_space<vmem>>)
      tpu.yield
    }) : () -> ()
    "tpu.region"() ({
      %run_scoped3A = tpu.sem_alloc : memref<!tpu.dma_semaphore, #tpu.memory_space<semaphore_mem>>
      tpu.enqueue_dma source(%arg5 : memref<10000xf32, #tpu.memory_space<hbm>>) target(%arg13 : memref<10000xf32, #tpu.memory_space<vmem>>) target_semaphore(%run_scoped3A : memref<!tpu.dma_semaphore, #tpu.memory_space<semaphore_mem>>)
      tpu.wait_dma2 semaphore(%run_scoped3A : memref<!tpu.dma_semaphore, #tpu.memory_space<semaphore_mem>>) src(%arg5 : memref<10000xf32, #tpu.memory_space<hbm>>) dst(%arg13 : memref<10000xf32, #tpu.memory_space<vmem>>)
      tpu.yield
    }) : () -> ()
    %scan3A = arith.constant 0 : i32
    %scan3A_3 = arith.constant 0 : i32
    %scan3A_4 = arith.constant 640 : i32
    %scan3A_5 = arith.addi %scan3A_3, %scan3A_4 : i32
    %scan3A_6 = arith.constant 1 : i32
    %scan3A_7 = scf.for %scan3A_47 = %scan3A_3 to %scan3A_5 step %scan3A_6 iter_args(%scan3A_48 = %scan3A) -> (i32)  : i32 {
      %mul3A_49 = arith.constant 16 : i32
      %mul3A_50 = arith.muli %scan3A_47, %mul3A_49 : i32
      %add3A_51 = vector.broadcast %mul3A_50 : i32 to vector<16xi32>
      %add3A_52 = arith.addi %iota3A, %add3A_51 : vector<16xi32>
      %broadcast_in_dim3A = arith.constant 0.000000e+00 : f32
      %broadcast_in_dim3A_53 = vector.broadcast %broadcast_in_dim3A : f32 to vector<16xf32>
      tpu.vector_store_idx %arg14[%add3A_52], %broadcast_in_dim3A_53 : memref<10240xf32, #tpu.memory_space<vmem>>[vector<16xi32>], vector<16xf32>,
      %scan3A_54 = arith.constant 0 : i32
      scf.yield %scan3A_54 : i32
    }
    %scan3A_8 = arith.constant 640 : i32
    %mul3A_9 = arith.constant 640 : i32
    %mul3A_10 = arith.muli %arg1, %mul3A_9 : i32
    "tpu.region"() ({
      %run_scoped3A = tpu.sem_alloc : memref<!tpu.dma_semaphore, #tpu.memory_space<semaphore_mem>>
      %dma_start3A = arith.constant 0 : i32
      %dma_start3A_47 = tpu.memref_slice %arg20[%mul3A_10, %dma_start3A] : memref<10240x64xf32, #tpu.memory_space<vmem_shared>> -> memref<640x64xf32, #tpu.memory_space<vmem_shared>>
      tpu.enqueue_dma source(%arg7 : memref<640x64xf32, #tpu.memory_space<hbm>>) target(%dma_start3A_47 : memref<640x64xf32, #tpu.memory_space<vmem_shared>>) target_semaphore(%run_scoped3A : memref<!tpu.dma_semaphore, #tpu.memory_space<semaphore_mem>>)
      %dma_wait3A = arith.constant 0 : i32
      %dma_wait3A_48 = tpu.memref_slice %arg20[%mul3A_10, %dma_wait3A] : memref<10240x64xf32, #tpu.memory_space<vmem_shared>> -> memref<640x64xf32, #tpu.memory_space<vmem_shared>>
      tpu.wait_dma2 semaphore(%run_scoped3A : memref<!tpu.dma_semaphore, #tpu.memory_space<semaphore_mem>>) src(%arg7 : memref<640x64xf32, #tpu.memory_space<hbm>>) dst(%dma_wait3A_48 : memref<640x64xf32, #tpu.memory_space<vmem_shared>>)
      tpu.yield
    }) : () -> ()
    %barrier3A = arith.constant 0 : index
    tpu.barrier barrier_id(%barrier3A)
    %add3A_11 = arith.constant 0 : i32
    %add3A_12 = vector.broadcast %add3A_11 : i32 to vector<16xi32>
    %add3A_13 = arith.addi %iota3A, %add3A_12 : vector<16xi32>
    %add3A_14 = arith.constant 16 : i32
    %add3A_15 = vector.broadcast %add3A_14 : i32 to vector<16xi32>
    %add3A_16 = arith.addi %iota3A, %add3A_15 : vector<16xi32>
    %add3A_17 = arith.constant 32 : i32
    %add3A_18 = vector.broadcast %add3A_17 : i32 to vector<16xi32>
    %add3A_19 = arith.addi %iota3A, %add3A_18 : vector<16xi32>
    %add3A_20 = arith.constant 48 : i32
    %add3A_21 = vector.broadcast %add3A_20 : i32 to vector<16xi32>
    %add3A_22 = arith.addi %iota3A, %add3A_21 : vector<16xi32>
    %add3A_23 = arith.constant 0 : i32
    %add3A_24 = vector.broadcast %add3A_23 : i32 to vector<16xi32>
    %add3A_25 = arith.addi %iota3A, %add3A_24 : vector<16xi32>
    %add3A_26 = arith.constant 16 : i32
    %add3A_27 = vector.broadcast %add3A_26 : i32 to vector<16xi32>
    %add3A_28 = arith.addi %iota3A, %add3A_27 : vector<16xi32>
    %add3A_29 = arith.constant 32 : i32
    %add3A_30 = vector.broadcast %add3A_29 : i32 to vector<16xi32>
    %add3A_31 = arith.addi %iota3A, %add3A_30 : vector<16xi32>
    %add3A_32 = arith.constant 48 : i32
    %add3A_33 = vector.broadcast %add3A_32 : i32 to vector<16xi32>
    %add3A_34 = arith.addi %iota3A, %add3A_33 : vector<16xi32>
    %scan3A_35 = arith.constant 0 : i32
    %scan3A_36 = arith.constant 0 : i32
    %scan3A_37 = arith.constant 162 : i32
    %scan3A_38 = arith.addi %scan3A_36, %scan3A_37 : i32
    %scan3A_39 = arith.constant 1 : i32
    %scan3A_40 = scf.for %scan3A_47 = %scan3A_36 to %scan3A_38 step %scan3A_39 iter_args(%scan3A_48 = %scan3A_35) -> (i32)  : i32 {
      %mul3A_49 = arith.constant 64 : i32
      %mul3A_50 = arith.muli %scan3A_47, %mul3A_49 : i32
      %add3A_51 = arith.constant 0 : i32
      %add3A_52 = arith.addi %mul3A_50, %add3A_51 : i32
      %add3A_53 = vector.broadcast %add3A_52 : i32 to vector<16xi32>
      %add3A_54 = arith.addi %add3A_53, %iota3A : vector<16xi32>
      %gather3A = tpu.vector_load_idx %arg10[%add3A_54] : memref<10368xi32, #tpu.memory_space<vmem>>[vector<16xi32>], vector<16xi32>,
      %gather3A_55 = tpu.vector_load_idx %arg11[%add3A_54] : memref<10368xi32, #tpu.memory_space<vmem>>[vector<16xi32>], vector<16xi32>,
      tpu.vector_store_idx %arg18[%add3A_13], %gather3A : memref<64xi32, #tpu.memory_space<vmem>>[vector<16xi32>], vector<16xi32>,
      tpu.vector_store_idx %arg19[%add3A_13], %gather3A_55 : memref<64xi32, #tpu.memory_space<vmem>>[vector<16xi32>], vector<16xi32>,
      %gather3A_56 = tpu.vector_load_idx %arg12[%gather3A] : memref<10000xf32, #tpu.memory_space<vmem>>[vector<16xi32>], vector<16xf32>,
      %gather3A_57 = tpu.vector_load_idx %arg13[%gather3A_55] : memref<10000xf32, #tpu.memory_space<vmem>>[vector<16xi32>], vector<16xf32>,
      %add3A_58 = arith.addf %gather3A_56, %gather3A_57 : vector<16xf32>
      %gt3A = arith.constant 0.000000e+00 : f32
      %gt3A_59 = vector.broadcast %gt3A : f32 to vector<16xf32>
      %gt3A_60 = arith.cmpf ogt, %add3A_58, %gt3A_59 : vector<16xf32>
      %mul3A_61 = arith.constant 2.000000e-01 : f32
      %mul3A_62 = vector.broadcast %mul3A_61 : f32 to vector<16xf32>
      %mul3A_63 = arith.mulf %mul3A_62, %add3A_58 : vector<16xf32>
      %select_n3A = arith.select %gt3A_60, %add3A_58, %mul3A_63 : vector<16xi1>, vector<16xf32>
      %exp3A = math.exp %select_n3A : vector<16xf32>
      %add3A_64 = vector.broadcast %mul3A_2 : i32 to vector<16xi32>
      %add3A_65 = arith.addi %add3A_64, %add3A_54 : vector<16xi32>
      %lt3A = arith.constant 330000 : i32
      %lt3A_66 = vector.broadcast %lt3A : i32 to vector<16xi32>
      %lt3A_67 = arith.cmpi slt, %add3A_65, %lt3A_66 : vector<16xi32>
      %jit3A = arith.constant 0.000000e+00 : f32
      %broadcast_in_dim3A = vector.broadcast %jit3A : f32 to vector<16xf32>
      %select_n3A_68 = arith.select %lt3A_67, %exp3A, %broadcast_in_dim3A : vector<16xi1>, vector<16xf32>
      tpu.vector_store_idx %arg14[%gather3A_55], %select_n3A_68 {add = true} : memref<10240xf32, #tpu.memory_space<vmem>>[vector<16xi32>], vector<16xf32>,
      tpu.vector_store_idx %arg17[%add3A_13], %select_n3A_68 : memref<64xf32, #tpu.memory_space<vmem>>[vector<16xi32>], vector<16xf32>,
      %mul3A_69 = arith.constant 64 : i32
      %mul3A_70 = arith.muli %scan3A_47, %mul3A_69 : i32
      %add3A_71 = arith.constant 16 : i32
      %add3A_72 = arith.addi %mul3A_70, %add3A_71 : i32
      %add3A_73 = vector.broadcast %add3A_72 : i32 to vector<16xi32>
      %add3A_74 = arith.addi %add3A_73, %iota3A : vector<16xi32>
      %gather3A_75 = tpu.vector_load_idx %arg10[%add3A_74] : memref<10368xi32, #tpu.memory_space<vmem>>[vector<16xi32>], vector<16xi32>,
      %gather3A_76 = tpu.vector_load_idx %arg11[%add3A_74] : memref<10368xi32, #tpu.memory_space<vmem>>[vector<16xi32>], vector<16xi32>,
      tpu.vector_store_idx %arg18[%add3A_16], %gather3A_75 : memref<64xi32, #tpu.memory_space<vmem>>[vector<16xi32>], vector<16xi32>,
      tpu.vector_store_idx %arg19[%add3A_16], %gather3A_76 : memref<64xi32, #tpu.memory_space<vmem>>[vector<16xi32>], vector<16xi32>,
      %gather3A_77 = tpu.vector_load_idx %arg12[%gather3A_75] : memref<10000xf32, #tpu.memory_space<vmem>>[vector<16xi32>], vector<16xf32>,
      %gather3A_78 = tpu.vector_load_idx %arg13[%gather3A_76] : memref<10000xf32, #tpu.memory_space<vmem>>[vector<16xi32>], vector<16xf32>,
      %add3A_79 = arith.addf %gather3A_77, %gather3A_78 : vector<16xf32>
      %gt3A_80 = arith.constant 0.000000e+00 : f32
      %gt3A_81 = vector.broadcast %gt3A_80 : f32 to vector<16xf32>
      %gt3A_82 = arith.cmpf ogt, %add3A_79, %gt3A_81 : vector<16xf32>
      %mul3A_83 = arith.constant 2.000000e-01 : f32
      %mul3A_84 = vector.broadcast %mul3A_83 : f32 to vector<16xf32>
      %mul3A_85 = arith.mulf %mul3A_84, %add3A_79 : vector<16xf32>
      %select_n3A_86 = arith.select %gt3A_82, %add3A_79, %mul3A_85 : vector<16xi1>, vector<16xf32>
      %exp3A_87 = math.exp %select_n3A_86 : vector<16xf32>
      %add3A_88 = vector.broadcast %mul3A_2 : i32 to vector<16xi32>
      %add3A_89 = arith.addi %add3A_88, %add3A_74 : vector<16xi32>
      %lt3A_90 = arith.constant 330000 : i32
      %lt3A_91 = vector.broadcast %lt3A_90 : i32 to vector<16xi32>
      %lt3A_92 = arith.cmpi slt, %add3A_89, %lt3A_91 : vector<16xi32>
      %jit3A_93 = arith.constant 0.000000e+00 : f32
      %broadcast_in_dim3A_94 = vector.broadcast %jit3A_93 : f32 to vector<16xf32>
      %select_n3A_95 = arith.select %lt3A_92, %exp3A_87, %broadcast_in_dim3A_94 : vector<16xi1>, vector<16xf32>
      tpu.vector_store_idx %arg14[%gather3A_76], %select_n3A_95 {add = true} : memref<10240xf32, #tpu.memory_space<vmem>>[vector<16xi32>], vector<16xf32>,
      tpu.vector_store_idx %arg17[%add3A_16], %select_n3A_95 : memref<64xf32, #tpu.memory_space<vmem>>[vector<16xi32>], vector<16xf32>,
      %mul3A_96 = arith.constant 64 : i32
      %mul3A_97 = arith.muli %scan3A_47, %mul3A_96 : i32
      %add3A_98 = arith.constant 32 : i32
      %add3A_99 = arith.addi %mul3A_97, %add3A_98 : i32
      %add3A_100 = vector.broadcast %add3A_99 : i32 to vector<16xi32>
      %add3A_101 = arith.addi %add3A_100, %iota3A : vector<16xi32>
      %gather3A_102 = tpu.vector_load_idx %arg10[%add3A_101] : memref<10368xi32, #tpu.memory_space<vmem>>[vector<16xi32>], vector<16xi32>,
      %gather3A_103 = tpu.vector_load_idx %arg11[%add3A_101] : memref<10368xi32, #tpu.memory_space<vmem>>[vector<16xi32>], vector<16xi32>,
      tpu.vector_store_idx %arg18[%add3A_19], %gather3A_102 : memref<64xi32, #tpu.memory_space<vmem>>[vector<16xi32>], vector<16xi32>,
      tpu.vector_store_idx %arg19[%add3A_19], %gather3A_103 : memref<64xi32, #tpu.memory_space<vmem>>[vector<16xi32>], vector<16xi32>,
      %gather3A_104 = tpu.vector_load_idx %arg12[%gather3A_102] : memref<10000xf32, #tpu.memory_space<vmem>>[vector<16xi32>], vector<16xf32>,
      %gather3A_105 = tpu.vector_load_idx %arg13[%gather3A_103] : memref<10000xf32, #tpu.memory_space<vmem>>[vector<16xi32>], vector<16xf32>,
      %add3A_106 = arith.addf %gather3A_104, %gather3A_105 : vector<16xf32>
      %gt3A_107 = arith.constant 0.000000e+00 : f32
      %gt3A_108 = vector.broadcast %gt3A_107 : f32 to vector<16xf32>
      %gt3A_109 = arith.cmpf ogt, %add3A_106, %gt3A_108 : vector<16xf32>
      %mul3A_110 = arith.constant 2.000000e-01 : f32
      %mul3A_111 = vector.broadcast %mul3A_110 : f32 to vector<16xf32>
      %mul3A_112 = arith.mulf %mul3A_111, %add3A_106 : vector<16xf32>
      %select_n3A_113 = arith.select %gt3A_109, %add3A_106, %mul3A_112 : vector<16xi1>, vector<16xf32>
      %exp3A_114 = math.exp %select_n3A_113 : vector<16xf32>
      %add3A_115 = vector.broadcast %mul3A_2 : i32 to vector<16xi32>
      %add3A_116 = arith.addi %add3A_115, %add3A_101 : vector<16xi32>
      %lt3A_117 = arith.constant 330000 : i32
      %lt3A_118 = vector.broadcast %lt3A_117 : i32 to vector<16xi32>
      %lt3A_119 = arith.cmpi slt, %add3A_116, %lt3A_118 : vector<16xi32>
      %jit3A_120 = arith.constant 0.000000e+00 : f32
      %broadcast_in_dim3A_121 = vector.broadcast %jit3A_120 : f32 to vector<16xf32>
      %select_n3A_122 = arith.select %lt3A_119, %exp3A_114, %broadcast_in_dim3A_121 : vector<16xi1>, vector<16xf32>
      tpu.vector_store_idx %arg14[%gather3A_103], %select_n3A_122 {add = true} : memref<10240xf32, #tpu.memory_space<vmem>>[vector<16xi32>], vector<16xf32>,
      tpu.vector_store_idx %arg17[%add3A_19], %select_n3A_122 : memref<64xf32, #tpu.memory_space<vmem>>[vector<16xi32>], vector<16xf32>,
      %mul3A_123 = arith.constant 64 : i32
      %mul3A_124 = arith.muli %scan3A_47, %mul3A_123 : i32
      %add3A_125 = arith.constant 48 : i32
      %add3A_126 = arith.addi %mul3A_124, %add3A_125 : i32
      %add3A_127 = vector.broadcast %add3A_126 : i32 to vector<16xi32>
      %add3A_128 = arith.addi %add3A_127, %iota3A : vector<16xi32>
      %gather3A_129 = tpu.vector_load_idx %arg10[%add3A_128] : memref<10368xi32, #tpu.memory_space<vmem>>[vector<16xi32>], vector<16xi32>,
      %gather3A_130 = tpu.vector_load_idx %arg11[%add3A_128] : memref<10368xi32, #tpu.memory_space<vmem>>[vector<16xi32>], vector<16xi32>,
      tpu.vector_store_idx %arg18[%add3A_22], %gather3A_129 : memref<64xi32, #tpu.memory_space<vmem>>[vector<16xi32>], vector<16xi32>,
      tpu.vector_store_idx %arg19[%add3A_22], %gather3A_130 : memref<64xi32, #tpu.memory_space<vmem>>[vector<16xi32>], vector<16xi32>,
      %gather3A_131 = tpu.vector_load_idx %arg12[%gather3A_129] : memref<10000xf32, #tpu.memory_space<vmem>>[vector<16xi32>], vector<16xf32>,
      %gather3A_132 = tpu.vector_load_idx %arg13[%gather3A_130] : memref<10000xf32, #tpu.memory_space<vmem>>[vector<16xi32>], vector<16xf32>,
      %add3A_133 = arith.addf %gather3A_131, %gather3A_132 : vector<16xf32>
      %gt3A_134 = arith.constant 0.000000e+00 : f32
      %gt3A_135 = vector.broadcast %gt3A_134 : f32 to vector<16xf32>
      %gt3A_136 = arith.cmpf ogt, %add3A_133, %gt3A_135 : vector<16xf32>
      %mul3A_137 = arith.constant 2.000000e-01 : f32
      %mul3A_138 = vector.broadcast %mul3A_137 : f32 to vector<16xf32>
      %mul3A_139 = arith.mulf %mul3A_138, %add3A_133 : vector<16xf32>
      %select_n3A_140 = arith.select %gt3A_136, %add3A_133, %mul3A_139 : vector<16xi1>, vector<16xf32>
      %exp3A_141 = math.exp %select_n3A_140 : vector<16xf32>
      %add3A_142 = vector.broadcast %mul3A_2 : i32 to vector<16xi32>
      %add3A_143 = arith.addi %add3A_142, %add3A_128 : vector<16xi32>
      %lt3A_144 = arith.constant 330000 : i32
      %lt3A_145 = vector.broadcast %lt3A_144 : i32 to vector<16xi32>
      %lt3A_146 = arith.cmpi slt, %add3A_143, %lt3A_145 : vector<16xi32>
      %jit3A_147 = arith.constant 0.000000e+00 : f32
      %broadcast_in_dim3A_148 = vector.broadcast %jit3A_147 : f32 to vector<16xf32>
      %select_n3A_149 = arith.select %lt3A_146, %exp3A_141, %broadcast_in_dim3A_148 : vector<16xi1>, vector<16xf32>
      tpu.vector_store_idx %arg14[%gather3A_130], %select_n3A_149 {add = true} : memref<10240xf32, #tpu.memory_space<vmem>>[vector<16xi32>], vector<16xf32>,
      tpu.vector_store_idx %arg17[%add3A_22], %select_n3A_149 : memref<64xf32, #tpu.memory_space<vmem>>[vector<16xi32>], vector<16xf32>,
      %dma_start3A = arith.constant 0 : i32
      %dma_start3A_150 = arith.constant 0 : i32
      %dma_start3A_151 = tpu.memref_slice %arg6[%dma_start3A, %dma_start3A_150] : memref<10000x128xf32, #tpu.memory_space<hbm>> -> memref<10000x128xf32, #tpu.memory_space<hbm>>
      tpu.enqueue_indirect_dma source(%dma_start3A_151 : memref<10000x128xf32, #tpu.memory_space<hbm>>) target(%arg15 : memref<64x128xf32, #tpu.memory_space<vmem>>) offsets(%arg18 : memref<64xi32, #tpu.memory_space<vmem>>) semaphore(%arg21 : memref<!tpu.dma_semaphore, #tpu.memory_space<semaphore_mem>>)
      %dma_wait3A = arith.constant 0 : i32
      %dma_wait3A_152 = arith.constant 0 : i32
      %dma_wait3A_153 = tpu.memref_slice %arg6[%dma_wait3A, %dma_wait3A_152] : memref<10000x128xf32, #tpu.memory_space<hbm>> -> memref<10000x128xf32, #tpu.memory_space<hbm>>
      tpu.wait_indirect_dma semaphore(%arg21 : memref<!tpu.dma_semaphore, #tpu.memory_space<semaphore_mem>>) src(%dma_wait3A_153 : memref<10000x128xf32, #tpu.memory_space<hbm>>) dst(%arg15 : memref<64x128xf32, #tpu.memory_space<vmem>>)
      %scan3A_154 = arith.constant 0 : i32
      %scan3A_155 = arith.constant 0 : i32
      %scan3A_156 = arith.constant 64 : i32
      %scan3A_157 = arith.addi %scan3A_155, %scan3A_156 : i32
      %scan3A_158 = arith.constant 1 : i32
      %scan3A_159 = scf.for %scan3A_162 = %scan3A_155 to %scan3A_157 step %scan3A_158 iter_args(%scan3A_163 = %scan3A_154) -> (i32)  : i32 {
        %broadcast_in_dim3A_164 = vector.broadcast %scan3A_162 : i32 to vector<16xi32>
        %gather3A_165 = tpu.vector_load_idx %arg17[%broadcast_in_dim3A_164] : memref<64xf32, #tpu.memory_space<vmem>>[vector<16xi32>], vector<16xf32>,
        %gather3A_166 = tpu.vector_load_idx %arg15[%broadcast_in_dim3A_164, %add3A_25] : memref<64x128xf32, #tpu.memory_space<vmem>>[vector<16xi32>, vector<16xi32>], vector<16xf32>,
        %mul3A_167 = arith.mulf %gather3A_166, %gather3A_165 : vector<16xf32>
        tpu.vector_store_idx %arg16[%broadcast_in_dim3A_164, %add3A_25], %mul3A_167 : memref<64x64xf32, #tpu.memory_space<vmem>>[vector<16xi32>, vector<16xi32>], vector<16xf32>,
        %gather3A_168 = tpu.vector_load_idx %arg15[%broadcast_in_dim3A_164, %add3A_28] : memref<64x128xf32, #tpu.memory_space<vmem>>[vector<16xi32>, vector<16xi32>], vector<16xf32>,
        %mul3A_169 = arith.mulf %gather3A_168, %gather3A_165 : vector<16xf32>
        tpu.vector_store_idx %arg16[%broadcast_in_dim3A_164, %add3A_28], %mul3A_169 : memref<64x64xf32, #tpu.memory_space<vmem>>[vector<16xi32>, vector<16xi32>], vector<16xf32>,
        %gather3A_170 = tpu.vector_load_idx %arg15[%broadcast_in_dim3A_164, %add3A_31] : memref<64x128xf32, #tpu.memory_space<vmem>>[vector<16xi32>, vector<16xi32>], vector<16xf32>,
        %mul3A_171 = arith.mulf %gather3A_170, %gather3A_165 : vector<16xf32>
        tpu.vector_store_idx %arg16[%broadcast_in_dim3A_164, %add3A_31], %mul3A_171 : memref<64x64xf32, #tpu.memory_space<vmem>>[vector<16xi32>, vector<16xi32>], vector<16xf32>,
        %gather3A_172 = tpu.vector_load_idx %arg15[%broadcast_in_dim3A_164, %add3A_34] : memref<64x128xf32, #tpu.memory_space<vmem>>[vector<16xi32>, vector<16xi32>], vector<16xf32>,
        %mul3A_173 = arith.mulf %gather3A_172, %gather3A_165 : vector<16xf32>
        tpu.vector_store_idx %arg16[%broadcast_in_dim3A_164, %add3A_34], %mul3A_173 : memref<64x64xf32, #tpu.memory_space<vmem>>[vector<16xi32>, vector<16xi32>], vector<16xf32>,
        %scan3A_174 = arith.constant 0 : i32
        scf.yield %scan3A_174 : i32
      }
      %scan3A_160 = arith.constant 64 : i32
      "tpu.region"() ({
        %run_scoped3A = tpu.sem_alloc : memref<!tpu.dma_semaphore, #tpu.memory_space<semaphore_mem>>
        %dma_start3A_162 = arith.constant 0 : i32
        %dma_start3A_163 = arith.constant 0 : i32
        %dma_start3A_164 = tpu.memref_slice %arg20[%dma_start3A_162, %dma_start3A_163] : memref<10240x64xf32, #tpu.memory_space<vmem_shared>> -> memref<10240x64xf32, #tpu.memory_space<vmem_shared>>
        tpu.enqueue_indirect_dma source(%arg16 : memref<64x64xf32, #tpu.memory_space<vmem>>) target(%dma_start3A_164 : memref<10240x64xf32, #tpu.memory_space<vmem_shared>>) offsets(%arg19 : memref<64xi32, #tpu.memory_space<vmem>>) semaphore(%run_scoped3A : memref<!tpu.dma_semaphore, #tpu.memory_space<semaphore_mem>>) {add = true}
        %dma_wait3A_165 = arith.constant 0 : i32
        %dma_wait3A_166 = arith.constant 0 : i32
        %dma_wait3A_167 = tpu.memref_slice %arg20[%dma_wait3A_165, %dma_wait3A_166] : memref<10240x64xf32, #tpu.memory_space<vmem_shared>> -> memref<10240x64xf32, #tpu.memory_space<vmem_shared>>
        tpu.wait_indirect_dma semaphore(%run_scoped3A : memref<!tpu.dma_semaphore, #tpu.memory_space<semaphore_mem>>) src(%arg16 : memref<64x64xf32, #tpu.memory_space<vmem>>) dst(%dma_wait3A_167 : memref<10240x64xf32, #tpu.memory_space<vmem_shared>>)
        tpu.yield
      }) : () -> ()
      %scan3A_161 = arith.constant 0 : i32
      scf.yield %scan3A_161 : i32
    }
    %scan3A_41 = arith.constant 162 : i32
    "tpu.region"() ({
      %run_scoped3A = tpu.sem_alloc : memref<!tpu.dma_semaphore, #tpu.memory_space<semaphore_mem>>
      %dma_start3A = arith.constant 0 : i32
      %dma_start3A_47 = tpu.memref_slice %arg8[%arg0, %arg1, %dma_start3A] : memref<2x16x10240xf32, #tpu.memory_space<hbm>> -> memref<1x1x10240xf32, #tpu.memory_space<hbm>>
      %dma_start3A_48 = tpu.memref_squeeze %dma_start3A_47 : memref<1x1x10240xf32, #tpu.memory_space<hbm>> -> memref<10240xf32, #tpu.memory_space<hbm>>
      %dma_start3A_49 = arith.constant 0 : i32
      %dma_start3A_50 = tpu.memref_slice %arg8[%arg0, %arg1, %dma_start3A_49] : memref<2x16x10240xf32, #tpu.memory_space<hbm>> -> memref<1x1x10240xf32, #tpu.memory_space<hbm>>
      %dma_start3A_51 = tpu.memref_squeeze %dma_start3A_50 : memref<1x1x10240xf32, #tpu.memory_space<hbm>> -> memref<10240xf32, #tpu.memory_space<hbm>>
      tpu.enqueue_dma source(%arg14 : memref<10240xf32, #tpu.memory_space<vmem>>) target(%dma_start3A_51 : memref<10240xf32, #tpu.memory_space<hbm>>) target_semaphore(%run_scoped3A : memref<!tpu.dma_semaphore, #tpu.memory_space<semaphore_mem>>)
      %dma_wait3A = arith.constant 0 : i32
      %dma_wait3A_52 = tpu.memref_slice %arg8[%arg0, %arg1, %dma_wait3A] : memref<2x16x10240xf32, #tpu.memory_space<hbm>> -> memref<1x1x10240xf32, #tpu.memory_space<hbm>>
      %dma_wait3A_53 = tpu.memref_squeeze %dma_wait3A_52 : memref<1x1x10240xf32, #tpu.memory_space<hbm>> -> memref<10240xf32, #tpu.memory_space<hbm>>
      %dma_wait3A_54 = arith.constant 0 : i32
      %dma_wait3A_55 = tpu.memref_slice %arg8[%arg0, %arg1, %dma_wait3A_54] : memref<2x16x10240xf32, #tpu.memory_space<hbm>> -> memref<1x1x10240xf32, #tpu.memory_space<hbm>>
      %dma_wait3A_56 = tpu.memref_squeeze %dma_wait3A_55 : memref<1x1x10240xf32, #tpu.memory_space<hbm>> -> memref<10240xf32, #tpu.memory_space<hbm>>
      tpu.wait_dma2 semaphore(%run_scoped3A : memref<!tpu.dma_semaphore, #tpu.memory_space<semaphore_mem>>) src(%arg14 : memref<10240xf32, #tpu.memory_space<vmem>>) dst(%dma_wait3A_56 : memref<10240xf32, #tpu.memory_space<hbm>>)
      tpu.yield
    }) : () -> ()
    %barrier3A_42 = arith.constant 0 : index
    tpu.barrier barrier_id(%barrier3A_42)
    %mul3A_43 = arith.constant 640 : i32
    %mul3A_44 = arith.muli %arg1, %mul3A_43 : i32
    %mul3A_45 = arith.constant 640 : i32
    %mul3A_46 = arith.muli %arg1, %mul3A_45 : i32
    "tpu.region"() ({
      %run_scoped3A = tpu.sem_alloc : memref<!tpu.dma_semaphore, #tpu.memory_space<semaphore_mem>>
      %dma_start3A = arith.constant 0 : i32
      %dma_start3A_47 = tpu.memref_slice %arg9[%arg0, %mul3A_46, %dma_start3A] : memref<2x10240x64xf32, #tpu.memory_space<hbm>> -> memref<1x640x64xf32, #tpu.memory_space<hbm>>
      %dma_start3A_48 = tpu.memref_squeeze %dma_start3A_47 : memref<1x640x64xf32, #tpu.memory_space<hbm>> -> memref<640x64xf32, #tpu.memory_space<hbm>>
      %dma_start3A_49 = arith.constant 0 : i32
      %dma_start3A_50 = tpu.memref_slice %arg20[%mul3A_44, %dma_start3A_49] : memref<10240x64xf32, #tpu.memory_space<vmem_shared>> -> memref<640x64xf32, #tpu.memory_space<vmem_shared>>
      tpu.enqueue_dma source(%dma_start3A_50 : memref<640x64xf32, #tpu.memory_space<vmem_shared>>) target(%dma_start3A_48 : memref<640x64xf32, #tpu.memory_space<hbm>>) target_semaphore(%run_scoped3A : memref<!tpu.dma_semaphore, #tpu.memory_space<semaphore_mem>>)
      %dma_wait3A = arith.constant 0 : i32
      %dma_wait3A_51 = tpu.memref_slice %arg9[%arg0, %mul3A_46, %dma_wait3A] : memref<2x10240x64xf32, #tpu.memory_space<hbm>> -> memref<1x640x64xf32, #tpu.memory_space<hbm>>
      %dma_wait3A_52 = tpu.memref_squeeze %dma_wait3A_51 : memref<1x640x64xf32, #tpu.memory_space<hbm>> -> memref<640x64xf32, #tpu.memory_space<hbm>>
      %dma_wait3A_53 = arith.constant 0 : i32
      %dma_wait3A_54 = tpu.memref_slice %arg20[%mul3A_44, %dma_wait3A_53] : memref<10240x64xf32, #tpu.memory_space<vmem_shared>> -> memref<640x64xf32, #tpu.memory_space<vmem_shared>>
      tpu.wait_dma2 semaphore(%run_scoped3A : memref<!tpu.dma_semaphore, #tpu.memory_space<semaphore_mem>>) src(%dma_wait3A_54 : memref<640x64xf32, #tpu.memory_space<vmem_shared>>) dst(%dma_wait3A_52 : memref<640x64xf32, #tpu.memory_space<hbm>>)
      tpu.yield
    }) : () -> ()
    return
  }
}

#map = affine_map<(d0, d1) -> (0, 0)>
#map1 = affine_map<(d0, d1) -> (0)>
#map2 = affine_map<(d0, d1) -> (0, 0, 0)>
module attributes {stable_mosaic.version = 14 : i64} {
  func.func @_gat_edges_sc(%arg0: i32, %arg1: i32, %arg2: memref<32x10368xi32, #tpu.memory_space<hbm>>, %arg3: memref<32x10368xi32, #tpu.memory_space<hbm>>, %arg4: memref<10000xf32, #tpu.memory_space<hbm>>, %arg5: memref<10000xf32, #tpu.memory_space<hbm>>, %arg6: memref<10000x128xf32, #tpu.memory_space<hbm>>, %arg7: memref<640x64xf32, #tpu.memory_space<hbm>>, %arg8: memref<2x16x10240xf32, #tpu.memory_space<hbm>>, %arg9: memref<2x10240x64xf32, #tpu.memory_space<hbm>>, %arg10: memref<10368xi32, #tpu.memory_space<vmem>>, %arg11: memref<10368xi32, #tpu.memory_space<vmem>>, %arg12: memref<10000xf32, #tpu.memory_space<vmem>>, %arg13: memref<10000xf32, #tpu.memory_space<vmem>>, %arg14: memref<10240xf32, #tpu.memory_space<vmem>>, %arg15: memref<64x128xf32, #tpu.memory_space<vmem>>, %arg16: memref<64x64xf32, #tpu.memory_space<vmem>>, %arg17: memref<64xf32, #tpu.memory_space<vmem>>, %arg18: memref<64xi32, #tpu.memory_space<vmem>>, %arg19: memref<64xi32, #tpu.memory_space<vmem>>, %arg20: memref<10240x64xf32, #tpu.memory_space<vmem_shared>>, %arg21: memref<!tpu.dma_semaphore, #tpu.memory_space<semaphore_mem>>) attributes {dimension_semantics = [#tpu.dimension_semantics<core_parallel>, #tpu.dimension_semantics<subcore_parallel>], iteration_bounds = array<i64: 2, 16>, scalar_prefetch = 0 : i64, scratch_operands = 12 : i64, tpu.core_type = #tpu.core_type<sc_vector_subcore>, window_params = [{transform_indices = #map}, {transform_indices = #map}, {transform_indices = #map1}, {transform_indices = #map1}, {transform_indices = #map}, {transform_indices = #map}, {transform_indices = #map2}, {transform_indices = #map2}]} {
    %mul3A = arith.constant 2 : i32
    %mul3A_0 = arith.muli %arg1, %mul3A : i32
    %add3A = arith.addi %mul3A_0, %arg0 : i32
    %mul3A_1 = arith.constant 10368 : i32
    %mul3A_2 = arith.muli %add3A, %mul3A_1 : i32
    %iota3A = tpu.iota {dimensions = array<i32: 0>} : vector<16xi32>
    "tpu.region"() ({
      %run_scoped3A = tpu.sem_alloc : memref<!tpu.dma_semaphore, #tpu.memory_space<semaphore_mem>>
      %dma_start3A = arith.constant 0 : i32
      %dma_start3A_47 = tpu.memref_slice %arg2[%add3A, %dma_start3A] : memref<32x10368xi32, #tpu.memory_space<hbm>> -> memref<1x10368xi32, #tpu.memory_space<hbm>>
      %dma_start3A_48 = tpu.memref_squeeze %dma_start3A_47 : memref<1x10368xi32, #tpu.memory_space<hbm>> -> memref<10368xi32, #tpu.memory_space<hbm>>
      %dma_start3A_49 = arith.constant 0 : i32
      %dma_start3A_50 = tpu.memref_slice %arg2[%add3A, %dma_start3A_49] : memref<32x10368xi32, #tpu.memory_space<hbm>> -> memref<1x10368xi32, #tpu.memory_space<hbm>>
      %dma_start3A_51 = tpu.memref_squeeze %dma_start3A_50 : memref<1x10368xi32, #tpu.memory_space<hbm>> -> memref<10368xi32, #tpu.memory_space<hbm>>
      tpu.enqueue_dma source(%dma_start3A_51 : memref<10368xi32, #tpu.memory_space<hbm>>) target(%arg10 : memref<10368xi32, #tpu.memory_space<vmem>>) target_semaphore(%run_scoped3A : memref<!tpu.dma_semaphore, #tpu.memory_space<semaphore_mem>>)
      %dma_wait3A = arith.constant 0 : i32
      %dma_wait3A_52 = tpu.memref_slice %arg2[%add3A, %dma_wait3A] : memref<32x10368xi32, #tpu.memory_space<hbm>> -> memref<1x10368xi32, #tpu.memory_space<hbm>>
      %dma_wait3A_53 = tpu.memref_squeeze %dma_wait3A_52 : memref<1x10368xi32, #tpu.memory_space<hbm>> -> memref<10368xi32, #tpu.memory_space<hbm>>
      %dma_wait3A_54 = arith.constant 0 : i32
      %dma_wait3A_55 = tpu.memref_slice %arg2[%add3A, %dma_wait3A_54] : memref<32x10368xi32, #tpu.memory_space<hbm>> -> memref<1x10368xi32, #tpu.memory_space<hbm>>
      %dma_wait3A_56 = tpu.memref_squeeze %dma_wait3A_55 : memref<1x10368xi32, #tpu.memory_space<hbm>> -> memref<10368xi32, #tpu.memory_space<hbm>>
      tpu.wait_dma2 semaphore(%run_scoped3A : memref<!tpu.dma_semaphore, #tpu.memory_space<semaphore_mem>>) src(%dma_wait3A_56 : memref<10368xi32, #tpu.memory_space<hbm>>) dst(%arg10 : memref<10368xi32, #tpu.memory_space<vmem>>)
      tpu.yield
    }) : () -> ()
    "tpu.region"() ({
      %run_scoped3A = tpu.sem_alloc : memref<!tpu.dma_semaphore, #tpu.memory_space<semaphore_mem>>
      %dma_start3A = arith.constant 0 : i32
      %dma_start3A_47 = tpu.memref_slice %arg3[%add3A, %dma_start3A] : memref<32x10368xi32, #tpu.memory_space<hbm>> -> memref<1x10368xi32, #tpu.memory_space<hbm>>
      %dma_start3A_48 = tpu.memref_squeeze %dma_start3A_47 : memref<1x10368xi32, #tpu.memory_space<hbm>> -> memref<10368xi32, #tpu.memory_space<hbm>>
      %dma_start3A_49 = arith.constant 0 : i32
      %dma_start3A_50 = tpu.memref_slice %arg3[%add3A, %dma_start3A_49] : memref<32x10368xi32, #tpu.memory_space<hbm>> -> memref<1x10368xi32, #tpu.memory_space<hbm>>
      %dma_start3A_51 = tpu.memref_squeeze %dma_start3A_50 : memref<1x10368xi32, #tpu.memory_space<hbm>> -> memref<10368xi32, #tpu.memory_space<hbm>>
      tpu.enqueue_dma source(%dma_start3A_51 : memref<10368xi32, #tpu.memory_space<hbm>>) target(%arg11 : memref<10368xi32, #tpu.memory_space<vmem>>) target_semaphore(%run_scoped3A : memref<!tpu.dma_semaphore, #tpu.memory_space<semaphore_mem>>)
      %dma_wait3A = arith.constant 0 : i32
      %dma_wait3A_52 = tpu.memref_slice %arg3[%add3A, %dma_wait3A] : memref<32x10368xi32, #tpu.memory_space<hbm>> -> memref<1x10368xi32, #tpu.memory_space<hbm>>
      %dma_wait3A_53 = tpu.memref_squeeze %dma_wait3A_52 : memref<1x10368xi32, #tpu.memory_space<hbm>> -> memref<10368xi32, #tpu.memory_space<hbm>>
      %dma_wait3A_54 = arith.constant 0 : i32
      %dma_wait3A_55 = tpu.memref_slice %arg3[%add3A, %dma_wait3A_54] : memref<32x10368xi32, #tpu.memory_space<hbm>> -> memref<1x10368xi32, #tpu.memory_space<hbm>>
      %dma_wait3A_56 = tpu.memref_squeeze %dma_wait3A_55 : memref<1x10368xi32, #tpu.memory_space<hbm>> -> memref<10368xi32, #tpu.memory_space<hbm>>
      tpu.wait_dma2 semaphore(%run_scoped3A : memref<!tpu.dma_semaphore, #tpu.memory_space<semaphore_mem>>) src(%dma_wait3A_56 : memref<10368xi32, #tpu.memory_space<hbm>>) dst(%arg11 : memref<10368xi32, #tpu.memory_space<vmem>>)
      tpu.yield
    }) : () -> ()
    "tpu.region"() ({
      %run_scoped3A = tpu.sem_alloc : memref<!tpu.dma_semaphore, #tpu.memory_space<semaphore_mem>>
      tpu.enqueue_dma source(%arg4 : memref<10000xf32, #tpu.memory_space<hbm>>) target(%arg12 : memref<10000xf32, #tpu.memory_space<vmem>>) target_semaphore(%run_scoped3A : memref<!tpu.dma_semaphore, #tpu.memory_space<semaphore_mem>>)
      tpu.wait_dma2 semaphore(%run_scoped3A : memref<!tpu.dma_semaphore, #tpu.memory_space<semaphore_mem>>) src(%arg4 : memref<10000xf32, #tpu.memory_space<hbm>>) dst(%arg12 : memref<10000xf32, #tpu.memory_space<vmem>>)
      tpu.yield
    }) : () -> ()
    "tpu.region"() ({
      %run_scoped3A = tpu.sem_alloc : memref<!tpu.dma_semaphore, #tpu.memory_space<semaphore_mem>>
      tpu.enqueue_dma source(%arg5 : memref<10000xf32, #tpu.memory_space<hbm>>) target(%arg13 : memref<10000xf32, #tpu.memory_space<vmem>>) target_semaphore(%run_scoped3A : memref<!tpu.dma_semaphore, #tpu.memory_space<semaphore_mem>>)
      tpu.wait_dma2 semaphore(%run_scoped3A : memref<!tpu.dma_semaphore, #tpu.memory_space<semaphore_mem>>) src(%arg5 : memref<10000xf32, #tpu.memory_space<hbm>>) dst(%arg13 : memref<10000xf32, #tpu.memory_space<vmem>>)
      tpu.yield
    }) : () -> ()
    %scan3A = arith.constant 0 : i32
    %scan3A_3 = arith.constant 0 : i32
    %scan3A_4 = arith.constant 640 : i32
    %scan3A_5 = arith.addi %scan3A_3, %scan3A_4 : i32
    %scan3A_6 = arith.constant 1 : i32
    %scan3A_7 = scf.for %scan3A_47 = %scan3A_3 to %scan3A_5 step %scan3A_6 iter_args(%scan3A_48 = %scan3A) -> (i32)  : i32 {
      %mul3A_49 = arith.constant 16 : i32
      %mul3A_50 = arith.muli %scan3A_47, %mul3A_49 : i32
      %add3A_51 = vector.broadcast %mul3A_50 : i32 to vector<16xi32>
      %add3A_52 = arith.addi %iota3A, %add3A_51 : vector<16xi32>
      %broadcast_in_dim3A = arith.constant 0.000000e+00 : f32
      %broadcast_in_dim3A_53 = vector.broadcast %broadcast_in_dim3A : f32 to vector<16xf32>
      tpu.vector_store_idx %arg14[%add3A_52], %broadcast_in_dim3A_53 : memref<10240xf32, #tpu.memory_space<vmem>>[vector<16xi32>], vector<16xf32>,
      %scan3A_54 = arith.constant 0 : i32
      scf.yield %scan3A_54 : i32
    }
    %scan3A_8 = arith.constant 640 : i32
    %mul3A_9 = arith.constant 640 : i32
    %mul3A_10 = arith.muli %arg1, %mul3A_9 : i32
    "tpu.region"() ({
      %run_scoped3A = tpu.sem_alloc : memref<!tpu.dma_semaphore, #tpu.memory_space<semaphore_mem>>
      %dma_start3A = arith.constant 0 : i32
      %dma_start3A_47 = tpu.memref_slice %arg20[%mul3A_10, %dma_start3A] : memref<10240x64xf32, #tpu.memory_space<vmem_shared>> -> memref<640x64xf32, #tpu.memory_space<vmem_shared>>
      tpu.enqueue_dma source(%arg7 : memref<640x64xf32, #tpu.memory_space<hbm>>) target(%dma_start3A_47 : memref<640x64xf32, #tpu.memory_space<vmem_shared>>) target_semaphore(%run_scoped3A : memref<!tpu.dma_semaphore, #tpu.memory_space<semaphore_mem>>)
      %dma_wait3A = arith.constant 0 : i32
      %dma_wait3A_48 = tpu.memref_slice %arg20[%mul3A_10, %dma_wait3A] : memref<10240x64xf32, #tpu.memory_space<vmem_shared>> -> memref<640x64xf32, #tpu.memory_space<vmem_shared>>
      tpu.wait_dma2 semaphore(%run_scoped3A : memref<!tpu.dma_semaphore, #tpu.memory_space<semaphore_mem>>) src(%arg7 : memref<640x64xf32, #tpu.memory_space<hbm>>) dst(%dma_wait3A_48 : memref<640x64xf32, #tpu.memory_space<vmem_shared>>)
      tpu.yield
    }) : () -> ()
    %barrier3A = arith.constant 0 : index
    tpu.barrier barrier_id(%barrier3A)
    %add3A_11 = arith.constant 0 : i32
    %add3A_12 = vector.broadcast %add3A_11 : i32 to vector<16xi32>
    %add3A_13 = arith.addi %iota3A, %add3A_12 : vector<16xi32>
    %add3A_14 = arith.constant 16 : i32
    %add3A_15 = vector.broadcast %add3A_14 : i32 to vector<16xi32>
    %add3A_16 = arith.addi %iota3A, %add3A_15 : vector<16xi32>
    %add3A_17 = arith.constant 32 : i32
    %add3A_18 = vector.broadcast %add3A_17 : i32 to vector<16xi32>
    %add3A_19 = arith.addi %iota3A, %add3A_18 : vector<16xi32>
    %add3A_20 = arith.constant 48 : i32
    %add3A_21 = vector.broadcast %add3A_20 : i32 to vector<16xi32>
    %add3A_22 = arith.addi %iota3A, %add3A_21 : vector<16xi32>
    %add3A_23 = arith.constant 0 : i32
    %add3A_24 = vector.broadcast %add3A_23 : i32 to vector<16xi32>
    %add3A_25 = arith.addi %iota3A, %add3A_24 : vector<16xi32>
    %add3A_26 = arith.constant 16 : i32
    %add3A_27 = vector.broadcast %add3A_26 : i32 to vector<16xi32>
    %add3A_28 = arith.addi %iota3A, %add3A_27 : vector<16xi32>
    %add3A_29 = arith.constant 32 : i32
    %add3A_30 = vector.broadcast %add3A_29 : i32 to vector<16xi32>
    %add3A_31 = arith.addi %iota3A, %add3A_30 : vector<16xi32>
    %add3A_32 = arith.constant 48 : i32
    %add3A_33 = vector.broadcast %add3A_32 : i32 to vector<16xi32>
    %add3A_34 = arith.addi %iota3A, %add3A_33 : vector<16xi32>
    %scan3A_35 = arith.constant 0 : i32
    %scan3A_36 = arith.constant 0 : i32
    %scan3A_37 = arith.constant 162 : i32
    %scan3A_38 = arith.addi %scan3A_36, %scan3A_37 : i32
    %scan3A_39 = arith.constant 1 : i32
    %scan3A_40 = scf.for %scan3A_47 = %scan3A_36 to %scan3A_38 step %scan3A_39 iter_args(%scan3A_48 = %scan3A_35) -> (i32)  : i32 {
      %mul3A_49 = arith.constant 64 : i32
      %mul3A_50 = arith.muli %scan3A_47, %mul3A_49 : i32
      %add3A_51 = arith.constant 0 : i32
      %add3A_52 = arith.addi %mul3A_50, %add3A_51 : i32
      %add3A_53 = vector.broadcast %add3A_52 : i32 to vector<16xi32>
      %add3A_54 = arith.addi %add3A_53, %iota3A : vector<16xi32>
      %gather3A = tpu.vector_load_idx %arg10[%add3A_54] : memref<10368xi32, #tpu.memory_space<vmem>>[vector<16xi32>], vector<16xi32>,
      %gather3A_55 = tpu.vector_load_idx %arg11[%add3A_54] : memref<10368xi32, #tpu.memory_space<vmem>>[vector<16xi32>], vector<16xi32>,
      tpu.vector_store_idx %arg18[%add3A_13], %gather3A : memref<64xi32, #tpu.memory_space<vmem>>[vector<16xi32>], vector<16xi32>,
      tpu.vector_store_idx %arg19[%add3A_13], %gather3A_55 : memref<64xi32, #tpu.memory_space<vmem>>[vector<16xi32>], vector<16xi32>,
      %gather3A_56 = tpu.vector_load_idx %arg12[%gather3A] : memref<10000xf32, #tpu.memory_space<vmem>>[vector<16xi32>], vector<16xf32>,
      %gather3A_57 = tpu.vector_load_idx %arg13[%gather3A_55] : memref<10000xf32, #tpu.memory_space<vmem>>[vector<16xi32>], vector<16xf32>,
      %add3A_58 = arith.addf %gather3A_56, %gather3A_57 : vector<16xf32>
      %gt3A = arith.constant 0.000000e+00 : f32
      %gt3A_59 = vector.broadcast %gt3A : f32 to vector<16xf32>
      %gt3A_60 = arith.cmpf ogt, %add3A_58, %gt3A_59 : vector<16xf32>
      %mul3A_61 = arith.constant 2.000000e-01 : f32
      %mul3A_62 = vector.broadcast %mul3A_61 : f32 to vector<16xf32>
      %mul3A_63 = arith.mulf %mul3A_62, %add3A_58 : vector<16xf32>
      %select_n3A = arith.select %gt3A_60, %add3A_58, %mul3A_63 : vector<16xi1>, vector<16xf32>
      %exp3A = math.exp %select_n3A : vector<16xf32>
      %add3A_64 = vector.broadcast %mul3A_2 : i32 to vector<16xi32>
      %add3A_65 = arith.addi %add3A_64, %add3A_54 : vector<16xi32>
      %lt3A = arith.constant 330000 : i32
      %lt3A_66 = vector.broadcast %lt3A : i32 to vector<16xi32>
      %lt3A_67 = arith.cmpi slt, %add3A_65, %lt3A_66 : vector<16xi32>
      %jit3A = arith.constant 0.000000e+00 : f32
      %broadcast_in_dim3A = vector.broadcast %jit3A : f32 to vector<16xf32>
      %select_n3A_68 = arith.select %lt3A_67, %exp3A, %broadcast_in_dim3A : vector<16xi1>, vector<16xf32>
      tpu.vector_store_idx %arg14[%gather3A_55], %select_n3A_68 {add = true} : memref<10240xf32, #tpu.memory_space<vmem>>[vector<16xi32>], vector<16xf32>,
      tpu.vector_store_idx %arg17[%add3A_13], %select_n3A_68 : memref<64xf32, #tpu.memory_space<vmem>>[vector<16xi32>], vector<16xf32>,
      %mul3A_69 = arith.constant 64 : i32
      %mul3A_70 = arith.muli %scan3A_47, %mul3A_69 : i32
      %add3A_71 = arith.constant 16 : i32
      %add3A_72 = arith.addi %mul3A_70, %add3A_71 : i32
      %add3A_73 = vector.broadcast %add3A_72 : i32 to vector<16xi32>
      %add3A_74 = arith.addi %add3A_73, %iota3A : vector<16xi32>
      %gather3A_75 = tpu.vector_load_idx %arg10[%add3A_74] : memref<10368xi32, #tpu.memory_space<vmem>>[vector<16xi32>], vector<16xi32>,
      %gather3A_76 = tpu.vector_load_idx %arg11[%add3A_74] : memref<10368xi32, #tpu.memory_space<vmem>>[vector<16xi32>], vector<16xi32>,
      tpu.vector_store_idx %arg18[%add3A_16], %gather3A_75 : memref<64xi32, #tpu.memory_space<vmem>>[vector<16xi32>], vector<16xi32>,
      tpu.vector_store_idx %arg19[%add3A_16], %gather3A_76 : memref<64xi32, #tpu.memory_space<vmem>>[vector<16xi32>], vector<16xi32>,
      %gather3A_77 = tpu.vector_load_idx %arg12[%gather3A_75] : memref<10000xf32, #tpu.memory_space<vmem>>[vector<16xi32>], vector<16xf32>,
      %gather3A_78 = tpu.vector_load_idx %arg13[%gather3A_76] : memref<10000xf32, #tpu.memory_space<vmem>>[vector<16xi32>], vector<16xf32>,
      %add3A_79 = arith.addf %gather3A_77, %gather3A_78 : vector<16xf32>
      %gt3A_80 = arith.constant 0.000000e+00 : f32
      %gt3A_81 = vector.broadcast %gt3A_80 : f32 to vector<16xf32>
      %gt3A_82 = arith.cmpf ogt, %add3A_79, %gt3A_81 : vector<16xf32>
      %mul3A_83 = arith.constant 2.000000e-01 : f32
      %mul3A_84 = vector.broadcast %mul3A_83 : f32 to vector<16xf32>
      %mul3A_85 = arith.mulf %mul3A_84, %add3A_79 : vector<16xf32>
      %select_n3A_86 = arith.select %gt3A_82, %add3A_79, %mul3A_85 : vector<16xi1>, vector<16xf32>
      %exp3A_87 = math.exp %select_n3A_86 : vector<16xf32>
      %add3A_88 = vector.broadcast %mul3A_2 : i32 to vector<16xi32>
      %add3A_89 = arith.addi %add3A_88, %add3A_74 : vector<16xi32>
      %lt3A_90 = arith.constant 330000 : i32
      %lt3A_91 = vector.broadcast %lt3A_90 : i32 to vector<16xi32>
      %lt3A_92 = arith.cmpi slt, %add3A_89, %lt3A_91 : vector<16xi32>
      %jit3A_93 = arith.constant 0.000000e+00 : f32
      %broadcast_in_dim3A_94 = vector.broadcast %jit3A_93 : f32 to vector<16xf32>
      %select_n3A_95 = arith.select %lt3A_92, %exp3A_87, %broadcast_in_dim3A_94 : vector<16xi1>, vector<16xf32>
      tpu.vector_store_idx %arg14[%gather3A_76], %select_n3A_95 {add = true} : memref<10240xf32, #tpu.memory_space<vmem>>[vector<16xi32>], vector<16xf32>,
      tpu.vector_store_idx %arg17[%add3A_16], %select_n3A_95 : memref<64xf32, #tpu.memory_space<vmem>>[vector<16xi32>], vector<16xf32>,
      %mul3A_96 = arith.constant 64 : i32
      %mul3A_97 = arith.muli %scan3A_47, %mul3A_96 : i32
      %add3A_98 = arith.constant 32 : i32
      %add3A_99 = arith.addi %mul3A_97, %add3A_98 : i32
      %add3A_100 = vector.broadcast %add3A_99 : i32 to vector<16xi32>
      %add3A_101 = arith.addi %add3A_100, %iota3A : vector<16xi32>
      %gather3A_102 = tpu.vector_load_idx %arg10[%add3A_101] : memref<10368xi32, #tpu.memory_space<vmem>>[vector<16xi32>], vector<16xi32>,
      %gather3A_103 = tpu.vector_load_idx %arg11[%add3A_101] : memref<10368xi32, #tpu.memory_space<vmem>>[vector<16xi32>], vector<16xi32>,
      tpu.vector_store_idx %arg18[%add3A_19], %gather3A_102 : memref<64xi32, #tpu.memory_space<vmem>>[vector<16xi32>], vector<16xi32>,
      tpu.vector_store_idx %arg19[%add3A_19], %gather3A_103 : memref<64xi32, #tpu.memory_space<vmem>>[vector<16xi32>], vector<16xi32>,
      %gather3A_104 = tpu.vector_load_idx %arg12[%gather3A_102] : memref<10000xf32, #tpu.memory_space<vmem>>[vector<16xi32>], vector<16xf32>,
      %gather3A_105 = tpu.vector_load_idx %arg13[%gather3A_103] : memref<10000xf32, #tpu.memory_space<vmem>>[vector<16xi32>], vector<16xf32>,
      %add3A_106 = arith.addf %gather3A_104, %gather3A_105 : vector<16xf32>
      %gt3A_107 = arith.constant 0.000000e+00 : f32
      %gt3A_108 = vector.broadcast %gt3A_107 : f32 to vector<16xf32>
      %gt3A_109 = arith.cmpf ogt, %add3A_106, %gt3A_108 : vector<16xf32>
      %mul3A_110 = arith.constant 2.000000e-01 : f32
      %mul3A_111 = vector.broadcast %mul3A_110 : f32 to vector<16xf32>
      %mul3A_112 = arith.mulf %mul3A_111, %add3A_106 : vector<16xf32>
      %select_n3A_113 = arith.select %gt3A_109, %add3A_106, %mul3A_112 : vector<16xi1>, vector<16xf32>
      %exp3A_114 = math.exp %select_n3A_113 : vector<16xf32>
      %add3A_115 = vector.broadcast %mul3A_2 : i32 to vector<16xi32>
      %add3A_116 = arith.addi %add3A_115, %add3A_101 : vector<16xi32>
      %lt3A_117 = arith.constant 330000 : i32
      %lt3A_118 = vector.broadcast %lt3A_117 : i32 to vector<16xi32>
      %lt3A_119 = arith.cmpi slt, %add3A_116, %lt3A_118 : vector<16xi32>
      %jit3A_120 = arith.constant 0.000000e+00 : f32
      %broadcast_in_dim3A_121 = vector.broadcast %jit3A_120 : f32 to vector<16xf32>
      %select_n3A_122 = arith.select %lt3A_119, %exp3A_114, %broadcast_in_dim3A_121 : vector<16xi1>, vector<16xf32>
      tpu.vector_store_idx %arg14[%gather3A_103], %select_n3A_122 {add = true} : memref<10240xf32, #tpu.memory_space<vmem>>[vector<16xi32>], vector<16xf32>,
      tpu.vector_store_idx %arg17[%add3A_19], %select_n3A_122 : memref<64xf32, #tpu.memory_space<vmem>>[vector<16xi32>], vector<16xf32>,
      %mul3A_123 = arith.constant 64 : i32
      %mul3A_124 = arith.muli %scan3A_47, %mul3A_123 : i32
      %add3A_125 = arith.constant 48 : i32
      %add3A_126 = arith.addi %mul3A_124, %add3A_125 : i32
      %add3A_127 = vector.broadcast %add3A_126 : i32 to vector<16xi32>
      %add3A_128 = arith.addi %add3A_127, %iota3A : vector<16xi32>
      %gather3A_129 = tpu.vector_load_idx %arg10[%add3A_128] : memref<10368xi32, #tpu.memory_space<vmem>>[vector<16xi32>], vector<16xi32>,
      %gather3A_130 = tpu.vector_load_idx %arg11[%add3A_128] : memref<10368xi32, #tpu.memory_space<vmem>>[vector<16xi32>], vector<16xi32>,
      tpu.vector_store_idx %arg18[%add3A_22], %gather3A_129 : memref<64xi32, #tpu.memory_space<vmem>>[vector<16xi32>], vector<16xi32>,
      tpu.vector_store_idx %arg19[%add3A_22], %gather3A_130 : memref<64xi32, #tpu.memory_space<vmem>>[vector<16xi32>], vector<16xi32>,
      %gather3A_131 = tpu.vector_load_idx %arg12[%gather3A_129] : memref<10000xf32, #tpu.memory_space<vmem>>[vector<16xi32>], vector<16xf32>,
      %gather3A_132 = tpu.vector_load_idx %arg13[%gather3A_130] : memref<10000xf32, #tpu.memory_space<vmem>>[vector<16xi32>], vector<16xf32>,
      %add3A_133 = arith.addf %gather3A_131, %gather3A_132 : vector<16xf32>
      %gt3A_134 = arith.constant 0.000000e+00 : f32
      %gt3A_135 = vector.broadcast %gt3A_134 : f32 to vector<16xf32>
      %gt3A_136 = arith.cmpf ogt, %add3A_133, %gt3A_135 : vector<16xf32>
      %mul3A_137 = arith.constant 2.000000e-01 : f32
      %mul3A_138 = vector.broadcast %mul3A_137 : f32 to vector<16xf32>
      %mul3A_139 = arith.mulf %mul3A_138, %add3A_133 : vector<16xf32>
      %select_n3A_140 = arith.select %gt3A_136, %add3A_133, %mul3A_139 : vector<16xi1>, vector<16xf32>
      %exp3A_141 = math.exp %select_n3A_140 : vector<16xf32>
      %add3A_142 = vector.broadcast %mul3A_2 : i32 to vector<16xi32>
      %add3A_143 = arith.addi %add3A_142, %add3A_128 : vector<16xi32>
      %lt3A_144 = arith.constant 330000 : i32
      %lt3A_145 = vector.broadcast %lt3A_144 : i32 to vector<16xi32>
      %lt3A_146 = arith.cmpi slt, %add3A_143, %lt3A_145 : vector<16xi32>
      %jit3A_147 = arith.constant 0.000000e+00 : f32
      %broadcast_in_dim3A_148 = vector.broadcast %jit3A_147 : f32 to vector<16xf32>
      %select_n3A_149 = arith.select %lt3A_146, %exp3A_141, %broadcast_in_dim3A_148 : vector<16xi1>, vector<16xf32>
      tpu.vector_store_idx %arg14[%gather3A_130], %select_n3A_149 {add = true} : memref<10240xf32, #tpu.memory_space<vmem>>[vector<16xi32>], vector<16xf32>,
      tpu.vector_store_idx %arg17[%add3A_22], %select_n3A_149 : memref<64xf32, #tpu.memory_space<vmem>>[vector<16xi32>], vector<16xf32>,
      %dma_start3A = arith.constant 0 : i32
      %dma_start3A_150 = arith.constant 0 : i32
      %dma_start3A_151 = tpu.memref_slice %arg6[%dma_start3A, %dma_start3A_150] : memref<10000x128xf32, #tpu.memory_space<hbm>> -> memref<10000x128xf32, #tpu.memory_space<hbm>>
      tpu.enqueue_indirect_dma source(%dma_start3A_151 : memref<10000x128xf32, #tpu.memory_space<hbm>>) target(%arg15 : memref<64x128xf32, #tpu.memory_space<vmem>>) offsets(%arg18 : memref<64xi32, #tpu.memory_space<vmem>>) semaphore(%arg21 : memref<!tpu.dma_semaphore, #tpu.memory_space<semaphore_mem>>)
      %dma_wait3A = arith.constant 0 : i32
      %dma_wait3A_152 = arith.constant 0 : i32
      %dma_wait3A_153 = tpu.memref_slice %arg6[%dma_wait3A, %dma_wait3A_152] : memref<10000x128xf32, #tpu.memory_space<hbm>> -> memref<10000x128xf32, #tpu.memory_space<hbm>>
      tpu.wait_indirect_dma semaphore(%arg21 : memref<!tpu.dma_semaphore, #tpu.memory_space<semaphore_mem>>) src(%dma_wait3A_153 : memref<10000x128xf32, #tpu.memory_space<hbm>>) dst(%arg15 : memref<64x128xf32, #tpu.memory_space<vmem>>)
      %scan3A_154 = arith.constant 0 : i32
      %scan3A_155 = arith.constant 0 : i32
      %scan3A_156 = arith.constant 64 : i32
      %scan3A_157 = arith.addi %scan3A_155, %scan3A_156 : i32
      %scan3A_158 = arith.constant 1 : i32
      %scan3A_159 = scf.for %scan3A_162 = %scan3A_155 to %scan3A_157 step %scan3A_158 iter_args(%scan3A_163 = %scan3A_154) -> (i32)  : i32 {
        %broadcast_in_dim3A_164 = vector.broadcast %scan3A_162 : i32 to vector<16xi32>
        %gather3A_165 = tpu.vector_load_idx %arg17[%broadcast_in_dim3A_164] : memref<64xf32, #tpu.memory_space<vmem>>[vector<16xi32>], vector<16xf32>,
        %gather3A_166 = tpu.vector_load_idx %arg15[%broadcast_in_dim3A_164, %add3A_25] : memref<64x128xf32, #tpu.memory_space<vmem>>[vector<16xi32>, vector<16xi32>], vector<16xf32>,
        %mul3A_167 = arith.mulf %gather3A_166, %gather3A_165 : vector<16xf32>
        tpu.vector_store_idx %arg16[%broadcast_in_dim3A_164, %add3A_25], %mul3A_167 : memref<64x64xf32, #tpu.memory_space<vmem>>[vector<16xi32>, vector<16xi32>], vector<16xf32>,
        %gather3A_168 = tpu.vector_load_idx %arg15[%broadcast_in_dim3A_164, %add3A_28] : memref<64x128xf32, #tpu.memory_space<vmem>>[vector<16xi32>, vector<16xi32>], vector<16xf32>,
        %mul3A_169 = arith.mulf %gather3A_168, %gather3A_165 : vector<16xf32>
        tpu.vector_store_idx %arg16[%broadcast_in_dim3A_164, %add3A_28], %mul3A_169 : memref<64x64xf32, #tpu.memory_space<vmem>>[vector<16xi32>, vector<16xi32>], vector<16xf32>,
        %gather3A_170 = tpu.vector_load_idx %arg15[%broadcast_in_dim3A_164, %add3A_31] : memref<64x128xf32, #tpu.memory_space<vmem>>[vector<16xi32>, vector<16xi32>], vector<16xf32>,
        %mul3A_171 = arith.mulf %gather3A_170, %gather3A_165 : vector<16xf32>
        tpu.vector_store_idx %arg16[%broadcast_in_dim3A_164, %add3A_31], %mul3A_171 : memref<64x64xf32, #tpu.memory_space<vmem>>[vector<16xi32>, vector<16xi32>], vector<16xf32>,
        %gather3A_172 = tpu.vector_load_idx %arg15[%broadcast_in_dim3A_164, %add3A_34] : memref<64x128xf32, #tpu.memory_space<vmem>>[vector<16xi32>, vector<16xi32>], vector<16xf32>,
        %mul3A_173 = arith.mulf %gather3A_172, %gather3A_165 : vector<16xf32>
        tpu.vector_store_idx %arg16[%broadcast_in_dim3A_164, %add3A_34], %mul3A_173 : memref<64x64xf32, #tpu.memory_space<vmem>>[vector<16xi32>, vector<16xi32>], vector<16xf32>,
        %scan3A_174 = arith.constant 0 : i32
        scf.yield %scan3A_174 : i32
      }
      %scan3A_160 = arith.constant 64 : i32
      "tpu.region"() ({
        %run_scoped3A = tpu.sem_alloc : memref<!tpu.dma_semaphore, #tpu.memory_space<semaphore_mem>>
        %dma_start3A_162 = arith.constant 0 : i32
        %dma_start3A_163 = arith.constant 0 : i32
        %dma_start3A_164 = tpu.memref_slice %arg20[%dma_start3A_162, %dma_start3A_163] : memref<10240x64xf32, #tpu.memory_space<vmem_shared>> -> memref<10240x64xf32, #tpu.memory_space<vmem_shared>>
        tpu.enqueue_indirect_dma source(%arg16 : memref<64x64xf32, #tpu.memory_space<vmem>>) target(%dma_start3A_164 : memref<10240x64xf32, #tpu.memory_space<vmem_shared>>) offsets(%arg19 : memref<64xi32, #tpu.memory_space<vmem>>) semaphore(%run_scoped3A : memref<!tpu.dma_semaphore, #tpu.memory_space<semaphore_mem>>) {add = true}
        %dma_wait3A_165 = arith.constant 0 : i32
        %dma_wait3A_166 = arith.constant 0 : i32
        %dma_wait3A_167 = tpu.memref_slice %arg20[%dma_wait3A_165, %dma_wait3A_166] : memref<10240x64xf32, #tpu.memory_space<vmem_shared>> -> memref<10240x64xf32, #tpu.memory_space<vmem_shared>>
        tpu.wait_indirect_dma semaphore(%run_scoped3A : memref<!tpu.dma_semaphore, #tpu.memory_space<semaphore_mem>>) src(%arg16 : memref<64x64xf32, #tpu.memory_space<vmem>>) dst(%dma_wait3A_167 : memref<10240x64xf32, #tpu.memory_space<vmem_shared>>)
        tpu.yield
      }) : () -> ()
      %scan3A_161 = arith.constant 0 : i32
      scf.yield %scan3A_161 : i32
    }
    %scan3A_41 = arith.constant 162 : i32
    "tpu.region"() ({
      %run_scoped3A = tpu.sem_alloc : memref<!tpu.dma_semaphore, #tpu.memory_space<semaphore_mem>>
      %dma_start3A = arith.constant 0 : i32
      %dma_start3A_47 = tpu.memref_slice %arg8[%arg0, %arg1, %dma_start3A] : memref<2x16x10240xf32, #tpu.memory_space<hbm>> -> memref<1x1x10240xf32, #tpu.memory_space<hbm>>
      %dma_start3A_48 = tpu.memref_squeeze %dma_start3A_47 : memref<1x1x10240xf32, #tpu.memory_space<hbm>> -> memref<10240xf32, #tpu.memory_space<hbm>>
      %dma_start3A_49 = arith.constant 0 : i32
      %dma_start3A_50 = tpu.memref_slice %arg8[%arg0, %arg1, %dma_start3A_49] : memref<2x16x10240xf32, #tpu.memory_space<hbm>> -> memref<1x1x10240xf32, #tpu.memory_space<hbm>>
      %dma_start3A_51 = tpu.memref_squeeze %dma_start3A_50 : memref<1x1x10240xf32, #tpu.memory_space<hbm>> -> memref<10240xf32, #tpu.memory_space<hbm>>
      tpu.enqueue_dma source(%arg14 : memref<10240xf32, #tpu.memory_space<vmem>>) target(%dma_start3A_51 : memref<10240xf32, #tpu.memory_space<hbm>>) target_semaphore(%run_scoped3A : memref<!tpu.dma_semaphore, #tpu.memory_space<semaphore_mem>>)
      %dma_wait3A = arith.constant 0 : i32
      %dma_wait3A_52 = tpu.memref_slice %arg8[%arg0, %arg1, %dma_wait3A] : memref<2x16x10240xf32, #tpu.memory_space<hbm>> -> memref<1x1x10240xf32, #tpu.memory_space<hbm>>
      %dma_wait3A_53 = tpu.memref_squeeze %dma_wait3A_52 : memref<1x1x10240xf32, #tpu.memory_space<hbm>> -> memref<10240xf32, #tpu.memory_space<hbm>>
      %dma_wait3A_54 = arith.constant 0 : i32
      %dma_wait3A_55 = tpu.memref_slice %arg8[%arg0, %arg1, %dma_wait3A_54] : memref<2x16x10240xf32, #tpu.memory_space<hbm>> -> memref<1x1x10240xf32, #tpu.memory_space<hbm>>
      %dma_wait3A_56 = tpu.memref_squeeze %dma_wait3A_55 : memref<1x1x10240xf32, #tpu.memory_space<hbm>> -> memref<10240xf32, #tpu.memory_space<hbm>>
      tpu.wait_dma2 semaphore(%run_scoped3A : memref<!tpu.dma_semaphore, #tpu.memory_space<semaphore_mem>>) src(%arg14 : memref<10240xf32, #tpu.memory_space<vmem>>) dst(%dma_wait3A_56 : memref<10240xf32, #tpu.memory_space<hbm>>)
      tpu.yield
    }) : () -> ()
    %barrier3A_42 = arith.constant 0 : index
    tpu.barrier barrier_id(%barrier3A_42)
    %mul3A_43 = arith.constant 640 : i32
    %mul3A_44 = arith.muli %arg1, %mul3A_43 : i32
    %mul3A_45 = arith.constant 640 : i32
    %mul3A_46 = arith.muli %arg1, %mul3A_45 : i32
    "tpu.region"() ({
      %run_scoped3A = tpu.sem_alloc : memref<!tpu.dma_semaphore, #tpu.memory_space<semaphore_mem>>
      %dma_start3A = arith.constant 0 : i32
      %dma_start3A_47 = tpu.memref_slice %arg9[%arg0, %mul3A_46, %dma_start3A] : memref<2x10240x64xf32, #tpu.memory_space<hbm>> -> memref<1x640x64xf32, #tpu.memory_space<hbm>>
      %dma_start3A_48 = tpu.memref_squeeze %dma_start3A_47 : memref<1x640x64xf32, #tpu.memory_space<hbm>> -> memref<640x64xf32, #tpu.memory_space<hbm>>
      %dma_start3A_49 = arith.constant 0 : i32
      %dma_start3A_50 = tpu.memref_slice %arg20[%mul3A_44, %dma_start3A_49] : memref<10240x64xf32, #tpu.memory_space<vmem_shared>> -> memref<640x64xf32, #tpu.memory_space<vmem_shared>>
      tpu.enqueue_dma source(%dma_start3A_50 : memref<640x64xf32, #tpu.memory_space<vmem_shared>>) target(%dma_start3A_48 : memref<640x64xf32, #tpu.memory_space<hbm>>) target_semaphore(%run_scoped3A : memref<!tpu.dma_semaphore, #tpu.memory_space<semaphore_mem>>)
      %dma_wait3A = arith.constant 0 : i32
      %dma_wait3A_51 = tpu.memref_slice %arg9[%arg0, %mul3A_46, %dma_wait3A] : memref<2x10240x64xf32, #tpu.memory_space<hbm>> -> memref<1x640x64xf32, #tpu.memory_space<hbm>>
      %dma_wait3A_52 = tpu.memref_squeeze %dma_wait3A_51 : memref<1x640x64xf32, #tpu.memory_space<hbm>> -> memref<640x64xf32, #tpu.memory_space<hbm>>
      %dma_wait3A_53 = arith.constant 0 : i32
      %dma_wait3A_54 = tpu.memref_slice %arg20[%mul3A_44, %dma_wait3A_53] : memref<10240x64xf32, #tpu.memory_space<vmem_shared>> -> memref<640x64xf32, #tpu.memory_space<vmem_shared>>
      tpu.wait_dma2 semaphore(%run_scoped3A : memref<!tpu.dma_semaphore, #tpu.memory_space<semaphore_mem>>) src(%dma_wait3A_54 : memref<640x64xf32, #tpu.memory_space<vmem_shared>>) dst(%dma_wait3A_52 : memref<640x64xf32, #tpu.memory_space<hbm>>)
      tpu.yield
    }) : () -> ()
    return
  }
}

#map = affine_map<(d0, d1) -> (0, 0)>
#map1 = affine_map<(d0, d1) -> (0)>
#map2 = affine_map<(d0, d1) -> (0, 0, 0)>
module attributes {stable_mosaic.version = 14 : i64} {
  func.func @_gat_edges_sc(%arg0: i32, %arg1: i32, %arg2: memref<32x10368xi32, #tpu.memory_space<hbm>>, %arg3: memref<32x10368xi32, #tpu.memory_space<hbm>>, %arg4: memref<10000xf32, #tpu.memory_space<hbm>>, %arg5: memref<10000xf32, #tpu.memory_space<hbm>>, %arg6: memref<10000x128xf32, #tpu.memory_space<hbm>>, %arg7: memref<640x64xf32, #tpu.memory_space<hbm>>, %arg8: memref<2x16x10240xf32, #tpu.memory_space<hbm>>, %arg9: memref<2x10240x64xf32, #tpu.memory_space<hbm>>, %arg10: memref<10368xi32, #tpu.memory_space<vmem>>, %arg11: memref<10368xi32, #tpu.memory_space<vmem>>, %arg12: memref<10000xf32, #tpu.memory_space<vmem>>, %arg13: memref<10000xf32, #tpu.memory_space<vmem>>, %arg14: memref<10240xf32, #tpu.memory_space<vmem>>, %arg15: memref<64x128xf32, #tpu.memory_space<vmem>>, %arg16: memref<64x64xf32, #tpu.memory_space<vmem>>, %arg17: memref<64xf32, #tpu.memory_space<vmem>>, %arg18: memref<64xi32, #tpu.memory_space<vmem>>, %arg19: memref<64xi32, #tpu.memory_space<vmem>>, %arg20: memref<10240x64xf32, #tpu.memory_space<vmem_shared>>, %arg21: memref<!tpu.dma_semaphore, #tpu.memory_space<semaphore_mem>>) attributes {dimension_semantics = [#tpu.dimension_semantics<core_parallel>, #tpu.dimension_semantics<subcore_parallel>], iteration_bounds = array<i64: 2, 16>, scalar_prefetch = 0 : i64, scratch_operands = 12 : i64, tpu.core_type = #tpu.core_type<sc_vector_subcore>, window_params = [{transform_indices = #map}, {transform_indices = #map}, {transform_indices = #map1}, {transform_indices = #map1}, {transform_indices = #map}, {transform_indices = #map}, {transform_indices = #map2}, {transform_indices = #map2}]} {
    %mul3A = arith.constant 2 : i32
    %mul3A_0 = arith.muli %arg1, %mul3A : i32
    %add3A = arith.addi %mul3A_0, %arg0 : i32
    %mul3A_1 = arith.constant 10368 : i32
    %mul3A_2 = arith.muli %add3A, %mul3A_1 : i32
    %iota3A = tpu.iota {dimensions = array<i32: 0>} : vector<16xi32>
    "tpu.region"() ({
      %run_scoped3A = tpu.sem_alloc : memref<!tpu.dma_semaphore, #tpu.memory_space<semaphore_mem>>
      %dma_start3A = arith.constant 0 : i32
      %dma_start3A_47 = tpu.memref_slice %arg2[%add3A, %dma_start3A] : memref<32x10368xi32, #tpu.memory_space<hbm>> -> memref<1x10368xi32, #tpu.memory_space<hbm>>
      %dma_start3A_48 = tpu.memref_squeeze %dma_start3A_47 : memref<1x10368xi32, #tpu.memory_space<hbm>> -> memref<10368xi32, #tpu.memory_space<hbm>>
      %dma_start3A_49 = arith.constant 0 : i32
      %dma_start3A_50 = tpu.memref_slice %arg2[%add3A, %dma_start3A_49] : memref<32x10368xi32, #tpu.memory_space<hbm>> -> memref<1x10368xi32, #tpu.memory_space<hbm>>
      %dma_start3A_51 = tpu.memref_squeeze %dma_start3A_50 : memref<1x10368xi32, #tpu.memory_space<hbm>> -> memref<10368xi32, #tpu.memory_space<hbm>>
      tpu.enqueue_dma source(%dma_start3A_51 : memref<10368xi32, #tpu.memory_space<hbm>>) target(%arg10 : memref<10368xi32, #tpu.memory_space<vmem>>) target_semaphore(%run_scoped3A : memref<!tpu.dma_semaphore, #tpu.memory_space<semaphore_mem>>)
      %dma_wait3A = arith.constant 0 : i32
      %dma_wait3A_52 = tpu.memref_slice %arg2[%add3A, %dma_wait3A] : memref<32x10368xi32, #tpu.memory_space<hbm>> -> memref<1x10368xi32, #tpu.memory_space<hbm>>
      %dma_wait3A_53 = tpu.memref_squeeze %dma_wait3A_52 : memref<1x10368xi32, #tpu.memory_space<hbm>> -> memref<10368xi32, #tpu.memory_space<hbm>>
      %dma_wait3A_54 = arith.constant 0 : i32
      %dma_wait3A_55 = tpu.memref_slice %arg2[%add3A, %dma_wait3A_54] : memref<32x10368xi32, #tpu.memory_space<hbm>> -> memref<1x10368xi32, #tpu.memory_space<hbm>>
      %dma_wait3A_56 = tpu.memref_squeeze %dma_wait3A_55 : memref<1x10368xi32, #tpu.memory_space<hbm>> -> memref<10368xi32, #tpu.memory_space<hbm>>
      tpu.wait_dma2 semaphore(%run_scoped3A : memref<!tpu.dma_semaphore, #tpu.memory_space<semaphore_mem>>) src(%dma_wait3A_56 : memref<10368xi32, #tpu.memory_space<hbm>>) dst(%arg10 : memref<10368xi32, #tpu.memory_space<vmem>>)
      tpu.yield
    }) : () -> ()
    "tpu.region"() ({
      %run_scoped3A = tpu.sem_alloc : memref<!tpu.dma_semaphore, #tpu.memory_space<semaphore_mem>>
      %dma_start3A = arith.constant 0 : i32
      %dma_start3A_47 = tpu.memref_slice %arg3[%add3A, %dma_start3A] : memref<32x10368xi32, #tpu.memory_space<hbm>> -> memref<1x10368xi32, #tpu.memory_space<hbm>>
      %dma_start3A_48 = tpu.memref_squeeze %dma_start3A_47 : memref<1x10368xi32, #tpu.memory_space<hbm>> -> memref<10368xi32, #tpu.memory_space<hbm>>
      %dma_start3A_49 = arith.constant 0 : i32
      %dma_start3A_50 = tpu.memref_slice %arg3[%add3A, %dma_start3A_49] : memref<32x10368xi32, #tpu.memory_space<hbm>> -> memref<1x10368xi32, #tpu.memory_space<hbm>>
      %dma_start3A_51 = tpu.memref_squeeze %dma_start3A_50 : memref<1x10368xi32, #tpu.memory_space<hbm>> -> memref<10368xi32, #tpu.memory_space<hbm>>
      tpu.enqueue_dma source(%dma_start3A_51 : memref<10368xi32, #tpu.memory_space<hbm>>) target(%arg11 : memref<10368xi32, #tpu.memory_space<vmem>>) target_semaphore(%run_scoped3A : memref<!tpu.dma_semaphore, #tpu.memory_space<semaphore_mem>>)
      %dma_wait3A = arith.constant 0 : i32
      %dma_wait3A_52 = tpu.memref_slice %arg3[%add3A, %dma_wait3A] : memref<32x10368xi32, #tpu.memory_space<hbm>> -> memref<1x10368xi32, #tpu.memory_space<hbm>>
      %dma_wait3A_53 = tpu.memref_squeeze %dma_wait3A_52 : memref<1x10368xi32, #tpu.memory_space<hbm>> -> memref<10368xi32, #tpu.memory_space<hbm>>
      %dma_wait3A_54 = arith.constant 0 : i32
      %dma_wait3A_55 = tpu.memref_slice %arg3[%add3A, %dma_wait3A_54] : memref<32x10368xi32, #tpu.memory_space<hbm>> -> memref<1x10368xi32, #tpu.memory_space<hbm>>
      %dma_wait3A_56 = tpu.memref_squeeze %dma_wait3A_55 : memref<1x10368xi32, #tpu.memory_space<hbm>> -> memref<10368xi32, #tpu.memory_space<hbm>>
      tpu.wait_dma2 semaphore(%run_scoped3A : memref<!tpu.dma_semaphore, #tpu.memory_space<semaphore_mem>>) src(%dma_wait3A_56 : memref<10368xi32, #tpu.memory_space<hbm>>) dst(%arg11 : memref<10368xi32, #tpu.memory_space<vmem>>)
      tpu.yield
    }) : () -> ()
    "tpu.region"() ({
      %run_scoped3A = tpu.sem_alloc : memref<!tpu.dma_semaphore, #tpu.memory_space<semaphore_mem>>
      tpu.enqueue_dma source(%arg4 : memref<10000xf32, #tpu.memory_space<hbm>>) target(%arg12 : memref<10000xf32, #tpu.memory_space<vmem>>) target_semaphore(%run_scoped3A : memref<!tpu.dma_semaphore, #tpu.memory_space<semaphore_mem>>)
      tpu.wait_dma2 semaphore(%run_scoped3A : memref<!tpu.dma_semaphore, #tpu.memory_space<semaphore_mem>>) src(%arg4 : memref<10000xf32, #tpu.memory_space<hbm>>) dst(%arg12 : memref<10000xf32, #tpu.memory_space<vmem>>)
      tpu.yield
    }) : () -> ()
    "tpu.region"() ({
      %run_scoped3A = tpu.sem_alloc : memref<!tpu.dma_semaphore, #tpu.memory_space<semaphore_mem>>
      tpu.enqueue_dma source(%arg5 : memref<10000xf32, #tpu.memory_space<hbm>>) target(%arg13 : memref<10000xf32, #tpu.memory_space<vmem>>) target_semaphore(%run_scoped3A : memref<!tpu.dma_semaphore, #tpu.memory_space<semaphore_mem>>)
      tpu.wait_dma2 semaphore(%run_scoped3A : memref<!tpu.dma_semaphore, #tpu.memory_space<semaphore_mem>>) src(%arg5 : memref<10000xf32, #tpu.memory_space<hbm>>) dst(%arg13 : memref<10000xf32, #tpu.memory_space<vmem>>)
      tpu.yield
    }) : () -> ()
    %scan3A = arith.constant 0 : i32
    %scan3A_3 = arith.constant 0 : i32
    %scan3A_4 = arith.constant 640 : i32
    %scan3A_5 = arith.addi %scan3A_3, %scan3A_4 : i32
    %scan3A_6 = arith.constant 1 : i32
    %scan3A_7 = scf.for %scan3A_47 = %scan3A_3 to %scan3A_5 step %scan3A_6 iter_args(%scan3A_48 = %scan3A) -> (i32)  : i32 {
      %mul3A_49 = arith.constant 16 : i32
      %mul3A_50 = arith.muli %scan3A_47, %mul3A_49 : i32
      %add3A_51 = vector.broadcast %mul3A_50 : i32 to vector<16xi32>
      %add3A_52 = arith.addi %iota3A, %add3A_51 : vector<16xi32>
      %broadcast_in_dim3A = arith.constant 0.000000e+00 : f32
      %broadcast_in_dim3A_53 = vector.broadcast %broadcast_in_dim3A : f32 to vector<16xf32>
      tpu.vector_store_idx %arg14[%add3A_52], %broadcast_in_dim3A_53 : memref<10240xf32, #tpu.memory_space<vmem>>[vector<16xi32>], vector<16xf32>,
      %scan3A_54 = arith.constant 0 : i32
      scf.yield %scan3A_54 : i32
    }
    %scan3A_8 = arith.constant 640 : i32
    %mul3A_9 = arith.constant 640 : i32
    %mul3A_10 = arith.muli %arg1, %mul3A_9 : i32
    "tpu.region"() ({
      %run_scoped3A = tpu.sem_alloc : memref<!tpu.dma_semaphore, #tpu.memory_space<semaphore_mem>>
      %dma_start3A = arith.constant 0 : i32
      %dma_start3A_47 = tpu.memref_slice %arg20[%mul3A_10, %dma_start3A] : memref<10240x64xf32, #tpu.memory_space<vmem_shared>> -> memref<640x64xf32, #tpu.memory_space<vmem_shared>>
      tpu.enqueue_dma source(%arg7 : memref<640x64xf32, #tpu.memory_space<hbm>>) target(%dma_start3A_47 : memref<640x64xf32, #tpu.memory_space<vmem_shared>>) target_semaphore(%run_scoped3A : memref<!tpu.dma_semaphore, #tpu.memory_space<semaphore_mem>>)
      %dma_wait3A = arith.constant 0 : i32
      %dma_wait3A_48 = tpu.memref_slice %arg20[%mul3A_10, %dma_wait3A] : memref<10240x64xf32, #tpu.memory_space<vmem_shared>> -> memref<640x64xf32, #tpu.memory_space<vmem_shared>>
      tpu.wait_dma2 semaphore(%run_scoped3A : memref<!tpu.dma_semaphore, #tpu.memory_space<semaphore_mem>>) src(%arg7 : memref<640x64xf32, #tpu.memory_space<hbm>>) dst(%dma_wait3A_48 : memref<640x64xf32, #tpu.memory_space<vmem_shared>>)
      tpu.yield
    }) : () -> ()
    %barrier3A = arith.constant 0 : index
    tpu.barrier barrier_id(%barrier3A)
    %add3A_11 = arith.constant 0 : i32
    %add3A_12 = vector.broadcast %add3A_11 : i32 to vector<16xi32>
    %add3A_13 = arith.addi %iota3A, %add3A_12 : vector<16xi32>
    %add3A_14 = arith.constant 16 : i32
    %add3A_15 = vector.broadcast %add3A_14 : i32 to vector<16xi32>
    %add3A_16 = arith.addi %iota3A, %add3A_15 : vector<16xi32>
    %add3A_17 = arith.constant 32 : i32
    %add3A_18 = vector.broadcast %add3A_17 : i32 to vector<16xi32>
    %add3A_19 = arith.addi %iota3A, %add3A_18 : vector<16xi32>
    %add3A_20 = arith.constant 48 : i32
    %add3A_21 = vector.broadcast %add3A_20 : i32 to vector<16xi32>
    %add3A_22 = arith.addi %iota3A, %add3A_21 : vector<16xi32>
    %add3A_23 = arith.constant 0 : i32
    %add3A_24 = vector.broadcast %add3A_23 : i32 to vector<16xi32>
    %add3A_25 = arith.addi %iota3A, %add3A_24 : vector<16xi32>
    %add3A_26 = arith.constant 16 : i32
    %add3A_27 = vector.broadcast %add3A_26 : i32 to vector<16xi32>
    %add3A_28 = arith.addi %iota3A, %add3A_27 : vector<16xi32>
    %add3A_29 = arith.constant 32 : i32
    %add3A_30 = vector.broadcast %add3A_29 : i32 to vector<16xi32>
    %add3A_31 = arith.addi %iota3A, %add3A_30 : vector<16xi32>
    %add3A_32 = arith.constant 48 : i32
    %add3A_33 = vector.broadcast %add3A_32 : i32 to vector<16xi32>
    %add3A_34 = arith.addi %iota3A, %add3A_33 : vector<16xi32>
    %scan3A_35 = arith.constant 0 : i32
    %scan3A_36 = arith.constant 0 : i32
    %scan3A_37 = arith.constant 162 : i32
    %scan3A_38 = arith.addi %scan3A_36, %scan3A_37 : i32
    %scan3A_39 = arith.constant 1 : i32
    %scan3A_40 = scf.for %scan3A_47 = %scan3A_36 to %scan3A_38 step %scan3A_39 iter_args(%scan3A_48 = %scan3A_35) -> (i32)  : i32 {
      %mul3A_49 = arith.constant 64 : i32
      %mul3A_50 = arith.muli %scan3A_47, %mul3A_49 : i32
      %add3A_51 = arith.constant 0 : i32
      %add3A_52 = arith.addi %mul3A_50, %add3A_51 : i32
      %add3A_53 = vector.broadcast %add3A_52 : i32 to vector<16xi32>
      %add3A_54 = arith.addi %add3A_53, %iota3A : vector<16xi32>
      %gather3A = tpu.vector_load_idx %arg10[%add3A_54] : memref<10368xi32, #tpu.memory_space<vmem>>[vector<16xi32>], vector<16xi32>,
      %gather3A_55 = tpu.vector_load_idx %arg11[%add3A_54] : memref<10368xi32, #tpu.memory_space<vmem>>[vector<16xi32>], vector<16xi32>,
      tpu.vector_store_idx %arg18[%add3A_13], %gather3A : memref<64xi32, #tpu.memory_space<vmem>>[vector<16xi32>], vector<16xi32>,
      tpu.vector_store_idx %arg19[%add3A_13], %gather3A_55 : memref<64xi32, #tpu.memory_space<vmem>>[vector<16xi32>], vector<16xi32>,
      %gather3A_56 = tpu.vector_load_idx %arg12[%gather3A] : memref<10000xf32, #tpu.memory_space<vmem>>[vector<16xi32>], vector<16xf32>,
      %gather3A_57 = tpu.vector_load_idx %arg13[%gather3A_55] : memref<10000xf32, #tpu.memory_space<vmem>>[vector<16xi32>], vector<16xf32>,
      %add3A_58 = arith.addf %gather3A_56, %gather3A_57 : vector<16xf32>
      %gt3A = arith.constant 0.000000e+00 : f32
      %gt3A_59 = vector.broadcast %gt3A : f32 to vector<16xf32>
      %gt3A_60 = arith.cmpf ogt, %add3A_58, %gt3A_59 : vector<16xf32>
      %mul3A_61 = arith.constant 2.000000e-01 : f32
      %mul3A_62 = vector.broadcast %mul3A_61 : f32 to vector<16xf32>
      %mul3A_63 = arith.mulf %mul3A_62, %add3A_58 : vector<16xf32>
      %select_n3A = arith.select %gt3A_60, %add3A_58, %mul3A_63 : vector<16xi1>, vector<16xf32>
      %exp3A = math.exp %select_n3A : vector<16xf32>
      %add3A_64 = vector.broadcast %mul3A_2 : i32 to vector<16xi32>
      %add3A_65 = arith.addi %add3A_64, %add3A_54 : vector<16xi32>
      %lt3A = arith.constant 330000 : i32
      %lt3A_66 = vector.broadcast %lt3A : i32 to vector<16xi32>
      %lt3A_67 = arith.cmpi slt, %add3A_65, %lt3A_66 : vector<16xi32>
      %jit3A = arith.constant 0.000000e+00 : f32
      %broadcast_in_dim3A = vector.broadcast %jit3A : f32 to vector<16xf32>
      %select_n3A_68 = arith.select %lt3A_67, %exp3A, %broadcast_in_dim3A : vector<16xi1>, vector<16xf32>
      tpu.vector_store_idx %arg14[%gather3A_55], %select_n3A_68 {add = true} : memref<10240xf32, #tpu.memory_space<vmem>>[vector<16xi32>], vector<16xf32>,
      tpu.vector_store_idx %arg17[%add3A_13], %select_n3A_68 : memref<64xf32, #tpu.memory_space<vmem>>[vector<16xi32>], vector<16xf32>,
      %mul3A_69 = arith.constant 64 : i32
      %mul3A_70 = arith.muli %scan3A_47, %mul3A_69 : i32
      %add3A_71 = arith.constant 16 : i32
      %add3A_72 = arith.addi %mul3A_70, %add3A_71 : i32
      %add3A_73 = vector.broadcast %add3A_72 : i32 to vector<16xi32>
      %add3A_74 = arith.addi %add3A_73, %iota3A : vector<16xi32>
      %gather3A_75 = tpu.vector_load_idx %arg10[%add3A_74] : memref<10368xi32, #tpu.memory_space<vmem>>[vector<16xi32>], vector<16xi32>,
      %gather3A_76 = tpu.vector_load_idx %arg11[%add3A_74] : memref<10368xi32, #tpu.memory_space<vmem>>[vector<16xi32>], vector<16xi32>,
      tpu.vector_store_idx %arg18[%add3A_16], %gather3A_75 : memref<64xi32, #tpu.memory_space<vmem>>[vector<16xi32>], vector<16xi32>,
      tpu.vector_store_idx %arg19[%add3A_16], %gather3A_76 : memref<64xi32, #tpu.memory_space<vmem>>[vector<16xi32>], vector<16xi32>,
      %gather3A_77 = tpu.vector_load_idx %arg12[%gather3A_75] : memref<10000xf32, #tpu.memory_space<vmem>>[vector<16xi32>], vector<16xf32>,
      %gather3A_78 = tpu.vector_load_idx %arg13[%gather3A_76] : memref<10000xf32, #tpu.memory_space<vmem>>[vector<16xi32>], vector<16xf32>,
      %add3A_79 = arith.addf %gather3A_77, %gather3A_78 : vector<16xf32>
      %gt3A_80 = arith.constant 0.000000e+00 : f32
      %gt3A_81 = vector.broadcast %gt3A_80 : f32 to vector<16xf32>
      %gt3A_82 = arith.cmpf ogt, %add3A_79, %gt3A_81 : vector<16xf32>
      %mul3A_83 = arith.constant 2.000000e-01 : f32
      %mul3A_84 = vector.broadcast %mul3A_83 : f32 to vector<16xf32>
      %mul3A_85 = arith.mulf %mul3A_84, %add3A_79 : vector<16xf32>
      %select_n3A_86 = arith.select %gt3A_82, %add3A_79, %mul3A_85 : vector<16xi1>, vector<16xf32>
      %exp3A_87 = math.exp %select_n3A_86 : vector<16xf32>
      %add3A_88 = vector.broadcast %mul3A_2 : i32 to vector<16xi32>
      %add3A_89 = arith.addi %add3A_88, %add3A_74 : vector<16xi32>
      %lt3A_90 = arith.constant 330000 : i32
      %lt3A_91 = vector.broadcast %lt3A_90 : i32 to vector<16xi32>
      %lt3A_92 = arith.cmpi slt, %add3A_89, %lt3A_91 : vector<16xi32>
      %jit3A_93 = arith.constant 0.000000e+00 : f32
      %broadcast_in_dim3A_94 = vector.broadcast %jit3A_93 : f32 to vector<16xf32>
      %select_n3A_95 = arith.select %lt3A_92, %exp3A_87, %broadcast_in_dim3A_94 : vector<16xi1>, vector<16xf32>
      tpu.vector_store_idx %arg14[%gather3A_76], %select_n3A_95 {add = true} : memref<10240xf32, #tpu.memory_space<vmem>>[vector<16xi32>], vector<16xf32>,
      tpu.vector_store_idx %arg17[%add3A_16], %select_n3A_95 : memref<64xf32, #tpu.memory_space<vmem>>[vector<16xi32>], vector<16xf32>,
      %mul3A_96 = arith.constant 64 : i32
      %mul3A_97 = arith.muli %scan3A_47, %mul3A_96 : i32
      %add3A_98 = arith.constant 32 : i32
      %add3A_99 = arith.addi %mul3A_97, %add3A_98 : i32
      %add3A_100 = vector.broadcast %add3A_99 : i32 to vector<16xi32>
      %add3A_101 = arith.addi %add3A_100, %iota3A : vector<16xi32>
      %gather3A_102 = tpu.vector_load_idx %arg10[%add3A_101] : memref<10368xi32, #tpu.memory_space<vmem>>[vector<16xi32>], vector<16xi32>,
      %gather3A_103 = tpu.vector_load_idx %arg11[%add3A_101] : memref<10368xi32, #tpu.memory_space<vmem>>[vector<16xi32>], vector<16xi32>,
      tpu.vector_store_idx %arg18[%add3A_19], %gather3A_102 : memref<64xi32, #tpu.memory_space<vmem>>[vector<16xi32>], vector<16xi32>,
      tpu.vector_store_idx %arg19[%add3A_19], %gather3A_103 : memref<64xi32, #tpu.memory_space<vmem>>[vector<16xi32>], vector<16xi32>,
      %gather3A_104 = tpu.vector_load_idx %arg12[%gather3A_102] : memref<10000xf32, #tpu.memory_space<vmem>>[vector<16xi32>], vector<16xf32>,
      %gather3A_105 = tpu.vector_load_idx %arg13[%gather3A_103] : memref<10000xf32, #tpu.memory_space<vmem>>[vector<16xi32>], vector<16xf32>,
      %add3A_106 = arith.addf %gather3A_104, %gather3A_105 : vector<16xf32>
      %gt3A_107 = arith.constant 0.000000e+00 : f32
      %gt3A_108 = vector.broadcast %gt3A_107 : f32 to vector<16xf32>
      %gt3A_109 = arith.cmpf ogt, %add3A_106, %gt3A_108 : vector<16xf32>
      %mul3A_110 = arith.constant 2.000000e-01 : f32
      %mul3A_111 = vector.broadcast %mul3A_110 : f32 to vector<16xf32>
      %mul3A_112 = arith.mulf %mul3A_111, %add3A_106 : vector<16xf32>
      %select_n3A_113 = arith.select %gt3A_109, %add3A_106, %mul3A_112 : vector<16xi1>, vector<16xf32>
      %exp3A_114 = math.exp %select_n3A_113 : vector<16xf32>
      %add3A_115 = vector.broadcast %mul3A_2 : i32 to vector<16xi32>
      %add3A_116 = arith.addi %add3A_115, %add3A_101 : vector<16xi32>
      %lt3A_117 = arith.constant 330000 : i32
      %lt3A_118 = vector.broadcast %lt3A_117 : i32 to vector<16xi32>
      %lt3A_119 = arith.cmpi slt, %add3A_116, %lt3A_118 : vector<16xi32>
      %jit3A_120 = arith.constant 0.000000e+00 : f32
      %broadcast_in_dim3A_121 = vector.broadcast %jit3A_120 : f32 to vector<16xf32>
      %select_n3A_122 = arith.select %lt3A_119, %exp3A_114, %broadcast_in_dim3A_121 : vector<16xi1>, vector<16xf32>
      tpu.vector_store_idx %arg14[%gather3A_103], %select_n3A_122 {add = true} : memref<10240xf32, #tpu.memory_space<vmem>>[vector<16xi32>], vector<16xf32>,
      tpu.vector_store_idx %arg17[%add3A_19], %select_n3A_122 : memref<64xf32, #tpu.memory_space<vmem>>[vector<16xi32>], vector<16xf32>,
      %mul3A_123 = arith.constant 64 : i32
      %mul3A_124 = arith.muli %scan3A_47, %mul3A_123 : i32
      %add3A_125 = arith.constant 48 : i32
      %add3A_126 = arith.addi %mul3A_124, %add3A_125 : i32
      %add3A_127 = vector.broadcast %add3A_126 : i32 to vector<16xi32>
      %add3A_128 = arith.addi %add3A_127, %iota3A : vector<16xi32>
      %gather3A_129 = tpu.vector_load_idx %arg10[%add3A_128] : memref<10368xi32, #tpu.memory_space<vmem>>[vector<16xi32>], vector<16xi32>,
      %gather3A_130 = tpu.vector_load_idx %arg11[%add3A_128] : memref<10368xi32, #tpu.memory_space<vmem>>[vector<16xi32>], vector<16xi32>,
      tpu.vector_store_idx %arg18[%add3A_22], %gather3A_129 : memref<64xi32, #tpu.memory_space<vmem>>[vector<16xi32>], vector<16xi32>,
      tpu.vector_store_idx %arg19[%add3A_22], %gather3A_130 : memref<64xi32, #tpu.memory_space<vmem>>[vector<16xi32>], vector<16xi32>,
      %gather3A_131 = tpu.vector_load_idx %arg12[%gather3A_129] : memref<10000xf32, #tpu.memory_space<vmem>>[vector<16xi32>], vector<16xf32>,
      %gather3A_132 = tpu.vector_load_idx %arg13[%gather3A_130] : memref<10000xf32, #tpu.memory_space<vmem>>[vector<16xi32>], vector<16xf32>,
      %add3A_133 = arith.addf %gather3A_131, %gather3A_132 : vector<16xf32>
      %gt3A_134 = arith.constant 0.000000e+00 : f32
      %gt3A_135 = vector.broadcast %gt3A_134 : f32 to vector<16xf32>
      %gt3A_136 = arith.cmpf ogt, %add3A_133, %gt3A_135 : vector<16xf32>
      %mul3A_137 = arith.constant 2.000000e-01 : f32
      %mul3A_138 = vector.broadcast %mul3A_137 : f32 to vector<16xf32>
      %mul3A_139 = arith.mulf %mul3A_138, %add3A_133 : vector<16xf32>
      %select_n3A_140 = arith.select %gt3A_136, %add3A_133, %mul3A_139 : vector<16xi1>, vector<16xf32>
      %exp3A_141 = math.exp %select_n3A_140 : vector<16xf32>
      %add3A_142 = vector.broadcast %mul3A_2 : i32 to vector<16xi32>
      %add3A_143 = arith.addi %add3A_142, %add3A_128 : vector<16xi32>
      %lt3A_144 = arith.constant 330000 : i32
      %lt3A_145 = vector.broadcast %lt3A_144 : i32 to vector<16xi32>
      %lt3A_146 = arith.cmpi slt, %add3A_143, %lt3A_145 : vector<16xi32>
      %jit3A_147 = arith.constant 0.000000e+00 : f32
      %broadcast_in_dim3A_148 = vector.broadcast %jit3A_147 : f32 to vector<16xf32>
      %select_n3A_149 = arith.select %lt3A_146, %exp3A_141, %broadcast_in_dim3A_148 : vector<16xi1>, vector<16xf32>
      tpu.vector_store_idx %arg14[%gather3A_130], %select_n3A_149 {add = true} : memref<10240xf32, #tpu.memory_space<vmem>>[vector<16xi32>], vector<16xf32>,
      tpu.vector_store_idx %arg17[%add3A_22], %select_n3A_149 : memref<64xf32, #tpu.memory_space<vmem>>[vector<16xi32>], vector<16xf32>,
      %dma_start3A = arith.constant 0 : i32
      %dma_start3A_150 = arith.constant 0 : i32
      %dma_start3A_151 = tpu.memref_slice %arg6[%dma_start3A, %dma_start3A_150] : memref<10000x128xf32, #tpu.memory_space<hbm>> -> memref<10000x128xf32, #tpu.memory_space<hbm>>
      tpu.enqueue_indirect_dma source(%dma_start3A_151 : memref<10000x128xf32, #tpu.memory_space<hbm>>) target(%arg15 : memref<64x128xf32, #tpu.memory_space<vmem>>) offsets(%arg18 : memref<64xi32, #tpu.memory_space<vmem>>) semaphore(%arg21 : memref<!tpu.dma_semaphore, #tpu.memory_space<semaphore_mem>>)
      %dma_wait3A = arith.constant 0 : i32
      %dma_wait3A_152 = arith.constant 0 : i32
      %dma_wait3A_153 = tpu.memref_slice %arg6[%dma_wait3A, %dma_wait3A_152] : memref<10000x128xf32, #tpu.memory_space<hbm>> -> memref<10000x128xf32, #tpu.memory_space<hbm>>
      tpu.wait_indirect_dma semaphore(%arg21 : memref<!tpu.dma_semaphore, #tpu.memory_space<semaphore_mem>>) src(%dma_wait3A_153 : memref<10000x128xf32, #tpu.memory_space<hbm>>) dst(%arg15 : memref<64x128xf32, #tpu.memory_space<vmem>>)
      %scan3A_154 = arith.constant 0 : i32
      %scan3A_155 = arith.constant 0 : i32
      %scan3A_156 = arith.constant 64 : i32
      %scan3A_157 = arith.addi %scan3A_155, %scan3A_156 : i32
      %scan3A_158 = arith.constant 1 : i32
      %scan3A_159 = scf.for %scan3A_162 = %scan3A_155 to %scan3A_157 step %scan3A_158 iter_args(%scan3A_163 = %scan3A_154) -> (i32)  : i32 {
        %broadcast_in_dim3A_164 = vector.broadcast %scan3A_162 : i32 to vector<16xi32>
        %gather3A_165 = tpu.vector_load_idx %arg17[%broadcast_in_dim3A_164] : memref<64xf32, #tpu.memory_space<vmem>>[vector<16xi32>], vector<16xf32>,
        %gather3A_166 = tpu.vector_load_idx %arg15[%broadcast_in_dim3A_164, %add3A_25] : memref<64x128xf32, #tpu.memory_space<vmem>>[vector<16xi32>, vector<16xi32>], vector<16xf32>,
        %mul3A_167 = arith.mulf %gather3A_166, %gather3A_165 : vector<16xf32>
        tpu.vector_store_idx %arg16[%broadcast_in_dim3A_164, %add3A_25], %mul3A_167 : memref<64x64xf32, #tpu.memory_space<vmem>>[vector<16xi32>, vector<16xi32>], vector<16xf32>,
        %gather3A_168 = tpu.vector_load_idx %arg15[%broadcast_in_dim3A_164, %add3A_28] : memref<64x128xf32, #tpu.memory_space<vmem>>[vector<16xi32>, vector<16xi32>], vector<16xf32>,
        %mul3A_169 = arith.mulf %gather3A_168, %gather3A_165 : vector<16xf32>
        tpu.vector_store_idx %arg16[%broadcast_in_dim3A_164, %add3A_28], %mul3A_169 : memref<64x64xf32, #tpu.memory_space<vmem>>[vector<16xi32>, vector<16xi32>], vector<16xf32>,
        %gather3A_170 = tpu.vector_load_idx %arg15[%broadcast_in_dim3A_164, %add3A_31] : memref<64x128xf32, #tpu.memory_space<vmem>>[vector<16xi32>, vector<16xi32>], vector<16xf32>,
        %mul3A_171 = arith.mulf %gather3A_170, %gather3A_165 : vector<16xf32>
        tpu.vector_store_idx %arg16[%broadcast_in_dim3A_164, %add3A_31], %mul3A_171 : memref<64x64xf32, #tpu.memory_space<vmem>>[vector<16xi32>, vector<16xi32>], vector<16xf32>,
        %gather3A_172 = tpu.vector_load_idx %arg15[%broadcast_in_dim3A_164, %add3A_34] : memref<64x128xf32, #tpu.memory_space<vmem>>[vector<16xi32>, vector<16xi32>], vector<16xf32>,
        %mul3A_173 = arith.mulf %gather3A_172, %gather3A_165 : vector<16xf32>
        tpu.vector_store_idx %arg16[%broadcast_in_dim3A_164, %add3A_34], %mul3A_173 : memref<64x64xf32, #tpu.memory_space<vmem>>[vector<16xi32>, vector<16xi32>], vector<16xf32>,
        %scan3A_174 = arith.constant 0 : i32
        scf.yield %scan3A_174 : i32
      }
      %scan3A_160 = arith.constant 64 : i32
      "tpu.region"() ({
        %run_scoped3A = tpu.sem_alloc : memref<!tpu.dma_semaphore, #tpu.memory_space<semaphore_mem>>
        %dma_start3A_162 = arith.constant 0 : i32
        %dma_start3A_163 = arith.constant 0 : i32
        %dma_start3A_164 = tpu.memref_slice %arg20[%dma_start3A_162, %dma_start3A_163] : memref<10240x64xf32, #tpu.memory_space<vmem_shared>> -> memref<10240x64xf32, #tpu.memory_space<vmem_shared>>
        tpu.enqueue_indirect_dma source(%arg16 : memref<64x64xf32, #tpu.memory_space<vmem>>) target(%dma_start3A_164 : memref<10240x64xf32, #tpu.memory_space<vmem_shared>>) offsets(%arg19 : memref<64xi32, #tpu.memory_space<vmem>>) semaphore(%run_scoped3A : memref<!tpu.dma_semaphore, #tpu.memory_space<semaphore_mem>>) {add = true}
        %dma_wait3A_165 = arith.constant 0 : i32
        %dma_wait3A_166 = arith.constant 0 : i32
        %dma_wait3A_167 = tpu.memref_slice %arg20[%dma_wait3A_165, %dma_wait3A_166] : memref<10240x64xf32, #tpu.memory_space<vmem_shared>> -> memref<10240x64xf32, #tpu.memory_space<vmem_shared>>
        tpu.wait_indirect_dma semaphore(%run_scoped3A : memref<!tpu.dma_semaphore, #tpu.memory_space<semaphore_mem>>) src(%arg16 : memref<64x64xf32, #tpu.memory_space<vmem>>) dst(%dma_wait3A_167 : memref<10240x64xf32, #tpu.memory_space<vmem_shared>>)
        tpu.yield
      }) : () -> ()
      %scan3A_161 = arith.constant 0 : i32
      scf.yield %scan3A_161 : i32
    }
    %scan3A_41 = arith.constant 162 : i32
    "tpu.region"() ({
      %run_scoped3A = tpu.sem_alloc : memref<!tpu.dma_semaphore, #tpu.memory_space<semaphore_mem>>
      %dma_start3A = arith.constant 0 : i32
      %dma_start3A_47 = tpu.memref_slice %arg8[%arg0, %arg1, %dma_start3A] : memref<2x16x10240xf32, #tpu.memory_space<hbm>> -> memref<1x1x10240xf32, #tpu.memory_space<hbm>>
      %dma_start3A_48 = tpu.memref_squeeze %dma_start3A_47 : memref<1x1x10240xf32, #tpu.memory_space<hbm>> -> memref<10240xf32, #tpu.memory_space<hbm>>
      %dma_start3A_49 = arith.constant 0 : i32
      %dma_start3A_50 = tpu.memref_slice %arg8[%arg0, %arg1, %dma_start3A_49] : memref<2x16x10240xf32, #tpu.memory_space<hbm>> -> memref<1x1x10240xf32, #tpu.memory_space<hbm>>
      %dma_start3A_51 = tpu.memref_squeeze %dma_start3A_50 : memref<1x1x10240xf32, #tpu.memory_space<hbm>> -> memref<10240xf32, #tpu.memory_space<hbm>>
      tpu.enqueue_dma source(%arg14 : memref<10240xf32, #tpu.memory_space<vmem>>) target(%dma_start3A_51 : memref<10240xf32, #tpu.memory_space<hbm>>) target_semaphore(%run_scoped3A : memref<!tpu.dma_semaphore, #tpu.memory_space<semaphore_mem>>)
      %dma_wait3A = arith.constant 0 : i32
      %dma_wait3A_52 = tpu.memref_slice %arg8[%arg0, %arg1, %dma_wait3A] : memref<2x16x10240xf32, #tpu.memory_space<hbm>> -> memref<1x1x10240xf32, #tpu.memory_space<hbm>>
      %dma_wait3A_53 = tpu.memref_squeeze %dma_wait3A_52 : memref<1x1x10240xf32, #tpu.memory_space<hbm>> -> memref<10240xf32, #tpu.memory_space<hbm>>
      %dma_wait3A_54 = arith.constant 0 : i32
      %dma_wait3A_55 = tpu.memref_slice %arg8[%arg0, %arg1, %dma_wait3A_54] : memref<2x16x10240xf32, #tpu.memory_space<hbm>> -> memref<1x1x10240xf32, #tpu.memory_space<hbm>>
      %dma_wait3A_56 = tpu.memref_squeeze %dma_wait3A_55 : memref<1x1x10240xf32, #tpu.memory_space<hbm>> -> memref<10240xf32, #tpu.memory_space<hbm>>
      tpu.wait_dma2 semaphore(%run_scoped3A : memref<!tpu.dma_semaphore, #tpu.memory_space<semaphore_mem>>) src(%arg14 : memref<10240xf32, #tpu.memory_space<vmem>>) dst(%dma_wait3A_56 : memref<10240xf32, #tpu.memory_space<hbm>>)
      tpu.yield
    }) : () -> ()
    %barrier3A_42 = arith.constant 0 : index
    tpu.barrier barrier_id(%barrier3A_42)
    %mul3A_43 = arith.constant 640 : i32
    %mul3A_44 = arith.muli %arg1, %mul3A_43 : i32
    %mul3A_45 = arith.constant 640 : i32
    %mul3A_46 = arith.muli %arg1, %mul3A_45 : i32
    "tpu.region"() ({
      %run_scoped3A = tpu.sem_alloc : memref<!tpu.dma_semaphore, #tpu.memory_space<semaphore_mem>>
      %dma_start3A = arith.constant 0 : i32
      %dma_start3A_47 = tpu.memref_slice %arg9[%arg0, %mul3A_46, %dma_start3A] : memref<2x10240x64xf32, #tpu.memory_space<hbm>> -> memref<1x640x64xf32, #tpu.memory_space<hbm>>
      %dma_start3A_48 = tpu.memref_squeeze %dma_start3A_47 : memref<1x640x64xf32, #tpu.memory_space<hbm>> -> memref<640x64xf32, #tpu.memory_space<hbm>>
      %dma_start3A_49 = arith.constant 0 : i32
      %dma_start3A_50 = tpu.memref_slice %arg20[%mul3A_44, %dma_start3A_49] : memref<10240x64xf32, #tpu.memory_space<vmem_shared>> -> memref<640x64xf32, #tpu.memory_space<vmem_shared>>
      tpu.enqueue_dma source(%dma_start3A_50 : memref<640x64xf32, #tpu.memory_space<vmem_shared>>) target(%dma_start3A_48 : memref<640x64xf32, #tpu.memory_space<hbm>>) target_semaphore(%run_scoped3A : memref<!tpu.dma_semaphore, #tpu.memory_space<semaphore_mem>>)
      %dma_wait3A = arith.constant 0 : i32
      %dma_wait3A_51 = tpu.memref_slice %arg9[%arg0, %mul3A_46, %dma_wait3A] : memref<2x10240x64xf32, #tpu.memory_space<hbm>> -> memref<1x640x64xf32, #tpu.memory_space<hbm>>
      %dma_wait3A_52 = tpu.memref_squeeze %dma_wait3A_51 : memref<1x640x64xf32, #tpu.memory_space<hbm>> -> memref<640x64xf32, #tpu.memory_space<hbm>>
      %dma_wait3A_53 = arith.constant 0 : i32
      %dma_wait3A_54 = tpu.memref_slice %arg20[%mul3A_44, %dma_wait3A_53] : memref<10240x64xf32, #tpu.memory_space<vmem_shared>> -> memref<640x64xf32, #tpu.memory_space<vmem_shared>>
      tpu.wait_dma2 semaphore(%run_scoped3A : memref<!tpu.dma_semaphore, #tpu.memory_space<semaphore_mem>>) src(%dma_wait3A_54 : memref<640x64xf32, #tpu.memory_space<vmem_shared>>) dst(%dma_wait3A_52 : memref<640x64xf32, #tpu.memory_space<hbm>>)
      tpu.yield
    }) : () -> ()
    return
  }
}

#map = affine_map<(d0, d1) -> (0, 0)>
#map1 = affine_map<(d0, d1) -> (0)>
#map2 = affine_map<(d0, d1) -> (0, 0, 0)>
module attributes {stable_mosaic.version = 14 : i64} {
  func.func @_gat_edges_sc(%arg0: i32, %arg1: i32, %arg2: memref<32x10368xi32, #tpu.memory_space<hbm>>, %arg3: memref<32x10368xi32, #tpu.memory_space<hbm>>, %arg4: memref<10000xf32, #tpu.memory_space<hbm>>, %arg5: memref<10000xf32, #tpu.memory_space<hbm>>, %arg6: memref<10000x128xf32, #tpu.memory_space<hbm>>, %arg7: memref<640x64xf32, #tpu.memory_space<hbm>>, %arg8: memref<2x16x10240xf32, #tpu.memory_space<hbm>>, %arg9: memref<2x10240x64xf32, #tpu.memory_space<hbm>>, %arg10: memref<10368xi32, #tpu.memory_space<vmem>>, %arg11: memref<10368xi32, #tpu.memory_space<vmem>>, %arg12: memref<10000xf32, #tpu.memory_space<vmem>>, %arg13: memref<10000xf32, #tpu.memory_space<vmem>>, %arg14: memref<10240xf32, #tpu.memory_space<vmem>>, %arg15: memref<64x128xf32, #tpu.memory_space<vmem>>, %arg16: memref<64x64xf32, #tpu.memory_space<vmem>>, %arg17: memref<64xf32, #tpu.memory_space<vmem>>, %arg18: memref<64xi32, #tpu.memory_space<vmem>>, %arg19: memref<64xi32, #tpu.memory_space<vmem>>, %arg20: memref<10240x64xf32, #tpu.memory_space<vmem_shared>>, %arg21: memref<!tpu.dma_semaphore, #tpu.memory_space<semaphore_mem>>) attributes {dimension_semantics = [#tpu.dimension_semantics<core_parallel>, #tpu.dimension_semantics<subcore_parallel>], iteration_bounds = array<i64: 2, 16>, scalar_prefetch = 0 : i64, scratch_operands = 12 : i64, tpu.core_type = #tpu.core_type<sc_vector_subcore>, window_params = [{transform_indices = #map}, {transform_indices = #map}, {transform_indices = #map1}, {transform_indices = #map1}, {transform_indices = #map}, {transform_indices = #map}, {transform_indices = #map2}, {transform_indices = #map2}]} {
    %mul3A = arith.constant 2 : i32
    %mul3A_0 = arith.muli %arg1, %mul3A : i32
    %add3A = arith.addi %mul3A_0, %arg0 : i32
    %mul3A_1 = arith.constant 10368 : i32
    %mul3A_2 = arith.muli %add3A, %mul3A_1 : i32
    %iota3A = tpu.iota {dimensions = array<i32: 0>} : vector<16xi32>
    "tpu.region"() ({
      %run_scoped3A = tpu.sem_alloc : memref<!tpu.dma_semaphore, #tpu.memory_space<semaphore_mem>>
      %dma_start3A = arith.constant 0 : i32
      %dma_start3A_47 = tpu.memref_slice %arg2[%add3A, %dma_start3A] : memref<32x10368xi32, #tpu.memory_space<hbm>> -> memref<1x10368xi32, #tpu.memory_space<hbm>>
      %dma_start3A_48 = tpu.memref_squeeze %dma_start3A_47 : memref<1x10368xi32, #tpu.memory_space<hbm>> -> memref<10368xi32, #tpu.memory_space<hbm>>
      %dma_start3A_49 = arith.constant 0 : i32
      %dma_start3A_50 = tpu.memref_slice %arg2[%add3A, %dma_start3A_49] : memref<32x10368xi32, #tpu.memory_space<hbm>> -> memref<1x10368xi32, #tpu.memory_space<hbm>>
      %dma_start3A_51 = tpu.memref_squeeze %dma_start3A_50 : memref<1x10368xi32, #tpu.memory_space<hbm>> -> memref<10368xi32, #tpu.memory_space<hbm>>
      tpu.enqueue_dma source(%dma_start3A_51 : memref<10368xi32, #tpu.memory_space<hbm>>) target(%arg10 : memref<10368xi32, #tpu.memory_space<vmem>>) target_semaphore(%run_scoped3A : memref<!tpu.dma_semaphore, #tpu.memory_space<semaphore_mem>>)
      %dma_wait3A = arith.constant 0 : i32
      %dma_wait3A_52 = tpu.memref_slice %arg2[%add3A, %dma_wait3A] : memref<32x10368xi32, #tpu.memory_space<hbm>> -> memref<1x10368xi32, #tpu.memory_space<hbm>>
      %dma_wait3A_53 = tpu.memref_squeeze %dma_wait3A_52 : memref<1x10368xi32, #tpu.memory_space<hbm>> -> memref<10368xi32, #tpu.memory_space<hbm>>
      %dma_wait3A_54 = arith.constant 0 : i32
      %dma_wait3A_55 = tpu.memref_slice %arg2[%add3A, %dma_wait3A_54] : memref<32x10368xi32, #tpu.memory_space<hbm>> -> memref<1x10368xi32, #tpu.memory_space<hbm>>
      %dma_wait3A_56 = tpu.memref_squeeze %dma_wait3A_55 : memref<1x10368xi32, #tpu.memory_space<hbm>> -> memref<10368xi32, #tpu.memory_space<hbm>>
      tpu.wait_dma2 semaphore(%run_scoped3A : memref<!tpu.dma_semaphore, #tpu.memory_space<semaphore_mem>>) src(%dma_wait3A_56 : memref<10368xi32, #tpu.memory_space<hbm>>) dst(%arg10 : memref<10368xi32, #tpu.memory_space<vmem>>)
      tpu.yield
    }) : () -> ()
    "tpu.region"() ({
      %run_scoped3A = tpu.sem_alloc : memref<!tpu.dma_semaphore, #tpu.memory_space<semaphore_mem>>
      %dma_start3A = arith.constant 0 : i32
      %dma_start3A_47 = tpu.memref_slice %arg3[%add3A, %dma_start3A] : memref<32x10368xi32, #tpu.memory_space<hbm>> -> memref<1x10368xi32, #tpu.memory_space<hbm>>
      %dma_start3A_48 = tpu.memref_squeeze %dma_start3A_47 : memref<1x10368xi32, #tpu.memory_space<hbm>> -> memref<10368xi32, #tpu.memory_space<hbm>>
      %dma_start3A_49 = arith.constant 0 : i32
      %dma_start3A_50 = tpu.memref_slice %arg3[%add3A, %dma_start3A_49] : memref<32x10368xi32, #tpu.memory_space<hbm>> -> memref<1x10368xi32, #tpu.memory_space<hbm>>
      %dma_start3A_51 = tpu.memref_squeeze %dma_start3A_50 : memref<1x10368xi32, #tpu.memory_space<hbm>> -> memref<10368xi32, #tpu.memory_space<hbm>>
      tpu.enqueue_dma source(%dma_start3A_51 : memref<10368xi32, #tpu.memory_space<hbm>>) target(%arg11 : memref<10368xi32, #tpu.memory_space<vmem>>) target_semaphore(%run_scoped3A : memref<!tpu.dma_semaphore, #tpu.memory_space<semaphore_mem>>)
      %dma_wait3A = arith.constant 0 : i32
      %dma_wait3A_52 = tpu.memref_slice %arg3[%add3A, %dma_wait3A] : memref<32x10368xi32, #tpu.memory_space<hbm>> -> memref<1x10368xi32, #tpu.memory_space<hbm>>
      %dma_wait3A_53 = tpu.memref_squeeze %dma_wait3A_52 : memref<1x10368xi32, #tpu.memory_space<hbm>> -> memref<10368xi32, #tpu.memory_space<hbm>>
      %dma_wait3A_54 = arith.constant 0 : i32
      %dma_wait3A_55 = tpu.memref_slice %arg3[%add3A, %dma_wait3A_54] : memref<32x10368xi32, #tpu.memory_space<hbm>> -> memref<1x10368xi32, #tpu.memory_space<hbm>>
      %dma_wait3A_56 = tpu.memref_squeeze %dma_wait3A_55 : memref<1x10368xi32, #tpu.memory_space<hbm>> -> memref<10368xi32, #tpu.memory_space<hbm>>
      tpu.wait_dma2 semaphore(%run_scoped3A : memref<!tpu.dma_semaphore, #tpu.memory_space<semaphore_mem>>) src(%dma_wait3A_56 : memref<10368xi32, #tpu.memory_space<hbm>>) dst(%arg11 : memref<10368xi32, #tpu.memory_space<vmem>>)
      tpu.yield
    }) : () -> ()
    "tpu.region"() ({
      %run_scoped3A = tpu.sem_alloc : memref<!tpu.dma_semaphore, #tpu.memory_space<semaphore_mem>>
      tpu.enqueue_dma source(%arg4 : memref<10000xf32, #tpu.memory_space<hbm>>) target(%arg12 : memref<10000xf32, #tpu.memory_space<vmem>>) target_semaphore(%run_scoped3A : memref<!tpu.dma_semaphore, #tpu.memory_space<semaphore_mem>>)
      tpu.wait_dma2 semaphore(%run_scoped3A : memref<!tpu.dma_semaphore, #tpu.memory_space<semaphore_mem>>) src(%arg4 : memref<10000xf32, #tpu.memory_space<hbm>>) dst(%arg12 : memref<10000xf32, #tpu.memory_space<vmem>>)
      tpu.yield
    }) : () -> ()
    "tpu.region"() ({
      %run_scoped3A = tpu.sem_alloc : memref<!tpu.dma_semaphore, #tpu.memory_space<semaphore_mem>>
      tpu.enqueue_dma source(%arg5 : memref<10000xf32, #tpu.memory_space<hbm>>) target(%arg13 : memref<10000xf32, #tpu.memory_space<vmem>>) target_semaphore(%run_scoped3A : memref<!tpu.dma_semaphore, #tpu.memory_space<semaphore_mem>>)
      tpu.wait_dma2 semaphore(%run_scoped3A : memref<!tpu.dma_semaphore, #tpu.memory_space<semaphore_mem>>) src(%arg5 : memref<10000xf32, #tpu.memory_space<hbm>>) dst(%arg13 : memref<10000xf32, #tpu.memory_space<vmem>>)
      tpu.yield
    }) : () -> ()
    %scan3A = arith.constant 0 : i32
    %scan3A_3 = arith.constant 0 : i32
    %scan3A_4 = arith.constant 640 : i32
    %scan3A_5 = arith.addi %scan3A_3, %scan3A_4 : i32
    %scan3A_6 = arith.constant 1 : i32
    %scan3A_7 = scf.for %scan3A_47 = %scan3A_3 to %scan3A_5 step %scan3A_6 iter_args(%scan3A_48 = %scan3A) -> (i32)  : i32 {
      %mul3A_49 = arith.constant 16 : i32
      %mul3A_50 = arith.muli %scan3A_47, %mul3A_49 : i32
      %add3A_51 = vector.broadcast %mul3A_50 : i32 to vector<16xi32>
      %add3A_52 = arith.addi %iota3A, %add3A_51 : vector<16xi32>
      %broadcast_in_dim3A = arith.constant 0.000000e+00 : f32
      %broadcast_in_dim3A_53 = vector.broadcast %broadcast_in_dim3A : f32 to vector<16xf32>
      tpu.vector_store_idx %arg14[%add3A_52], %broadcast_in_dim3A_53 : memref<10240xf32, #tpu.memory_space<vmem>>[vector<16xi32>], vector<16xf32>,
      %scan3A_54 = arith.constant 0 : i32
      scf.yield %scan3A_54 : i32
    }
    %scan3A_8 = arith.constant 640 : i32
    %mul3A_9 = arith.constant 640 : i32
    %mul3A_10 = arith.muli %arg1, %mul3A_9 : i32
    "tpu.region"() ({
      %run_scoped3A = tpu.sem_alloc : memref<!tpu.dma_semaphore, #tpu.memory_space<semaphore_mem>>
      %dma_start3A = arith.constant 0 : i32
      %dma_start3A_47 = tpu.memref_slice %arg20[%mul3A_10, %dma_start3A] : memref<10240x64xf32, #tpu.memory_space<vmem_shared>> -> memref<640x64xf32, #tpu.memory_space<vmem_shared>>
      tpu.enqueue_dma source(%arg7 : memref<640x64xf32, #tpu.memory_space<hbm>>) target(%dma_start3A_47 : memref<640x64xf32, #tpu.memory_space<vmem_shared>>) target_semaphore(%run_scoped3A : memref<!tpu.dma_semaphore, #tpu.memory_space<semaphore_mem>>)
      %dma_wait3A = arith.constant 0 : i32
      %dma_wait3A_48 = tpu.memref_slice %arg20[%mul3A_10, %dma_wait3A] : memref<10240x64xf32, #tpu.memory_space<vmem_shared>> -> memref<640x64xf32, #tpu.memory_space<vmem_shared>>
      tpu.wait_dma2 semaphore(%run_scoped3A : memref<!tpu.dma_semaphore, #tpu.memory_space<semaphore_mem>>) src(%arg7 : memref<640x64xf32, #tpu.memory_space<hbm>>) dst(%dma_wait3A_48 : memref<640x64xf32, #tpu.memory_space<vmem_shared>>)
      tpu.yield
    }) : () -> ()
    %barrier3A = arith.constant 0 : index
    tpu.barrier barrier_id(%barrier3A)
    %add3A_11 = arith.constant 0 : i32
    %add3A_12 = vector.broadcast %add3A_11 : i32 to vector<16xi32>
    %add3A_13 = arith.addi %iota3A, %add3A_12 : vector<16xi32>
    %add3A_14 = arith.constant 16 : i32
    %add3A_15 = vector.broadcast %add3A_14 : i32 to vector<16xi32>
    %add3A_16 = arith.addi %iota3A, %add3A_15 : vector<16xi32>
    %add3A_17 = arith.constant 32 : i32
    %add3A_18 = vector.broadcast %add3A_17 : i32 to vector<16xi32>
    %add3A_19 = arith.addi %iota3A, %add3A_18 : vector<16xi32>
    %add3A_20 = arith.constant 48 : i32
    %add3A_21 = vector.broadcast %add3A_20 : i32 to vector<16xi32>
    %add3A_22 = arith.addi %iota3A, %add3A_21 : vector<16xi32>
    %add3A_23 = arith.constant 0 : i32
    %add3A_24 = vector.broadcast %add3A_23 : i32 to vector<16xi32>
    %add3A_25 = arith.addi %iota3A, %add3A_24 : vector<16xi32>
    %add3A_26 = arith.constant 16 : i32
    %add3A_27 = vector.broadcast %add3A_26 : i32 to vector<16xi32>
    %add3A_28 = arith.addi %iota3A, %add3A_27 : vector<16xi32>
    %add3A_29 = arith.constant 32 : i32
    %add3A_30 = vector.broadcast %add3A_29 : i32 to vector<16xi32>
    %add3A_31 = arith.addi %iota3A, %add3A_30 : vector<16xi32>
    %add3A_32 = arith.constant 48 : i32
    %add3A_33 = vector.broadcast %add3A_32 : i32 to vector<16xi32>
    %add3A_34 = arith.addi %iota3A, %add3A_33 : vector<16xi32>
    %scan3A_35 = arith.constant 0 : i32
    %scan3A_36 = arith.constant 0 : i32
    %scan3A_37 = arith.constant 162 : i32
    %scan3A_38 = arith.addi %scan3A_36, %scan3A_37 : i32
    %scan3A_39 = arith.constant 1 : i32
    %scan3A_40 = scf.for %scan3A_47 = %scan3A_36 to %scan3A_38 step %scan3A_39 iter_args(%scan3A_48 = %scan3A_35) -> (i32)  : i32 {
      %mul3A_49 = arith.constant 64 : i32
      %mul3A_50 = arith.muli %scan3A_47, %mul3A_49 : i32
      %add3A_51 = arith.constant 0 : i32
      %add3A_52 = arith.addi %mul3A_50, %add3A_51 : i32
      %add3A_53 = vector.broadcast %add3A_52 : i32 to vector<16xi32>
      %add3A_54 = arith.addi %add3A_53, %iota3A : vector<16xi32>
      %gather3A = tpu.vector_load_idx %arg10[%add3A_54] : memref<10368xi32, #tpu.memory_space<vmem>>[vector<16xi32>], vector<16xi32>,
      %gather3A_55 = tpu.vector_load_idx %arg11[%add3A_54] : memref<10368xi32, #tpu.memory_space<vmem>>[vector<16xi32>], vector<16xi32>,
      tpu.vector_store_idx %arg18[%add3A_13], %gather3A : memref<64xi32, #tpu.memory_space<vmem>>[vector<16xi32>], vector<16xi32>,
      tpu.vector_store_idx %arg19[%add3A_13], %gather3A_55 : memref<64xi32, #tpu.memory_space<vmem>>[vector<16xi32>], vector<16xi32>,
      %gather3A_56 = tpu.vector_load_idx %arg12[%gather3A] : memref<10000xf32, #tpu.memory_space<vmem>>[vector<16xi32>], vector<16xf32>,
      %gather3A_57 = tpu.vector_load_idx %arg13[%gather3A_55] : memref<10000xf32, #tpu.memory_space<vmem>>[vector<16xi32>], vector<16xf32>,
      %add3A_58 = arith.addf %gather3A_56, %gather3A_57 : vector<16xf32>
      %gt3A = arith.constant 0.000000e+00 : f32
      %gt3A_59 = vector.broadcast %gt3A : f32 to vector<16xf32>
      %gt3A_60 = arith.cmpf ogt, %add3A_58, %gt3A_59 : vector<16xf32>
      %mul3A_61 = arith.constant 2.000000e-01 : f32
      %mul3A_62 = vector.broadcast %mul3A_61 : f32 to vector<16xf32>
      %mul3A_63 = arith.mulf %mul3A_62, %add3A_58 : vector<16xf32>
      %select_n3A = arith.select %gt3A_60, %add3A_58, %mul3A_63 : vector<16xi1>, vector<16xf32>
      %exp3A = math.exp %select_n3A : vector<16xf32>
      %add3A_64 = vector.broadcast %mul3A_2 : i32 to vector<16xi32>
      %add3A_65 = arith.addi %add3A_64, %add3A_54 : vector<16xi32>
      %lt3A = arith.constant 330000 : i32
      %lt3A_66 = vector.broadcast %lt3A : i32 to vector<16xi32>
      %lt3A_67 = arith.cmpi slt, %add3A_65, %lt3A_66 : vector<16xi32>
      %jit3A = arith.constant 0.000000e+00 : f32
      %broadcast_in_dim3A = vector.broadcast %jit3A : f32 to vector<16xf32>
      %select_n3A_68 = arith.select %lt3A_67, %exp3A, %broadcast_in_dim3A : vector<16xi1>, vector<16xf32>
      tpu.vector_store_idx %arg14[%gather3A_55], %select_n3A_68 {add = true} : memref<10240xf32, #tpu.memory_space<vmem>>[vector<16xi32>], vector<16xf32>,
      tpu.vector_store_idx %arg17[%add3A_13], %select_n3A_68 : memref<64xf32, #tpu.memory_space<vmem>>[vector<16xi32>], vector<16xf32>,
      %mul3A_69 = arith.constant 64 : i32
      %mul3A_70 = arith.muli %scan3A_47, %mul3A_69 : i32
      %add3A_71 = arith.constant 16 : i32
      %add3A_72 = arith.addi %mul3A_70, %add3A_71 : i32
      %add3A_73 = vector.broadcast %add3A_72 : i32 to vector<16xi32>
      %add3A_74 = arith.addi %add3A_73, %iota3A : vector<16xi32>
      %gather3A_75 = tpu.vector_load_idx %arg10[%add3A_74] : memref<10368xi32, #tpu.memory_space<vmem>>[vector<16xi32>], vector<16xi32>,
      %gather3A_76 = tpu.vector_load_idx %arg11[%add3A_74] : memref<10368xi32, #tpu.memory_space<vmem>>[vector<16xi32>], vector<16xi32>,
      tpu.vector_store_idx %arg18[%add3A_16], %gather3A_75 : memref<64xi32, #tpu.memory_space<vmem>>[vector<16xi32>], vector<16xi32>,
      tpu.vector_store_idx %arg19[%add3A_16], %gather3A_76 : memref<64xi32, #tpu.memory_space<vmem>>[vector<16xi32>], vector<16xi32>,
      %gather3A_77 = tpu.vector_load_idx %arg12[%gather3A_75] : memref<10000xf32, #tpu.memory_space<vmem>>[vector<16xi32>], vector<16xf32>,
      %gather3A_78 = tpu.vector_load_idx %arg13[%gather3A_76] : memref<10000xf32, #tpu.memory_space<vmem>>[vector<16xi32>], vector<16xf32>,
      %add3A_79 = arith.addf %gather3A_77, %gather3A_78 : vector<16xf32>
      %gt3A_80 = arith.constant 0.000000e+00 : f32
      %gt3A_81 = vector.broadcast %gt3A_80 : f32 to vector<16xf32>
      %gt3A_82 = arith.cmpf ogt, %add3A_79, %gt3A_81 : vector<16xf32>
      %mul3A_83 = arith.constant 2.000000e-01 : f32
      %mul3A_84 = vector.broadcast %mul3A_83 : f32 to vector<16xf32>
      %mul3A_85 = arith.mulf %mul3A_84, %add3A_79 : vector<16xf32>
      %select_n3A_86 = arith.select %gt3A_82, %add3A_79, %mul3A_85 : vector<16xi1>, vector<16xf32>
      %exp3A_87 = math.exp %select_n3A_86 : vector<16xf32>
      %add3A_88 = vector.broadcast %mul3A_2 : i32 to vector<16xi32>
      %add3A_89 = arith.addi %add3A_88, %add3A_74 : vector<16xi32>
      %lt3A_90 = arith.constant 330000 : i32
      %lt3A_91 = vector.broadcast %lt3A_90 : i32 to vector<16xi32>
      %lt3A_92 = arith.cmpi slt, %add3A_89, %lt3A_91 : vector<16xi32>
      %jit3A_93 = arith.constant 0.000000e+00 : f32
      %broadcast_in_dim3A_94 = vector.broadcast %jit3A_93 : f32 to vector<16xf32>
      %select_n3A_95 = arith.select %lt3A_92, %exp3A_87, %broadcast_in_dim3A_94 : vector<16xi1>, vector<16xf32>
      tpu.vector_store_idx %arg14[%gather3A_76], %select_n3A_95 {add = true} : memref<10240xf32, #tpu.memory_space<vmem>>[vector<16xi32>], vector<16xf32>,
      tpu.vector_store_idx %arg17[%add3A_16], %select_n3A_95 : memref<64xf32, #tpu.memory_space<vmem>>[vector<16xi32>], vector<16xf32>,
      %mul3A_96 = arith.constant 64 : i32
      %mul3A_97 = arith.muli %scan3A_47, %mul3A_96 : i32
      %add3A_98 = arith.constant 32 : i32
      %add3A_99 = arith.addi %mul3A_97, %add3A_98 : i32
      %add3A_100 = vector.broadcast %add3A_99 : i32 to vector<16xi32>
      %add3A_101 = arith.addi %add3A_100, %iota3A : vector<16xi32>
      %gather3A_102 = tpu.vector_load_idx %arg10[%add3A_101] : memref<10368xi32, #tpu.memory_space<vmem>>[vector<16xi32>], vector<16xi32>,
      %gather3A_103 = tpu.vector_load_idx %arg11[%add3A_101] : memref<10368xi32, #tpu.memory_space<vmem>>[vector<16xi32>], vector<16xi32>,
      tpu.vector_store_idx %arg18[%add3A_19], %gather3A_102 : memref<64xi32, #tpu.memory_space<vmem>>[vector<16xi32>], vector<16xi32>,
      tpu.vector_store_idx %arg19[%add3A_19], %gather3A_103 : memref<64xi32, #tpu.memory_space<vmem>>[vector<16xi32>], vector<16xi32>,
      %gather3A_104 = tpu.vector_load_idx %arg12[%gather3A_102] : memref<10000xf32, #tpu.memory_space<vmem>>[vector<16xi32>], vector<16xf32>,
      %gather3A_105 = tpu.vector_load_idx %arg13[%gather3A_103] : memref<10000xf32, #tpu.memory_space<vmem>>[vector<16xi32>], vector<16xf32>,
      %add3A_106 = arith.addf %gather3A_104, %gather3A_105 : vector<16xf32>
      %gt3A_107 = arith.constant 0.000000e+00 : f32
      %gt3A_108 = vector.broadcast %gt3A_107 : f32 to vector<16xf32>
      %gt3A_109 = arith.cmpf ogt, %add3A_106, %gt3A_108 : vector<16xf32>
      %mul3A_110 = arith.constant 2.000000e-01 : f32
      %mul3A_111 = vector.broadcast %mul3A_110 : f32 to vector<16xf32>
      %mul3A_112 = arith.mulf %mul3A_111, %add3A_106 : vector<16xf32>
      %select_n3A_113 = arith.select %gt3A_109, %add3A_106, %mul3A_112 : vector<16xi1>, vector<16xf32>
      %exp3A_114 = math.exp %select_n3A_113 : vector<16xf32>
      %add3A_115 = vector.broadcast %mul3A_2 : i32 to vector<16xi32>
      %add3A_116 = arith.addi %add3A_115, %add3A_101 : vector<16xi32>
      %lt3A_117 = arith.constant 330000 : i32
      %lt3A_118 = vector.broadcast %lt3A_117 : i32 to vector<16xi32>
      %lt3A_119 = arith.cmpi slt, %add3A_116, %lt3A_118 : vector<16xi32>
      %jit3A_120 = arith.constant 0.000000e+00 : f32
      %broadcast_in_dim3A_121 = vector.broadcast %jit3A_120 : f32 to vector<16xf32>
      %select_n3A_122 = arith.select %lt3A_119, %exp3A_114, %broadcast_in_dim3A_121 : vector<16xi1>, vector<16xf32>
      tpu.vector_store_idx %arg14[%gather3A_103], %select_n3A_122 {add = true} : memref<10240xf32, #tpu.memory_space<vmem>>[vector<16xi32>], vector<16xf32>,
      tpu.vector_store_idx %arg17[%add3A_19], %select_n3A_122 : memref<64xf32, #tpu.memory_space<vmem>>[vector<16xi32>], vector<16xf32>,
      %mul3A_123 = arith.constant 64 : i32
      %mul3A_124 = arith.muli %scan3A_47, %mul3A_123 : i32
      %add3A_125 = arith.constant 48 : i32
      %add3A_126 = arith.addi %mul3A_124, %add3A_125 : i32
      %add3A_127 = vector.broadcast %add3A_126 : i32 to vector<16xi32>
      %add3A_128 = arith.addi %add3A_127, %iota3A : vector<16xi32>
      %gather3A_129 = tpu.vector_load_idx %arg10[%add3A_128] : memref<10368xi32, #tpu.memory_space<vmem>>[vector<16xi32>], vector<16xi32>,
      %gather3A_130 = tpu.vector_load_idx %arg11[%add3A_128] : memref<10368xi32, #tpu.memory_space<vmem>>[vector<16xi32>], vector<16xi32>,
      tpu.vector_store_idx %arg18[%add3A_22], %gather3A_129 : memref<64xi32, #tpu.memory_space<vmem>>[vector<16xi32>], vector<16xi32>,
      tpu.vector_store_idx %arg19[%add3A_22], %gather3A_130 : memref<64xi32, #tpu.memory_space<vmem>>[vector<16xi32>], vector<16xi32>,
      %gather3A_131 = tpu.vector_load_idx %arg12[%gather3A_129] : memref<10000xf32, #tpu.memory_space<vmem>>[vector<16xi32>], vector<16xf32>,
      %gather3A_132 = tpu.vector_load_idx %arg13[%gather3A_130] : memref<10000xf32, #tpu.memory_space<vmem>>[vector<16xi32>], vector<16xf32>,
      %add3A_133 = arith.addf %gather3A_131, %gather3A_132 : vector<16xf32>
      %gt3A_134 = arith.constant 0.000000e+00 : f32
      %gt3A_135 = vector.broadcast %gt3A_134 : f32 to vector<16xf32>
      %gt3A_136 = arith.cmpf ogt, %add3A_133, %gt3A_135 : vector<16xf32>
      %mul3A_137 = arith.constant 2.000000e-01 : f32
      %mul3A_138 = vector.broadcast %mul3A_137 : f32 to vector<16xf32>
      %mul3A_139 = arith.mulf %mul3A_138, %add3A_133 : vector<16xf32>
      %select_n3A_140 = arith.select %gt3A_136, %add3A_133, %mul3A_139 : vector<16xi1>, vector<16xf32>
      %exp3A_141 = math.exp %select_n3A_140 : vector<16xf32>
      %add3A_142 = vector.broadcast %mul3A_2 : i32 to vector<16xi32>
      %add3A_143 = arith.addi %add3A_142, %add3A_128 : vector<16xi32>
      %lt3A_144 = arith.constant 330000 : i32
      %lt3A_145 = vector.broadcast %lt3A_144 : i32 to vector<16xi32>
      %lt3A_146 = arith.cmpi slt, %add3A_143, %lt3A_145 : vector<16xi32>
      %jit3A_147 = arith.constant 0.000000e+00 : f32
      %broadcast_in_dim3A_148 = vector.broadcast %jit3A_147 : f32 to vector<16xf32>
      %select_n3A_149 = arith.select %lt3A_146, %exp3A_141, %broadcast_in_dim3A_148 : vector<16xi1>, vector<16xf32>
      tpu.vector_store_idx %arg14[%gather3A_130], %select_n3A_149 {add = true} : memref<10240xf32, #tpu.memory_space<vmem>>[vector<16xi32>], vector<16xf32>,
      tpu.vector_store_idx %arg17[%add3A_22], %select_n3A_149 : memref<64xf32, #tpu.memory_space<vmem>>[vector<16xi32>], vector<16xf32>,
      %dma_start3A = arith.constant 0 : i32
      %dma_start3A_150 = arith.constant 0 : i32
      %dma_start3A_151 = tpu.memref_slice %arg6[%dma_start3A, %dma_start3A_150] : memref<10000x128xf32, #tpu.memory_space<hbm>> -> memref<10000x128xf32, #tpu.memory_space<hbm>>
      tpu.enqueue_indirect_dma source(%dma_start3A_151 : memref<10000x128xf32, #tpu.memory_space<hbm>>) target(%arg15 : memref<64x128xf32, #tpu.memory_space<vmem>>) offsets(%arg18 : memref<64xi32, #tpu.memory_space<vmem>>) semaphore(%arg21 : memref<!tpu.dma_semaphore, #tpu.memory_space<semaphore_mem>>)
      %dma_wait3A = arith.constant 0 : i32
      %dma_wait3A_152 = arith.constant 0 : i32
      %dma_wait3A_153 = tpu.memref_slice %arg6[%dma_wait3A, %dma_wait3A_152] : memref<10000x128xf32, #tpu.memory_space<hbm>> -> memref<10000x128xf32, #tpu.memory_space<hbm>>
      tpu.wait_indirect_dma semaphore(%arg21 : memref<!tpu.dma_semaphore, #tpu.memory_space<semaphore_mem>>) src(%dma_wait3A_153 : memref<10000x128xf32, #tpu.memory_space<hbm>>) dst(%arg15 : memref<64x128xf32, #tpu.memory_space<vmem>>)
      %scan3A_154 = arith.constant 0 : i32
      %scan3A_155 = arith.constant 0 : i32
      %scan3A_156 = arith.constant 64 : i32
      %scan3A_157 = arith.addi %scan3A_155, %scan3A_156 : i32
      %scan3A_158 = arith.constant 1 : i32
      %scan3A_159 = scf.for %scan3A_162 = %scan3A_155 to %scan3A_157 step %scan3A_158 iter_args(%scan3A_163 = %scan3A_154) -> (i32)  : i32 {
        %broadcast_in_dim3A_164 = vector.broadcast %scan3A_162 : i32 to vector<16xi32>
        %gather3A_165 = tpu.vector_load_idx %arg17[%broadcast_in_dim3A_164] : memref<64xf32, #tpu.memory_space<vmem>>[vector<16xi32>], vector<16xf32>,
        %gather3A_166 = tpu.vector_load_idx %arg15[%broadcast_in_dim3A_164, %add3A_25] : memref<64x128xf32, #tpu.memory_space<vmem>>[vector<16xi32>, vector<16xi32>], vector<16xf32>,
        %mul3A_167 = arith.mulf %gather3A_166, %gather3A_165 : vector<16xf32>
        tpu.vector_store_idx %arg16[%broadcast_in_dim3A_164, %add3A_25], %mul3A_167 : memref<64x64xf32, #tpu.memory_space<vmem>>[vector<16xi32>, vector<16xi32>], vector<16xf32>,
        %gather3A_168 = tpu.vector_load_idx %arg15[%broadcast_in_dim3A_164, %add3A_28] : memref<64x128xf32, #tpu.memory_space<vmem>>[vector<16xi32>, vector<16xi32>], vector<16xf32>,
        %mul3A_169 = arith.mulf %gather3A_168, %gather3A_165 : vector<16xf32>
        tpu.vector_store_idx %arg16[%broadcast_in_dim3A_164, %add3A_28], %mul3A_169 : memref<64x64xf32, #tpu.memory_space<vmem>>[vector<16xi32>, vector<16xi32>], vector<16xf32>,
        %gather3A_170 = tpu.vector_load_idx %arg15[%broadcast_in_dim3A_164, %add3A_31] : memref<64x128xf32, #tpu.memory_space<vmem>>[vector<16xi32>, vector<16xi32>], vector<16xf32>,
        %mul3A_171 = arith.mulf %gather3A_170, %gather3A_165 : vector<16xf32>
        tpu.vector_store_idx %arg16[%broadcast_in_dim3A_164, %add3A_31], %mul3A_171 : memref<64x64xf32, #tpu.memory_space<vmem>>[vector<16xi32>, vector<16xi32>], vector<16xf32>,
        %gather3A_172 = tpu.vector_load_idx %arg15[%broadcast_in_dim3A_164, %add3A_34] : memref<64x128xf32, #tpu.memory_space<vmem>>[vector<16xi32>, vector<16xi32>], vector<16xf32>,
        %mul3A_173 = arith.mulf %gather3A_172, %gather3A_165 : vector<16xf32>
        tpu.vector_store_idx %arg16[%broadcast_in_dim3A_164, %add3A_34], %mul3A_173 : memref<64x64xf32, #tpu.memory_space<vmem>>[vector<16xi32>, vector<16xi32>], vector<16xf32>,
        %scan3A_174 = arith.constant 0 : i32
        scf.yield %scan3A_174 : i32
      }
      %scan3A_160 = arith.constant 64 : i32
      "tpu.region"() ({
        %run_scoped3A = tpu.sem_alloc : memref<!tpu.dma_semaphore, #tpu.memory_space<semaphore_mem>>
        %dma_start3A_162 = arith.constant 0 : i32
        %dma_start3A_163 = arith.constant 0 : i32
        %dma_start3A_164 = tpu.memref_slice %arg20[%dma_start3A_162, %dma_start3A_163] : memref<10240x64xf32, #tpu.memory_space<vmem_shared>> -> memref<10240x64xf32, #tpu.memory_space<vmem_shared>>
        tpu.enqueue_indirect_dma source(%arg16 : memref<64x64xf32, #tpu.memory_space<vmem>>) target(%dma_start3A_164 : memref<10240x64xf32, #tpu.memory_space<vmem_shared>>) offsets(%arg19 : memref<64xi32, #tpu.memory_space<vmem>>) semaphore(%run_scoped3A : memref<!tpu.dma_semaphore, #tpu.memory_space<semaphore_mem>>) {add = true}
        %dma_wait3A_165 = arith.constant 0 : i32
        %dma_wait3A_166 = arith.constant 0 : i32
        %dma_wait3A_167 = tpu.memref_slice %arg20[%dma_wait3A_165, %dma_wait3A_166] : memref<10240x64xf32, #tpu.memory_space<vmem_shared>> -> memref<10240x64xf32, #tpu.memory_space<vmem_shared>>
        tpu.wait_indirect_dma semaphore(%run_scoped3A : memref<!tpu.dma_semaphore, #tpu.memory_space<semaphore_mem>>) src(%arg16 : memref<64x64xf32, #tpu.memory_space<vmem>>) dst(%dma_wait3A_167 : memref<10240x64xf32, #tpu.memory_space<vmem_shared>>)
        tpu.yield
      }) : () -> ()
      %scan3A_161 = arith.constant 0 : i32
      scf.yield %scan3A_161 : i32
    }
    %scan3A_41 = arith.constant 162 : i32
    "tpu.region"() ({
      %run_scoped3A = tpu.sem_alloc : memref<!tpu.dma_semaphore, #tpu.memory_space<semaphore_mem>>
      %dma_start3A = arith.constant 0 : i32
      %dma_start3A_47 = tpu.memref_slice %arg8[%arg0, %arg1, %dma_start3A] : memref<2x16x10240xf32, #tpu.memory_space<hbm>> -> memref<1x1x10240xf32, #tpu.memory_space<hbm>>
      %dma_start3A_48 = tpu.memref_squeeze %dma_start3A_47 : memref<1x1x10240xf32, #tpu.memory_space<hbm>> -> memref<10240xf32, #tpu.memory_space<hbm>>
      %dma_start3A_49 = arith.constant 0 : i32
      %dma_start3A_50 = tpu.memref_slice %arg8[%arg0, %arg1, %dma_start3A_49] : memref<2x16x10240xf32, #tpu.memory_space<hbm>> -> memref<1x1x10240xf32, #tpu.memory_space<hbm>>
      %dma_start3A_51 = tpu.memref_squeeze %dma_start3A_50 : memref<1x1x10240xf32, #tpu.memory_space<hbm>> -> memref<10240xf32, #tpu.memory_space<hbm>>
      tpu.enqueue_dma source(%arg14 : memref<10240xf32, #tpu.memory_space<vmem>>) target(%dma_start3A_51 : memref<10240xf32, #tpu.memory_space<hbm>>) target_semaphore(%run_scoped3A : memref<!tpu.dma_semaphore, #tpu.memory_space<semaphore_mem>>)
      %dma_wait3A = arith.constant 0 : i32
      %dma_wait3A_52 = tpu.memref_slice %arg8[%arg0, %arg1, %dma_wait3A] : memref<2x16x10240xf32, #tpu.memory_space<hbm>> -> memref<1x1x10240xf32, #tpu.memory_space<hbm>>
      %dma_wait3A_53 = tpu.memref_squeeze %dma_wait3A_52 : memref<1x1x10240xf32, #tpu.memory_space<hbm>> -> memref<10240xf32, #tpu.memory_space<hbm>>
      %dma_wait3A_54 = arith.constant 0 : i32
      %dma_wait3A_55 = tpu.memref_slice %arg8[%arg0, %arg1, %dma_wait3A_54] : memref<2x16x10240xf32, #tpu.memory_space<hbm>> -> memref<1x1x10240xf32, #tpu.memory_space<hbm>>
      %dma_wait3A_56 = tpu.memref_squeeze %dma_wait3A_55 : memref<1x1x10240xf32, #tpu.memory_space<hbm>> -> memref<10240xf32, #tpu.memory_space<hbm>>
      tpu.wait_dma2 semaphore(%run_scoped3A : memref<!tpu.dma_semaphore, #tpu.memory_space<semaphore_mem>>) src(%arg14 : memref<10240xf32, #tpu.memory_space<vmem>>) dst(%dma_wait3A_56 : memref<10240xf32, #tpu.memory_space<hbm>>)
      tpu.yield
    }) : () -> ()
    %barrier3A_42 = arith.constant 0 : index
    tpu.barrier barrier_id(%barrier3A_42)
    %mul3A_43 = arith.constant 640 : i32
    %mul3A_44 = arith.muli %arg1, %mul3A_43 : i32
    %mul3A_45 = arith.constant 640 : i32
    %mul3A_46 = arith.muli %arg1, %mul3A_45 : i32
    "tpu.region"() ({
      %run_scoped3A = tpu.sem_alloc : memref<!tpu.dma_semaphore, #tpu.memory_space<semaphore_mem>>
      %dma_start3A = arith.constant 0 : i32
      %dma_start3A_47 = tpu.memref_slice %arg9[%arg0, %mul3A_46, %dma_start3A] : memref<2x10240x64xf32, #tpu.memory_space<hbm>> -> memref<1x640x64xf32, #tpu.memory_space<hbm>>
      %dma_start3A_48 = tpu.memref_squeeze %dma_start3A_47 : memref<1x640x64xf32, #tpu.memory_space<hbm>> -> memref<640x64xf32, #tpu.memory_space<hbm>>
      %dma_start3A_49 = arith.constant 0 : i32
      %dma_start3A_50 = tpu.memref_slice %arg20[%mul3A_44, %dma_start3A_49] : memref<10240x64xf32, #tpu.memory_space<vmem_shared>> -> memref<640x64xf32, #tpu.memory_space<vmem_shared>>
      tpu.enqueue_dma source(%dma_start3A_50 : memref<640x64xf32, #tpu.memory_space<vmem_shared>>) target(%dma_start3A_48 : memref<640x64xf32, #tpu.memory_space<hbm>>) target_semaphore(%run_scoped3A : memref<!tpu.dma_semaphore, #tpu.memory_space<semaphore_mem>>)
      %dma_wait3A = arith.constant 0 : i32
      %dma_wait3A_51 = tpu.memref_slice %arg9[%arg0, %mul3A_46, %dma_wait3A] : memref<2x10240x64xf32, #tpu.memory_space<hbm>> -> memref<1x640x64xf32, #tpu.memory_space<hbm>>
      %dma_wait3A_52 = tpu.memref_squeeze %dma_wait3A_51 : memref<1x640x64xf32, #tpu.memory_space<hbm>> -> memref<640x64xf32, #tpu.memory_space<hbm>>
      %dma_wait3A_53 = arith.constant 0 : i32
      %dma_wait3A_54 = tpu.memref_slice %arg20[%mul3A_44, %dma_wait3A_53] : memref<10240x64xf32, #tpu.memory_space<vmem_shared>> -> memref<640x64xf32, #tpu.memory_space<vmem_shared>>
      tpu.wait_dma2 semaphore(%run_scoped3A : memref<!tpu.dma_semaphore, #tpu.memory_space<semaphore_mem>>) src(%dma_wait3A_54 : memref<640x64xf32, #tpu.memory_space<vmem_shared>>) dst(%dma_wait3A_52 : memref<640x64xf32, #tpu.memory_space<hbm>>)
      tpu.yield
    }) : () -> ()
    return
  }
}

#map = affine_map<(d0, d1) -> (0, 0)>
#map1 = affine_map<(d0, d1) -> (0)>
#map2 = affine_map<(d0, d1) -> (0, 0, 0)>
module attributes {stable_mosaic.version = 14 : i64} {
  func.func @_gat_edges_sc(%arg0: i32, %arg1: i32, %arg2: memref<32x10368xi32, #tpu.memory_space<hbm>>, %arg3: memref<32x10368xi32, #tpu.memory_space<hbm>>, %arg4: memref<10000xf32, #tpu.memory_space<hbm>>, %arg5: memref<10000xf32, #tpu.memory_space<hbm>>, %arg6: memref<10000x128xf32, #tpu.memory_space<hbm>>, %arg7: memref<640x64xf32, #tpu.memory_space<hbm>>, %arg8: memref<2x16x10240xf32, #tpu.memory_space<hbm>>, %arg9: memref<2x10240x64xf32, #tpu.memory_space<hbm>>, %arg10: memref<10368xi32, #tpu.memory_space<vmem>>, %arg11: memref<10368xi32, #tpu.memory_space<vmem>>, %arg12: memref<10000xf32, #tpu.memory_space<vmem>>, %arg13: memref<10000xf32, #tpu.memory_space<vmem>>, %arg14: memref<10240xf32, #tpu.memory_space<vmem>>, %arg15: memref<64x128xf32, #tpu.memory_space<vmem>>, %arg16: memref<64x64xf32, #tpu.memory_space<vmem>>, %arg17: memref<64xf32, #tpu.memory_space<vmem>>, %arg18: memref<64xi32, #tpu.memory_space<vmem>>, %arg19: memref<64xi32, #tpu.memory_space<vmem>>, %arg20: memref<10240x64xf32, #tpu.memory_space<vmem_shared>>, %arg21: memref<!tpu.dma_semaphore, #tpu.memory_space<semaphore_mem>>) attributes {dimension_semantics = [#tpu.dimension_semantics<core_parallel>, #tpu.dimension_semantics<subcore_parallel>], iteration_bounds = array<i64: 2, 16>, scalar_prefetch = 0 : i64, scratch_operands = 12 : i64, tpu.core_type = #tpu.core_type<sc_vector_subcore>, window_params = [{transform_indices = #map}, {transform_indices = #map}, {transform_indices = #map1}, {transform_indices = #map1}, {transform_indices = #map}, {transform_indices = #map}, {transform_indices = #map2}, {transform_indices = #map2}]} {
    %mul3A = arith.constant 2 : i32
    %mul3A_0 = arith.muli %arg1, %mul3A : i32
    %add3A = arith.addi %mul3A_0, %arg0 : i32
    %mul3A_1 = arith.constant 10368 : i32
    %mul3A_2 = arith.muli %add3A, %mul3A_1 : i32
    %iota3A = tpu.iota {dimensions = array<i32: 0>} : vector<16xi32>
    "tpu.region"() ({
      %run_scoped3A = tpu.sem_alloc : memref<!tpu.dma_semaphore, #tpu.memory_space<semaphore_mem>>
      %dma_start3A = arith.constant 0 : i32
      %dma_start3A_47 = tpu.memref_slice %arg2[%add3A, %dma_start3A] : memref<32x10368xi32, #tpu.memory_space<hbm>> -> memref<1x10368xi32, #tpu.memory_space<hbm>>
      %dma_start3A_48 = tpu.memref_squeeze %dma_start3A_47 : memref<1x10368xi32, #tpu.memory_space<hbm>> -> memref<10368xi32, #tpu.memory_space<hbm>>
      %dma_start3A_49 = arith.constant 0 : i32
      %dma_start3A_50 = tpu.memref_slice %arg2[%add3A, %dma_start3A_49] : memref<32x10368xi32, #tpu.memory_space<hbm>> -> memref<1x10368xi32, #tpu.memory_space<hbm>>
      %dma_start3A_51 = tpu.memref_squeeze %dma_start3A_50 : memref<1x10368xi32, #tpu.memory_space<hbm>> -> memref<10368xi32, #tpu.memory_space<hbm>>
      tpu.enqueue_dma source(%dma_start3A_51 : memref<10368xi32, #tpu.memory_space<hbm>>) target(%arg10 : memref<10368xi32, #tpu.memory_space<vmem>>) target_semaphore(%run_scoped3A : memref<!tpu.dma_semaphore, #tpu.memory_space<semaphore_mem>>)
      %dma_wait3A = arith.constant 0 : i32
      %dma_wait3A_52 = tpu.memref_slice %arg2[%add3A, %dma_wait3A] : memref<32x10368xi32, #tpu.memory_space<hbm>> -> memref<1x10368xi32, #tpu.memory_space<hbm>>
      %dma_wait3A_53 = tpu.memref_squeeze %dma_wait3A_52 : memref<1x10368xi32, #tpu.memory_space<hbm>> -> memref<10368xi32, #tpu.memory_space<hbm>>
      %dma_wait3A_54 = arith.constant 0 : i32
      %dma_wait3A_55 = tpu.memref_slice %arg2[%add3A, %dma_wait3A_54] : memref<32x10368xi32, #tpu.memory_space<hbm>> -> memref<1x10368xi32, #tpu.memory_space<hbm>>
      %dma_wait3A_56 = tpu.memref_squeeze %dma_wait3A_55 : memref<1x10368xi32, #tpu.memory_space<hbm>> -> memref<10368xi32, #tpu.memory_space<hbm>>
      tpu.wait_dma2 semaphore(%run_scoped3A : memref<!tpu.dma_semaphore, #tpu.memory_space<semaphore_mem>>) src(%dma_wait3A_56 : memref<10368xi32, #tpu.memory_space<hbm>>) dst(%arg10 : memref<10368xi32, #tpu.memory_space<vmem>>)
      tpu.yield
    }) : () -> ()
    "tpu.region"() ({
      %run_scoped3A = tpu.sem_alloc : memref<!tpu.dma_semaphore, #tpu.memory_space<semaphore_mem>>
      %dma_start3A = arith.constant 0 : i32
      %dma_start3A_47 = tpu.memref_slice %arg3[%add3A, %dma_start3A] : memref<32x10368xi32, #tpu.memory_space<hbm>> -> memref<1x10368xi32, #tpu.memory_space<hbm>>
      %dma_start3A_48 = tpu.memref_squeeze %dma_start3A_47 : memref<1x10368xi32, #tpu.memory_space<hbm>> -> memref<10368xi32, #tpu.memory_space<hbm>>
      %dma_start3A_49 = arith.constant 0 : i32
      %dma_start3A_50 = tpu.memref_slice %arg3[%add3A, %dma_start3A_49] : memref<32x10368xi32, #tpu.memory_space<hbm>> -> memref<1x10368xi32, #tpu.memory_space<hbm>>
      %dma_start3A_51 = tpu.memref_squeeze %dma_start3A_50 : memref<1x10368xi32, #tpu.memory_space<hbm>> -> memref<10368xi32, #tpu.memory_space<hbm>>
      tpu.enqueue_dma source(%dma_start3A_51 : memref<10368xi32, #tpu.memory_space<hbm>>) target(%arg11 : memref<10368xi32, #tpu.memory_space<vmem>>) target_semaphore(%run_scoped3A : memref<!tpu.dma_semaphore, #tpu.memory_space<semaphore_mem>>)
      %dma_wait3A = arith.constant 0 : i32
      %dma_wait3A_52 = tpu.memref_slice %arg3[%add3A, %dma_wait3A] : memref<32x10368xi32, #tpu.memory_space<hbm>> -> memref<1x10368xi32, #tpu.memory_space<hbm>>
      %dma_wait3A_53 = tpu.memref_squeeze %dma_wait3A_52 : memref<1x10368xi32, #tpu.memory_space<hbm>> -> memref<10368xi32, #tpu.memory_space<hbm>>
      %dma_wait3A_54 = arith.constant 0 : i32
      %dma_wait3A_55 = tpu.memref_slice %arg3[%add3A, %dma_wait3A_54] : memref<32x10368xi32, #tpu.memory_space<hbm>> -> memref<1x10368xi32, #tpu.memory_space<hbm>>
      %dma_wait3A_56 = tpu.memref_squeeze %dma_wait3A_55 : memref<1x10368xi32, #tpu.memory_space<hbm>> -> memref<10368xi32, #tpu.memory_space<hbm>>
      tpu.wait_dma2 semaphore(%run_scoped3A : memref<!tpu.dma_semaphore, #tpu.memory_space<semaphore_mem>>) src(%dma_wait3A_56 : memref<10368xi32, #tpu.memory_space<hbm>>) dst(%arg11 : memref<10368xi32, #tpu.memory_space<vmem>>)
      tpu.yield
    }) : () -> ()
    "tpu.region"() ({
      %run_scoped3A = tpu.sem_alloc : memref<!tpu.dma_semaphore, #tpu.memory_space<semaphore_mem>>
      tpu.enqueue_dma source(%arg4 : memref<10000xf32, #tpu.memory_space<hbm>>) target(%arg12 : memref<10000xf32, #tpu.memory_space<vmem>>) target_semaphore(%run_scoped3A : memref<!tpu.dma_semaphore, #tpu.memory_space<semaphore_mem>>)
      tpu.wait_dma2 semaphore(%run_scoped3A : memref<!tpu.dma_semaphore, #tpu.memory_space<semaphore_mem>>) src(%arg4 : memref<10000xf32, #tpu.memory_space<hbm>>) dst(%arg12 : memref<10000xf32, #tpu.memory_space<vmem>>)
      tpu.yield
    }) : () -> ()
    "tpu.region"() ({
      %run_scoped3A = tpu.sem_alloc : memref<!tpu.dma_semaphore, #tpu.memory_space<semaphore_mem>>
      tpu.enqueue_dma source(%arg5 : memref<10000xf32, #tpu.memory_space<hbm>>) target(%arg13 : memref<10000xf32, #tpu.memory_space<vmem>>) target_semaphore(%run_scoped3A : memref<!tpu.dma_semaphore, #tpu.memory_space<semaphore_mem>>)
      tpu.wait_dma2 semaphore(%run_scoped3A : memref<!tpu.dma_semaphore, #tpu.memory_space<semaphore_mem>>) src(%arg5 : memref<10000xf32, #tpu.memory_space<hbm>>) dst(%arg13 : memref<10000xf32, #tpu.memory_space<vmem>>)
      tpu.yield
    }) : () -> ()
    %scan3A = arith.constant 0 : i32
    %scan3A_3 = arith.constant 0 : i32
    %scan3A_4 = arith.constant 640 : i32
    %scan3A_5 = arith.addi %scan3A_3, %scan3A_4 : i32
    %scan3A_6 = arith.constant 1 : i32
    %scan3A_7 = scf.for %scan3A_47 = %scan3A_3 to %scan3A_5 step %scan3A_6 iter_args(%scan3A_48 = %scan3A) -> (i32)  : i32 {
      %mul3A_49 = arith.constant 16 : i32
      %mul3A_50 = arith.muli %scan3A_47, %mul3A_49 : i32
      %add3A_51 = vector.broadcast %mul3A_50 : i32 to vector<16xi32>
      %add3A_52 = arith.addi %iota3A, %add3A_51 : vector<16xi32>
      %broadcast_in_dim3A = arith.constant 0.000000e+00 : f32
      %broadcast_in_dim3A_53 = vector.broadcast %broadcast_in_dim3A : f32 to vector<16xf32>
      tpu.vector_store_idx %arg14[%add3A_52], %broadcast_in_dim3A_53 : memref<10240xf32, #tpu.memory_space<vmem>>[vector<16xi32>], vector<16xf32>,
      %scan3A_54 = arith.constant 0 : i32
      scf.yield %scan3A_54 : i32
    }
    %scan3A_8 = arith.constant 640 : i32
    %mul3A_9 = arith.constant 640 : i32
    %mul3A_10 = arith.muli %arg1, %mul3A_9 : i32
    "tpu.region"() ({
      %run_scoped3A = tpu.sem_alloc : memref<!tpu.dma_semaphore, #tpu.memory_space<semaphore_mem>>
      %dma_start3A = arith.constant 0 : i32
      %dma_start3A_47 = tpu.memref_slice %arg20[%mul3A_10, %dma_start3A] : memref<10240x64xf32, #tpu.memory_space<vmem_shared>> -> memref<640x64xf32, #tpu.memory_space<vmem_shared>>
      tpu.enqueue_dma source(%arg7 : memref<640x64xf32, #tpu.memory_space<hbm>>) target(%dma_start3A_47 : memref<640x64xf32, #tpu.memory_space<vmem_shared>>) target_semaphore(%run_scoped3A : memref<!tpu.dma_semaphore, #tpu.memory_space<semaphore_mem>>)
      %dma_wait3A = arith.constant 0 : i32
      %dma_wait3A_48 = tpu.memref_slice %arg20[%mul3A_10, %dma_wait3A] : memref<10240x64xf32, #tpu.memory_space<vmem_shared>> -> memref<640x64xf32, #tpu.memory_space<vmem_shared>>
      tpu.wait_dma2 semaphore(%run_scoped3A : memref<!tpu.dma_semaphore, #tpu.memory_space<semaphore_mem>>) src(%arg7 : memref<640x64xf32, #tpu.memory_space<hbm>>) dst(%dma_wait3A_48 : memref<640x64xf32, #tpu.memory_space<vmem_shared>>)
      tpu.yield
    }) : () -> ()
    %barrier3A = arith.constant 0 : index
    tpu.barrier barrier_id(%barrier3A)
    %add3A_11 = arith.constant 0 : i32
    %add3A_12 = vector.broadcast %add3A_11 : i32 to vector<16xi32>
    %add3A_13 = arith.addi %iota3A, %add3A_12 : vector<16xi32>
    %add3A_14 = arith.constant 16 : i32
    %add3A_15 = vector.broadcast %add3A_14 : i32 to vector<16xi32>
    %add3A_16 = arith.addi %iota3A, %add3A_15 : vector<16xi32>
    %add3A_17 = arith.constant 32 : i32
    %add3A_18 = vector.broadcast %add3A_17 : i32 to vector<16xi32>
    %add3A_19 = arith.addi %iota3A, %add3A_18 : vector<16xi32>
    %add3A_20 = arith.constant 48 : i32
    %add3A_21 = vector.broadcast %add3A_20 : i32 to vector<16xi32>
    %add3A_22 = arith.addi %iota3A, %add3A_21 : vector<16xi32>
    %add3A_23 = arith.constant 0 : i32
    %add3A_24 = vector.broadcast %add3A_23 : i32 to vector<16xi32>
    %add3A_25 = arith.addi %iota3A, %add3A_24 : vector<16xi32>
    %add3A_26 = arith.constant 16 : i32
    %add3A_27 = vector.broadcast %add3A_26 : i32 to vector<16xi32>
    %add3A_28 = arith.addi %iota3A, %add3A_27 : vector<16xi32>
    %add3A_29 = arith.constant 32 : i32
    %add3A_30 = vector.broadcast %add3A_29 : i32 to vector<16xi32>
    %add3A_31 = arith.addi %iota3A, %add3A_30 : vector<16xi32>
    %add3A_32 = arith.constant 48 : i32
    %add3A_33 = vector.broadcast %add3A_32 : i32 to vector<16xi32>
    %add3A_34 = arith.addi %iota3A, %add3A_33 : vector<16xi32>
    %scan3A_35 = arith.constant 0 : i32
    %scan3A_36 = arith.constant 0 : i32
    %scan3A_37 = arith.constant 162 : i32
    %scan3A_38 = arith.addi %scan3A_36, %scan3A_37 : i32
    %scan3A_39 = arith.constant 1 : i32
    %scan3A_40 = scf.for %scan3A_47 = %scan3A_36 to %scan3A_38 step %scan3A_39 iter_args(%scan3A_48 = %scan3A_35) -> (i32)  : i32 {
      %mul3A_49 = arith.constant 64 : i32
      %mul3A_50 = arith.muli %scan3A_47, %mul3A_49 : i32
      %add3A_51 = arith.constant 0 : i32
      %add3A_52 = arith.addi %mul3A_50, %add3A_51 : i32
      %add3A_53 = vector.broadcast %add3A_52 : i32 to vector<16xi32>
      %add3A_54 = arith.addi %add3A_53, %iota3A : vector<16xi32>
      %gather3A = tpu.vector_load_idx %arg10[%add3A_54] : memref<10368xi32, #tpu.memory_space<vmem>>[vector<16xi32>], vector<16xi32>,
      %gather3A_55 = tpu.vector_load_idx %arg11[%add3A_54] : memref<10368xi32, #tpu.memory_space<vmem>>[vector<16xi32>], vector<16xi32>,
      tpu.vector_store_idx %arg18[%add3A_13], %gather3A : memref<64xi32, #tpu.memory_space<vmem>>[vector<16xi32>], vector<16xi32>,
      tpu.vector_store_idx %arg19[%add3A_13], %gather3A_55 : memref<64xi32, #tpu.memory_space<vmem>>[vector<16xi32>], vector<16xi32>,
      %gather3A_56 = tpu.vector_load_idx %arg12[%gather3A] : memref<10000xf32, #tpu.memory_space<vmem>>[vector<16xi32>], vector<16xf32>,
      %gather3A_57 = tpu.vector_load_idx %arg13[%gather3A_55] : memref<10000xf32, #tpu.memory_space<vmem>>[vector<16xi32>], vector<16xf32>,
      %add3A_58 = arith.addf %gather3A_56, %gather3A_57 : vector<16xf32>
      %gt3A = arith.constant 0.000000e+00 : f32
      %gt3A_59 = vector.broadcast %gt3A : f32 to vector<16xf32>
      %gt3A_60 = arith.cmpf ogt, %add3A_58, %gt3A_59 : vector<16xf32>
      %mul3A_61 = arith.constant 2.000000e-01 : f32
      %mul3A_62 = vector.broadcast %mul3A_61 : f32 to vector<16xf32>
      %mul3A_63 = arith.mulf %mul3A_62, %add3A_58 : vector<16xf32>
      %select_n3A = arith.select %gt3A_60, %add3A_58, %mul3A_63 : vector<16xi1>, vector<16xf32>
      %exp3A = math.exp %select_n3A : vector<16xf32>
      %add3A_64 = vector.broadcast %mul3A_2 : i32 to vector<16xi32>
      %add3A_65 = arith.addi %add3A_64, %add3A_54 : vector<16xi32>
      %lt3A = arith.constant 330000 : i32
      %lt3A_66 = vector.broadcast %lt3A : i32 to vector<16xi32>
      %lt3A_67 = arith.cmpi slt, %add3A_65, %lt3A_66 : vector<16xi32>
      %jit3A = arith.constant 0.000000e+00 : f32
      %broadcast_in_dim3A = vector.broadcast %jit3A : f32 to vector<16xf32>
      %select_n3A_68 = arith.select %lt3A_67, %exp3A, %broadcast_in_dim3A : vector<16xi1>, vector<16xf32>
      tpu.vector_store_idx %arg14[%gather3A_55], %select_n3A_68 {add = true} : memref<10240xf32, #tpu.memory_space<vmem>>[vector<16xi32>], vector<16xf32>,
      tpu.vector_store_idx %arg17[%add3A_13], %select_n3A_68 : memref<64xf32, #tpu.memory_space<vmem>>[vector<16xi32>], vector<16xf32>,
      %mul3A_69 = arith.constant 64 : i32
      %mul3A_70 = arith.muli %scan3A_47, %mul3A_69 : i32
      %add3A_71 = arith.constant 16 : i32
      %add3A_72 = arith.addi %mul3A_70, %add3A_71 : i32
      %add3A_73 = vector.broadcast %add3A_72 : i32 to vector<16xi32>
      %add3A_74 = arith.addi %add3A_73, %iota3A : vector<16xi32>
      %gather3A_75 = tpu.vector_load_idx %arg10[%add3A_74] : memref<10368xi32, #tpu.memory_space<vmem>>[vector<16xi32>], vector<16xi32>,
      %gather3A_76 = tpu.vector_load_idx %arg11[%add3A_74] : memref<10368xi32, #tpu.memory_space<vmem>>[vector<16xi32>], vector<16xi32>,
      tpu.vector_store_idx %arg18[%add3A_16], %gather3A_75 : memref<64xi32, #tpu.memory_space<vmem>>[vector<16xi32>], vector<16xi32>,
      tpu.vector_store_idx %arg19[%add3A_16], %gather3A_76 : memref<64xi32, #tpu.memory_space<vmem>>[vector<16xi32>], vector<16xi32>,
      %gather3A_77 = tpu.vector_load_idx %arg12[%gather3A_75] : memref<10000xf32, #tpu.memory_space<vmem>>[vector<16xi32>], vector<16xf32>,
      %gather3A_78 = tpu.vector_load_idx %arg13[%gather3A_76] : memref<10000xf32, #tpu.memory_space<vmem>>[vector<16xi32>], vector<16xf32>,
      %add3A_79 = arith.addf %gather3A_77, %gather3A_78 : vector<16xf32>
      %gt3A_80 = arith.constant 0.000000e+00 : f32
      %gt3A_81 = vector.broadcast %gt3A_80 : f32 to vector<16xf32>
      %gt3A_82 = arith.cmpf ogt, %add3A_79, %gt3A_81 : vector<16xf32>
      %mul3A_83 = arith.constant 2.000000e-01 : f32
      %mul3A_84 = vector.broadcast %mul3A_83 : f32 to vector<16xf32>
      %mul3A_85 = arith.mulf %mul3A_84, %add3A_79 : vector<16xf32>
      %select_n3A_86 = arith.select %gt3A_82, %add3A_79, %mul3A_85 : vector<16xi1>, vector<16xf32>
      %exp3A_87 = math.exp %select_n3A_86 : vector<16xf32>
      %add3A_88 = vector.broadcast %mul3A_2 : i32 to vector<16xi32>
      %add3A_89 = arith.addi %add3A_88, %add3A_74 : vector<16xi32>
      %lt3A_90 = arith.constant 330000 : i32
      %lt3A_91 = vector.broadcast %lt3A_90 : i32 to vector<16xi32>
      %lt3A_92 = arith.cmpi slt, %add3A_89, %lt3A_91 : vector<16xi32>
      %jit3A_93 = arith.constant 0.000000e+00 : f32
      %broadcast_in_dim3A_94 = vector.broadcast %jit3A_93 : f32 to vector<16xf32>
      %select_n3A_95 = arith.select %lt3A_92, %exp3A_87, %broadcast_in_dim3A_94 : vector<16xi1>, vector<16xf32>
      tpu.vector_store_idx %arg14[%gather3A_76], %select_n3A_95 {add = true} : memref<10240xf32, #tpu.memory_space<vmem>>[vector<16xi32>], vector<16xf32>,
      tpu.vector_store_idx %arg17[%add3A_16], %select_n3A_95 : memref<64xf32, #tpu.memory_space<vmem>>[vector<16xi32>], vector<16xf32>,
      %mul3A_96 = arith.constant 64 : i32
      %mul3A_97 = arith.muli %scan3A_47, %mul3A_96 : i32
      %add3A_98 = arith.constant 32 : i32
      %add3A_99 = arith.addi %mul3A_97, %add3A_98 : i32
      %add3A_100 = vector.broadcast %add3A_99 : i32 to vector<16xi32>
      %add3A_101 = arith.addi %add3A_100, %iota3A : vector<16xi32>
      %gather3A_102 = tpu.vector_load_idx %arg10[%add3A_101] : memref<10368xi32, #tpu.memory_space<vmem>>[vector<16xi32>], vector<16xi32>,
      %gather3A_103 = tpu.vector_load_idx %arg11[%add3A_101] : memref<10368xi32, #tpu.memory_space<vmem>>[vector<16xi32>], vector<16xi32>,
      tpu.vector_store_idx %arg18[%add3A_19], %gather3A_102 : memref<64xi32, #tpu.memory_space<vmem>>[vector<16xi32>], vector<16xi32>,
      tpu.vector_store_idx %arg19[%add3A_19], %gather3A_103 : memref<64xi32, #tpu.memory_space<vmem>>[vector<16xi32>], vector<16xi32>,
      %gather3A_104 = tpu.vector_load_idx %arg12[%gather3A_102] : memref<10000xf32, #tpu.memory_space<vmem>>[vector<16xi32>], vector<16xf32>,
      %gather3A_105 = tpu.vector_load_idx %arg13[%gather3A_103] : memref<10000xf32, #tpu.memory_space<vmem>>[vector<16xi32>], vector<16xf32>,
      %add3A_106 = arith.addf %gather3A_104, %gather3A_105 : vector<16xf32>
      %gt3A_107 = arith.constant 0.000000e+00 : f32
      %gt3A_108 = vector.broadcast %gt3A_107 : f32 to vector<16xf32>
      %gt3A_109 = arith.cmpf ogt, %add3A_106, %gt3A_108 : vector<16xf32>
      %mul3A_110 = arith.constant 2.000000e-01 : f32
      %mul3A_111 = vector.broadcast %mul3A_110 : f32 to vector<16xf32>
      %mul3A_112 = arith.mulf %mul3A_111, %add3A_106 : vector<16xf32>
      %select_n3A_113 = arith.select %gt3A_109, %add3A_106, %mul3A_112 : vector<16xi1>, vector<16xf32>
      %exp3A_114 = math.exp %select_n3A_113 : vector<16xf32>
      %add3A_115 = vector.broadcast %mul3A_2 : i32 to vector<16xi32>
      %add3A_116 = arith.addi %add3A_115, %add3A_101 : vector<16xi32>
      %lt3A_117 = arith.constant 330000 : i32
      %lt3A_118 = vector.broadcast %lt3A_117 : i32 to vector<16xi32>
      %lt3A_119 = arith.cmpi slt, %add3A_116, %lt3A_118 : vector<16xi32>
      %jit3A_120 = arith.constant 0.000000e+00 : f32
      %broadcast_in_dim3A_121 = vector.broadcast %jit3A_120 : f32 to vector<16xf32>
      %select_n3A_122 = arith.select %lt3A_119, %exp3A_114, %broadcast_in_dim3A_121 : vector<16xi1>, vector<16xf32>
      tpu.vector_store_idx %arg14[%gather3A_103], %select_n3A_122 {add = true} : memref<10240xf32, #tpu.memory_space<vmem>>[vector<16xi32>], vector<16xf32>,
      tpu.vector_store_idx %arg17[%add3A_19], %select_n3A_122 : memref<64xf32, #tpu.memory_space<vmem>>[vector<16xi32>], vector<16xf32>,
      %mul3A_123 = arith.constant 64 : i32
      %mul3A_124 = arith.muli %scan3A_47, %mul3A_123 : i32
      %add3A_125 = arith.constant 48 : i32
      %add3A_126 = arith.addi %mul3A_124, %add3A_125 : i32
      %add3A_127 = vector.broadcast %add3A_126 : i32 to vector<16xi32>
      %add3A_128 = arith.addi %add3A_127, %iota3A : vector<16xi32>
      %gather3A_129 = tpu.vector_load_idx %arg10[%add3A_128] : memref<10368xi32, #tpu.memory_space<vmem>>[vector<16xi32>], vector<16xi32>,
      %gather3A_130 = tpu.vector_load_idx %arg11[%add3A_128] : memref<10368xi32, #tpu.memory_space<vmem>>[vector<16xi32>], vector<16xi32>,
      tpu.vector_store_idx %arg18[%add3A_22], %gather3A_129 : memref<64xi32, #tpu.memory_space<vmem>>[vector<16xi32>], vector<16xi32>,
      tpu.vector_store_idx %arg19[%add3A_22], %gather3A_130 : memref<64xi32, #tpu.memory_space<vmem>>[vector<16xi32>], vector<16xi32>,
      %gather3A_131 = tpu.vector_load_idx %arg12[%gather3A_129] : memref<10000xf32, #tpu.memory_space<vmem>>[vector<16xi32>], vector<16xf32>,
      %gather3A_132 = tpu.vector_load_idx %arg13[%gather3A_130] : memref<10000xf32, #tpu.memory_space<vmem>>[vector<16xi32>], vector<16xf32>,
      %add3A_133 = arith.addf %gather3A_131, %gather3A_132 : vector<16xf32>
      %gt3A_134 = arith.constant 0.000000e+00 : f32
      %gt3A_135 = vector.broadcast %gt3A_134 : f32 to vector<16xf32>
      %gt3A_136 = arith.cmpf ogt, %add3A_133, %gt3A_135 : vector<16xf32>
      %mul3A_137 = arith.constant 2.000000e-01 : f32
      %mul3A_138 = vector.broadcast %mul3A_137 : f32 to vector<16xf32>
      %mul3A_139 = arith.mulf %mul3A_138, %add3A_133 : vector<16xf32>
      %select_n3A_140 = arith.select %gt3A_136, %add3A_133, %mul3A_139 : vector<16xi1>, vector<16xf32>
      %exp3A_141 = math.exp %select_n3A_140 : vector<16xf32>
      %add3A_142 = vector.broadcast %mul3A_2 : i32 to vector<16xi32>
      %add3A_143 = arith.addi %add3A_142, %add3A_128 : vector<16xi32>
      %lt3A_144 = arith.constant 330000 : i32
      %lt3A_145 = vector.broadcast %lt3A_144 : i32 to vector<16xi32>
      %lt3A_146 = arith.cmpi slt, %add3A_143, %lt3A_145 : vector<16xi32>
      %jit3A_147 = arith.constant 0.000000e+00 : f32
      %broadcast_in_dim3A_148 = vector.broadcast %jit3A_147 : f32 to vector<16xf32>
      %select_n3A_149 = arith.select %lt3A_146, %exp3A_141, %broadcast_in_dim3A_148 : vector<16xi1>, vector<16xf32>
      tpu.vector_store_idx %arg14[%gather3A_130], %select_n3A_149 {add = true} : memref<10240xf32, #tpu.memory_space<vmem>>[vector<16xi32>], vector<16xf32>,
      tpu.vector_store_idx %arg17[%add3A_22], %select_n3A_149 : memref<64xf32, #tpu.memory_space<vmem>>[vector<16xi32>], vector<16xf32>,
      %dma_start3A = arith.constant 0 : i32
      %dma_start3A_150 = arith.constant 0 : i32
      %dma_start3A_151 = tpu.memref_slice %arg6[%dma_start3A, %dma_start3A_150] : memref<10000x128xf32, #tpu.memory_space<hbm>> -> memref<10000x128xf32, #tpu.memory_space<hbm>>
      tpu.enqueue_indirect_dma source(%dma_start3A_151 : memref<10000x128xf32, #tpu.memory_space<hbm>>) target(%arg15 : memref<64x128xf32, #tpu.memory_space<vmem>>) offsets(%arg18 : memref<64xi32, #tpu.memory_space<vmem>>) semaphore(%arg21 : memref<!tpu.dma_semaphore, #tpu.memory_space<semaphore_mem>>)
      %dma_wait3A = arith.constant 0 : i32
      %dma_wait3A_152 = arith.constant 0 : i32
      %dma_wait3A_153 = tpu.memref_slice %arg6[%dma_wait3A, %dma_wait3A_152] : memref<10000x128xf32, #tpu.memory_space<hbm>> -> memref<10000x128xf32, #tpu.memory_space<hbm>>
      tpu.wait_indirect_dma semaphore(%arg21 : memref<!tpu.dma_semaphore, #tpu.memory_space<semaphore_mem>>) src(%dma_wait3A_153 : memref<10000x128xf32, #tpu.memory_space<hbm>>) dst(%arg15 : memref<64x128xf32, #tpu.memory_space<vmem>>)
      %scan3A_154 = arith.constant 0 : i32
      %scan3A_155 = arith.constant 0 : i32
      %scan3A_156 = arith.constant 64 : i32
      %scan3A_157 = arith.addi %scan3A_155, %scan3A_156 : i32
      %scan3A_158 = arith.constant 1 : i32
      %scan3A_159 = scf.for %scan3A_162 = %scan3A_155 to %scan3A_157 step %scan3A_158 iter_args(%scan3A_163 = %scan3A_154) -> (i32)  : i32 {
        %broadcast_in_dim3A_164 = vector.broadcast %scan3A_162 : i32 to vector<16xi32>
        %gather3A_165 = tpu.vector_load_idx %arg17[%broadcast_in_dim3A_164] : memref<64xf32, #tpu.memory_space<vmem>>[vector<16xi32>], vector<16xf32>,
        %gather3A_166 = tpu.vector_load_idx %arg15[%broadcast_in_dim3A_164, %add3A_25] : memref<64x128xf32, #tpu.memory_space<vmem>>[vector<16xi32>, vector<16xi32>], vector<16xf32>,
        %mul3A_167 = arith.mulf %gather3A_166, %gather3A_165 : vector<16xf32>
        tpu.vector_store_idx %arg16[%broadcast_in_dim3A_164, %add3A_25], %mul3A_167 : memref<64x64xf32, #tpu.memory_space<vmem>>[vector<16xi32>, vector<16xi32>], vector<16xf32>,
        %gather3A_168 = tpu.vector_load_idx %arg15[%broadcast_in_dim3A_164, %add3A_28] : memref<64x128xf32, #tpu.memory_space<vmem>>[vector<16xi32>, vector<16xi32>], vector<16xf32>,
        %mul3A_169 = arith.mulf %gather3A_168, %gather3A_165 : vector<16xf32>
        tpu.vector_store_idx %arg16[%broadcast_in_dim3A_164, %add3A_28], %mul3A_169 : memref<64x64xf32, #tpu.memory_space<vmem>>[vector<16xi32>, vector<16xi32>], vector<16xf32>,
        %gather3A_170 = tpu.vector_load_idx %arg15[%broadcast_in_dim3A_164, %add3A_31] : memref<64x128xf32, #tpu.memory_space<vmem>>[vector<16xi32>, vector<16xi32>], vector<16xf32>,
        %mul3A_171 = arith.mulf %gather3A_170, %gather3A_165 : vector<16xf32>
        tpu.vector_store_idx %arg16[%broadcast_in_dim3A_164, %add3A_31], %mul3A_171 : memref<64x64xf32, #tpu.memory_space<vmem>>[vector<16xi32>, vector<16xi32>], vector<16xf32>,
        %gather3A_172 = tpu.vector_load_idx %arg15[%broadcast_in_dim3A_164, %add3A_34] : memref<64x128xf32, #tpu.memory_space<vmem>>[vector<16xi32>, vector<16xi32>], vector<16xf32>,
        %mul3A_173 = arith.mulf %gather3A_172, %gather3A_165 : vector<16xf32>
        tpu.vector_store_idx %arg16[%broadcast_in_dim3A_164, %add3A_34], %mul3A_173 : memref<64x64xf32, #tpu.memory_space<vmem>>[vector<16xi32>, vector<16xi32>], vector<16xf32>,
        %scan3A_174 = arith.constant 0 : i32
        scf.yield %scan3A_174 : i32
      }
      %scan3A_160 = arith.constant 64 : i32
      "tpu.region"() ({
        %run_scoped3A = tpu.sem_alloc : memref<!tpu.dma_semaphore, #tpu.memory_space<semaphore_mem>>
        %dma_start3A_162 = arith.constant 0 : i32
        %dma_start3A_163 = arith.constant 0 : i32
        %dma_start3A_164 = tpu.memref_slice %arg20[%dma_start3A_162, %dma_start3A_163] : memref<10240x64xf32, #tpu.memory_space<vmem_shared>> -> memref<10240x64xf32, #tpu.memory_space<vmem_shared>>
        tpu.enqueue_indirect_dma source(%arg16 : memref<64x64xf32, #tpu.memory_space<vmem>>) target(%dma_start3A_164 : memref<10240x64xf32, #tpu.memory_space<vmem_shared>>) offsets(%arg19 : memref<64xi32, #tpu.memory_space<vmem>>) semaphore(%run_scoped3A : memref<!tpu.dma_semaphore, #tpu.memory_space<semaphore_mem>>) {add = true}
        %dma_wait3A_165 = arith.constant 0 : i32
        %dma_wait3A_166 = arith.constant 0 : i32
        %dma_wait3A_167 = tpu.memref_slice %arg20[%dma_wait3A_165, %dma_wait3A_166] : memref<10240x64xf32, #tpu.memory_space<vmem_shared>> -> memref<10240x64xf32, #tpu.memory_space<vmem_shared>>
        tpu.wait_indirect_dma semaphore(%run_scoped3A : memref<!tpu.dma_semaphore, #tpu.memory_space<semaphore_mem>>) src(%arg16 : memref<64x64xf32, #tpu.memory_space<vmem>>) dst(%dma_wait3A_167 : memref<10240x64xf32, #tpu.memory_space<vmem_shared>>)
        tpu.yield
      }) : () -> ()
      %scan3A_161 = arith.constant 0 : i32
      scf.yield %scan3A_161 : i32
    }
    %scan3A_41 = arith.constant 162 : i32
    "tpu.region"() ({
      %run_scoped3A = tpu.sem_alloc : memref<!tpu.dma_semaphore, #tpu.memory_space<semaphore_mem>>
      %dma_start3A = arith.constant 0 : i32
      %dma_start3A_47 = tpu.memref_slice %arg8[%arg0, %arg1, %dma_start3A] : memref<2x16x10240xf32, #tpu.memory_space<hbm>> -> memref<1x1x10240xf32, #tpu.memory_space<hbm>>
      %dma_start3A_48 = tpu.memref_squeeze %dma_start3A_47 : memref<1x1x10240xf32, #tpu.memory_space<hbm>> -> memref<10240xf32, #tpu.memory_space<hbm>>
      %dma_start3A_49 = arith.constant 0 : i32
      %dma_start3A_50 = tpu.memref_slice %arg8[%arg0, %arg1, %dma_start3A_49] : memref<2x16x10240xf32, #tpu.memory_space<hbm>> -> memref<1x1x10240xf32, #tpu.memory_space<hbm>>
      %dma_start3A_51 = tpu.memref_squeeze %dma_start3A_50 : memref<1x1x10240xf32, #tpu.memory_space<hbm>> -> memref<10240xf32, #tpu.memory_space<hbm>>
      tpu.enqueue_dma source(%arg14 : memref<10240xf32, #tpu.memory_space<vmem>>) target(%dma_start3A_51 : memref<10240xf32, #tpu.memory_space<hbm>>) target_semaphore(%run_scoped3A : memref<!tpu.dma_semaphore, #tpu.memory_space<semaphore_mem>>)
      %dma_wait3A = arith.constant 0 : i32
      %dma_wait3A_52 = tpu.memref_slice %arg8[%arg0, %arg1, %dma_wait3A] : memref<2x16x10240xf32, #tpu.memory_space<hbm>> -> memref<1x1x10240xf32, #tpu.memory_space<hbm>>
      %dma_wait3A_53 = tpu.memref_squeeze %dma_wait3A_52 : memref<1x1x10240xf32, #tpu.memory_space<hbm>> -> memref<10240xf32, #tpu.memory_space<hbm>>
      %dma_wait3A_54 = arith.constant 0 : i32
      %dma_wait3A_55 = tpu.memref_slice %arg8[%arg0, %arg1, %dma_wait3A_54] : memref<2x16x10240xf32, #tpu.memory_space<hbm>> -> memref<1x1x10240xf32, #tpu.memory_space<hbm>>
      %dma_wait3A_56 = tpu.memref_squeeze %dma_wait3A_55 : memref<1x1x10240xf32, #tpu.memory_space<hbm>> -> memref<10240xf32, #tpu.memory_space<hbm>>
      tpu.wait_dma2 semaphore(%run_scoped3A : memref<!tpu.dma_semaphore, #tpu.memory_space<semaphore_mem>>) src(%arg14 : memref<10240xf32, #tpu.memory_space<vmem>>) dst(%dma_wait3A_56 : memref<10240xf32, #tpu.memory_space<hbm>>)
      tpu.yield
    }) : () -> ()
    %barrier3A_42 = arith.constant 0 : index
    tpu.barrier barrier_id(%barrier3A_42)
    %mul3A_43 = arith.constant 640 : i32
    %mul3A_44 = arith.muli %arg1, %mul3A_43 : i32
    %mul3A_45 = arith.constant 640 : i32
    %mul3A_46 = arith.muli %arg1, %mul3A_45 : i32
    "tpu.region"() ({
      %run_scoped3A = tpu.sem_alloc : memref<!tpu.dma_semaphore, #tpu.memory_space<semaphore_mem>>
      %dma_start3A = arith.constant 0 : i32
      %dma_start3A_47 = tpu.memref_slice %arg9[%arg0, %mul3A_46, %dma_start3A] : memref<2x10240x64xf32, #tpu.memory_space<hbm>> -> memref<1x640x64xf32, #tpu.memory_space<hbm>>
      %dma_start3A_48 = tpu.memref_squeeze %dma_start3A_47 : memref<1x640x64xf32, #tpu.memory_space<hbm>> -> memref<640x64xf32, #tpu.memory_space<hbm>>
      %dma_start3A_49 = arith.constant 0 : i32
      %dma_start3A_50 = tpu.memref_slice %arg20[%mul3A_44, %dma_start3A_49] : memref<10240x64xf32, #tpu.memory_space<vmem_shared>> -> memref<640x64xf32, #tpu.memory_space<vmem_shared>>
      tpu.enqueue_dma source(%dma_start3A_50 : memref<640x64xf32, #tpu.memory_space<vmem_shared>>) target(%dma_start3A_48 : memref<640x64xf32, #tpu.memory_space<hbm>>) target_semaphore(%run_scoped3A : memref<!tpu.dma_semaphore, #tpu.memory_space<semaphore_mem>>)
      %dma_wait3A = arith.constant 0 : i32
      %dma_wait3A_51 = tpu.memref_slice %arg9[%arg0, %mul3A_46, %dma_wait3A] : memref<2x10240x64xf32, #tpu.memory_space<hbm>> -> memref<1x640x64xf32, #tpu.memory_space<hbm>>
      %dma_wait3A_52 = tpu.memref_squeeze %dma_wait3A_51 : memref<1x640x64xf32, #tpu.memory_space<hbm>> -> memref<640x64xf32, #tpu.memory_space<hbm>>
      %dma_wait3A_53 = arith.constant 0 : i32
      %dma_wait3A_54 = tpu.memref_slice %arg20[%mul3A_44, %dma_wait3A_53] : memref<10240x64xf32, #tpu.memory_space<vmem_shared>> -> memref<640x64xf32, #tpu.memory_space<vmem_shared>>
      tpu.wait_dma2 semaphore(%run_scoped3A : memref<!tpu.dma_semaphore, #tpu.memory_space<semaphore_mem>>) src(%dma_wait3A_54 : memref<640x64xf32, #tpu.memory_space<vmem_shared>>) dst(%dma_wait3A_52 : memref<640x64xf32, #tpu.memory_space<hbm>>)
      tpu.yield
    }) : () -> ()
    return
  }
}

module attributes {stable_mosaic.version = 14 : i64} {
  func.func @_mm_kernel(%arg0: memref<10000x128xf32, #tpu.memory_space<vmem>>, %arg1: memref<128x32xf32, #tpu.memory_space<vmem>>, %arg2: memref<1x32xf32, #tpu.memory_space<vmem>>, %arg3: memref<10000x32xf32, #tpu.memory_space<vmem>>) attributes {dimension_semantics = [], scalar_prefetch = 0 : i64, scratch_operands = 0 : i64, tpu.core_type = #tpu.core_type<tc>} {
    %get3A = arith.constant 0 : index
    %get3A_0 = arith.constant 0 : index
    %get3A_1 = vector.load %arg0[%get3A, %get3A_0] : memref<10000x128xf32, #tpu.memory_space<vmem>>, vector<10000x128xf32>
    %get3A_2 = arith.constant 0 : index
    %get3A_3 = arith.constant 0 : index
    %get3A_4 = vector.load %arg1[%get3A_2, %get3A_3] : memref<128x32xf32, #tpu.memory_space<vmem>>, vector<128x32xf32>
    %dot_general3A = arith.constant dense<0.000000e+00> : vector<10000x32xf32>
    %dot_general3A_5 = tpu.matmul %get3A_1, %get3A_4, %dot_general3A {dimension_numbers = #tpu.dot_dimension_numbers<[1], [0], [0], [1], [0, 0, 1, 1], [], []>, transpose_lhs_hint = false} : vector<10000x128xf32>, vector<128x32xf32>, vector<10000x32xf32> -> vector<10000x32xf32>
    %get3A_6 = arith.constant 0 : index
    %get3A_7 = arith.constant 0 : index
    %get3A_8 = vector.load %arg2[%get3A_6, %get3A_7] : memref<1x32xf32, #tpu.memory_space<vmem>>, vector<1x32xf32>
    %add3A = vector.broadcast %get3A_8 : vector<1x32xf32> to vector<10000x32xf32>
    %add3A_9 = arith.addf %dot_general3A_5, %add3A : vector<10000x32xf32>
    %swap3A = arith.constant 0 : index
    %swap3A_10 = arith.constant 0 : index
    %swap3A_11 = vector.load %arg3[%swap3A, %swap3A_10] : memref<10000x32xf32, #tpu.memory_space<vmem>>, vector<10000x32xf32>
    tpu.vector_store %arg3[%swap3A, %swap3A_10], %add3A_9 {strides = array<i32>} : memref<10000x32xf32, #tpu.memory_space<vmem>>, vector<10000x32xf32>,
    return
  }
}

module attributes {stable_mosaic.version = 14 : i64} {
  func.func @_layer_pre_kernel(%arg0: memref<10000x32xf32, #tpu.memory_space<vmem>>, %arg1: memref<32x64xf32, #tpu.memory_space<vmem>>, %arg2: memref<1x64xf32, #tpu.memory_space<vmem>>, %arg3: memref<1x64xf32, #tpu.memory_space<vmem>>, %arg4: memref<10000x128xf32, #tpu.memory_space<vmem>>, %arg5: memref<10000x1xf32, #tpu.memory_space<vmem>>, %arg6: memref<10000x1xf32, #tpu.memory_space<vmem>>) attributes {dimension_semantics = [], scalar_prefetch = 0 : i64, scratch_operands = 0 : i64, tpu.core_type = #tpu.core_type<tc>} {
    %get3A = arith.constant 0 : index
    %get3A_0 = arith.constant 0 : index
    %get3A_1 = vector.load %arg0[%get3A, %get3A_0] : memref<10000x32xf32, #tpu.memory_space<vmem>>, vector<10000x32xf32>
    %get3A_2 = arith.constant 0 : index
    %get3A_3 = arith.constant 0 : index
    %get3A_4 = vector.load %arg1[%get3A_2, %get3A_3] : memref<32x64xf32, #tpu.memory_space<vmem>>, vector<32x64xf32>
    %dot_general3A = arith.constant dense<0.000000e+00> : vector<10000x64xf32>
    %dot_general3A_5 = tpu.matmul %get3A_1, %get3A_4, %dot_general3A {dimension_numbers = #tpu.dot_dimension_numbers<[1], [0], [0], [1], [0, 0, 1, 1], [], []>, transpose_lhs_hint = false} : vector<10000x32xf32>, vector<32x64xf32>, vector<10000x64xf32> -> vector<10000x64xf32>
    %broadcast_in_dim3A = arith.constant 0.000000e+00 : f32
    %broadcast_in_dim3A_6 = vector.broadcast %broadcast_in_dim3A : f32 to vector<10000x64xf32>
    %concatenate3A = tpu.concatenate %dot_general3A_5, %broadcast_in_dim3A_6 in 1 : vector<10000x64xf32>, vector<10000x64xf32> -> vector<10000x128xf32>
    %swap3A = arith.constant 0 : index
    %swap3A_7 = arith.constant 0 : index
    %swap3A_8 = vector.load %arg4[%swap3A, %swap3A_7] : memref<10000x128xf32, #tpu.memory_space<vmem>>, vector<10000x128xf32>
    tpu.vector_store %arg4[%swap3A, %swap3A_7], %concatenate3A {strides = array<i32>} : memref<10000x128xf32, #tpu.memory_space<vmem>>, vector<10000x128xf32>,
    %get3A_9 = arith.constant 0 : index
    %get3A_10 = arith.constant 0 : index
    %get3A_11 = vector.load %arg2[%get3A_9, %get3A_10] : memref<1x64xf32, #tpu.memory_space<vmem>>, vector<1x64xf32>
    %mul3A = vector.broadcast %get3A_11 : vector<1x64xf32> to vector<10000x64xf32>
    %mul3A_12 = arith.mulf %dot_general3A_5, %mul3A : vector<10000x64xf32>
    %reduce_sum3A = arith.constant dense<0.000000e+00> : vector<10000xf32>
    %reduce_sum3A_13 = vector.multi_reduction <add>, %mul3A_12, %reduce_sum3A [1] : vector<10000x64xf32> to vector<10000xf32>
    %broadcast_in_dim3A_14 = vector.shape_cast %reduce_sum3A_13 : vector<10000xf32> to vector<10000x1xf32>
    %swap3A_15 = arith.constant 0 : index
    %swap3A_16 = arith.constant 0 : index
    %swap3A_17 = vector.load %arg5[%swap3A_15, %swap3A_16] : memref<10000x1xf32, #tpu.memory_space<vmem>>, vector<10000x1xf32>
    tpu.vector_store %arg5[%swap3A_15, %swap3A_16], %broadcast_in_dim3A_14 {strides = array<i32>} : memref<10000x1xf32, #tpu.memory_space<vmem>>, vector<10000x1xf32>,
    %get3A_18 = arith.constant 0 : index
    %get3A_19 = arith.constant 0 : index
    %get3A_20 = vector.load %arg3[%get3A_18, %get3A_19] : memref<1x64xf32, #tpu.memory_space<vmem>>, vector<1x64xf32>
    %mul3A_21 = vector.broadcast %get3A_20 : vector<1x64xf32> to vector<10000x64xf32>
    %mul3A_22 = arith.mulf %dot_general3A_5, %mul3A_21 : vector<10000x64xf32>
    %reduce_sum3A_23 = arith.constant dense<0.000000e+00> : vector<10000xf32>
    %reduce_sum3A_24 = vector.multi_reduction <add>, %mul3A_22, %reduce_sum3A_23 [1] : vector<10000x64xf32> to vector<10000xf32>
    %broadcast_in_dim3A_25 = vector.shape_cast %reduce_sum3A_24 : vector<10000xf32> to vector<10000x1xf32>
    %swap3A_26 = arith.constant 0 : index
    %swap3A_27 = arith.constant 0 : index
    %swap3A_28 = vector.load %arg6[%swap3A_26, %swap3A_27] : memref<10000x1xf32, #tpu.memory_space<vmem>>, vector<10000x1xf32>
    tpu.vector_store %arg6[%swap3A_26, %swap3A_27], %broadcast_in_dim3A_25 {strides = array<i32>} : memref<10000x1xf32, #tpu.memory_space<vmem>>, vector<10000x1xf32>,
    return
  }
}

module attributes {stable_mosaic.version = 14 : i64} {
  func.func @_layer_mid_kernel(%arg0: memref<2x10000x64xf32, #tpu.memory_space<vmem>>, %arg1: memref<10000x32xf32, #tpu.memory_space<vmem>>, %arg2: memref<1x64xf32, #tpu.memory_space<vmem>>, %arg3: memref<64x64xf32, #tpu.memory_space<vmem>>, %arg4: memref<1x64xf32, #tpu.memory_space<vmem>>, %arg5: memref<1x64xf32, #tpu.memory_space<vmem>>, %arg6: memref<10000x128xf32, #tpu.memory_space<vmem>>, %arg7: memref<10000x1xf32, #tpu.memory_space<vmem>>, %arg8: memref<10000x1xf32, #tpu.memory_space<vmem>>) attributes {dimension_semantics = [], scalar_prefetch = 0 : i64, scratch_operands = 0 : i64, tpu.core_type = #tpu.core_type<tc>} {
    %get3A = arith.constant 0 : index
    %get3A_0 = arith.constant 0 : index
    %get3A_1 = vector.load %arg1[%get3A, %get3A_0] : memref<10000x32xf32, #tpu.memory_space<vmem>>, vector<10000x32xf32>
    %reduce_sum3A = arith.constant dense<0.000000e+00> : vector<10000xf32>
    %reduce_sum3A_2 = vector.multi_reduction <add>, %get3A_1, %reduce_sum3A [1] : vector<10000x32xf32> to vector<10000xf32>
    %broadcast_in_dim3A = vector.shape_cast %reduce_sum3A_2 : vector<10000xf32> to vector<10000x1xf32>
    %add3A = arith.constant 1.000000e-16 : f32
    %add3A_3 = vector.broadcast %add3A : f32 to vector<10000x1xf32>
    %add3A_4 = arith.addf %broadcast_in_dim3A, %add3A_3 : vector<10000x1xf32>
    %div3A = arith.constant 1.000000e+00 : f32
    %div3A_5 = vector.broadcast %div3A : f32 to vector<10000x1xf32>
    %div3A_6 = arith.divf %div3A_5, %add3A_4 : vector<10000x1xf32>
    %get3A_7 = arith.constant 0 : index
    %get3A_8 = arith.constant 0 : index
    %get3A_9 = arith.constant 0 : index
    %get3A_10 = vector.load %arg0[%get3A_7, %get3A_8, %get3A_9] : memref<2x10000x64xf32, #tpu.memory_space<vmem>>, vector<1x10000x64xf32>
    %get3A_11 = vector.shape_cast %get3A_10 : vector<1x10000x64xf32> to vector<10000x64xf32>
    %get3A_12 = arith.constant 1 : index
    %get3A_13 = arith.constant 0 : index
    %get3A_14 = arith.constant 0 : index
    %get3A_15 = vector.load %arg0[%get3A_12, %get3A_13, %get3A_14] : memref<2x10000x64xf32, #tpu.memory_space<vmem>>, vector<1x10000x64xf32>
    %get3A_16 = vector.shape_cast %get3A_15 : vector<1x10000x64xf32> to vector<10000x64xf32>
    %add3A_17 = arith.addf %get3A_11, %get3A_16 : vector<10000x64xf32>
    %mul3A = vector.broadcast %div3A_6 : vector<10000x1xf32> to vector<10000x64xf32>
    %mul3A_18 = arith.mulf %add3A_17, %mul3A : vector<10000x64xf32>
    %get3A_19 = arith.constant 0 : index
    %get3A_20 = arith.constant 0 : index
    %get3A_21 = vector.load %arg2[%get3A_19, %get3A_20] : memref<1x64xf32, #tpu.memory_space<vmem>>, vector<1x64xf32>
    %add3A_22 = vector.broadcast %get3A_21 : vector<1x64xf32> to vector<10000x64xf32>
    %add3A_23 = arith.addf %mul3A_18, %add3A_22 : vector<10000x64xf32>
    %max3A = arith.constant 0.000000e+00 : f32
    %max3A_24 = vector.broadcast %max3A : f32 to vector<10000x64xf32>
    %max3A_25 = arith.maximumf %add3A_23, %max3A_24 : vector<10000x64xf32>
    %get3A_26 = arith.constant 0 : index
    %get3A_27 = arith.constant 0 : index
    %get3A_28 = vector.load %arg3[%get3A_26, %get3A_27] : memref<64x64xf32, #tpu.memory_space<vmem>>, vector<64x64xf32>
    %dot_general3A = arith.constant dense<0.000000e+00> : vector<10000x64xf32>
    %dot_general3A_29 = tpu.matmul %max3A_25, %get3A_28, %dot_general3A {dimension_numbers = #tpu.dot_dimension_numbers<[1], [0], [0], [1], [0, 0, 1, 1], [], []>, transpose_lhs_hint = false} : vector<10000x64xf32>, vector<64x64xf32>, vector<10000x64xf32> -> vector<10000x64xf32>
    %broadcast_in_dim3A_30 = arith.constant 0.000000e+00 : f32
    %broadcast_in_dim3A_31 = vector.broadcast %broadcast_in_dim3A_30 : f32 to vector<10000x64xf32>
    %concatenate3A = tpu.concatenate %dot_general3A_29, %broadcast_in_dim3A_31 in 1 : vector<10000x64xf32>, vector<10000x64xf32> -> vector<10000x128xf32>
    %swap3A = arith.constant 0 : index
    %swap3A_32 = arith.constant 0 : index
    %swap3A_33 = vector.load %arg6[%swap3A, %swap3A_32] : memref<10000x128xf32, #tpu.memory_space<vmem>>, vector<10000x128xf32>
    tpu.vector_store %arg6[%swap3A, %swap3A_32], %concatenate3A {strides = array<i32>} : memref<10000x128xf32, #tpu.memory_space<vmem>>, vector<10000x128xf32>,
    %get3A_34 = arith.constant 0 : index
    %get3A_35 = arith.constant 0 : index
    %get3A_36 = vector.load %arg4[%get3A_34, %get3A_35] : memref<1x64xf32, #tpu.memory_space<vmem>>, vector<1x64xf32>
    %mul3A_37 = vector.broadcast %get3A_36 : vector<1x64xf32> to vector<10000x64xf32>
    %mul3A_38 = arith.mulf %dot_general3A_29, %mul3A_37 : vector<10000x64xf32>
    %reduce_sum3A_39 = arith.constant dense<0.000000e+00> : vector<10000xf32>
    %reduce_sum3A_40 = vector.multi_reduction <add>, %mul3A_38, %reduce_sum3A_39 [1] : vector<10000x64xf32> to vector<10000xf32>
    %broadcast_in_dim3A_41 = vector.shape_cast %reduce_sum3A_40 : vector<10000xf32> to vector<10000x1xf32>
    %swap3A_42 = arith.constant 0 : index
    %swap3A_43 = arith.constant 0 : index
    %swap3A_44 = vector.load %arg7[%swap3A_42, %swap3A_43] : memref<10000x1xf32, #tpu.memory_space<vmem>>, vector<10000x1xf32>
    tpu.vector_store %arg7[%swap3A_42, %swap3A_43], %broadcast_in_dim3A_41 {strides = array<i32>} : memref<10000x1xf32, #tpu.memory_space<vmem>>, vector<10000x1xf32>,
    %get3A_45 = arith.constant 0 : index
    %get3A_46 = arith.constant 0 : index
    %get3A_47 = vector.load %arg5[%get3A_45, %get3A_46] : memref<1x64xf32, #tpu.memory_space<vmem>>, vector<1x64xf32>
    %mul3A_48 = vector.broadcast %get3A_47 : vector<1x64xf32> to vector<10000x64xf32>
    %mul3A_49 = arith.mulf %dot_general3A_29, %mul3A_48 : vector<10000x64xf32>
    %reduce_sum3A_50 = arith.constant dense<0.000000e+00> : vector<10000xf32>
    %reduce_sum3A_51 = vector.multi_reduction <add>, %mul3A_49, %reduce_sum3A_50 [1] : vector<10000x64xf32> to vector<10000xf32>
    %broadcast_in_dim3A_52 = vector.shape_cast %reduce_sum3A_51 : vector<10000xf32> to vector<10000x1xf32>
    %swap3A_53 = arith.constant 0 : index
    %swap3A_54 = arith.constant 0 : index
    %swap3A_55 = vector.load %arg8[%swap3A_53, %swap3A_54] : memref<10000x1xf32, #tpu.memory_space<vmem>>, vector<10000x1xf32>
    tpu.vector_store %arg8[%swap3A_53, %swap3A_54], %broadcast_in_dim3A_52 {strides = array<i32>} : memref<10000x1xf32, #tpu.memory_space<vmem>>, vector<10000x1xf32>,
    return
  }
}

module attributes {stable_mosaic.version = 14 : i64} {
  func.func @_final_tc_kernel(%arg0: memref<2x10000x64xf32, #tpu.memory_space<vmem>>, %arg1: memref<10000x32xf32, #tpu.memory_space<vmem>>, %arg2: memref<1x64xf32, #tpu.memory_space<vmem>>, %arg3: memref<64x32xf32, #tpu.memory_space<vmem>>, %arg4: memref<64x32xf32, #tpu.memory_space<vmem>>, %arg5: memref<1x32xf32, #tpu.memory_space<vmem>>, %arg6: memref<10000x128xf32, #tpu.memory_space<vmem>>, %arg7: memref<10000x128xf32, #tpu.memory_space<vmem>>) attributes {dimension_semantics = [], scalar_prefetch = 0 : i64, scratch_operands = 0 : i64, tpu.core_type = #tpu.core_type<tc>} {
    %get3A = arith.constant 0 : index
    %get3A_0 = arith.constant 0 : index
    %get3A_1 = vector.load %arg1[%get3A, %get3A_0] : memref<10000x32xf32, #tpu.memory_space<vmem>>, vector<10000x32xf32>
    %reduce_sum3A = arith.constant dense<0.000000e+00> : vector<10000xf32>
    %reduce_sum3A_2 = vector.multi_reduction <add>, %get3A_1, %reduce_sum3A [1] : vector<10000x32xf32> to vector<10000xf32>
    %broadcast_in_dim3A = vector.shape_cast %reduce_sum3A_2 : vector<10000xf32> to vector<10000x1xf32>
    %add3A = arith.constant 1.000000e-16 : f32
    %add3A_3 = vector.broadcast %add3A : f32 to vector<10000x1xf32>
    %add3A_4 = arith.addf %broadcast_in_dim3A, %add3A_3 : vector<10000x1xf32>
    %div3A = arith.constant 1.000000e+00 : f32
    %div3A_5 = vector.broadcast %div3A : f32 to vector<10000x1xf32>
    %div3A_6 = arith.divf %div3A_5, %add3A_4 : vector<10000x1xf32>
    %get3A_7 = arith.constant 0 : index
    %get3A_8 = arith.constant 0 : index
    %get3A_9 = arith.constant 0 : index
    %get3A_10 = vector.load %arg0[%get3A_7, %get3A_8, %get3A_9] : memref<2x10000x64xf32, #tpu.memory_space<vmem>>, vector<1x10000x64xf32>
    %get3A_11 = vector.shape_cast %get3A_10 : vector<1x10000x64xf32> to vector<10000x64xf32>
    %get3A_12 = arith.constant 1 : index
    %get3A_13 = arith.constant 0 : index
    %get3A_14 = arith.constant 0 : index
    %get3A_15 = vector.load %arg0[%get3A_12, %get3A_13, %get3A_14] : memref<2x10000x64xf32, #tpu.memory_space<vmem>>, vector<1x10000x64xf32>
    %get3A_16 = vector.shape_cast %get3A_15 : vector<1x10000x64xf32> to vector<10000x64xf32>
    %add3A_17 = arith.addf %get3A_11, %get3A_16 : vector<10000x64xf32>
    %mul3A = vector.broadcast %div3A_6 : vector<10000x1xf32> to vector<10000x64xf32>
    %mul3A_18 = arith.mulf %add3A_17, %mul3A : vector<10000x64xf32>
    %get3A_19 = arith.constant 0 : index
    %get3A_20 = arith.constant 0 : index
    %get3A_21 = vector.load %arg2[%get3A_19, %get3A_20] : memref<1x64xf32, #tpu.memory_space<vmem>>, vector<1x64xf32>
    %add3A_22 = vector.broadcast %get3A_21 : vector<1x64xf32> to vector<10000x64xf32>
    %add3A_23 = arith.addf %mul3A_18, %add3A_22 : vector<10000x64xf32>
    %logistic3A = arith.negf %add3A_23 : vector<10000x64xf32>
    %logistic3A_24 = math.exp %logistic3A : vector<10000x64xf32>
    %logistic3A_25 = arith.constant 1.000000e+00 : f32
    %logistic3A_26 = vector.broadcast %logistic3A_25 : f32 to vector<10000x64xf32>
    %logistic3A_27 = arith.addf %logistic3A_26, %logistic3A_24 : vector<10000x64xf32>
    %logistic3A_28 = arith.divf %logistic3A_26, %logistic3A_27 : vector<10000x64xf32>
    %get3A_29 = arith.constant 0 : index
    %get3A_30 = arith.constant 0 : index
    %get3A_31 = vector.load %arg3[%get3A_29, %get3A_30] : memref<64x32xf32, #tpu.memory_space<vmem>>, vector<64x32xf32>
    %dot_general3A = arith.constant dense<0.000000e+00> : vector<10000x32xf32>
    %dot_general3A_32 = tpu.matmul %logistic3A_28, %get3A_31, %dot_general3A {dimension_numbers = #tpu.dot_dimension_numbers<[1], [0], [0], [1], [0, 0, 1, 1], [], []>, transpose_lhs_hint = false} : vector<10000x64xf32>, vector<64x32xf32>, vector<10000x32xf32> -> vector<10000x32xf32>
    %get3A_33 = arith.constant 0 : index
    %get3A_34 = arith.constant 0 : index
    %get3A_35 = vector.load %arg5[%get3A_33, %get3A_34] : memref<1x32xf32, #tpu.memory_space<vmem>>, vector<1x32xf32>
    %add3A_36 = vector.broadcast %get3A_35 : vector<1x32xf32> to vector<10000x32xf32>
    %add3A_37 = arith.addf %dot_general3A_32, %add3A_36 : vector<10000x32xf32>
    %get3A_38 = arith.constant 0 : index
    %get3A_39 = arith.constant 0 : index
    %get3A_40 = vector.load %arg4[%get3A_38, %get3A_39] : memref<64x32xf32, #tpu.memory_space<vmem>>, vector<64x32xf32>
    %dot_general3A_41 = arith.constant dense<0.000000e+00> : vector<10000x32xf32>
    %dot_general3A_42 = tpu.matmul %logistic3A_28, %get3A_40, %dot_general3A_41 {dimension_numbers = #tpu.dot_dimension_numbers<[1], [0], [0], [1], [0, 0, 1, 1], [], []>, transpose_lhs_hint = false} : vector<10000x64xf32>, vector<64x32xf32>, vector<10000x32xf32> -> vector<10000x32xf32>
    %broadcast_in_dim3A_43 = arith.constant 0.000000e+00 : f32
    %broadcast_in_dim3A_44 = vector.broadcast %broadcast_in_dim3A_43 : f32 to vector<10000x96xf32>
    %concatenate3A = tpu.concatenate %add3A_37, %broadcast_in_dim3A_44 in 1 : vector<10000x32xf32>, vector<10000x96xf32> -> vector<10000x128xf32>
    %swap3A = arith.constant 0 : index
    %swap3A_45 = arith.constant 0 : index
    %swap3A_46 = vector.load %arg6[%swap3A, %swap3A_45] : memref<10000x128xf32, #tpu.memory_space<vmem>>, vector<10000x128xf32>
    tpu.vector_store %arg6[%swap3A, %swap3A_45], %concatenate3A {strides = array<i32>} : memref<10000x128xf32, #tpu.memory_space<vmem>>, vector<10000x128xf32>,
    %concatenate3A_47 = tpu.concatenate %dot_general3A_42, %broadcast_in_dim3A_44 in 1 : vector<10000x32xf32>, vector<10000x96xf32> -> vector<10000x128xf32>
    %swap3A_48 = arith.constant 0 : index
    %swap3A_49 = arith.constant 0 : index
    %swap3A_50 = vector.load %arg7[%swap3A_48, %swap3A_49] : memref<10000x128xf32, #tpu.memory_space<vmem>>, vector<10000x128xf32>
    tpu.vector_store %arg7[%swap3A_48, %swap3A_49], %concatenate3A_47 {strides = array<i32>} : memref<10000x128xf32, #tpu.memory_space<vmem>>, vector<10000x128xf32>,
    return
  }
}

</mosaic_0001>

<sc_bundles>
// kernel: kernel.14.cloned.1.call-start
scs
__scs_entry_jumppad:
0x0: {  	(pc) =	sbr.rel $0x88, $3  }
0x1: {  	(tag) =	ssettag $0x0;
	lr =	simm.s32 $0x1  }
0x2: {  	[smem:$0x3F85] =	sst lr;
	_ =	strace $0xD0000000  }
0x3: {  	_ = 	snop  }
0x4: {  	_ = 	snop  }
0x5: {  	_ = 	snop  }
0x6: {  	_ = 	snop  }
0x7: {  	_ = 	snop  }
__scs_overlays_trampoline_lowered:
0x8: {  	[smem:$0x3F94] =	sst s0  }
0x9: {  	[smem:$0x3F95] =	sst s1  }
0xa: {  	[smem:$0x3F96] =	sst s2  }
0xb: {  	[smem:$0x3F97] =	sst s3  }
0xc: {  	[smem:$0x3F98] =	sst s4  }
0xd: {  	[smem:$0x3F99] =	sst s5  }
0xe: {  	[smem:$0x3F9A] =	sst s6  }
0xf: {  	[smem:$0x3F9B] =	sst s7  }
0x10: {  	[smem:$0x3F9C] =	sst s8  }
0x11: {  	[smem:$0x3F9D] =	sst s9;
	s0 =	simm.s32 @!p0 $0x0  }
0x12: {  	s1 =	sld [smem:$0x3F83];
	s0 =	simm.s32 @p0 $0x1  }
0x13: {  	[smem:$0x3F9E] =	sst s0;
	s0 =	simm.s32 @!p1 $0x0  }
0x14: {  	s2 =	sld [smem:$0x3F82];
	s0 =	simm.s32 @p1 $0x1  }
0x15: {  	[smem:$0x3F9F] =	sst s0;
	s0 =	simm.s32 @!p2 $0x0  }
0x16: {  	s3 =	sld [smem:$0x3FDB];
	s0 =	simm.s32 @p2 $0x1  }
0x17: {  	s4 =	simm.s32 $0x1BF5;
	[smem:$0x3FA1] =	sst s0  }
0x18: {  	s0 =	sld [smem:$0x3F84];
	_ =	swait.ge [sflag:s4], $0x0  }
0x19: {  	s7 =	sld [smem:$0x3F85]  }
0x1a: {  	s8 =	sadd.s32 $0xFFFFE003, lr  }
0x1b: {  	s9 =	sadd.s32 $0xFFFFFEF7, lr;
	s5 =	simm.s32 $0xFFFFFFFF;
	p2 =	slt.u32 s8, $0xFFFFF086  }
0x1c: {  	p1 =	slt.u32 s9, $0xF7A;
	s5 =	simm.s32 @!p2 $0x0  }
0x1d: {  	s5 =	simm.s32 @p1 $0x1;
	p0 =	seq.s32 s7, s2  }
0x1e: {  	s7 =	smul.u32 @!p0 $0xF7A, s2;
	p2 =	seq.s32 @!p0 s5, $0x0  }
0x1f: {  	s9 =	smul.u32 $0xF7A, s1;
	s8 =	simm.s32 @!p0 $0x1BF5;
	p2 =	por !p2, p0  }
0x20: {  	[sflag:s8] =	ssyncset.s32 @!p0 $0xFFFFF086;
	s6 =	sadd.s32 @!p0 s3, s7;
	s7 =	simm.s32 @!p0 $0x108  }
0x21: {  	s3 =	sadd.s32 s3, s9;
	s6 =	sadd.s32 @!p0 $0x88, s6;
	s7 =	simm.s32 @p2 $0x1082  }
0x22: {  	[simem:s7], [sflag:s8] =	dma.local @!p0 [hbm:s6], $0xF7A  }
0x23: {  	s9 =	sor.u32 $0xD0000000, s2;
	s6 =	simm.s32 $0x108;
	_ =	swait.ge @!p0 [sflag:s8], $0x0  }
0x24: {  	s3 =	sadd.s32 $0x88, s3;
	s6 =	simm.s32 @!p1 $0x1082;
	[sflag:s4] =	ssyncset.s32 $0xFFFFF086  }
0x25: {  	[simem:s6], [sflag:s4] =	dma.local [hbm:s3], $0xF7A  }
0x26: {  	[smem:$0x3F85] =	sst s1;
	(tag) =	ssettag s2;
	_ =	strace s9  }
0x27: {  	s1 =	sld [smem:$0x3F95]  }
0x28: {  	s2 =	sld [smem:$0x3F96]  }
0x29: {  	s4 =	sld [smem:$0x3F98]  }
0x2a: {  	p0 =	seq.s32 s5, $0x0;
	s5 =	sld [smem:$0x3F99]  }
0x2b: {  	s6 =	sld [smem:$0x3F9A]  }
0x2c: {  	s7 =	sld [smem:$0x3F9B]  }
0x2d: {  	s3 =	simm.s32 $0x108;
	s8 =	sld [smem:$0x3F9C]  }
0x2e: {  	s3 =	simm.s32 @!p0 $0x1082;
	s9 =	sld [smem:$0x3F9D]  }
0x2f: {  	lr =	sadd.s32 s0, s3;
	s0 =	sld [smem:$0x3F94]  }
0x30: {  	s3 =	sld [smem:$0x3F97]  }
0x31: {  	[smem:$0x3FA0] =	sst s10  }
0x32: {  	s10 =	sld [smem:$0x3F9E];
	_ =	sdelay $0x3  }
0x33: {  	p0 =	seq.s32 s10, $0x1;
	s10 =	sld [smem:$0x3FA0];
	_ =	sdelay $0x3  }
0x34: {  	[smem:$0x3FA0] =	sst s10  }
0x35: {  	s10 =	sld [smem:$0x3F9F];
	_ =	sdelay $0x3  }
0x36: {  	p1 =	seq.s32 s10, $0x1;
	s10 =	sld [smem:$0x3FA0];
	_ =	sdelay $0x3  }
0x37: {  	[smem:$0x3FA0] =	sst s10  }
0x38: {  	s10 =	sld [smem:$0x3FA1]  }
0x39: {  	_ = 	snop;
	(pc) =	sbr.ind lr, $3  }
0x3a: {  	_ = 	snop  }
0x3b: {  	_ = 	snop  }
0x3c: {  	p2 =	seq.s32 s10, $0x1;
	s10 =	sld [smem:$0x3FA0]  }
0x3d: {  	_ =	shalt  }
0x3e: {  	_ =	shalt  }
0x3f: {  	_ =	shalt  }
0x40: {  	_ =	shalt  }
0x41: {  	_ =	shalt  }
0x42: {  	_ =	shalt  }
0x43: {  	_ =	shalt  }
0x44: {  	_ =	shalt  }
0x45: {  	_ =	shalt  }
0x46: {  	_ =	shalt  }
0x47: {  	_ =	shalt  }
0x48: {  	_ =	shalt  }
0x49: {  	_ =	shalt  }
0x4a: {  	_ =	shalt  }
0x4b: {  	_ =	shalt  }
0x4c: {  	_ =	shalt  }
0x4d: {  	_ =	shalt  }
0x4e: {  	_ =	shalt  }
0x4f: {  	_ =	shalt  }
0x50: {  	_ =	shalt  }
0x51: {  	_ =	shalt  }
0x52: {  	_ =	shalt  }
0x53: {  	_ =	shalt  }
0x54: {  	_ =	shalt  }
0x55: {  	_ =	shalt  }
0x56: {  	_ =	shalt  }
0x57: {  	_ =	shalt  }
0x58: {  	_ =	shalt  }
0x59: {  	_ =	shalt  }
0x5a: {  	_ =	shalt  }
0x5b: {  	_ =	shalt  }
0x5c: {  	_ =	shalt  }
0x5d: {  	_ =	shalt  }
0x5e: {  	_ =	shalt  }
0x5f: {  	_ =	shalt  }
0x60: {  	_ =	shalt  }
0x61: {  	_ =	shalt  }
0x62: {  	_ =	shalt  }
0x63: {  	_ =	shalt  }
0x64: {  	_ =	shalt  }
0x65: {  	_ =	shalt  }
0x66: {  	_ =	shalt  }
0x67: {  	_ =	shalt  }
0x68: {  	_ =	shalt  }
0x69: {  	_ =	shalt  }
0x6a: {  	_ =	shalt  }
0x6b: {  	_ =	shalt  }
0x6c: {  	_ =	shalt  }
0x6d: {  	_ =	shalt  }
0x6e: {  	_ =	shalt  }
0x6f: {  	_ =	shalt  }
0x70: {  	_ =	shalt  }
0x71: {  	_ =	shalt  }
0x72: {  	_ =	shalt  }
0x73: {  	_ =	shalt  }
0x74: {  	_ =	shalt  }
0x75: {  	_ =	shalt  }
0x76: {  	_ =	shalt  }
0x77: {  	_ =	shalt  }
0x78: {  	_ =	shalt  }
0x79: {  	_ =	shalt  }
0x7a: {  	_ =	shalt  }
0x7b: {  	_ =	shalt  }
0x7c: {  	_ =	shalt  }
0x7d: {  	_ =	shalt  }
0x7e: {  	_ =	shalt  }
0x7f: {  	_ =	shalt  }
0x80: {  	_ =	shalt  }
0x81: {  	_ =	shalt  }
0x82: {  	_ =	shalt  }
0x83: {  	_ =	shalt  }
0x84: {  	_ =	shalt  }
0x85: {  	_ =	shalt  }
0x86: {  	_ =	shalt  }
0x87: {  	_ =	shalt  }
.Lfunc_end0:
.L_simem_size_0:
called_computation.1_lowered:
.L_overlay_start_0:
0x88: {  	s2 =	sld [smem:$0x3FD9]  }
0x89: {  	s3 =	sld [smem:$0x3FFE];
	_ =	sdelay $0x1  }
0x8a: {  	s1 =	srdreg.scid  }
0x8b: {  	s0 =	sand.u32 $0x1, s1  }
0x8c: {  	s17 =	sshll.u32 s0, $0xA;
	s2 =	sadd.s32 s3, s2  }
0x8d: {  	s2 =	sadd.s32 s2, s17  }
0x8e: {  	[smem:$0x3FAC] =	sst s2  }
0x8f: {  	_ = 	snop  }
0x90: {  	s2 =	sld [smem:$0x3FD0];
	(tm) =	ssettm $0x1  }
0x91: {  	s18 =	sld [smem:$0x3FFB];
	_ =	sdelay $0x3  }
0x92: {  	_ =	strace s18  }
0x93: {  	s3 =	sld [smem:$0x3FFC];
	_ =	sdelay $0x3  }
0x94: {  	_ =	strace s3  }
0x95: {  	s3 =	sld [smem:$0x3FFD];
	_ =	sdelay $0x3  }
0x96: {  	_ =	strace s3  }
0x97: {  	_ =	strace $0x8FFFFFFF  }
0x98: {  	s19 =	sld [smem:$0x3FDB];
	_ =	sdelay $0x1  }
0x99: {  	s4 =	simm.s32 $_scs_section_size  }
0x9a: {  	s5 =	simm.s32 $_size__tile_overlayer_lowered;
	s6 =	simm.s32 $_tile_overlayer_lowered  }
0x9b: {  	s22 =	simm.s32 $0x1BFF;
	s21 =	sshll.u32 s6, $0x1;
	s3 =	sadd.s32 s4, s19  }
0x9c: {  	s7 =	simm.s32 $0x0;
	s20 =	sshll.u32 s5, $0x1;
	s5 =	sadd.s32 s21, s3  }
0x9d: {  	[timem:s7], [sflag:s22] =	dma.local [hbm:s5], s20  }
0x9e: {  	_ =	swait.ge [sflag:s22], s20  }
0x9f: {  	s4 =	ssub.s32 $0x0, s20;
	[sflag:s22] =	ssyncset.done $0x0  }
0xa0: {  	[sflag:s22] =	ssyncadd.s32 s4;
	_ =	sdelay $0x1  }
0xa1: {  	s23 =	simm.s32 $0x1B8B  }
0xa2: {  	_ =	swait.ge [sflag:s23], $0x1  }
0xa3: {  	[sflag:s23] =	ssyncset.done $0x0  }
0xa4: {  	s25 =	simm.s32 $0x1B8E;
	s24 =	sld [smem:$0x3FFE];
	[sflag:s23] =	ssyncadd.s32 $0xFFFFFFFF  }
0xa5: {  	s26 =	simm.s32 $execute0_lowered;
	[smem:$0x3FD2] =	sst s25  }
0xa6: {  	s5 =	sshll.u32 s26, $0x1;
	_ =	strace $0x80000046;
	[dreg:$0x1] =	wrdreg $0xFFFFFFFF  }
0xa7: {  	s28 =	simm.s32 $_size_execute0_lowered;
	s3 =	sadd.s32 s3, s5;
	[dreg:$0x0] =	wrdreg $0x0  }
0xa8: {  	s5 =	sshll.u32 s28, $0x1;
	[dreg:$0x2] =	wrdreg s3  }
0xa9: {  	[dreg:$0x3] =	wrdreg s5  }
0xaa: {  	[dreg:$0x4] =	wrdreg $0xC0  }
0xab: {  	_ =	task [dreg:s7], $0x5FFFF  }
0xac: {  	[dreg:$0x1] =	wrdreg $0xFFFFFFFF  }
0xad: {  	[dreg:$0x0] =	wrdreg $0x60  }
0xae: {  	[dreg:$0x2] =	wrdreg s24  }
0xaf: {  	[dreg:$0x3] =	wrdreg s2  }
0xb0: {  	[dreg:$0x4] =	wrdreg $0xF7E00  }
0xb1: {  	[dreg:$0x5] =	wrdreg $0x9  }
0xb2: {  	_ =	task.clear_ibuf [dreg:s7], $0x6FFFF;
	_ =	strace $0x90000046  }
0xb3: {  	s29 =	simm.s32 $0x9;
	_ =	strace $0x80000048  }
0xb4: {  	_ =	swait.ge [sflag:s29], $0x1  }
0xb5: {  	[sflag:s29] =	ssyncadd.s32 $0xFFFFFFFF  }
0xb6: {  	_ =	strace $0x90000048  }
0xb7: {  	_ =	sfence  }
0xb8: {  	s30 =	sld [smem:$0x0];
	_ =	sdelay $0x2  }
0xb9: {  	s31 =	sshll.u32 s1, $0xD;
	s1 =	sshrl.u32 s1, $0x2  }
0xba: {  	s3 =	sand.u32 $0x4000, s31;
	s1 =	sadd.s32 s1, s30  }
0xbb: {  	s0 =	sor.u32 s3, s0;
	s1 =	sshll.u32 s1, $0x11  }
0xbc: {  	s0 =	sor.u32 s1, s0  }
0xbd: {  	s0 =	sadd.s32 $0x8F2B, s0  }
0xbe: {  	[sflag:s0] =	ssyncadd.remote.s32 $0x1  }
0xbf: {  	_ =	sfence.sel $0xFFFF  }
0xc0: {  	[dreg:$0x0] =	wrdreg $0xFFFFFFFF;
	(pc) =	sbr.abs _section_cstart, $3  }
0xc1: {  	[dreg:$0x1] =	wrdreg $0xFFFFFFFF  }
0xc2: {  	_ =	task.clear_ibuf [dreg:s7], $0x2FFFF;
	_ =	strace $0x9FFFFFFF  }
0xc3: {  	(tm) =	ssettm $0x7FFFFFFF  }
tec
execute0_lowered:
.L_overlay_start_1:
0x0: {  	(tag) =	ssettag $0x1  }
0x1: {  	s1 =	srdreg.scid;
	s8 =	rddreg [dreg:$0x0]  }
0x2: {  	s0 =	stileid.u32;
	s11 =	rddreg [dreg:$0x1]  }
0x3: {  	s2 =	rddreg [dreg:$0x2];
	s3 =	simm.s32 $0x0;
	s17 =	simm.s32 $0x9F20  }
0x4: {  	s21 =	simm.s32 $0xF7A0;
	s22 =	simm.s32 $0xF720;
	s23 =	simm.s32 $0x40  }
0x5: {  	s24 =	simm.s32 $0xC720;
	s25 =	simm.s32 $0x1;
	s28 =	simm.s32 $0x0  }
0x6: {  	s7 =	sand.u32 $0x1, s1;
	s26 =	sshll.u32 s0, $0x1;
	[smem:$0x7FF] =	sst s3  }
0x7: {  	s12 =	smul.u32 $0x2800, s0;
	s5 =	sadd.s32 $0x3DC00, s8;
	s6 =	sadd.s32 $0x16400, s8  }
0x8: {  	s13 =	smul.u32 $0xA000, s0;
	s18 =	sshll.u32 s0, $0x6;
	s1 =	sor.u32 s7, s26  }
0x9: {  	s9 =	smul.u32 $0x28000, s7;
	_ =	strace $0x80000047;
	s29 =	ssub.s32 $0x2, s7  }
0xa: {  	s15 =	smul.u32 $0xA0000, s7;
	s7 =	sadd.s32 $0x3E200, s8;
	s18 =	sor.u32 $0x1C02, s18  }
0xb: {  	s26 =	simm.s32 $0xE720;
	s19 =	smul.u32 $0x2880, s1;
	s14 =	sshrl.u32 s29, $0x1  }
0xc: {  	s20 =	sadd.s32 s13, s2;
	s9 =	sadd.s32 s12, s9;
	s12 =	ssub.s32 s29, s14  }
0xd: {  	s30 =	sadd.s32 s13, s15;
	s13 =	simm.s32 $0x2;
	s14 =	simm.s32 $0x2880  }
0xe: {  	s15 =	simm.s32 $0x5100;
	s4 =	sshrl.u32 s19, $0x3;
	s9 =	sshrl.u32 s9, $0x3  }
0xf: {  	v0 =	vlaneseq.u32;
	s31 =	sshrl.u32 s30, $0x3;
	s12 =	smax.u32 s12, $0x1;
	v1 =	vmov s19;
	s19 =	sshrl.u32 s20, $0x3  }
0x10: {  	v2 =	vimm.f32 $0.0e+00;
	v3 =	vor.u32 $0xFFFFFFC8, v0;
	s20 =	simm.s32 $0xF760;
	s10 =	sadd.s32 s4, s8;
	s4 =	sadd.s32 $0x3D600, s8  }
0x11: {  	v4 =	vor.u32 $0xFFFFFFD8, v0;
	v5 =	vor.u32 $0x10, v0;
	v6 =	vor.u32 $0xFFFFFFE8, v0;
	s16 =	sadd.s32 s9, s8;
	s11 =	sadd.s32 s11, s31;
	s8 =	sadd.s32 $0xC200, s10  }
0x12: {  	v7 =	vor.u32 $0x20, v0;
	v8 =	vor.u32 $0xFFFFFFF8, v0;
	v9 =	vor.u32 $0x30, v0;
	s9 =	sadd.s32 $0x2000, s10;
	s10 =	sadd.s32 $0x3F600, s16;
	s16 =	simm.s32 $0x7810  }
.LBB2_1:
0x13: {  	[tilespmem:s3], [sflag:$0x2] =	stream.linear.gather [hbm4b:s8+s3], $0x2880, $0x38;
	[tilespmem:$0x197E0] =	vst v63  }
0x14: {  	_ =	swait.ge [sflag:s13], $0x2880  }
0x15: {  	[sflag:s13] =	ssyncset.done $0x0  }
0x16: {  	[sflag:s13] =	ssyncadd.s32 $0xFFFFD780  }
0x17: {  	[tilespmem:s14], [sflag:$0x2] =	stream.linear.gather [hbm4b:s9+s3], $0x2880, $0x38;
	[tilespmem:$0x197E0] =	vst v63  }
0x18: {  	_ =	swait.ge [sflag:s13], $0x2880  }
0x19: {  	[sflag:s13] =	ssyncset.done $0x0  }
0x1a: {  	[sflag:s13] =	ssyncadd.s32 $0xFFFFD780  }
0x1b: {  	[tilespmem:s15], [sflag:$0x2] =	stream.linear.gather [hbm4b:s4+s3], $0x2710, $0x38;
	[tilespmem:$0x197E0] =	vst v63  }
0x1c: {  	_ =	swait.ge [sflag:s13], $0x2710  }
0x1d: {  	[sflag:s13] =	ssyncset.done $0x0  }
0x1e: {  	[sflag:s13] =	ssyncadd.s32 $0xFFFFD8F0  }
0x1f: {  	[tilespmem:s16], [sflag:$0x2] =	stream.linear.gather [hbm4b:s5+s3], $0x2710, $0x38;
	[tilespmem:$0x197E0] =	vst v63  }
0x20: {  	_ =	swait.ge [sflag:s13], $0x2710  }
0x21: {  	[sflag:s13] =	ssyncset.done $0x0  }
0x22: {  	s29 =	simm.s32 $0x10;
	v10 =	vor.u32 s3, v0;
	[sflag:s13] =	ssyncadd.s32 $0xFFFFD8F0  }
.LBB2_2:
0x23: {  	p0 =	sne.s32 s29, $0x27F0  }
.Ltmp0:
0x24: {  	_ = 	snop;
	(pc) =	sbr.rel @p0 .LBB2_2-.Ltmp0, $3  }
0x25: {  	_ =	sdelay $0x1  }
0x26: {  	[tilespmem:v10+s17+$0x0] =	vst.idx.msk $0xffff, v2;
	s30 =	smov.u32 s29;
	s29 =	sadd.s32 $0x10, s29  }
0x27: {  	v10 =	vor.u32 s30, v0  }
0x28: {  	_ =	sdelay $0x3  }
0x29: {  	[tilespmem:v10+s17+$0x0] =	vst.idx.msk $0xffff, v2  }
0x2a: {  	[spmem:s19], [sflag:s18] =	dma.local [hbm:s7], $0x1400  }
0x2b: {  	_ =	swait.ge [sflag:s13], $0x1400  }
0x2c: {  	[sflag:s13] =	ssyncset.done $0x0  }
0x2d: {  	[sflag:s13] =	ssyncadd.s32 $0xFFFFEC00  }
0x2e: {  	s29 =	simm.s32 $0x0;
	s30 =	simm.s32 $0x0;
	[bflag:$0x0] =	sbarrier.arrive $0xFFFF  }
.LBB2_4:
0x2f: {  	s31 =	sshll.u32 s30, $0x6  }
0x30: {  	v10 =	vor.u32 s31, v0  }
0x31: {  	v10 =	vand.u32 v3, v10;
	_ =	sdelay $0x4  }
0x32: {  	v11 =	vld.idx.msk [tilespmem:v10+s29+$0x0], $0xffff  }
0x33: {  	v10 =	vld.idx.msk [tilespmem:v10+s14+$0x0], $0xffff;
	_ =	sdelay $0x4  }
0x34: {  	[tilespmem:v0+s20+$0x0] =	vst.idx.msk $0xffff, v11  }
0x35: {  	[tilespmem:v0+s21+$0x0] =	vst.idx.msk $0xffff, v10  }
0x36: {  	v11 =	vld.idx.msk [tilespmem:v11+s15+$0x0], $0xffff  }
0x37: {  	v12 =	vld.idx.msk [tilespmem:v10+s16+$0x0], $0xffff;
	_ =	sdelay $0x4  }
0x38: {  	v11 =	vadd.f32 v12, v11;
	_ =	sdelay $0x1  }
0x39: {  	v12 =	vmul.f32 $2.000000030e-01, v11  }
0x3a: {  	vm0 =	vgt.f32 v11, $0.0e+00  }
0x3b: {  	v11 =	vsel vm0, v11, v12  }
0x3c: {  	v11 =	vmul.f32 $1.442695020e+00, v11;
	_ =	sdelay $0x1  }
0x3d: {  	(erf) = vpow2.f32 v11;
	_ =	sdelay $0x5  }
0x3e: {  	s1 =	sor.u32 $0x10, s31  }
0x3f: {  	v11 =	vor.u32 s1, v0  }
0x40: {  	v12 =	vadd.s32 s31, v1;
	v11 =	vand.u32 v4, v11  }
0x41: {  	vm9 =	vlt.u32 v12, $0x50910;
	v13 =	vpop (erf)  }
0x42: {  	v12 =	vnsel vm9, $0x0, v13  }
0x43: {  	[tilespmem:v10+s17+$0x0] =	vst.idx.add.f32.msk $0xffff, v12  }
0x44: {  	[tilespmem:v0+s22+$0x0] =	vst.idx.msk $0xffff, v12  }
0x45: {  	v10 =	vld.idx.msk [tilespmem:v11+s29+$0x0], $0xffff  }
0x46: {  	v11 =	vld.idx.msk [tilespmem:v11+s14+$0x0], $0xffff;
	_ =	sdelay $0x4  }
0x47: {  	[tilespmem:v5+s20+$0x0] =	vst.idx.msk $0xffff, v10  }
0x48: {  	[tilespmem:v5+s21+$0x0] =	vst.idx.msk $0xffff, v11  }
0x49: {  	v10 =	vld.idx.msk [tilespmem:v10+s15+$0x0], $0xffff  }
0x4a: {  	v12 =	vld.idx.msk [tilespmem:v11+s16+$0x0], $0xffff;
	_ =	sdelay $0x4  }
0x4b: {  	v10 =	vadd.f32 v12, v10;
	_ =	sdelay $0x1  }
0x4c: {  	v12 =	vmul.f32 $2.000000030e-01, v10  }
0x4d: {  	vm10 =	vgt.f32 v10, $0.0e+00  }
0x4e: {  	v10 =	vsel vm10, v10, v12  }
0x4f: {  	v10 =	vmul.f32 $1.442695020e+00, v10;
	_ =	sdelay $0x1  }
0x50: {  	(erf) = vpow2.f32 v10;
	_ =	sdelay $0x5  }
0x51: {  	s0 =	sor.u32 $0x20, s31  }
0x52: {  	v10 =	vor.u32 s0, v0  }
0x53: {  	v12 =	vadd.s32 s1, v1;
	v10 =	vand.u32 v6, v10  }
0x54: {  	vm11 =	vlt.u32 v12, $0x50910;
	v13 =	vpop (erf)  }
0x55: {  	v12 =	vnsel vm11, $0x0, v13  }
0x56: {  	[tilespmem:v11+s17+$0x0] =	vst.idx.add.f32.msk $0xffff, v12  }
0x57: {  	[tilespmem:v5+s22+$0x0] =	vst.idx.msk $0xffff, v12  }
0x58: {  	v11 =	vld.idx.msk [tilespmem:v10+s29+$0x0], $0xffff  }
0x59: {  	v10 =	vld.idx.msk [tilespmem:v10+s14+$0x0], $0xffff;
	_ =	sdelay $0x4  }
0x5a: {  	[tilespmem:v7+s20+$0x0] =	vst.idx.msk $0xffff, v11  }
0x5b: {  	[tilespmem:v7+s21+$0x0] =	vst.idx.msk $0xffff, v10  }
0x5c: {  	v11 =	vld.idx.msk [tilespmem:v11+s15+$0x0], $0xffff  }
0x5d: {  	v12 =	vld.idx.msk [tilespmem:v10+s16+$0x0], $0xffff;
	_ =	sdelay $0x4  }
0x5e: {  	v11 =	vadd.f32 v12, v11;
	_ =	sdelay $0x1  }
0x5f: {  	v12 =	vmul.f32 $2.000000030e-01, v11  }
0x60: {  	vm12 =	vgt.f32 v11, $0.0e+00  }
0x61: {  	v11 =	vsel vm12, v11, v12  }
0x62: {  	v11 =	vmul.f32 $1.442695020e+00, v11;
	_ =	sdelay $0x1  }
0x63: {  	(erf) = vpow2.f32 v11;
	_ =	sdelay $0x5  }
0x64: {  	s1 =	sor.u32 $0x30, s31  }
0x65: {  	v11 =	vor.u32 s1, v0  }
0x66: {  	v12 =	vadd.s32 s0, v1;
	v11 =	vand.u32 v8, v11  }
0x67: {  	vm13 =	vlt.u32 v12, $0x50910;
	v13 =	vpop (erf)  }
0x68: {  	v12 =	vnsel vm13, $0x0, v13  }
0x69: {  	[tilespmem:v10+s17+$0x0] =	vst.idx.add.f32.msk $0xffff, v12  }
0x6a: {  	[tilespmem:v7+s22+$0x0] =	vst.idx.msk $0xffff, v12  }
0x6b: {  	v10 =	vld.idx.msk [tilespmem:v11+s29+$0x0], $0xffff  }
0x6c: {  	v11 =	vld.idx.msk [tilespmem:v11+s14+$0x0], $0xffff;
	_ =	sdelay $0x4  }
0x6d: {  	[tilespmem:v9+s20+$0x0] =	vst.idx.msk $0xffff, v10  }
0x6e: {  	[tilespmem:v9+s21+$0x0] =	vst.idx.msk $0xffff, v11  }
0x6f: {  	v10 =	vld.idx.msk [tilespmem:v10+s15+$0x0], $0xffff  }
0x70: {  	v12 =	vld.idx.msk [tilespmem:v11+s16+$0x0], $0xffff;
	_ =	sdelay $0x4  }
0x71: {  	v10 =	vadd.f32 v12, v10;
	_ =	sdelay $0x1  }
0x72: {  	v12 =	vmul.f32 $2.000000030e-01, v10  }
0x73: {  	vm14 =	vgt.f32 v10, $0.0e+00  }
0x74: {  	v10 =	vsel vm14, v10, v12  }
0x75: {  	v10 =	vmul.f32 $1.442695020e+00, v10;
	_ =	sdelay $0x1  }
0x76: {  	(erf) = vpow2.f32 v10;
	_ =	sdelay $0x7  }
0x77: {  	v10 =	vadd.s32 s1, v1  }
0x78: {  	vm15 =	vlt.u32 v10, $0x50910;
	v12 =	vpop (erf)  }
0x79: {  	v10 =	vnsel vm15, $0x0, v12  }
0x7a: {  	[tilespmem:v11+s17+$0x0] =	vst.idx.add.f32.msk $0xffff, v10;
	v11 =	vmov s29  }
0x7b: {  	[tilespmem:v9+s22+$0x0] =	vst.idx.msk $0xffff, v10;
	v10 =	vshll.u32 v11, $0x7  }
0x7c: {  	[tilespmem:s24], [sflag:$0x1] =	stream.indirect.gather [hbm4b:s6+s23], $0x80, s20, s23, $0xb8;
	v12 =	vor.u32 v0, v10;
	[tilespmem:$0x197E0] =	vst v63  }
0x7d: {  	_ =	swait.ge [sflag:s25], $0x2000  }
0x7e: {  	[sflag:s25] =	ssyncset.done $0x0  }
0x7f: {  	[sflag:s25] =	ssyncadd.s32 $0xFFFFE000  }
0x80: {  	v15 =	vld.idx.msk [tilespmem:v11+s22+$0x0], $0xffff  }
0x81: {  	v12 =	vld.idx.msk [tilespmem:v12+s24+$0x0], $0xffff  }
0x82: {  	v11 =	vshll.u32 v11, $0x6  }
0x83: {  	v13 =	vor.u32 v0, v11  }
0x84: {  	v14 =	vor.u32 v5, v10;
	_ =	sdelay $0x1  }
0x85: {  	v12 =	vmul.f32 v12, v15;
	_ =	sdelay $0x1  }
0x86: {  	[tilespmem:v13+s26+$0x0] =	vst.idx.msk $0xffff, v12  }
0x87: {  	v12 =	vld.idx.msk [tilespmem:v14+s24+$0x0], $0xffff;
	_ =	sdelay $0x1  }
0x88: {  	v13 =	vor.u32 v5, v11  }
0x89: {  	v14 =	vor.u32 v7, v10;
	_ =	sdelay $0x1  }
0x8a: {  	v12 =	vmul.f32 v12, v15;
	_ =	sdelay $0x1  }
0x8b: {  	[tilespmem:v13+s26+$0x0] =	vst.idx.msk $0xffff, v12  }
0x8c: {  	v12 =	vld.idx.msk [tilespmem:v14+s24+$0x0], $0xffff;
	_ =	sdelay $0x1  }
0x8d: {  	v13 =	vor.u32 v7, v11  }
0x8e: {  	v10 =	vor.u32 v9, v10;
	_ =	sdelay $0x1  }
0x8f: {  	v12 =	vmul.f32 v12, v15;
	_ =	sdelay $0x1  }
0x90: {  	[tilespmem:v13+s26+$0x0] =	vst.idx.msk $0xffff, v12  }
0x91: {  	v16 =	vld.idx.msk [tilespmem:v10+s24+$0x0], $0xffff  }
0x92: {  	s1 =	simm.s32 $0x1  }
0x93: {  	v12 =	vmov s1;
	v13 =	vor.u32 v9, v11  }
0x94: {  	v11 =	vshll.u32 v12, $0x7  }
0x95: {  	v14 =	vor.u32 v0, v11  }
0x96: {  	s31 =	simm.s32 $0x2;
	v10 =	vshll.u32 v12, $0x6;
	v15 =	vmul.f32 v16, v15  }
.LBB2_5:
0x97: {  	_ = 	snop  }
0x98: {  	p0 =	sne.s32 s31, $0x3F;
	s0 =	smov.u32 s31;
	s31 =	sadd.s32 $0x1, s31;
	[tilespmem:v13+s26+$0x0] =	vst.idx.msk $0xffff, v15  }
0x99: {  	v15 =	vld.idx.msk [tilespmem:v12+s22+$0x0], $0xffff  }
0x9a: {  	v12 =	vld.idx.msk [tilespmem:v14+s24+$0x0], $0xffff;
	_ =	sdelay $0x2  }
0x9b: {  	v13 =	vor.u32 v0, v10  }
0x9c: {  	v14 =	vor.u32 v5, v11;
	_ =	sdelay $0x1  }
0x9d: {  	v12 =	vmul.f32 v12, v15;
	_ =	sdelay $0x1  }
0x9e: {  	[tilespmem:v13+s26+$0x0] =	vst.idx.msk $0xffff, v12  }
0x9f: {  	v12 =	vld.idx.msk [tilespmem:v14+s24+$0x0], $0xffff;
	_ =	sdelay $0x2  }
0xa0: {  	v13 =	vor.u32 v5, v10  }
0xa1: {  	v14 =	vor.u32 v7, v11;
	_ =	sdelay $0x1  }
0xa2: {  	v12 =	vmul.f32 v12, v15;
	_ =	sdelay $0x1  }
0xa3: {  	[tilespmem:v13+s26+$0x0] =	vst.idx.msk $0xffff, v12  }
0xa4: {  	v12 =	vld.idx.msk [tilespmem:v14+s24+$0x0], $0xffff;
	_ =	sdelay $0x2  }
0xa5: {  	v13 =	vor.u32 v7, v10  }
0xa6: {  	v11 =	vor.u32 v9, v11;
	_ =	sdelay $0x1  }
0xa7: {  	v12 =	vmul.f32 v12, v15;
	_ =	sdelay $0x1  }
0xa8: {  	[tilespmem:v13+s26+$0x0] =	vst.idx.msk $0xffff, v12  }
0xa9: {  	v16 =	vld.idx.msk [tilespmem:v11+s24+$0x0], $0xffff;
	_ =	sdelay $0x1  }
.Ltmp1:
0xaa: {  	(pc) =	sbr.rel @p0 .LBB2_5-.Ltmp1, $4  }
0xab: {  	v12 =	vmov s0;
	v13 =	vor.u32 v9, v10  }
0xac: {  	v11 =	vshll.u32 v12, $0x7;
	v10 =	vshll.u32 v12, $0x6  }
0xad: {  	v14 =	vor.u32 v0, v11  }
0xae: {  	v15 =	vmul.f32 v16, v15  }
0xaf: {  	_ =	sdelay $0x3  }
0xb0: {  	[tilespmem:v13+s26+$0x0] =	vst.idx.msk $0xffff, v15  }
0xb1: {  	v12 =	vld.idx.msk [tilespmem:v12+s22+$0x0], $0xffff  }
0xb2: {  	v13 =	vld.idx.msk [tilespmem:v14+s24+$0x0], $0xffff;
	_ =	sdelay $0x1  }
0xb3: {  	v59 =	vor.u32 v0, v10  }
0xb4: {  	v60 =	vor.u32 v5, v11;
	_ =	sdelay $0x1  }
0xb5: {  	v13 =	vmul.f32 v13, v12;
	_ =	sdelay $0x1  }
0xb6: {  	[tilespmem:v59+s26+$0x0] =	vst.idx.msk $0xffff, v13  }
0xb7: {  	v13 =	vld.idx.msk [tilespmem:v60+s24+$0x0], $0xffff;
	_ =	sdelay $0x1  }
0xb8: {  	v61 =	vor.u32 v5, v10  }
0xb9: {  	v62 =	vor.u32 v7, v11;
	_ =	sdelay $0x1  }
0xba: {  	v13 =	vmul.f32 v13, v12;
	_ =	sdelay $0x1  }
0xbb: {  	[tilespmem:v61+s26+$0x0] =	vst.idx.msk $0xffff, v13  }
0xbc: {  	v13 =	vld.idx.msk [tilespmem:v62+s24+$0x0], $0xffff;
	_ =	sdelay $0x1  }
0xbd: {  	v63 =	vor.u32 v7, v10  }
0xbe: {  	v11 =	vor.u32 v9, v11;
	_ =	sdelay $0x1  }
0xbf: {  	v13 =	vmul.f32 v13, v12;
	_ =	sdelay $0x1  }
0xc0: {  	[tilespmem:v63+s26+$0x0] =	vst.idx.msk $0xffff, v13  }
0xc1: {  	v11 =	vld.idx.msk [tilespmem:v11+s24+$0x0], $0xffff;
	_ =	sdelay $0x1  }
0xc2: {  	v10 =	vor.u32 v9, v10;
	_ =	sdelay $0x2  }
0xc3: {  	s30 =	sadd.s32 $0x1, s30;
	v11 =	vmul.f32 v11, v12  }
0xc4: {  	p0 =	sne.s32 s30, $0xA2  }
.Ltmp2:
0xc5: {  	[tilespmem:v10+s26+$0x0] =	vst.idx.msk $0xffff, v11;
	(pc) =	sbr.rel @p0 .LBB2_4-.Ltmp2, $4  }
0xc6: {  	[spmem:s2] =	stream.indirect.scatter.add.f32 [tilespmem:s26], [sflag:$0x2], $0x40, s21, s23, $0xb8;
	[tilespmem:$0x197E0] =	vst v63  }
0xc7: {  	_ =	swait.ge [sflag:s13], $0x1000  }
0xc8: {  	[sflag:s13] =	ssyncset.done $0x0  }
0xc9: {  	[sflag:s13] =	ssyncadd.s32 $0xFFFFF000  }
0xca: {  	[hbm4b:s10+s3] =	stream.linear.scatter [tilespmem:s17], [sflag:$0x2], $0x2800, $0x38;
	[tilespmem:$0x197E0] =	vst v63  }
0xcb: {  	_ =	swait.ge [sflag:s13], $0x2800  }
0xcc: {  	s28 =	sadd.s32 $0x1, s28;
	[sflag:s13] =	ssyncset.done $0x0  }
0xcd: {  	p0 =	sne.s32 s28, s12;
	[sflag:s13] =	ssyncadd.s32 $0xFFFFD800  }
.Ltmp3:
0xce: {  	[bflag:$0x0] =	sbarrier.arrive $0xFFFF;
	(pc) =	sbr.rel @p0 .LBB2_1-.Ltmp3, $4  }
0xcf: {  	[hbm:s11], [sflag:s18] =	dma.local [spmem:s19], $0x1400  }
0xd0: {  	_ =	swait.ge [sflag:s13], $0x1400  }
0xd1: {  	[sflag:s13] =	ssyncset.done $0x0  }
0xd2: {  	[sflag:s13] =	ssyncadd.s32 $0xFFFFEC00  }
0xd3: {  	_ =	sfence.sel $0x180000  }
0xd4: {  	[bflag:$0x0] =	sbarrier.arrive $0xFFFF  }
0xd5: {  	_ =	strace $0x90000047  }
0xd6: {  	s0 =	stileid.u32;
	[bflag:$0x2] =	sbarrier.arrive $0xFFFF  }
0xd7: {  	p0 =	sne.s32 s0, $0x0;
	s0 =	rddreg [dreg:$0x3]  }
0xd8: {  	s0 =	sadd.s32 @!p0 $0x100000, s0  }
0xd9: {  	[sflag:s0] =	ssyncadd.tile.s32 @!p0 $0x1;
	_ =	shalt  }
.Lfunc_end2:
_tile_overlayer_lowered:
.L_overlay_start_2:
0xda: {  	(tag) =	ssettag $0x2  }
0xdb: {  	s0 =	rddreg [dreg:$0x0];
	s2 =	stileid.u32  }
0xdc: {  	s1 =	rddreg [dreg:$0x1];
	p0 =	sne.s32 s2, $0x0  }
0xdd: {  	s3 =	rddreg [dreg:$0x2];
	[bflag:$0x3] =	sbarrier.arrive $0xFFFF;
	s2 =	simm.s32 @!p0 $0x1C02  }
0xde: {  	[timem:s3], [sflag:s2] =	dma.local @!p0 [hbm:s0], s1  }
0xdf: {  	s0 =	simm.s32 @!p0 $0x2  }
0xe0: {  	_ =	swait.ge @!p0 [sflag:s0], s1  }
0xe1: {  	s1 =	ssub.s32 @!p0 $0x0, s1;
	[sflag:s0] =	ssyncset.done @!p0 $0x0  }
0xe2: {  	[sflag:s0] =	ssyncadd.s32 @!p0 s1  }
0xe3: {  	[bflag:$0x3] =	sbarrier.arrive $0xFFFF  }
0xe4: {  	_ =	shalt  }

// kernel: kernel.17.cloned.1.call-start
scs
__scs_entry_jumppad:
0x0: {  	(pc) =	sbr.rel $0x88, $3  }
0x1: {  	(tag) =	ssettag $0x0;
	lr =	simm.s32 $0x1  }
0x2: {  	[smem:$0x3F85] =	sst lr;
	_ =	strace $0xD0000000  }
0x3: {  	_ = 	snop  }
0x4: {  	_ = 	snop  }
0x5: {  	_ = 	snop  }
0x6: {  	_ = 	snop  }
0x7: {  	_ = 	snop  }
__scs_overlays_trampoline_lowered:
0x8: {  	[smem:$0x3F94] =	sst s0  }
0x9: {  	[smem:$0x3F95] =	sst s1  }
0xa: {  	[smem:$0x3F96] =	sst s2  }
0xb: {  	[smem:$0x3F97] =	sst s3  }
0xc: {  	[smem:$0x3F98] =	sst s4  }
0xd: {  	[smem:$0x3F99] =	sst s5  }
0xe: {  	[smem:$0x3F9A] =	sst s6  }
0xf: {  	[smem:$0x3F9B] =	sst s7  }
0x10: {  	[smem:$0x3F9C] =	sst s8  }
0x11: {  	[smem:$0x3F9D] =	sst s9;
	s0 =	simm.s32 @!p0 $0x0  }
0x12: {  	s1 =	sld [smem:$0x3F83];
	s0 =	simm.s32 @p0 $0x1  }
0x13: {  	[smem:$0x3F9E] =	sst s0;
	s0 =	simm.s32 @!p1 $0x0  }
0x14: {  	s2 =	sld [smem:$0x3F82];
	s0 =	simm.s32 @p1 $0x1  }
0x15: {  	[smem:$0x3F9F] =	sst s0;
	s0 =	simm.s32 @!p2 $0x0  }
0x16: {  	s3 =	sld [smem:$0x3FDB];
	s0 =	simm.s32 @p2 $0x1  }
0x17: {  	s4 =	simm.s32 $0x1BF5;
	[smem:$0x3FA1] =	sst s0  }
0x18: {  	s0 =	sld [smem:$0x3F84];
	_ =	swait.ge [sflag:s4], $0x0  }
0x19: {  	s7 =	sld [smem:$0x3F85]  }
0x1a: {  	s8 =	sadd.s32 $0xFFFFE003, lr  }
0x1b: {  	s9 =	sadd.s32 $0xFFFFFEF7, lr;
	s5 =	simm.s32 $0xFFFFFFFF;
	p2 =	slt.u32 s8, $0xFFFFF086  }
0x1c: {  	p1 =	slt.u32 s9, $0xF7A;
	s5 =	simm.s32 @!p2 $0x0  }
0x1d: {  	s5 =	simm.s32 @p1 $0x1;
	p0 =	seq.s32 s7, s2  }
0x1e: {  	s7 =	smul.u32 @!p0 $0xF7A, s2;
	p2 =	seq.s32 @!p0 s5, $0x0  }
0x1f: {  	s9 =	smul.u32 $0xF7A, s1;
	s8 =	simm.s32 @!p0 $0x1BF5;
	p2 =	por !p2, p0  }
0x20: {  	[sflag:s8] =	ssyncset.s32 @!p0 $0xFFFFF086;
	s6 =	sadd.s32 @!p0 s3, s7;
	s7 =	simm.s32 @!p0 $0x108  }
0x21: {  	s3 =	sadd.s32 s3, s9;
	s6 =	sadd.s32 @!p0 $0x88, s6;
	s7 =	simm.s32 @p2 $0x1082  }
0x22: {  	[simem:s7], [sflag:s8] =	dma.local @!p0 [hbm:s6], $0xF7A  }
0x23: {  	s9 =	sor.u32 $0xD0000000, s2;
	s6 =	simm.s32 $0x108;
	_ =	swait.ge @!p0 [sflag:s8], $0x0  }
0x24: {  	s3 =	sadd.s32 $0x88, s3;
	s6 =	simm.s32 @!p1 $0x1082;
	[sflag:s4] =	ssyncset.s32 $0xFFFFF086  }
0x25: {  	[simem:s6], [sflag:s4] =	dma.local [hbm:s3], $0xF7A  }
0x26: {  	[smem:$0x3F85] =	sst s1;
	(tag) =	ssettag s2;
	_ =	strace s9  }
0x27: {  	s1 =	sld [smem:$0x3F95]  }
0x28: {  	s2 =	sld [smem:$0x3F96]  }
0x29: {  	s4 =	sld [smem:$0x3F98]  }
0x2a: {  	p0 =	seq.s32 s5, $0x0;
	s5 =	sld [smem:$0x3F99]  }
0x2b: {  	s6 =	sld [smem:$0x3F9A]  }
0x2c: {  	s7 =	sld [smem:$0x3F9B]  }
0x2d: {  	s3 =	simm.s32 $0x108;
	s8 =	sld [smem:$0x3F9C]  }
0x2e: {  	s3 =	simm.s32 @!p0 $0x1082;
	s9 =	sld [smem:$0x3F9D]  }
0x2f: {  	lr =	sadd.s32 s0, s3;
	s0 =	sld [smem:$0x3F94]  }
0x30: {  	s3 =	sld [smem:$0x3F97]  }
0x31: {  	[smem:$0x3FA0] =	sst s10  }
0x32: {  	s10 =	sld [smem:$0x3F9E];
	_ =	sdelay $0x3  }
0x33: {  	p0 =	seq.s32 s10, $0x1;
	s10 =	sld [smem:$0x3FA0];
	_ =	sdelay $0x3  }
0x34: {  	[smem:$0x3FA0] =	sst s10  }
0x35: {  	s10 =	sld [smem:$0x3F9F];
	_ =	sdelay $0x3  }
0x36: {  	p1 =	seq.s32 s10, $0x1;
	s10 =	sld [smem:$0x3FA0];
	_ =	sdelay $0x3  }
0x37: {  	[smem:$0x3FA0] =	sst s10  }
0x38: {  	s10 =	sld [smem:$0x3FA1]  }
0x39: {  	_ = 	snop;
	(pc) =	sbr.ind lr, $3  }
0x3a: {  	_ = 	snop  }
0x3b: {  	_ = 	snop  }
0x3c: {  	p2 =	seq.s32 s10, $0x1;
	s10 =	sld [smem:$0x3FA0]  }
0x3d: {  	_ =	shalt  }
0x3e: {  	_ =	shalt  }
0x3f: {  	_ =	shalt  }
0x40: {  	_ =	shalt  }
0x41: {  	_ =	shalt  }
0x42: {  	_ =	shalt  }
0x43: {  	_ =	shalt  }
0x44: {  	_ =	shalt  }
0x45: {  	_ =	shalt  }
0x46: {  	_ =	shalt  }
0x47: {  	_ =	shalt  }
0x48: {  	_ =	shalt  }
0x49: {  	_ =	shalt  }
0x4a: {  	_ =	shalt  }
0x4b: {  	_ =	shalt  }
0x4c: {  	_ =	shalt  }
0x4d: {  	_ =	shalt  }
0x4e: {  	_ =	shalt  }
0x4f: {  	_ =	shalt  }
0x50: {  	_ =	shalt  }
0x51: {  	_ =	shalt  }
0x52: {  	_ =	shalt  }
0x53: {  	_ =	shalt  }
0x54: {  	_ =	shalt  }
0x55: {  	_ =	shalt  }
0x56: {  	_ =	shalt  }
0x57: {  	_ =	shalt  }
0x58: {  	_ =	shalt  }
0x59: {  	_ =	shalt  }
0x5a: {  	_ =	shalt  }
0x5b: {  	_ =	shalt  }
0x5c: {  	_ =	shalt  }
0x5d: {  	_ =	shalt  }
0x5e: {  	_ =	shalt  }
0x5f: {  	_ =	shalt  }
0x60: {  	_ =	shalt  }
0x61: {  	_ =	shalt  }
0x62: {  	_ =	shalt  }
0x63: {  	_ =	shalt  }
0x64: {  	_ =	shalt  }
0x65: {  	_ =	shalt  }
0x66: {  	_ =	shalt  }
0x67: {  	_ =	shalt  }
0x68: {  	_ =	shalt  }
0x69: {  	_ =	shalt  }
0x6a: {  	_ =	shalt  }
0x6b: {  	_ =	shalt  }
0x6c: {  	_ =	shalt  }
0x6d: {  	_ =	shalt  }
0x6e: {  	_ =	shalt  }
0x6f: {  	_ =	shalt  }
0x70: {  	_ =	shalt  }
0x71: {  	_ =	shalt  }
0x72: {  	_ =	shalt  }
0x73: {  	_ =	shalt  }
0x74: {  	_ =	shalt  }
0x75: {  	_ =	shalt  }
0x76: {  	_ =	shalt  }
0x77: {  	_ =	shalt  }
0x78: {  	_ =	shalt  }
0x79: {  	_ =	shalt  }
0x7a: {  	_ =	shalt  }
0x7b: {  	_ =	shalt  }
0x7c: {  	_ =	shalt  }
0x7d: {  	_ =	shalt  }
0x7e: {  	_ =	shalt  }
0x7f: {  	_ =	shalt  }
0x80: {  	_ =	shalt  }
0x81: {  	_ =	shalt  }
0x82: {  	_ =	shalt  }
0x83: {  	_ =	shalt  }
0x84: {  	_ =	shalt  }
0x85: {  	_ =	shalt  }
0x86: {  	_ =	shalt  }
0x87: {  	_ =	shalt  }
.Lfunc_end0:
.L_simem_size_0:
called_computation.2_lowered:
.L_overlay_start_0:
0x88: {  	s2 =	sld [smem:$0x3FD9]  }
0x89: {  	s3 =	sld [smem:$0x3FFE];
	_ =	sdelay $0x1  }
0x8a: {  	s1 =	srdreg.scid  }
0x8b: {  	s0 =	sand.u32 $0x1, s1  }
0x8c: {  	s17 =	sshll.u32 s0, $0xA;
	s2 =	sadd.s32 s3, s2  }
0x8d: {  	s2 =	sadd.s32 s2, s17  }
0x8e: {  	[smem:$0x3FAC] =	sst s2  }
0x8f: {  	_ = 	snop  }
0x90: {  	s2 =	sld [smem:$0x3FD0];
	(tm) =	ssettm $0x1  }
0x91: {  	s18 =	sld [smem:$0x3FFB];
	_ =	sdelay $0x3  }
0x92: {  	_ =	strace s18  }
0x93: {  	s3 =	sld [smem:$0x3FFC];
	_ =	sdelay $0x3  }
0x94: {  	_ =	strace s3  }
0x95: {  	s3 =	sld [smem:$0x3FFD];
	_ =	sdelay $0x3  }
0x96: {  	_ =	strace s3  }
0x97: {  	_ =	strace $0x8FFFFFFF  }
0x98: {  	s19 =	sld [smem:$0x3FDB];
	_ =	sdelay $0x1  }
0x99: {  	s4 =	simm.s32 $_scs_section_size  }
0x9a: {  	s5 =	simm.s32 $_size__tile_overlayer_lowered;
	s6 =	simm.s32 $_tile_overlayer_lowered  }
0x9b: {  	s22 =	simm.s32 $0x1BFF;
	s21 =	sshll.u32 s6, $0x1;
	s3 =	sadd.s32 s4, s19  }
0x9c: {  	s7 =	simm.s32 $0x0;
	s20 =	sshll.u32 s5, $0x1;
	s5 =	sadd.s32 s21, s3  }
0x9d: {  	[timem:s7], [sflag:s22] =	dma.local [hbm:s5], s20  }
0x9e: {  	_ =	swait.ge [sflag:s22], s20  }
0x9f: {  	s4 =	ssub.s32 $0x0, s20;
	[sflag:s22] =	ssyncset.done $0x0  }
0xa0: {  	[sflag:s22] =	ssyncadd.s32 s4;
	_ =	sdelay $0x1  }
0xa1: {  	s23 =	simm.s32 $0x1B8B  }
0xa2: {  	_ =	swait.ge [sflag:s23], $0x1  }
0xa3: {  	[sflag:s23] =	ssyncset.done $0x0  }
0xa4: {  	s25 =	simm.s32 $0x1B8E;
	s24 =	sld [smem:$0x3FFE];
	[sflag:s23] =	ssyncadd.s32 $0xFFFFFFFF  }
0xa5: {  	s26 =	simm.s32 $execute0_lowered;
	[smem:$0x3FD2] =	sst s25  }
0xa6: {  	s5 =	sshll.u32 s26, $0x1;
	_ =	strace $0x80000049;
	[dreg:$0x1] =	wrdreg $0xFFFFFFFF  }
0xa7: {  	s28 =	simm.s32 $_size_execute0_lowered;
	s3 =	sadd.s32 s3, s5;
	[dreg:$0x0] =	wrdreg $0x0  }
0xa8: {  	s5 =	sshll.u32 s28, $0x1;
	[dreg:$0x2] =	wrdreg s3  }
0xa9: {  	[dreg:$0x3] =	wrdreg s5  }
0xaa: {  	[dreg:$0x4] =	wrdreg $0xC0  }
0xab: {  	_ =	task [dreg:s7], $0x5FFFF  }
0xac: {  	[dreg:$0x1] =	wrdreg $0xFFFFFFFF  }
0xad: {  	[dreg:$0x0] =	wrdreg $0x60  }
0xae: {  	[dreg:$0x2] =	wrdreg s24  }
0xaf: {  	[dreg:$0x3] =	wrdreg s2  }
0xb0: {  	[dreg:$0x4] =	wrdreg $0xF7E00  }
0xb1: {  	[dreg:$0x5] =	wrdreg $0x9  }
0xb2: {  	_ =	task.clear_ibuf [dreg:s7], $0x6FFFF;
	_ =	strace $0x90000049  }
0xb3: {  	s29 =	simm.s32 $0x9;
	_ =	strace $0x8000004B  }
0xb4: {  	_ =	swait.ge [sflag:s29], $0x1  }
0xb5: {  	[sflag:s29] =	ssyncadd.s32 $0xFFFFFFFF  }
0xb6: {  	_ =	strace $0x9000004B  }
0xb7: {  	_ =	sfence  }
0xb8: {  	s30 =	sld [smem:$0x0];
	_ =	sdelay $0x2  }
0xb9: {  	s31 =	sshll.u32 s1, $0xD;
	s1 =	sshrl.u32 s1, $0x2  }
0xba: {  	s3 =	sand.u32 $0x4000, s31;
	s1 =	sadd.s32 s1, s30  }
0xbb: {  	s0 =	sor.u32 s3, s0;
	s1 =	sshll.u32 s1, $0x11  }
0xbc: {  	s0 =	sor.u32 s1, s0  }
0xbd: {  	s0 =	sadd.s32 $0x8F2B, s0  }
0xbe: {  	[sflag:s0] =	ssyncadd.remote.s32 $0x1  }
0xbf: {  	_ =	sfence.sel $0xFFFF  }
0xc0: {  	[dreg:$0x0] =	wrdreg $0xFFFFFFFF;
	(pc) =	sbr.abs _section_cstart, $3  }
0xc1: {  	[dreg:$0x1] =	wrdreg $0xFFFFFFFF  }
0xc2: {  	_ =	task.clear_ibuf [dreg:s7], $0x2FFFF;
	_ =	strace $0x9FFFFFFF  }
0xc3: {  	(tm) =	ssettm $0x7FFFFFFF  }
tec
execute0_lowered:
.L_overlay_start_1:
0x0: {  	(tag) =	ssettag $0x1  }
0x1: {  	s1 =	srdreg.scid;
	s8 =	rddreg [dreg:$0x0]  }
0x2: {  	s0 =	stileid.u32;
	s11 =	rddreg [dreg:$0x1]  }
0x3: {  	s2 =	rddreg [dreg:$0x2];
	s3 =	simm.s32 $0x0;
	s17 =	simm.s32 $0x9F20  }
0x4: {  	s21 =	simm.s32 $0xF7A0;
	s22 =	simm.s32 $0xF720;
	s23 =	simm.s32 $0x40  }
0x5: {  	s24 =	simm.s32 $0xC720;
	s25 =	simm.s32 $0x1;
	s28 =	simm.s32 $0x0  }
0x6: {  	s7 =	sand.u32 $0x1, s1;
	s26 =	sshll.u32 s0, $0x1;
	[smem:$0x7FF] =	sst s3  }
0x7: {  	s12 =	smul.u32 $0x2800, s0;
	s5 =	sadd.s32 $0x3DC00, s8;
	s6 =	sadd.s32 $0x16400, s8  }
0x8: {  	s13 =	smul.u32 $0xA000, s0;
	s18 =	sshll.u32 s0, $0x6;
	s1 =	sor.u32 s7, s26  }
0x9: {  	s9 =	smul.u32 $0x28000, s7;
	_ =	strace $0x8000004A;
	s29 =	ssub.s32 $0x2, s7  }
0xa: {  	s15 =	smul.u32 $0xA0000, s7;
	s7 =	sadd.s32 $0x3E200, s8;
	s18 =	sor.u32 $0x1C02, s18  }
0xb: {  	s26 =	simm.s32 $0xE720;
	s19 =	smul.u32 $0x2880, s1;
	s14 =	sshrl.u32 s29, $0x1  }
0xc: {  	s20 =	sadd.s32 s13, s2;
	s9 =	sadd.s32 s12, s9;
	s12 =	ssub.s32 s29, s14  }
0xd: {  	s30 =	sadd.s32 s13, s15;
	s13 =	simm.s32 $0x2;
	s14 =	simm.s32 $0x2880  }
0xe: {  	s15 =	simm.s32 $0x5100;
	s4 =	sshrl.u32 s19, $0x3;
	s9 =	sshrl.u32 s9, $0x3  }
0xf: {  	v0 =	vlaneseq.u32;
	s31 =	sshrl.u32 s30, $0x3;
	s12 =	smax.u32 s12, $0x1;
	v1 =	vmov s19;
	s19 =	sshrl.u32 s20, $0x3  }
0x10: {  	v2 =	vimm.f32 $0.0e+00;
	v3 =	vor.u32 $0xFFFFFFC8, v0;
	s20 =	simm.s32 $0xF760;
	s10 =	sadd.s32 s4, s8;
	s4 =	sadd.s32 $0x3D600, s8  }
0x11: {  	v4 =	vor.u32 $0xFFFFFFD8, v0;
	v5 =	vor.u32 $0x10, v0;
	v6 =	vor.u32 $0xFFFFFFE8, v0;
	s16 =	sadd.s32 s9, s8;
	s11 =	sadd.s32 s11, s31;
	s8 =	sadd.s32 $0xC200, s10  }
0x12: {  	v7 =	vor.u32 $0x20, v0;
	v8 =	vor.u32 $0xFFFFFFF8, v0;
	v9 =	vor.u32 $0x30, v0;
	s9 =	sadd.s32 $0x2000, s10;
	s10 =	sadd.s32 $0x3F600, s16;
	s16 =	simm.s32 $0x7810  }
.LBB2_1:
0x13: {  	[tilespmem:s3], [sflag:$0x2] =	stream.linear.gather [hbm4b:s8+s3], $0x2880, $0x38;
	[tilespmem:$0x197E0] =	vst v63  }
0x14: {  	_ =	swait.ge [sflag:s13], $0x2880  }
0x15: {  	[sflag:s13] =	ssyncset.done $0x0  }
0x16: {  	[sflag:s13] =	ssyncadd.s32 $0xFFFFD780  }
0x17: {  	[tilespmem:s14], [sflag:$0x2] =	stream.linear.gather [hbm4b:s9+s3], $0x2880, $0x38;
	[tilespmem:$0x197E0] =	vst v63  }
0x18: {  	_ =	swait.ge [sflag:s13], $0x2880  }
0x19: {  	[sflag:s13] =	ssyncset.done $0x0  }
0x1a: {  	[sflag:s13] =	ssyncadd.s32 $0xFFFFD780  }
0x1b: {  	[tilespmem:s15], [sflag:$0x2] =	stream.linear.gather [hbm4b:s4+s3], $0x2710, $0x38;
	[tilespmem:$0x197E0] =	vst v63  }
0x1c: {  	_ =	swait.ge [sflag:s13], $0x2710  }
0x1d: {  	[sflag:s13] =	ssyncset.done $0x0  }
0x1e: {  	[sflag:s13] =	ssyncadd.s32 $0xFFFFD8F0  }
0x1f: {  	[tilespmem:s16], [sflag:$0x2] =	stream.linear.gather [hbm4b:s5+s3], $0x2710, $0x38;
	[tilespmem:$0x197E0] =	vst v63  }
0x20: {  	_ =	swait.ge [sflag:s13], $0x2710  }
0x21: {  	[sflag:s13] =	ssyncset.done $0x0  }
0x22: {  	s29 =	simm.s32 $0x10;
	v10 =	vor.u32 s3, v0;
	[sflag:s13] =	ssyncadd.s32 $0xFFFFD8F0  }
.LBB2_2:
0x23: {  	p0 =	sne.s32 s29, $0x27F0  }
.Ltmp0:
0x24: {  	_ = 	snop;
	(pc) =	sbr.rel @p0 .LBB2_2-.Ltmp0, $3  }
0x25: {  	_ =	sdelay $0x1  }
0x26: {  	[tilespmem:v10+s17+$0x0] =	vst.idx.msk $0xffff, v2;
	s30 =	smov.u32 s29;
	s29 =	sadd.s32 $0x10, s29  }
0x27: {  	v10 =	vor.u32 s30, v0  }
0x28: {  	_ =	sdelay $0x3  }
0x29: {  	[tilespmem:v10+s17+$0x0] =	vst.idx.msk $0xffff, v2  }
0x2a: {  	[spmem:s19], [sflag:s18] =	dma.local [hbm:s7], $0x1400  }
0x2b: {  	_ =	swait.ge [sflag:s13], $0x1400  }
0x2c: {  	[sflag:s13] =	ssyncset.done $0x0  }
0x2d: {  	[sflag:s13] =	ssyncadd.s32 $0xFFFFEC00  }
0x2e: {  	s29 =	simm.s32 $0x0;
	s30 =	simm.s32 $0x0;
	[bflag:$0x0] =	sbarrier.arrive $0xFFFF  }
.LBB2_4:
0x2f: {  	s31 =	sshll.u32 s30, $0x6  }
0x30: {  	v10 =	vor.u32 s31, v0  }
0x31: {  	v10 =	vand.u32 v3, v10;
	_ =	sdelay $0x4  }
0x32: {  	v11 =	vld.idx.msk [tilespmem:v10+s29+$0x0], $0xffff  }
0x33: {  	v10 =	vld.idx.msk [tilespmem:v10+s14+$0x0], $0xffff;
	_ =	sdelay $0x4  }
0x34: {  	[tilespmem:v0+s20+$0x0] =	vst.idx.msk $0xffff, v11  }
0x35: {  	[tilespmem:v0+s21+$0x0] =	vst.idx.msk $0xffff, v10  }
0x36: {  	v11 =	vld.idx.msk [tilespmem:v11+s15+$0x0], $0xffff  }
0x37: {  	v12 =	vld.idx.msk [tilespmem:v10+s16+$0x0], $0xffff;
	_ =	sdelay $0x4  }
0x38: {  	v11 =	vadd.f32 v12, v11;
	_ =	sdelay $0x1  }
0x39: {  	v12 =	vmul.f32 $2.000000030e-01, v11  }
0x3a: {  	vm0 =	vgt.f32 v11, $0.0e+00  }
0x3b: {  	v11 =	vsel vm0, v11, v12  }
0x3c: {  	v11 =	vmul.f32 $1.442695020e+00, v11;
	_ =	sdelay $0x1  }
0x3d: {  	(erf) = vpow2.f32 v11;
	_ =	sdelay $0x5  }
0x3e: {  	s1 =	sor.u32 $0x10, s31  }
0x3f: {  	v11 =	vor.u32 s1, v0  }
0x40: {  	v12 =	vadd.s32 s31, v1;
	v11 =	vand.u32 v4, v11  }
0x41: {  	vm9 =	vlt.u32 v12, $0x50910;
	v13 =	vpop (erf)  }
0x42: {  	v12 =	vnsel vm9, $0x0, v13  }
0x43: {  	[tilespmem:v10+s17+$0x0] =	vst.idx.add.f32.msk $0xffff, v12  }
0x44: {  	[tilespmem:v0+s22+$0x0] =	vst.idx.msk $0xffff, v12  }
0x45: {  	v10 =	vld.idx.msk [tilespmem:v11+s29+$0x0], $0xffff  }
0x46: {  	v11 =	vld.idx.msk [tilespmem:v11+s14+$0x0], $0xffff;
	_ =	sdelay $0x4  }
0x47: {  	[tilespmem:v5+s20+$0x0] =	vst.idx.msk $0xffff, v10  }
0x48: {  	[tilespmem:v5+s21+$0x0] =	vst.idx.msk $0xffff, v11  }
0x49: {  	v10 =	vld.idx.msk [tilespmem:v10+s15+$0x0], $0xffff  }
0x4a: {  	v12 =	vld.idx.msk [tilespmem:v11+s16+$0x0], $0xffff;
	_ =	sdelay $0x4  }
0x4b: {  	v10 =	vadd.f32 v12, v10;
	_ =	sdelay $0x1  }
0x4c: {  	v12 =	vmul.f32 $2.000000030e-01, v10  }
0x4d: {  	vm10 =	vgt.f32 v10, $0.0e+00  }
0x4e: {  	v10 =	vsel vm10, v10, v12  }
0x4f: {  	v10 =	vmul.f32 $1.442695020e+00, v10;
	_ =	sdelay $0x1  }
0x50: {  	(erf) = vpow2.f32 v10;
	_ =	sdelay $0x5  }
0x51: {  	s0 =	sor.u32 $0x20, s31  }
0x52: {  	v10 =	vor.u32 s0, v0  }
0x53: {  	v12 =	vadd.s32 s1, v1;
	v10 =	vand.u32 v6, v10  }
0x54: {  	vm11 =	vlt.u32 v12, $0x50910;
	v13 =	vpop (erf)  }
0x55: {  	v12 =	vnsel vm11, $0x0, v13  }
0x56: {  	[tilespmem:v11+s17+$0x0] =	vst.idx.add.f32.msk $0xffff, v12  }
0x57: {  	[tilespmem:v5+s22+$0x0] =	vst.idx.msk $0xffff, v12  }
0x58: {  	v11 =	vld.idx.msk [tilespmem:v10+s29+$0x0], $0xffff  }
0x59: {  	v10 =	vld.idx.msk [tilespmem:v10+s14+$0x0], $0xffff;
	_ =	sdelay $0x4  }
0x5a: {  	[tilespmem:v7+s20+$0x0] =	vst.idx.msk $0xffff, v11  }
0x5b: {  	[tilespmem:v7+s21+$0x0] =	vst.idx.msk $0xffff, v10  }
0x5c: {  	v11 =	vld.idx.msk [tilespmem:v11+s15+$0x0], $0xffff  }
0x5d: {  	v12 =	vld.idx.msk [tilespmem:v10+s16+$0x0], $0xffff;
	_ =	sdelay $0x4  }
0x5e: {  	v11 =	vadd.f32 v12, v11;
	_ =	sdelay $0x1  }
0x5f: {  	v12 =	vmul.f32 $2.000000030e-01, v11  }
0x60: {  	vm12 =	vgt.f32 v11, $0.0e+00  }
0x61: {  	v11 =	vsel vm12, v11, v12  }
0x62: {  	v11 =	vmul.f32 $1.442695020e+00, v11;
	_ =	sdelay $0x1  }
0x63: {  	(erf) = vpow2.f32 v11;
	_ =	sdelay $0x5  }
0x64: {  	s1 =	sor.u32 $0x30, s31  }
0x65: {  	v11 =	vor.u32 s1, v0  }
0x66: {  	v12 =	vadd.s32 s0, v1;
	v11 =	vand.u32 v8, v11  }
0x67: {  	vm13 =	vlt.u32 v12, $0x50910;
	v13 =	vpop (erf)  }
0x68: {  	v12 =	vnsel vm13, $0x0, v13  }
0x69: {  	[tilespmem:v10+s17+$0x0] =	vst.idx.add.f32.msk $0xffff, v12  }
0x6a: {  	[tilespmem:v7+s22+$0x0] =	vst.idx.msk $0xffff, v12  }
0x6b: {  	v10 =	vld.idx.msk [tilespmem:v11+s29+$0x0], $0xffff  }
0x6c: {  	v11 =	vld.idx.msk [tilespmem:v11+s14+$0x0], $0xffff;
	_ =	sdelay $0x4  }
0x6d: {  	[tilespmem:v9+s20+$0x0] =	vst.idx.msk $0xffff, v10  }
0x6e: {  	[tilespmem:v9+s21+$0x0] =	vst.idx.msk $0xffff, v11  }
0x6f: {  	v10 =	vld.idx.msk [tilespmem:v10+s15+$0x0], $0xffff  }
0x70: {  	v12 =	vld.idx.msk [tilespmem:v11+s16+$0x0], $0xffff;
	_ =	sdelay $0x4  }
0x71: {  	v10 =	vadd.f32 v12, v10;
	_ =	sdelay $0x1  }
0x72: {  	v12 =	vmul.f32 $2.000000030e-01, v10  }
0x73: {  	vm14 =	vgt.f32 v10, $0.0e+00  }
0x74: {  	v10 =	vsel vm14, v10, v12  }
0x75: {  	v10 =	vmul.f32 $1.442695020e+00, v10;
	_ =	sdelay $0x1  }
0x76: {  	(erf) = vpow2.f32 v10;
	_ =	sdelay $0x7  }
0x77: {  	v10 =	vadd.s32 s1, v1  }
0x78: {  	vm15 =	vlt.u32 v10, $0x50910;
	v12 =	vpop (erf)  }
0x79: {  	v10 =	vnsel vm15, $0x0, v12  }
0x7a: {  	[tilespmem:v11+s17+$0x0] =	vst.idx.add.f32.msk $0xffff, v10;
	v11 =	vmov s29  }
0x7b: {  	[tilespmem:v9+s22+$0x0] =	vst.idx.msk $0xffff, v10;
	v10 =	vshll.u32 v11, $0x7  }
0x7c: {  	[tilespmem:s24], [sflag:$0x1] =	stream.indirect.gather [hbm4b:s6+s23], $0x80, s20, s23, $0xb8;
	v12 =	vor.u32 v0, v10;
	[tilespmem:$0x197E0] =	vst v63  }
0x7d: {  	_ =	swait.ge [sflag:s25], $0x2000  }
0x7e: {  	[sflag:s25] =	ssyncset.done $0x0  }
0x7f: {  	[sflag:s25] =	ssyncadd.s32 $0xFFFFE000  }
0x80: {  	v15 =	vld.idx.msk [tilespmem:v11+s22+$0x0], $0xffff  }
0x81: {  	v12 =	vld.idx.msk [tilespmem:v12+s24+$0x0], $0xffff  }
0x82: {  	v11 =	vshll.u32 v11, $0x6  }
0x83: {  	v13 =	vor.u32 v0, v11  }
0x84: {  	v14 =	vor.u32 v5, v10;
	_ =	sdelay $0x1  }
0x85: {  	v12 =	vmul.f32 v12, v15;
	_ =	sdelay $0x1  }
0x86: {  	[tilespmem:v13+s26+$0x0] =	vst.idx.msk $0xffff, v12  }
0x87: {  	v12 =	vld.idx.msk [tilespmem:v14+s24+$0x0], $0xffff;
	_ =	sdelay $0x1  }
0x88: {  	v13 =	vor.u32 v5, v11  }
0x89: {  	v14 =	vor.u32 v7, v10;
	_ =	sdelay $0x1  }
0x8a: {  	v12 =	vmul.f32 v12, v15;
	_ =	sdelay $0x1  }
0x8b: {  	[tilespmem:v13+s26+$0x0] =	vst.idx.msk $0xffff, v12  }
0x8c: {  	v12 =	vld.idx.msk [tilespmem:v14+s24+$0x0], $0xffff;
	_ =	sdelay $0x1  }
0x8d: {  	v13 =	vor.u32 v7, v11  }
0x8e: {  	v10 =	vor.u32 v9, v10;
	_ =	sdelay $0x1  }
0x8f: {  	v12 =	vmul.f32 v12, v15;
	_ =	sdelay $0x1  }
0x90: {  	[tilespmem:v13+s26+$0x0] =	vst.idx.msk $0xffff, v12  }
0x91: {  	v16 =	vld.idx.msk [tilespmem:v10+s24+$0x0], $0xffff  }
0x92: {  	s1 =	simm.s32 $0x1  }
0x93: {  	v12 =	vmov s1;
	v13 =	vor.u32 v9, v11  }
0x94: {  	v11 =	vshll.u32 v12, $0x7  }
0x95: {  	v14 =	vor.u32 v0, v11  }
0x96: {  	s31 =	simm.s32 $0x2;
	v10 =	vshll.u32 v12, $0x6;
	v15 =	vmul.f32 v16, v15  }
.LBB2_5:
0x97: {  	_ = 	snop  }
0x98: {  	p0 =	sne.s32 s31, $0x3F;
	s0 =	smov.u32 s31;
	s31 =	sadd.s32 $0x1, s31;
	[tilespmem:v13+s26+$0x0] =	vst.idx.msk $0xffff, v15  }
0x99: {  	v15 =	vld.idx.msk [tilespmem:v12+s22+$0x0], $0xffff  }
0x9a: {  	v12 =	vld.idx.msk [tilespmem:v14+s24+$0x0], $0xffff;
	_ =	sdelay $0x2  }
0x9b: {  	v13 =	vor.u32 v0, v10  }
0x9c: {  	v14 =	vor.u32 v5, v11;
	_ =	sdelay $0x1  }
0x9d: {  	v12 =	vmul.f32 v12, v15;
	_ =	sdelay $0x1  }
0x9e: {  	[tilespmem:v13+s26+$0x0] =	vst.idx.msk $0xffff, v12  }
0x9f: {  	v12 =	vld.idx.msk [tilespmem:v14+s24+$0x0], $0xffff;
	_ =	sdelay $0x2  }
0xa0: {  	v13 =	vor.u32 v5, v10  }
0xa1: {  	v14 =	vor.u32 v7, v11;
	_ =	sdelay $0x1  }
0xa2: {  	v12 =	vmul.f32 v12, v15;
	_ =	sdelay $0x1  }
0xa3: {  	[tilespmem:v13+s26+$0x0] =	vst.idx.msk $0xffff, v12  }
0xa4: {  	v12 =	vld.idx.msk [tilespmem:v14+s24+$0x0], $0xffff;
	_ =	sdelay $0x2  }
0xa5: {  	v13 =	vor.u32 v7, v10  }
0xa6: {  	v11 =	vor.u32 v9, v11;
	_ =	sdelay $0x1  }
0xa7: {  	v12 =	vmul.f32 v12, v15;
	_ =	sdelay $0x1  }
0xa8: {  	[tilespmem:v13+s26+$0x0] =	vst.idx.msk $0xffff, v12  }
0xa9: {  	v16 =	vld.idx.msk [tilespmem:v11+s24+$0x0], $0xffff;
	_ =	sdelay $0x1  }
.Ltmp1:
0xaa: {  	(pc) =	sbr.rel @p0 .LBB2_5-.Ltmp1, $4  }
0xab: {  	v12 =	vmov s0;
	v13 =	vor.u32 v9, v10  }
0xac: {  	v11 =	vshll.u32 v12, $0x7;
	v10 =	vshll.u32 v12, $0x6  }
0xad: {  	v14 =	vor.u32 v0, v11  }
0xae: {  	v15 =	vmul.f32 v16, v15  }
0xaf: {  	_ =	sdelay $0x3  }
0xb0: {  	[tilespmem:v13+s26+$0x0] =	vst.idx.msk $0xffff, v15  }
0xb1: {  	v12 =	vld.idx.msk [tilespmem:v12+s22+$0x0], $0xffff  }
0xb2: {  	v13 =	vld.idx.msk [tilespmem:v14+s24+$0x0], $0xffff;
	_ =	sdelay $0x1  }
0xb3: {  	v59 =	vor.u32 v0, v10  }
0xb4: {  	v60 =	vor.u32 v5, v11;
	_ =	sdelay $0x1  }
0xb5: {  	v13 =	vmul.f32 v13, v12;
	_ =	sdelay $0x1  }
0xb6: {  	[tilespmem:v59+s26+$0x0] =	vst.idx.msk $0xffff, v13  }
0xb7: {  	v13 =	vld.idx.msk [tilespmem:v60+s24+$0x0], $0xffff;
	_ =	sdelay $0x1  }
0xb8: {  	v61 =	vor.u32 v5, v10  }
0xb9: {  	v62 =	vor.u32 v7, v11;
	_ =	sdelay $0x1  }
0xba: {  	v13 =	vmul.f32 v13, v12;
	_ =	sdelay $0x1  }
0xbb: {  	[tilespmem:v61+s26+$0x0] =	vst.idx.msk $0xffff, v13  }
0xbc: {  	v13 =	vld.idx.msk [tilespmem:v62+s24+$0x0], $0xffff;
	_ =	sdelay $0x1  }
0xbd: {  	v63 =	vor.u32 v7, v10  }
0xbe: {  	v11 =	vor.u32 v9, v11;
	_ =	sdelay $0x1  }
0xbf: {  	v13 =	vmul.f32 v13, v12;
	_ =	sdelay $0x1  }
0xc0: {  	[tilespmem:v63+s26+$0x0] =	vst.idx.msk $0xffff, v13  }
0xc1: {  	v11 =	vld.idx.msk [tilespmem:v11+s24+$0x0], $0xffff;
	_ =	sdelay $0x1  }
0xc2: {  	v10 =	vor.u32 v9, v10;
	_ =	sdelay $0x2  }
0xc3: {  	s30 =	sadd.s32 $0x1, s30;
	v11 =	vmul.f32 v11, v12  }
0xc4: {  	p0 =	sne.s32 s30, $0xA2  }
.Ltmp2:
0xc5: {  	[tilespmem:v10+s26+$0x0] =	vst.idx.msk $0xffff, v11;
	(pc) =	sbr.rel @p0 .LBB2_4-.Ltmp2, $4  }
0xc6: {  	[spmem:s2] =	stream.indirect.scatter.add.f32 [tilespmem:s26], [sflag:$0x2], $0x40, s21, s23, $0xb8;
	[tilespmem:$0x197E0] =	vst v63  }
0xc7: {  	_ =	swait.ge [sflag:s13], $0x1000  }
0xc8: {  	[sflag:s13] =	ssyncset.done $0x0  }
0xc9: {  	[sflag:s13] =	ssyncadd.s32 $0xFFFFF000  }
0xca: {  	[hbm4b:s10+s3] =	stream.linear.scatter [tilespmem:s17], [sflag:$0x2], $0x2800, $0x38;
	[tilespmem:$0x197E0] =	vst v63  }
0xcb: {  	_ =	swait.ge [sflag:s13], $0x2800  }
0xcc: {  	s28 =	sadd.s32 $0x1, s28;
	[sflag:s13] =	ssyncset.done $0x0  }
0xcd: {  	p0 =	sne.s32 s28, s12;
	[sflag:s13] =	ssyncadd.s32 $0xFFFFD800  }
.Ltmp3:
0xce: {  	[bflag:$0x0] =	sbarrier.arrive $0xFFFF;
	(pc) =	sbr.rel @p0 .LBB2_1-.Ltmp3, $4  }
0xcf: {  	[hbm:s11], [sflag:s18] =	dma.local [spmem:s19], $0x1400  }
0xd0: {  	_ =	swait.ge [sflag:s13], $0x1400  }
0xd1: {  	[sflag:s13] =	ssyncset.done $0x0  }
0xd2: {  	[sflag:s13] =	ssyncadd.s32 $0xFFFFEC00  }
0xd3: {  	_ =	sfence.sel $0x180000  }
0xd4: {  	[bflag:$0x0] =	sbarrier.arrive $0xFFFF  }
0xd5: {  	_ =	strace $0x9000004A  }
0xd6: {  	s0 =	stileid.u32;
	[bflag:$0x2] =	sbarrier.arrive $0xFFFF  }
0xd7: {  	p0 =	sne.s32 s0, $0x0;
	s0 =	rddreg [dreg:$0x3]  }
0xd8: {  	s0 =	sadd.s32 @!p0 $0x100000, s0  }
0xd9: {  	[sflag:s0] =	ssyncadd.tile.s32 @!p0 $0x1;
	_ =	shalt  }
.Lfunc_end2:
_tile_overlayer_lowered:
.L_overlay_start_2:
0xda: {  	(tag) =	ssettag $0x2  }
0xdb: {  	s0 =	rddreg [dreg:$0x0];
	s2 =	stileid.u32  }
0xdc: {  	s1 =	rddreg [dreg:$0x1];
	p0 =	sne.s32 s2, $0x0  }
0xdd: {  	s3 =	rddreg [dreg:$0x2];
	[bflag:$0x3] =	sbarrier.arrive $0xFFFF;
	s2 =	simm.s32 @!p0 $0x1C02  }
0xde: {  	[timem:s3], [sflag:s2] =	dma.local @!p0 [hbm:s0], s1  }
0xdf: {  	s0 =	simm.s32 @!p0 $0x2  }
0xe0: {  	_ =	swait.ge @!p0 [sflag:s0], s1  }
0xe1: {  	s1 =	ssub.s32 @!p0 $0x0, s1;
	[sflag:s0] =	ssyncset.done @!p0 $0x0  }
0xe2: {  	[sflag:s0] =	ssyncadd.s32 @!p0 s1  }
0xe3: {  	[bflag:$0x3] =	sbarrier.arrive $0xFFFF  }
0xe4: {  	_ =	shalt  }

// kernel: kernel.20.cloned.1.call-start
scs
__scs_entry_jumppad:
0x0: {  	(pc) =	sbr.rel $0x88, $3  }
0x1: {  	(tag) =	ssettag $0x0;
	lr =	simm.s32 $0x1  }
0x2: {  	[smem:$0x3F85] =	sst lr;
	_ =	strace $0xD0000000  }
0x3: {  	_ = 	snop  }
0x4: {  	_ = 	snop  }
0x5: {  	_ = 	snop  }
0x6: {  	_ = 	snop  }
0x7: {  	_ = 	snop  }
__scs_overlays_trampoline_lowered:
0x8: {  	[smem:$0x3F94] =	sst s0  }
0x9: {  	[smem:$0x3F95] =	sst s1  }
0xa: {  	[smem:$0x3F96] =	sst s2  }
0xb: {  	[smem:$0x3F97] =	sst s3  }
0xc: {  	[smem:$0x3F98] =	sst s4  }
0xd: {  	[smem:$0x3F99] =	sst s5  }
0xe: {  	[smem:$0x3F9A] =	sst s6  }
0xf: {  	[smem:$0x3F9B] =	sst s7  }
0x10: {  	[smem:$0x3F9C] =	sst s8  }
0x11: {  	[smem:$0x3F9D] =	sst s9;
	s0 =	simm.s32 @!p0 $0x0  }
0x12: {  	s1 =	sld [smem:$0x3F83];
	s0 =	simm.s32 @p0 $0x1  }
0x13: {  	[smem:$0x3F9E] =	sst s0;
	s0 =	simm.s32 @!p1 $0x0  }
0x14: {  	s2 =	sld [smem:$0x3F82];
	s0 =	simm.s32 @p1 $0x1  }
0x15: {  	[smem:$0x3F9F] =	sst s0;
	s0 =	simm.s32 @!p2 $0x0  }
0x16: {  	s3 =	sld [smem:$0x3FDB];
	s0 =	simm.s32 @p2 $0x1  }
0x17: {  	s4 =	simm.s32 $0x1BF5;
	[smem:$0x3FA1] =	sst s0  }
0x18: {  	s0 =	sld [smem:$0x3F84];
	_ =	swait.ge [sflag:s4], $0x0  }
0x19: {  	s7 =	sld [smem:$0x3F85]  }
0x1a: {  	s8 =	sadd.s32 $0xFFFFE003, lr  }
0x1b: {  	s9 =	sadd.s32 $0xFFFFFEF7, lr;
	s5 =	simm.s32 $0xFFFFFFFF;
	p2 =	slt.u32 s8, $0xFFFFF086  }
0x1c: {  	p1 =	slt.u32 s9, $0xF7A;
	s5 =	simm.s32 @!p2 $0x0  }
0x1d: {  	s5 =	simm.s32 @p1 $0x1;
	p0 =	seq.s32 s7, s2  }
0x1e: {  	s7 =	smul.u32 @!p0 $0xF7A, s2;
	p2 =	seq.s32 @!p0 s5, $0x0  }
0x1f: {  	s9 =	smul.u32 $0xF7A, s1;
	s8 =	simm.s32 @!p0 $0x1BF5;
	p2 =	por !p2, p0  }
0x20: {  	[sflag:s8] =	ssyncset.s32 @!p0 $0xFFFFF086;
	s6 =	sadd.s32 @!p0 s3, s7;
	s7 =	simm.s32 @!p0 $0x108  }
0x21: {  	s3 =	sadd.s32 s3, s9;
	s6 =	sadd.s32 @!p0 $0x88, s6;
	s7 =	simm.s32 @p2 $0x1082  }
0x22: {  	[simem:s7], [sflag:s8] =	dma.local @!p0 [hbm:s6], $0xF7A  }
0x23: {  	s9 =	sor.u32 $0xD0000000, s2;
	s6 =	simm.s32 $0x108;
	_ =	swait.ge @!p0 [sflag:s8], $0x0  }
0x24: {  	s3 =	sadd.s32 $0x88, s3;
	s6 =	simm.s32 @!p1 $0x1082;
	[sflag:s4] =	ssyncset.s32 $0xFFFFF086  }
0x25: {  	[simem:s6], [sflag:s4] =	dma.local [hbm:s3], $0xF7A  }
0x26: {  	[smem:$0x3F85] =	sst s1;
	(tag) =	ssettag s2;
	_ =	strace s9  }
0x27: {  	s1 =	sld [smem:$0x3F95]  }
0x28: {  	s2 =	sld [smem:$0x3F96]  }
0x29: {  	s4 =	sld [smem:$0x3F98]  }
0x2a: {  	p0 =	seq.s32 s5, $0x0;
	s5 =	sld [smem:$0x3F99]  }
0x2b: {  	s6 =	sld [smem:$0x3F9A]  }
0x2c: {  	s7 =	sld [smem:$0x3F9B]  }
0x2d: {  	s3 =	simm.s32 $0x108;
	s8 =	sld [smem:$0x3F9C]  }
0x2e: {  	s3 =	simm.s32 @!p0 $0x1082;
	s9 =	sld [smem:$0x3F9D]  }
0x2f: {  	lr =	sadd.s32 s0, s3;
	s0 =	sld [smem:$0x3F94]  }
0x30: {  	s3 =	sld [smem:$0x3F97]  }
0x31: {  	[smem:$0x3FA0] =	sst s10  }
0x32: {  	s10 =	sld [smem:$0x3F9E];
	_ =	sdelay $0x3  }
0x33: {  	p0 =	seq.s32 s10, $0x1;
	s10 =	sld [smem:$0x3FA0];
	_ =	sdelay $0x3  }
0x34: {  	[smem:$0x3FA0] =	sst s10  }
0x35: {  	s10 =	sld [smem:$0x3F9F];
	_ =	sdelay $0x3  }
0x36: {  	p1 =	seq.s32 s10, $0x1;
	s10 =	sld [smem:$0x3FA0];
	_ =	sdelay $0x3  }
0x37: {  	[smem:$0x3FA0] =	sst s10  }
0x38: {  	s10 =	sld [smem:$0x3FA1]  }
0x39: {  	_ = 	snop;
	(pc) =	sbr.ind lr, $3  }
0x3a: {  	_ = 	snop  }
0x3b: {  	_ = 	snop  }
0x3c: {  	p2 =	seq.s32 s10, $0x1;
	s10 =	sld [smem:$0x3FA0]  }
0x3d: {  	_ =	shalt  }
0x3e: {  	_ =	shalt  }
0x3f: {  	_ =	shalt  }
0x40: {  	_ =	shalt  }
0x41: {  	_ =	shalt  }
0x42: {  	_ =	shalt  }
0x43: {  	_ =	shalt  }
0x44: {  	_ =	shalt  }
0x45: {  	_ =	shalt  }
0x46: {  	_ =	shalt  }
0x47: {  	_ =	shalt  }
0x48: {  	_ =	shalt  }
0x49: {  	_ =	shalt  }
0x4a: {  	_ =	shalt  }
0x4b: {  	_ =	shalt  }
0x4c: {  	_ =	shalt  }
0x4d: {  	_ =	shalt  }
0x4e: {  	_ =	shalt  }
0x4f: {  	_ =	shalt  }
0x50: {  	_ =	shalt  }
0x51: {  	_ =	shalt  }
0x52: {  	_ =	shalt  }
0x53: {  	_ =	shalt  }
0x54: {  	_ =	shalt  }
0x55: {  	_ =	shalt  }
0x56: {  	_ =	shalt  }
0x57: {  	_ =	shalt  }
0x58: {  	_ =	shalt  }
0x59: {  	_ =	shalt  }
0x5a: {  	_ =	shalt  }
0x5b: {  	_ =	shalt  }
0x5c: {  	_ =	shalt  }
0x5d: {  	_ =	shalt  }
0x5e: {  	_ =	shalt  }
0x5f: {  	_ =	shalt  }
0x60: {  	_ =	shalt  }
0x61: {  	_ =	shalt  }
0x62: {  	_ =	shalt  }
0x63: {  	_ =	shalt  }
0x64: {  	_ =	shalt  }
0x65: {  	_ =	shalt  }
0x66: {  	_ =	shalt  }
0x67: {  	_ =	shalt  }
0x68: {  	_ =	shalt  }
0x69: {  	_ =	shalt  }
0x6a: {  	_ =	shalt  }
0x6b: {  	_ =	shalt  }
0x6c: {  	_ =	shalt  }
0x6d: {  	_ =	shalt  }
0x6e: {  	_ =	shalt  }
0x6f: {  	_ =	shalt  }
0x70: {  	_ =	shalt  }
0x71: {  	_ =	shalt  }
0x72: {  	_ =	shalt  }
0x73: {  	_ =	shalt  }
0x74: {  	_ =	shalt  }
0x75: {  	_ =	shalt  }
0x76: {  	_ =	shalt  }
0x77: {  	_ =	shalt  }
0x78: {  	_ =	shalt  }
0x79: {  	_ =	shalt  }
0x7a: {  	_ =	shalt  }
0x7b: {  	_ =	shalt  }
0x7c: {  	_ =	shalt  }
0x7d: {  	_ =	shalt  }
0x7e: {  	_ =	shalt  }
0x7f: {  	_ =	shalt  }
0x80: {  	_ =	shalt  }
0x81: {  	_ =	shalt  }
0x82: {  	_ =	shalt  }
0x83: {  	_ =	shalt  }
0x84: {  	_ =	shalt  }
0x85: {  	_ =	shalt  }
0x86: {  	_ =	shalt  }
0x87: {  	_ =	shalt  }
.Lfunc_end0:
.L_simem_size_0:
called_computation.3_lowered:
.L_overlay_start_0:
0x88: {  	s2 =	sld [smem:$0x3FD9]  }
0x89: {  	s3 =	sld [smem:$0x3FFE];
	_ =	sdelay $0x1  }
0x8a: {  	s1 =	srdreg.scid  }
0x8b: {  	s0 =	sand.u32 $0x1, s1  }
0x8c: {  	s17 =	sshll.u32 s0, $0xA;
	s2 =	sadd.s32 s3, s2  }
0x8d: {  	s2 =	sadd.s32 s2, s17  }
0x8e: {  	[smem:$0x3FAC] =	sst s2  }
0x8f: {  	_ = 	snop  }
0x90: {  	s2 =	sld [smem:$0x3FD0];
	(tm) =	ssettm $0x1  }
0x91: {  	s18 =	sld [smem:$0x3FFB];
	_ =	sdelay $0x3  }
0x92: {  	_ =	strace s18  }
0x93: {  	s3 =	sld [smem:$0x3FFC];
	_ =	sdelay $0x3  }
0x94: {  	_ =	strace s3  }
0x95: {  	s3 =	sld [smem:$0x3FFD];
	_ =	sdelay $0x3  }
0x96: {  	_ =	strace s3  }
0x97: {  	_ =	strace $0x8FFFFFFF  }
0x98: {  	s19 =	sld [smem:$0x3FDB];
	_ =	sdelay $0x1  }
0x99: {  	s4 =	simm.s32 $_scs_section_size  }
0x9a: {  	s5 =	simm.s32 $_size__tile_overlayer_lowered;
	s6 =	simm.s32 $_tile_overlayer_lowered  }
0x9b: {  	s22 =	simm.s32 $0x1BFF;
	s21 =	sshll.u32 s6, $0x1;
	s3 =	sadd.s32 s4, s19  }
0x9c: {  	s7 =	simm.s32 $0x0;
	s20 =	sshll.u32 s5, $0x1;
	s5 =	sadd.s32 s21, s3  }
0x9d: {  	[timem:s7], [sflag:s22] =	dma.local [hbm:s5], s20  }
0x9e: {  	_ =	swait.ge [sflag:s22], s20  }
0x9f: {  	s4 =	ssub.s32 $0x0, s20;
	[sflag:s22] =	ssyncset.done $0x0  }
0xa0: {  	[sflag:s22] =	ssyncadd.s32 s4;
	_ =	sdelay $0x1  }
0xa1: {  	s23 =	simm.s32 $0x1B8B  }
0xa2: {  	_ =	swait.ge [sflag:s23], $0x1  }
0xa3: {  	[sflag:s23] =	ssyncset.done $0x0  }
0xa4: {  	s25 =	simm.s32 $0x1B8E;
	s24 =	sld [smem:$0x3FFE];
	[sflag:s23] =	ssyncadd.s32 $0xFFFFFFFF  }
0xa5: {  	s26 =	simm.s32 $execute0_lowered;
	[smem:$0x3FD2] =	sst s25  }
0xa6: {  	s5 =	sshll.u32 s26, $0x1;
	_ =	strace $0x8000004C;
	[dreg:$0x1] =	wrdreg $0xFFFFFFFF  }
0xa7: {  	s28 =	simm.s32 $_size_execute0_lowered;
	s3 =	sadd.s32 s3, s5;
	[dreg:$0x0] =	wrdreg $0x0  }
0xa8: {  	s5 =	sshll.u32 s28, $0x1;
	[dreg:$0x2] =	wrdreg s3  }
0xa9: {  	[dreg:$0x3] =	wrdreg s5  }
0xaa: {  	[dreg:$0x4] =	wrdreg $0xC0  }
0xab: {  	_ =	task [dreg:s7], $0x5FFFF  }
0xac: {  	[dreg:$0x1] =	wrdreg $0xFFFFFFFF  }
0xad: {  	[dreg:$0x0] =	wrdreg $0x60  }
0xae: {  	[dreg:$0x2] =	wrdreg s24  }
0xaf: {  	[dreg:$0x3] =	wrdreg s2  }
0xb0: {  	[dreg:$0x4] =	wrdreg $0xF7E00  }
0xb1: {  	[dreg:$0x5] =	wrdreg $0x9  }
0xb2: {  	_ =	task.clear_ibuf [dreg:s7], $0x6FFFF;
	_ =	strace $0x9000004C  }
0xb3: {  	s29 =	simm.s32 $0x9;
	_ =	strace $0x8000004E  }
0xb4: {  	_ =	swait.ge [sflag:s29], $0x1  }
0xb5: {  	[sflag:s29] =	ssyncadd.s32 $0xFFFFFFFF  }
0xb6: {  	_ =	strace $0x9000004E  }
0xb7: {  	_ =	sfence  }
0xb8: {  	s30 =	sld [smem:$0x0];
	_ =	sdelay $0x2  }
0xb9: {  	s31 =	sshll.u32 s1, $0xD;
	s1 =	sshrl.u32 s1, $0x2  }
0xba: {  	s3 =	sand.u32 $0x4000, s31;
	s1 =	sadd.s32 s1, s30  }
0xbb: {  	s0 =	sor.u32 s3, s0;
	s1 =	sshll.u32 s1, $0x11  }
0xbc: {  	s0 =	sor.u32 s1, s0  }
0xbd: {  	s0 =	sadd.s32 $0x8F2B, s0  }
0xbe: {  	[sflag:s0] =	ssyncadd.remote.s32 $0x1  }
0xbf: {  	_ =	sfence.sel $0xFFFF  }
0xc0: {  	[dreg:$0x0] =	wrdreg $0xFFFFFFFF;
	(pc) =	sbr.abs _section_cstart, $3  }
0xc1: {  	[dreg:$0x1] =	wrdreg $0xFFFFFFFF  }
0xc2: {  	_ =	task.clear_ibuf [dreg:s7], $0x2FFFF;
	_ =	strace $0x9FFFFFFF  }
0xc3: {  	(tm) =	ssettm $0x7FFFFFFF  }
tec
execute0_lowered:
.L_overlay_start_1:
0x0: {  	(tag) =	ssettag $0x1  }
0x1: {  	s1 =	srdreg.scid;
	s8 =	rddreg [dreg:$0x0]  }
0x2: {  	s0 =	stileid.u32;
	s11 =	rddreg [dreg:$0x1]  }
0x3: {  	s2 =	rddreg [dreg:$0x2];
	s3 =	simm.s32 $0x0;
	s17 =	simm.s32 $0x9F20  }
0x4: {  	s21 =	simm.s32 $0xF7A0;
	s22 =	simm.s32 $0xF720;
	s23 =	simm.s32 $0x40  }
0x5: {  	s24 =	simm.s32 $0xC720;
	s25 =	simm.s32 $0x1;
	s28 =	simm.s32 $0x0  }
0x6: {  	s7 =	sand.u32 $0x1, s1;
	s26 =	sshll.u32 s0, $0x1;
	[smem:$0x7FF] =	sst s3  }
0x7: {  	s12 =	smul.u32 $0x2800, s0;
	s5 =	sadd.s32 $0x3DC00, s8;
	s6 =	sadd.s32 $0x16400, s8  }
0x8: {  	s13 =	smul.u32 $0xA000, s0;
	s18 =	sshll.u32 s0, $0x6;
	s1 =	sor.u32 s7, s26  }
0x9: {  	s9 =	smul.u32 $0x28000, s7;
	_ =	strace $0x8000004D;
	s29 =	ssub.s32 $0x2, s7  }
0xa: {  	s15 =	smul.u32 $0xA0000, s7;
	s7 =	sadd.s32 $0x3E200, s8;
	s18 =	sor.u32 $0x1C02, s18  }
0xb: {  	s26 =	simm.s32 $0xE720;
	s19 =	smul.u32 $0x2880, s1;
	s14 =	sshrl.u32 s29, $0x1  }
0xc: {  	s20 =	sadd.s32 s13, s2;
	s9 =	sadd.s32 s12, s9;
	s12 =	ssub.s32 s29, s14  }
0xd: {  	s30 =	sadd.s32 s13, s15;
	s13 =	simm.s32 $0x2;
	s14 =	simm.s32 $0x2880  }
0xe: {  	s15 =	simm.s32 $0x5100;
	s4 =	sshrl.u32 s19, $0x3;
	s9 =	sshrl.u32 s9, $0x3  }
0xf: {  	v0 =	vlaneseq.u32;
	s31 =	sshrl.u32 s30, $0x3;
	s12 =	smax.u32 s12, $0x1;
	v1 =	vmov s19;
	s19 =	sshrl.u32 s20, $0x3  }
0x10: {  	v2 =	vimm.f32 $0.0e+00;
	v3 =	vor.u32 $0xFFFFFFC8, v0;
	s20 =	simm.s32 $0xF760;
	s10 =	sadd.s32 s4, s8;
	s4 =	sadd.s32 $0x3D600, s8  }
0x11: {  	v4 =	vor.u32 $0xFFFFFFD8, v0;
	v5 =	vor.u32 $0x10, v0;
	v6 =	vor.u32 $0xFFFFFFE8, v0;
	s16 =	sadd.s32 s9, s8;
	s11 =	sadd.s32 s11, s31;
	s8 =	sadd.s32 $0xC200, s10  }
0x12: {  	v7 =	vor.u32 $0x20, v0;
	v8 =	vor.u32 $0xFFFFFFF8, v0;
	v9 =	vor.u32 $0x30, v0;
	s9 =	sadd.s32 $0x2000, s10;
	s10 =	sadd.s32 $0x3F600, s16;
	s16 =	simm.s32 $0x7810  }
.LBB2_1:
0x13: {  	[tilespmem:s3], [sflag:$0x2] =	stream.linear.gather [hbm4b:s8+s3], $0x2880, $0x38;
	[tilespmem:$0x197E0] =	vst v63  }
0x14: {  	_ =	swait.ge [sflag:s13], $0x2880  }
0x15: {  	[sflag:s13] =	ssyncset.done $0x0  }
0x16: {  	[sflag:s13] =	ssyncadd.s32 $0xFFFFD780  }
0x17: {  	[tilespmem:s14], [sflag:$0x2] =	stream.linear.gather [hbm4b:s9+s3], $0x2880, $0x38;
	[tilespmem:$0x197E0] =	vst v63  }
0x18: {  	_ =	swait.ge [sflag:s13], $0x2880  }
0x19: {  	[sflag:s13] =	ssyncset.done $0x0  }
0x1a: {  	[sflag:s13] =	ssyncadd.s32 $0xFFFFD780  }
0x1b: {  	[tilespmem:s15], [sflag:$0x2] =	stream.linear.gather [hbm4b:s4+s3], $0x2710, $0x38;
	[tilespmem:$0x197E0] =	vst v63  }
0x1c: {  	_ =	swait.ge [sflag:s13], $0x2710  }
0x1d: {  	[sflag:s13] =	ssyncset.done $0x0  }
0x1e: {  	[sflag:s13] =	ssyncadd.s32 $0xFFFFD8F0  }
0x1f: {  	[tilespmem:s16], [sflag:$0x2] =	stream.linear.gather [hbm4b:s5+s3], $0x2710, $0x38;
	[tilespmem:$0x197E0] =	vst v63  }
0x20: {  	_ =	swait.ge [sflag:s13], $0x2710  }
0x21: {  	[sflag:s13] =	ssyncset.done $0x0  }
0x22: {  	s29 =	simm.s32 $0x10;
	v10 =	vor.u32 s3, v0;
	[sflag:s13] =	ssyncadd.s32 $0xFFFFD8F0  }
.LBB2_2:
0x23: {  	p0 =	sne.s32 s29, $0x27F0  }
.Ltmp0:
0x24: {  	_ = 	snop;
	(pc) =	sbr.rel @p0 .LBB2_2-.Ltmp0, $3  }
0x25: {  	_ =	sdelay $0x1  }
0x26: {  	[tilespmem:v10+s17+$0x0] =	vst.idx.msk $0xffff, v2;
	s30 =	smov.u32 s29;
	s29 =	sadd.s32 $0x10, s29  }
0x27: {  	v10 =	vor.u32 s30, v0  }
0x28: {  	_ =	sdelay $0x3  }
0x29: {  	[tilespmem:v10+s17+$0x0] =	vst.idx.msk $0xffff, v2  }
0x2a: {  	[spmem:s19], [sflag:s18] =	dma.local [hbm:s7], $0x1400  }
0x2b: {  	_ =	swait.ge [sflag:s13], $0x1400  }
0x2c: {  	[sflag:s13] =	ssyncset.done $0x0  }
0x2d: {  	[sflag:s13] =	ssyncadd.s32 $0xFFFFEC00  }
0x2e: {  	s29 =	simm.s32 $0x0;
	s30 =	simm.s32 $0x0;
	[bflag:$0x0] =	sbarrier.arrive $0xFFFF  }
.LBB2_4:
0x2f: {  	s31 =	sshll.u32 s30, $0x6  }
0x30: {  	v10 =	vor.u32 s31, v0  }
0x31: {  	v10 =	vand.u32 v3, v10;
	_ =	sdelay $0x4  }
0x32: {  	v11 =	vld.idx.msk [tilespmem:v10+s29+$0x0], $0xffff  }
0x33: {  	v10 =	vld.idx.msk [tilespmem:v10+s14+$0x0], $0xffff;
	_ =	sdelay $0x4  }
0x34: {  	[tilespmem:v0+s20+$0x0] =	vst.idx.msk $0xffff, v11  }
0x35: {  	[tilespmem:v0+s21+$0x0] =	vst.idx.msk $0xffff, v10  }
0x36: {  	v11 =	vld.idx.msk [tilespmem:v11+s15+$0x0], $0xffff  }
0x37: {  	v12 =	vld.idx.msk [tilespmem:v10+s16+$0x0], $0xffff;
	_ =	sdelay $0x4  }
0x38: {  	v11 =	vadd.f32 v12, v11;
	_ =	sdelay $0x1  }
0x39: {  	v12 =	vmul.f32 $2.000000030e-01, v11  }
0x3a: {  	vm0 =	vgt.f32 v11, $0.0e+00  }
0x3b: {  	v11 =	vsel vm0, v11, v12  }
0x3c: {  	v11 =	vmul.f32 $1.442695020e+00, v11;
	_ =	sdelay $0x1  }
0x3d: {  	(erf) = vpow2.f32 v11;
	_ =	sdelay $0x5  }
0x3e: {  	s1 =	sor.u32 $0x10, s31  }
0x3f: {  	v11 =	vor.u32 s1, v0  }
0x40: {  	v12 =	vadd.s32 s31, v1;
	v11 =	vand.u32 v4, v11  }
0x41: {  	vm9 =	vlt.u32 v12, $0x50910;
	v13 =	vpop (erf)  }
0x42: {  	v12 =	vnsel vm9, $0x0, v13  }
0x43: {  	[tilespmem:v10+s17+$0x0] =	vst.idx.add.f32.msk $0xffff, v12  }
0x44: {  	[tilespmem:v0+s22+$0x0] =	vst.idx.msk $0xffff, v12  }
0x45: {  	v10 =	vld.idx.msk [tilespmem:v11+s29+$0x0], $0xffff  }
0x46: {  	v11 =	vld.idx.msk [tilespmem:v11+s14+$0x0], $0xffff;
	_ =	sdelay $0x4  }
0x47: {  	[tilespmem:v5+s20+$0x0] =	vst.idx.msk $0xffff, v10  }
0x48: {  	[tilespmem:v5+s21+$0x0] =	vst.idx.msk $0xffff, v11  }
0x49: {  	v10 =	vld.idx.msk [tilespmem:v10+s15+$0x0], $0xffff  }
0x4a: {  	v12 =	vld.idx.msk [tilespmem:v11+s16+$0x0], $0xffff;
	_ =	sdelay $0x4  }
0x4b: {  	v10 =	vadd.f32 v12, v10;
	_ =	sdelay $0x1  }
0x4c: {  	v12 =	vmul.f32 $2.000000030e-01, v10  }
0x4d: {  	vm10 =	vgt.f32 v10, $0.0e+00  }
0x4e: {  	v10 =	vsel vm10, v10, v12  }
0x4f: {  	v10 =	vmul.f32 $1.442695020e+00, v10;
	_ =	sdelay $0x1  }
0x50: {  	(erf) = vpow2.f32 v10;
	_ =	sdelay $0x5  }
0x51: {  	s0 =	sor.u32 $0x20, s31  }
0x52: {  	v10 =	vor.u32 s0, v0  }
0x53: {  	v12 =	vadd.s32 s1, v1;
	v10 =	vand.u32 v6, v10  }
0x54: {  	vm11 =	vlt.u32 v12, $0x50910;
	v13 =	vpop (erf)  }
0x55: {  	v12 =	vnsel vm11, $0x0, v13  }
0x56: {  	[tilespmem:v11+s17+$0x0] =	vst.idx.add.f32.msk $0xffff, v12  }
0x57: {  	[tilespmem:v5+s22+$0x0] =	vst.idx.msk $0xffff, v12  }
0x58: {  	v11 =	vld.idx.msk [tilespmem:v10+s29+$0x0], $0xffff  }
0x59: {  	v10 =	vld.idx.msk [tilespmem:v10+s14+$0x0], $0xffff;
	_ =	sdelay $0x4  }
0x5a: {  	[tilespmem:v7+s20+$0x0] =	vst.idx.msk $0xffff, v11  }
0x5b: {  	[tilespmem:v7+s21+$0x0] =	vst.idx.msk $0xffff, v10  }
0x5c: {  	v11 =	vld.idx.msk [tilespmem:v11+s15+$0x0], $0xffff  }
0x5d: {  	v12 =	vld.idx.msk [tilespmem:v10+s16+$0x0], $0xffff;
	_ =	sdelay $0x4  }
0x5e: {  	v11 =	vadd.f32 v12, v11;
	_ =	sdelay $0x1  }
0x5f: {  	v12 =	vmul.f32 $2.000000030e-01, v11  }
0x60: {  	vm12 =	vgt.f32 v11, $0.0e+00  }
0x61: {  	v11 =	vsel vm12, v11, v12  }
0x62: {  	v11 =	vmul.f32 $1.442695020e+00, v11;
	_ =	sdelay $0x1  }
0x63: {  	(erf) = vpow2.f32 v11;
	_ =	sdelay $0x5  }
0x64: {  	s1 =	sor.u32 $0x30, s31  }
0x65: {  	v11 =	vor.u32 s1, v0  }
0x66: {  	v12 =	vadd.s32 s0, v1;
	v11 =	vand.u32 v8, v11  }
0x67: {  	vm13 =	vlt.u32 v12, $0x50910;
	v13 =	vpop (erf)  }
0x68: {  	v12 =	vnsel vm13, $0x0, v13  }
0x69: {  	[tilespmem:v10+s17+$0x0] =	vst.idx.add.f32.msk $0xffff, v12  }
0x6a: {  	[tilespmem:v7+s22+$0x0] =	vst.idx.msk $0xffff, v12  }
0x6b: {  	v10 =	vld.idx.msk [tilespmem:v11+s29+$0x0], $0xffff  }
0x6c: {  	v11 =	vld.idx.msk [tilespmem:v11+s14+$0x0], $0xffff;
	_ =	sdelay $0x4  }
0x6d: {  	[tilespmem:v9+s20+$0x0] =	vst.idx.msk $0xffff, v10  }
0x6e: {  	[tilespmem:v9+s21+$0x0] =	vst.idx.msk $0xffff, v11  }
0x6f: {  	v10 =	vld.idx.msk [tilespmem:v10+s15+$0x0], $0xffff  }
0x70: {  	v12 =	vld.idx.msk [tilespmem:v11+s16+$0x0], $0xffff;
	_ =	sdelay $0x4  }
0x71: {  	v10 =	vadd.f32 v12, v10;
	_ =	sdelay $0x1  }
0x72: {  	v12 =	vmul.f32 $2.000000030e-01, v10  }
0x73: {  	vm14 =	vgt.f32 v10, $0.0e+00  }
0x74: {  	v10 =	vsel vm14, v10, v12  }
0x75: {  	v10 =	vmul.f32 $1.442695020e+00, v10;
	_ =	sdelay $0x1  }
0x76: {  	(erf) = vpow2.f32 v10;
	_ =	sdelay $0x7  }
0x77: {  	v10 =	vadd.s32 s1, v1  }
0x78: {  	vm15 =	vlt.u32 v10, $0x50910;
	v12 =	vpop (erf)  }
0x79: {  	v10 =	vnsel vm15, $0x0, v12  }
0x7a: {  	[tilespmem:v11+s17+$0x0] =	vst.idx.add.f32.msk $0xffff, v10;
	v11 =	vmov s29  }
0x7b: {  	[tilespmem:v9+s22+$0x0] =	vst.idx.msk $0xffff, v10;
	v10 =	vshll.u32 v11, $0x7  }
0x7c: {  	[tilespmem:s24], [sflag:$0x1] =	stream.indirect.gather [hbm4b:s6+s23], $0x80, s20, s23, $0xb8;
	v12 =	vor.u32 v0, v10;
	[tilespmem:$0x197E0] =	vst v63  }
0x7d: {  	_ =	swait.ge [sflag:s25], $0x2000  }
0x7e: {  	[sflag:s25] =	ssyncset.done $0x0  }
0x7f: {  	[sflag:s25] =	ssyncadd.s32 $0xFFFFE000  }
0x80: {  	v15 =	vld.idx.msk [tilespmem:v11+s22+$0x0], $0xffff  }
0x81: {  	v12 =	vld.idx.msk [tilespmem:v12+s24+$0x0], $0xffff  }
0x82: {  	v11 =	vshll.u32 v11, $0x6  }
0x83: {  	v13 =	vor.u32 v0, v11  }
0x84: {  	v14 =	vor.u32 v5, v10;
	_ =	sdelay $0x1  }
0x85: {  	v12 =	vmul.f32 v12, v15;
	_ =	sdelay $0x1  }
0x86: {  	[tilespmem:v13+s26+$0x0] =	vst.idx.msk $0xffff, v12  }
0x87: {  	v12 =	vld.idx.msk [tilespmem:v14+s24+$0x0], $0xffff;
	_ =	sdelay $0x1  }
0x88: {  	v13 =	vor.u32 v5, v11  }
0x89: {  	v14 =	vor.u32 v7, v10;
	_ =	sdelay $0x1  }
0x8a: {  	v12 =	vmul.f32 v12, v15;
	_ =	sdelay $0x1  }
0x8b: {  	[tilespmem:v13+s26+$0x0] =	vst.idx.msk $0xffff, v12  }
0x8c: {  	v12 =	vld.idx.msk [tilespmem:v14+s24+$0x0], $0xffff;
	_ =	sdelay $0x1  }
0x8d: {  	v13 =	vor.u32 v7, v11  }
0x8e: {  	v10 =	vor.u32 v9, v10;
	_ =	sdelay $0x1  }
0x8f: {  	v12 =	vmul.f32 v12, v15;
	_ =	sdelay $0x1  }
0x90: {  	[tilespmem:v13+s26+$0x0] =	vst.idx.msk $0xffff, v12  }
0x91: {  	v16 =	vld.idx.msk [tilespmem:v10+s24+$0x0], $0xffff  }
0x92: {  	s1 =	simm.s32 $0x1  }
0x93: {  	v12 =	vmov s1;
	v13 =	vor.u32 v9, v11  }
0x94: {  	v11 =	vshll.u32 v12, $0x7  }
0x95: {  	v14 =	vor.u32 v0, v11  }
0x96: {  	s31 =	simm.s32 $0x2;
	v10 =	vshll.u32 v12, $0x6;
	v15 =	vmul.f32 v16, v15  }
.LBB2_5:
0x97: {  	_ = 	snop  }
0x98: {  	p0 =	sne.s32 s31, $0x3F;
	s0 =	smov.u32 s31;
	s31 =	sadd.s32 $0x1, s31;
	[tilespmem:v13+s26+$0x0] =	vst.idx.msk $0xffff, v15  }
0x99: {  	v15 =	vld.idx.msk [tilespmem:v12+s22+$0x0], $0xffff  }
0x9a: {  	v12 =	vld.idx.msk [tilespmem:v14+s24+$0x0], $0xffff;
	_ =	sdelay $0x2  }
0x9b: {  	v13 =	vor.u32 v0, v10  }
0x9c: {  	v14 =	vor.u32 v5, v11;
	_ =	sdelay $0x1  }
0x9d: {  	v12 =	vmul.f32 v12, v15;
	_ =	sdelay $0x1  }
0x9e: {  	[tilespmem:v13+s26+$0x0] =	vst.idx.msk $0xffff, v12  }
0x9f: {  	v12 =	vld.idx.msk [tilespmem:v14+s24+$0x0], $0xffff;
	_ =	sdelay $0x2  }
0xa0: {  	v13 =	vor.u32 v5, v10  }
0xa1: {  	v14 =	vor.u32 v7, v11;
	_ =	sdelay $0x1  }
0xa2: {  	v12 =	vmul.f32 v12, v15;
	_ =	sdelay $0x1  }
0xa3: {  	[tilespmem:v13+s26+$0x0] =	vst.idx.msk $0xffff, v12  }
0xa4: {  	v12 =	vld.idx.msk [tilespmem:v14+s24+$0x0], $0xffff;
	_ =	sdelay $0x2  }
0xa5: {  	v13 =	vor.u32 v7, v10  }
0xa6: {  	v11 =	vor.u32 v9, v11;
	_ =	sdelay $0x1  }
0xa7: {  	v12 =	vmul.f32 v12, v15;
	_ =	sdelay $0x1  }
0xa8: {  	[tilespmem:v13+s26+$0x0] =	vst.idx.msk $0xffff, v12  }
0xa9: {  	v16 =	vld.idx.msk [tilespmem:v11+s24+$0x0], $0xffff;
	_ =	sdelay $0x1  }
.Ltmp1:
0xaa: {  	(pc) =	sbr.rel @p0 .LBB2_5-.Ltmp1, $4  }
0xab: {  	v12 =	vmov s0;
	v13 =	vor.u32 v9, v10  }
0xac: {  	v11 =	vshll.u32 v12, $0x7;
	v10 =	vshll.u32 v12, $0x6  }
0xad: {  	v14 =	vor.u32 v0, v11  }
0xae: {  	v15 =	vmul.f32 v16, v15  }
0xaf: {  	_ =	sdelay $0x3  }
0xb0: {  	[tilespmem:v13+s26+$0x0] =	vst.idx.msk $0xffff, v15  }
0xb1: {  	v12 =	vld.idx.msk [tilespmem:v12+s22+$0x0], $0xffff  }
0xb2: {  	v13 =	vld.idx.msk [tilespmem:v14+s24+$0x0], $0xffff;
	_ =	sdelay $0x1  }
0xb3: {  	v59 =	vor.u32 v0, v10  }
0xb4: {  	v60 =	vor.u32 v5, v11;
	_ =	sdelay $0x1  }
0xb5: {  	v13 =	vmul.f32 v13, v12;
	_ =	sdelay $0x1  }
0xb6: {  	[tilespmem:v59+s26+$0x0] =	vst.idx.msk $0xffff, v13  }
0xb7: {  	v13 =	vld.idx.msk [tilespmem:v60+s24+$0x0], $0xffff;
	_ =	sdelay $0x1  }
0xb8: {  	v61 =	vor.u32 v5, v10  }
0xb9: {  	v62 =	vor.u32 v7, v11;
	_ =	sdelay $0x1  }
0xba: {  	v13 =	vmul.f32 v13, v12;
	_ =	sdelay $0x1  }
0xbb: {  	[tilespmem:v61+s26+$0x0] =	vst.idx.msk $0xffff, v13  }
0xbc: {  	v13 =	vld.idx.msk [tilespmem:v62+s24+$0x0], $0xffff;
	_ =	sdelay $0x1  }
0xbd: {  	v63 =	vor.u32 v7, v10  }
0xbe: {  	v11 =	vor.u32 v9, v11;
	_ =	sdelay $0x1  }
0xbf: {  	v13 =	vmul.f32 v13, v12;
	_ =	sdelay $0x1  }
0xc0: {  	[tilespmem:v63+s26+$0x0] =	vst.idx.msk $0xffff, v13  }
0xc1: {  	v11 =	vld.idx.msk [tilespmem:v11+s24+$0x0], $0xffff;
	_ =	sdelay $0x1  }
0xc2: {  	v10 =	vor.u32 v9, v10;
	_ =	sdelay $0x2  }
0xc3: {  	s30 =	sadd.s32 $0x1, s30;
	v11 =	vmul.f32 v11, v12  }
0xc4: {  	p0 =	sne.s32 s30, $0xA2  }
.Ltmp2:
0xc5: {  	[tilespmem:v10+s26+$0x0] =	vst.idx.msk $0xffff, v11;
	(pc) =	sbr.rel @p0 .LBB2_4-.Ltmp2, $4  }
0xc6: {  	[spmem:s2] =	stream.indirect.scatter.add.f32 [tilespmem:s26], [sflag:$0x2], $0x40, s21, s23, $0xb8;
	[tilespmem:$0x197E0] =	vst v63  }
0xc7: {  	_ =	swait.ge [sflag:s13], $0x1000  }
0xc8: {  	[sflag:s13] =	ssyncset.done $0x0  }
0xc9: {  	[sflag:s13] =	ssyncadd.s32 $0xFFFFF000  }
0xca: {  	[hbm4b:s10+s3] =	stream.linear.scatter [tilespmem:s17], [sflag:$0x2], $0x2800, $0x38;
	[tilespmem:$0x197E0] =	vst v63  }
0xcb: {  	_ =	swait.ge [sflag:s13], $0x2800  }
0xcc: {  	s28 =	sadd.s32 $0x1, s28;
	[sflag:s13] =	ssyncset.done $0x0  }
0xcd: {  	p0 =	sne.s32 s28, s12;
	[sflag:s13] =	ssyncadd.s32 $0xFFFFD800  }
.Ltmp3:
0xce: {  	[bflag:$0x0] =	sbarrier.arrive $0xFFFF;
	(pc) =	sbr.rel @p0 .LBB2_1-.Ltmp3, $4  }
0xcf: {  	[hbm:s11], [sflag:s18] =	dma.local [spmem:s19], $0x1400  }
0xd0: {  	_ =	swait.ge [sflag:s13], $0x1400  }
0xd1: {  	[sflag:s13] =	ssyncset.done $0x0  }
0xd2: {  	[sflag:s13] =	ssyncadd.s32 $0xFFFFEC00  }
0xd3: {  	_ =	sfence.sel $0x180000  }
0xd4: {  	[bflag:$0x0] =	sbarrier.arrive $0xFFFF  }
0xd5: {  	_ =	strace $0x9000004D  }
0xd6: {  	s0 =	stileid.u32;
	[bflag:$0x2] =	sbarrier.arrive $0xFFFF  }
0xd7: {  	p0 =	sne.s32 s0, $0x0;
	s0 =	rddreg [dreg:$0x3]  }
0xd8: {  	s0 =	sadd.s32 @!p0 $0x100000, s0  }
0xd9: {  	[sflag:s0] =	ssyncadd.tile.s32 @!p0 $0x1;
	_ =	shalt  }
.Lfunc_end2:
_tile_overlayer_lowered:
.L_overlay_start_2:
0xda: {  	(tag) =	ssettag $0x2  }
0xdb: {  	s0 =	rddreg [dreg:$0x0];
	s2 =	stileid.u32  }
0xdc: {  	s1 =	rddreg [dreg:$0x1];
	p0 =	sne.s32 s2, $0x0  }
0xdd: {  	s3 =	rddreg [dreg:$0x2];
	[bflag:$0x3] =	sbarrier.arrive $0xFFFF;
	s2 =	simm.s32 @!p0 $0x1C02  }
0xde: {  	[timem:s3], [sflag:s2] =	dma.local @!p0 [hbm:s0], s1  }
0xdf: {  	s0 =	simm.s32 @!p0 $0x2  }
0xe0: {  	_ =	swait.ge @!p0 [sflag:s0], s1  }
0xe1: {  	s1 =	ssub.s32 @!p0 $0x0, s1;
	[sflag:s0] =	ssyncset.done @!p0 $0x0  }
0xe2: {  	[sflag:s0] =	ssyncadd.s32 @!p0 s1  }
0xe3: {  	[bflag:$0x3] =	sbarrier.arrive $0xFFFF  }
0xe4: {  	_ =	shalt  }

// kernel: kernel.23.cloned.1.call-start
scs
__scs_entry_jumppad:
0x0: {  	(pc) =	sbr.rel $0x88, $3  }
0x1: {  	(tag) =	ssettag $0x0;
	lr =	simm.s32 $0x1  }
0x2: {  	[smem:$0x3F85] =	sst lr;
	_ =	strace $0xD0000000  }
0x3: {  	_ = 	snop  }
0x4: {  	_ = 	snop  }
0x5: {  	_ = 	snop  }
0x6: {  	_ = 	snop  }
0x7: {  	_ = 	snop  }
__scs_overlays_trampoline_lowered:
0x8: {  	[smem:$0x3F94] =	sst s0  }
0x9: {  	[smem:$0x3F95] =	sst s1  }
0xa: {  	[smem:$0x3F96] =	sst s2  }
0xb: {  	[smem:$0x3F97] =	sst s3  }
0xc: {  	[smem:$0x3F98] =	sst s4  }
0xd: {  	[smem:$0x3F99] =	sst s5  }
0xe: {  	[smem:$0x3F9A] =	sst s6  }
0xf: {  	[smem:$0x3F9B] =	sst s7  }
0x10: {  	[smem:$0x3F9C] =	sst s8  }
0x11: {  	[smem:$0x3F9D] =	sst s9;
	s0 =	simm.s32 @!p0 $0x0  }
0x12: {  	s1 =	sld [smem:$0x3F83];
	s0 =	simm.s32 @p0 $0x1  }
0x13: {  	[smem:$0x3F9E] =	sst s0;
	s0 =	simm.s32 @!p1 $0x0  }
0x14: {  	s2 =	sld [smem:$0x3F82];
	s0 =	simm.s32 @p1 $0x1  }
0x15: {  	[smem:$0x3F9F] =	sst s0;
	s0 =	simm.s32 @!p2 $0x0  }
0x16: {  	s3 =	sld [smem:$0x3FDB];
	s0 =	simm.s32 @p2 $0x1  }
0x17: {  	s4 =	simm.s32 $0x1BF5;
	[smem:$0x3FA1] =	sst s0  }
0x18: {  	s0 =	sld [smem:$0x3F84];
	_ =	swait.ge [sflag:s4], $0x0  }
0x19: {  	s7 =	sld [smem:$0x3F85]  }
0x1a: {  	s8 =	sadd.s32 $0xFFFFE003, lr  }
0x1b: {  	s9 =	sadd.s32 $0xFFFFFEF7, lr;
	s5 =	simm.s32 $0xFFFFFFFF;
	p2 =	slt.u32 s8, $0xFFFFF086  }
0x1c: {  	p1 =	slt.u32 s9, $0xF7A;
	s5 =	simm.s32 @!p2 $0x0  }
0x1d: {  	s5 =	simm.s32 @p1 $0x1;
	p0 =	seq.s32 s7, s2  }
0x1e: {  	s7 =	smul.u32 @!p0 $0xF7A, s2;
	p2 =	seq.s32 @!p0 s5, $0x0  }
0x1f: {  	s9 =	smul.u32 $0xF7A, s1;
	s8 =	simm.s32 @!p0 $0x1BF5;
	p2 =	por !p2, p0  }
0x20: {  	[sflag:s8] =	ssyncset.s32 @!p0 $0xFFFFF086;
	s6 =	sadd.s32 @!p0 s3, s7;
	s7 =	simm.s32 @!p0 $0x108  }
0x21: {  	s3 =	sadd.s32 s3, s9;
	s6 =	sadd.s32 @!p0 $0x88, s6;
	s7 =	simm.s32 @p2 $0x1082  }
0x22: {  	[simem:s7], [sflag:s8] =	dma.local @!p0 [hbm:s6], $0xF7A  }
0x23: {  	s9 =	sor.u32 $0xD0000000, s2;
	s6 =	simm.s32 $0x108;
	_ =	swait.ge @!p0 [sflag:s8], $0x0  }
0x24: {  	s3 =	sadd.s32 $0x88, s3;
	s6 =	simm.s32 @!p1 $0x1082;
	[sflag:s4] =	ssyncset.s32 $0xFFFFF086  }
0x25: {  	[simem:s6], [sflag:s4] =	dma.local [hbm:s3], $0xF7A  }
0x26: {  	[smem:$0x3F85] =	sst s1;
	(tag) =	ssettag s2;
	_ =	strace s9  }
0x27: {  	s1 =	sld [smem:$0x3F95]  }
0x28: {  	s2 =	sld [smem:$0x3F96]  }
0x29: {  	s4 =	sld [smem:$0x3F98]  }
0x2a: {  	p0 =	seq.s32 s5, $0x0;
	s5 =	sld [smem:$0x3F99]  }
0x2b: {  	s6 =	sld [smem:$0x3F9A]  }
0x2c: {  	s7 =	sld [smem:$0x3F9B]  }
0x2d: {  	s3 =	simm.s32 $0x108;
	s8 =	sld [smem:$0x3F9C]  }
0x2e: {  	s3 =	simm.s32 @!p0 $0x1082;
	s9 =	sld [smem:$0x3F9D]  }
0x2f: {  	lr =	sadd.s32 s0, s3;
	s0 =	sld [smem:$0x3F94]  }
0x30: {  	s3 =	sld [smem:$0x3F97]  }
0x31: {  	[smem:$0x3FA0] =	sst s10  }
0x32: {  	s10 =	sld [smem:$0x3F9E];
	_ =	sdelay $0x3  }
0x33: {  	p0 =	seq.s32 s10, $0x1;
	s10 =	sld [smem:$0x3FA0];
	_ =	sdelay $0x3  }
0x34: {  	[smem:$0x3FA0] =	sst s10  }
0x35: {  	s10 =	sld [smem:$0x3F9F];
	_ =	sdelay $0x3  }
0x36: {  	p1 =	seq.s32 s10, $0x1;
	s10 =	sld [smem:$0x3FA0];
	_ =	sdelay $0x3  }
0x37: {  	[smem:$0x3FA0] =	sst s10  }
0x38: {  	s10 =	sld [smem:$0x3FA1]  }
0x39: {  	_ = 	snop;
	(pc) =	sbr.ind lr, $3  }
0x3a: {  	_ = 	snop  }
0x3b: {  	_ = 	snop  }
0x3c: {  	p2 =	seq.s32 s10, $0x1;
	s10 =	sld [smem:$0x3FA0]  }
0x3d: {  	_ =	shalt  }
0x3e: {  	_ =	shalt  }
0x3f: {  	_ =	shalt  }
0x40: {  	_ =	shalt  }
0x41: {  	_ =	shalt  }
0x42: {  	_ =	shalt  }
0x43: {  	_ =	shalt  }
0x44: {  	_ =	shalt  }
0x45: {  	_ =	shalt  }
0x46: {  	_ =	shalt  }
0x47: {  	_ =	shalt  }
0x48: {  	_ =	shalt  }
0x49: {  	_ =	shalt  }
0x4a: {  	_ =	shalt  }
0x4b: {  	_ =	shalt  }
0x4c: {  	_ =	shalt  }
0x4d: {  	_ =	shalt  }
0x4e: {  	_ =	shalt  }
0x4f: {  	_ =	shalt  }
0x50: {  	_ =	shalt  }
0x51: {  	_ =	shalt  }
0x52: {  	_ =	shalt  }
0x53: {  	_ =	shalt  }
0x54: {  	_ =	shalt  }
0x55: {  	_ =	shalt  }
0x56: {  	_ =	shalt  }
0x57: {  	_ =	shalt  }
0x58: {  	_ =	shalt  }
0x59: {  	_ =	shalt  }
0x5a: {  	_ =	shalt  }
0x5b: {  	_ =	shalt  }
0x5c: {  	_ =	shalt  }
0x5d: {  	_ =	shalt  }
0x5e: {  	_ =	shalt  }
0x5f: {  	_ =	shalt  }
0x60: {  	_ =	shalt  }
0x61: {  	_ =	shalt  }
0x62: {  	_ =	shalt  }
0x63: {  	_ =	shalt  }
0x64: {  	_ =	shalt  }
0x65: {  	_ =	shalt  }
0x66: {  	_ =	shalt  }
0x67: {  	_ =	shalt  }
0x68: {  	_ =	shalt  }
0x69: {  	_ =	shalt  }
0x6a: {  	_ =	shalt  }
0x6b: {  	_ =	shalt  }
0x6c: {  	_ =	shalt  }
0x6d: {  	_ =	shalt  }
0x6e: {  	_ =	shalt  }
0x6f: {  	_ =	shalt  }
0x70: {  	_ =	shalt  }
0x71: {  	_ =	shalt  }
0x72: {  	_ =	shalt  }
0x73: {  	_ =	shalt  }
0x74: {  	_ =	shalt  }
0x75: {  	_ =	shalt  }
0x76: {  	_ =	shalt  }
0x77: {  	_ =	shalt  }
0x78: {  	_ =	shalt  }
0x79: {  	_ =	shalt  }
0x7a: {  	_ =	shalt  }
0x7b: {  	_ =	shalt  }
0x7c: {  	_ =	shalt  }
0x7d: {  	_ =	shalt  }
0x7e: {  	_ =	shalt  }
0x7f: {  	_ =	shalt  }
0x80: {  	_ =	shalt  }
0x81: {  	_ =	shalt  }
0x82: {  	_ =	shalt  }
0x83: {  	_ =	shalt  }
0x84: {  	_ =	shalt  }
0x85: {  	_ =	shalt  }
0x86: {  	_ =	shalt  }
0x87: {  	_ =	shalt  }
.Lfunc_end0:
.L_simem_size_0:
called_computation.4_lowered:
.L_overlay_start_0:
0x88: {  	s2 =	sld [smem:$0x3FD9]  }
0x89: {  	s3 =	sld [smem:$0x3FFE];
	_ =	sdelay $0x1  }
0x8a: {  	s1 =	srdreg.scid  }
0x8b: {  	s0 =	sand.u32 $0x1, s1  }
0x8c: {  	s17 =	sshll.u32 s0, $0xA;
	s2 =	sadd.s32 s3, s2  }
0x8d: {  	s2 =	sadd.s32 s2, s17  }
0x8e: {  	[smem:$0x3FAC] =	sst s2  }
0x8f: {  	_ = 	snop  }
0x90: {  	s2 =	sld [smem:$0x3FD0];
	(tm) =	ssettm $0x1  }
0x91: {  	s18 =	sld [smem:$0x3FFB];
	_ =	sdelay $0x3  }
0x92: {  	_ =	strace s18  }
0x93: {  	s3 =	sld [smem:$0x3FFC];
	_ =	sdelay $0x3  }
0x94: {  	_ =	strace s3  }
0x95: {  	s3 =	sld [smem:$0x3FFD];
	_ =	sdelay $0x3  }
0x96: {  	_ =	strace s3  }
0x97: {  	_ =	strace $0x8FFFFFFF  }
0x98: {  	s19 =	sld [smem:$0x3FDB];
	_ =	sdelay $0x1  }
0x99: {  	s4 =	simm.s32 $_scs_section_size  }
0x9a: {  	s5 =	simm.s32 $_size__tile_overlayer_lowered;
	s6 =	simm.s32 $_tile_overlayer_lowered  }
0x9b: {  	s22 =	simm.s32 $0x1BFF;
	s21 =	sshll.u32 s6, $0x1;
	s3 =	sadd.s32 s4, s19  }
0x9c: {  	s7 =	simm.s32 $0x0;
	s20 =	sshll.u32 s5, $0x1;
	s5 =	sadd.s32 s21, s3  }
0x9d: {  	[timem:s7], [sflag:s22] =	dma.local [hbm:s5], s20  }
0x9e: {  	_ =	swait.ge [sflag:s22], s20  }
0x9f: {  	s4 =	ssub.s32 $0x0, s20;
	[sflag:s22] =	ssyncset.done $0x0  }
0xa0: {  	[sflag:s22] =	ssyncadd.s32 s4;
	_ =	sdelay $0x1  }
0xa1: {  	s23 =	simm.s32 $0x1B8B  }
0xa2: {  	_ =	swait.ge [sflag:s23], $0x1  }
0xa3: {  	[sflag:s23] =	ssyncset.done $0x0  }
0xa4: {  	s25 =	simm.s32 $0x1B8E;
	s24 =	sld [smem:$0x3FFE];
	[sflag:s23] =	ssyncadd.s32 $0xFFFFFFFF  }
0xa5: {  	s26 =	simm.s32 $execute0_lowered;
	[smem:$0x3FD2] =	sst s25  }
0xa6: {  	s5 =	sshll.u32 s26, $0x1;
	_ =	strace $0x8000004F;
	[dreg:$0x1] =	wrdreg $0xFFFFFFFF  }
0xa7: {  	s28 =	simm.s32 $_size_execute0_lowered;
	s3 =	sadd.s32 s3, s5;
	[dreg:$0x0] =	wrdreg $0x0  }
0xa8: {  	s5 =	sshll.u32 s28, $0x1;
	[dreg:$0x2] =	wrdreg s3  }
0xa9: {  	[dreg:$0x3] =	wrdreg s5  }
0xaa: {  	[dreg:$0x4] =	wrdreg $0xC0  }
0xab: {  	_ =	task [dreg:s7], $0x5FFFF  }
0xac: {  	[dreg:$0x1] =	wrdreg $0xFFFFFFFF  }
0xad: {  	[dreg:$0x0] =	wrdreg $0x60  }
0xae: {  	[dreg:$0x2] =	wrdreg s24  }
0xaf: {  	[dreg:$0x3] =	wrdreg s2  }
0xb0: {  	[dreg:$0x4] =	wrdreg $0xF7E00  }
0xb1: {  	[dreg:$0x5] =	wrdreg $0x9  }
0xb2: {  	_ =	task.clear_ibuf [dreg:s7], $0x6FFFF;
	_ =	strace $0x9000004F  }
0xb3: {  	s29 =	simm.s32 $0x9;
	_ =	strace $0x80000051  }
0xb4: {  	_ =	swait.ge [sflag:s29], $0x1  }
0xb5: {  	[sflag:s29] =	ssyncadd.s32 $0xFFFFFFFF  }
0xb6: {  	_ =	strace $0x90000051  }
0xb7: {  	_ =	sfence  }
0xb8: {  	s30 =	sld [smem:$0x0];
	_ =	sdelay $0x2  }
0xb9: {  	s31 =	sshll.u32 s1, $0xD;
	s1 =	sshrl.u32 s1, $0x2  }
0xba: {  	s3 =	sand.u32 $0x4000, s31;
	s1 =	sadd.s32 s1, s30  }
0xbb: {  	s0 =	sor.u32 s3, s0;
	s1 =	sshll.u32 s1, $0x11  }
0xbc: {  	s0 =	sor.u32 s1, s0  }
0xbd: {  	s0 =	sadd.s32 $0x8F2B, s0  }
0xbe: {  	[sflag:s0] =	ssyncadd.remote.s32 $0x1  }
0xbf: {  	_ =	sfence.sel $0xFFFF  }
0xc0: {  	[dreg:$0x0] =	wrdreg $0xFFFFFFFF;
	(pc) =	sbr.abs _section_cstart, $3  }
0xc1: {  	[dreg:$0x1] =	wrdreg $0xFFFFFFFF  }
0xc2: {  	_ =	task.clear_ibuf [dreg:s7], $0x2FFFF;
	_ =	strace $0x9FFFFFFF  }
0xc3: {  	(tm) =	ssettm $0x7FFFFFFF  }
tec
execute0_lowered:
.L_overlay_start_1:
0x0: {  	(tag) =	ssettag $0x1  }
0x1: {  	s1 =	srdreg.scid;
	s8 =	rddreg [dreg:$0x0]  }
0x2: {  	s0 =	stileid.u32;
	s11 =	rddreg [dreg:$0x1]  }
0x3: {  	s2 =	rddreg [dreg:$0x2];
	s3 =	simm.s32 $0x0;
	s17 =	simm.s32 $0x9F20  }
0x4: {  	s21 =	simm.s32 $0xF7A0;
	s22 =	simm.s32 $0xF720;
	s23 =	simm.s32 $0x40  }
0x5: {  	s24 =	simm.s32 $0xC720;
	s25 =	simm.s32 $0x1;
	s28 =	simm.s32 $0x0  }
0x6: {  	s7 =	sand.u32 $0x1, s1;
	s26 =	sshll.u32 s0, $0x1;
	[smem:$0x7FF] =	sst s3  }
0x7: {  	s12 =	smul.u32 $0x2800, s0;
	s5 =	sadd.s32 $0x3DC00, s8;
	s6 =	sadd.s32 $0x16400, s8  }
0x8: {  	s13 =	smul.u32 $0xA000, s0;
	s18 =	sshll.u32 s0, $0x6;
	s1 =	sor.u32 s7, s26  }
0x9: {  	s9 =	smul.u32 $0x28000, s7;
	_ =	strace $0x80000050;
	s29 =	ssub.s32 $0x2, s7  }
0xa: {  	s15 =	smul.u32 $0xA0000, s7;
	s7 =	sadd.s32 $0x3E200, s8;
	s18 =	sor.u32 $0x1C02, s18  }
0xb: {  	s26 =	simm.s32 $0xE720;
	s19 =	smul.u32 $0x2880, s1;
	s14 =	sshrl.u32 s29, $0x1  }
0xc: {  	s20 =	sadd.s32 s13, s2;
	s9 =	sadd.s32 s12, s9;
	s12 =	ssub.s32 s29, s14  }
0xd: {  	s30 =	sadd.s32 s13, s15;
	s13 =	simm.s32 $0x2;
	s14 =	simm.s32 $0x2880  }
0xe: {  	s15 =	simm.s32 $0x5100;
	s4 =	sshrl.u32 s19, $0x3;
	s9 =	sshrl.u32 s9, $0x3  }
0xf: {  	v0 =	vlaneseq.u32;
	s31 =	sshrl.u32 s30, $0x3;
	s12 =	smax.u32 s12, $0x1;
	v1 =	vmov s19;
	s19 =	sshrl.u32 s20, $0x3  }
0x10: {  	v2 =	vimm.f32 $0.0e+00;
	v3 =	vor.u32 $0xFFFFFFC8, v0;
	s20 =	simm.s32 $0xF760;
	s10 =	sadd.s32 s4, s8;
	s4 =	sadd.s32 $0x3D600, s8  }
0x11: {  	v4 =	vor.u32 $0xFFFFFFD8, v0;
	v5 =	vor.u32 $0x10, v0;
	v6 =	vor.u32 $0xFFFFFFE8, v0;
	s16 =	sadd.s32 s9, s8;
	s11 =	sadd.s32 s11, s31;
	s8 =	sadd.s32 $0xC200, s10  }
0x12: {  	v7 =	vor.u32 $0x20, v0;
	v8 =	vor.u32 $0xFFFFFFF8, v0;
	v9 =	vor.u32 $0x30, v0;
	s9 =	sadd.s32 $0x2000, s10;
	s10 =	sadd.s32 $0x3F600, s16;
	s16 =	simm.s32 $0x7810  }
.LBB2_1:
0x13: {  	[tilespmem:s3], [sflag:$0x2] =	stream.linear.gather [hbm4b:s8+s3], $0x2880, $0x38;
	[tilespmem:$0x197E0] =	vst v63  }
0x14: {  	_ =	swait.ge [sflag:s13], $0x2880  }
0x15: {  	[sflag:s13] =	ssyncset.done $0x0  }
0x16: {  	[sflag:s13] =	ssyncadd.s32 $0xFFFFD780  }
0x17: {  	[tilespmem:s14], [sflag:$0x2] =	stream.linear.gather [hbm4b:s9+s3], $0x2880, $0x38;
	[tilespmem:$0x197E0] =	vst v63  }
0x18: {  	_ =	swait.ge [sflag:s13], $0x2880  }
0x19: {  	[sflag:s13] =	ssyncset.done $0x0  }
0x1a: {  	[sflag:s13] =	ssyncadd.s32 $0xFFFFD780  }
0x1b: {  	[tilespmem:s15], [sflag:$0x2] =	stream.linear.gather [hbm4b:s4+s3], $0x2710, $0x38;
	[tilespmem:$0x197E0] =	vst v63  }
0x1c: {  	_ =	swait.ge [sflag:s13], $0x2710  }
0x1d: {  	[sflag:s13] =	ssyncset.done $0x0  }
0x1e: {  	[sflag:s13] =	ssyncadd.s32 $0xFFFFD8F0  }
0x1f: {  	[tilespmem:s16], [sflag:$0x2] =	stream.linear.gather [hbm4b:s5+s3], $0x2710, $0x38;
	[tilespmem:$0x197E0] =	vst v63  }
0x20: {  	_ =	swait.ge [sflag:s13], $0x2710  }
0x21: {  	[sflag:s13] =	ssyncset.done $0x0  }
0x22: {  	s29 =	simm.s32 $0x10;
	v10 =	vor.u32 s3, v0;
	[sflag:s13] =	ssyncadd.s32 $0xFFFFD8F0  }
.LBB2_2:
0x23: {  	p0 =	sne.s32 s29, $0x27F0  }
.Ltmp0:
0x24: {  	_ = 	snop;
	(pc) =	sbr.rel @p0 .LBB2_2-.Ltmp0, $3  }
0x25: {  	_ =	sdelay $0x1  }
0x26: {  	[tilespmem:v10+s17+$0x0] =	vst.idx.msk $0xffff, v2;
	s30 =	smov.u32 s29;
	s29 =	sadd.s32 $0x10, s29  }
0x27: {  	v10 =	vor.u32 s30, v0  }
0x28: {  	_ =	sdelay $0x3  }
0x29: {  	[tilespmem:v10+s17+$0x0] =	vst.idx.msk $0xffff, v2  }
0x2a: {  	[spmem:s19], [sflag:s18] =	dma.local [hbm:s7], $0x1400  }
0x2b: {  	_ =	swait.ge [sflag:s13], $0x1400  }
0x2c: {  	[sflag:s13] =	ssyncset.done $0x0  }
0x2d: {  	[sflag:s13] =	ssyncadd.s32 $0xFFFFEC00  }
0x2e: {  	s29 =	simm.s32 $0x0;
	s30 =	simm.s32 $0x0;
	[bflag:$0x0] =	sbarrier.arrive $0xFFFF  }
.LBB2_4:
0x2f: {  	s31 =	sshll.u32 s30, $0x6  }
0x30: {  	v10 =	vor.u32 s31, v0  }
0x31: {  	v10 =	vand.u32 v3, v10;
	_ =	sdelay $0x4  }
0x32: {  	v11 =	vld.idx.msk [tilespmem:v10+s29+$0x0], $0xffff  }
0x33: {  	v10 =	vld.idx.msk [tilespmem:v10+s14+$0x0], $0xffff;
	_ =	sdelay $0x4  }
0x34: {  	[tilespmem:v0+s20+$0x0] =	vst.idx.msk $0xffff, v11  }
0x35: {  	[tilespmem:v0+s21+$0x0] =	vst.idx.msk $0xffff, v10  }
0x36: {  	v11 =	vld.idx.msk [tilespmem:v11+s15+$0x0], $0xffff  }
0x37: {  	v12 =	vld.idx.msk [tilespmem:v10+s16+$0x0], $0xffff;
	_ =	sdelay $0x4  }
0x38: {  	v11 =	vadd.f32 v12, v11;
	_ =	sdelay $0x1  }
0x39: {  	v12 =	vmul.f32 $2.000000030e-01, v11  }
0x3a: {  	vm0 =	vgt.f32 v11, $0.0e+00  }
0x3b: {  	v11 =	vsel vm0, v11, v12  }
0x3c: {  	v11 =	vmul.f32 $1.442695020e+00, v11;
	_ =	sdelay $0x1  }
0x3d: {  	(erf) = vpow2.f32 v11;
	_ =	sdelay $0x5  }
0x3e: {  	s1 =	sor.u32 $0x10, s31  }
0x3f: {  	v11 =	vor.u32 s1, v0  }
0x40: {  	v12 =	vadd.s32 s31, v1;
	v11 =	vand.u32 v4, v11  }
0x41: {  	vm9 =	vlt.u32 v12, $0x50910;
	v13 =	vpop (erf)  }
0x42: {  	v12 =	vnsel vm9, $0x0, v13  }
0x43: {  	[tilespmem:v10+s17+$0x0] =	vst.idx.add.f32.msk $0xffff, v12  }
0x44: {  	[tilespmem:v0+s22+$0x0] =	vst.idx.msk $0xffff, v12  }
0x45: {  	v10 =	vld.idx.msk [tilespmem:v11+s29+$0x0], $0xffff  }
0x46: {  	v11 =	vld.idx.msk [tilespmem:v11+s14+$0x0], $0xffff;
	_ =	sdelay $0x4  }
0x47: {  	[tilespmem:v5+s20+$0x0] =	vst.idx.msk $0xffff, v10  }
0x48: {  	[tilespmem:v5+s21+$0x0] =	vst.idx.msk $0xffff, v11  }
0x49: {  	v10 =	vld.idx.msk [tilespmem:v10+s15+$0x0], $0xffff  }
0x4a: {  	v12 =	vld.idx.msk [tilespmem:v11+s16+$0x0], $0xffff;
	_ =	sdelay $0x4  }
0x4b: {  	v10 =	vadd.f32 v12, v10;
	_ =	sdelay $0x1  }
0x4c: {  	v12 =	vmul.f32 $2.000000030e-01, v10  }
0x4d: {  	vm10 =	vgt.f32 v10, $0.0e+00  }
0x4e: {  	v10 =	vsel vm10, v10, v12  }
0x4f: {  	v10 =	vmul.f32 $1.442695020e+00, v10;
	_ =	sdelay $0x1  }
0x50: {  	(erf) = vpow2.f32 v10;
	_ =	sdelay $0x5  }
0x51: {  	s0 =	sor.u32 $0x20, s31  }
0x52: {  	v10 =	vor.u32 s0, v0  }
0x53: {  	v12 =	vadd.s32 s1, v1;
	v10 =	vand.u32 v6, v10  }
0x54: {  	vm11 =	vlt.u32 v12, $0x50910;
	v13 =	vpop (erf)  }
0x55: {  	v12 =	vnsel vm11, $0x0, v13  }
0x56: {  	[tilespmem:v11+s17+$0x0] =	vst.idx.add.f32.msk $0xffff, v12  }
0x57: {  	[tilespmem:v5+s22+$0x0] =	vst.idx.msk $0xffff, v12  }
0x58: {  	v11 =	vld.idx.msk [tilespmem:v10+s29+$0x0], $0xffff  }
0x59: {  	v10 =	vld.idx.msk [tilespmem:v10+s14+$0x0], $0xffff;
	_ =	sdelay $0x4  }
0x5a: {  	[tilespmem:v7+s20+$0x0] =	vst.idx.msk $0xffff, v11  }
0x5b: {  	[tilespmem:v7+s21+$0x0] =	vst.idx.msk $0xffff, v10  }
0x5c: {  	v11 =	vld.idx.msk [tilespmem:v11+s15+$0x0], $0xffff  }
0x5d: {  	v12 =	vld.idx.msk [tilespmem:v10+s16+$0x0], $0xffff;
	_ =	sdelay $0x4  }
0x5e: {  	v11 =	vadd.f32 v12, v11;
	_ =	sdelay $0x1  }
0x5f: {  	v12 =	vmul.f32 $2.000000030e-01, v11  }
0x60: {  	vm12 =	vgt.f32 v11, $0.0e+00  }
0x61: {  	v11 =	vsel vm12, v11, v12  }
0x62: {  	v11 =	vmul.f32 $1.442695020e+00, v11;
	_ =	sdelay $0x1  }
0x63: {  	(erf) = vpow2.f32 v11;
	_ =	sdelay $0x5  }
0x64: {  	s1 =	sor.u32 $0x30, s31  }
0x65: {  	v11 =	vor.u32 s1, v0  }
0x66: {  	v12 =	vadd.s32 s0, v1;
	v11 =	vand.u32 v8, v11  }
0x67: {  	vm13 =	vlt.u32 v12, $0x50910;
	v13 =	vpop (erf)  }
0x68: {  	v12 =	vnsel vm13, $0x0, v13  }
0x69: {  	[tilespmem:v10+s17+$0x0] =	vst.idx.add.f32.msk $0xffff, v12  }
0x6a: {  	[tilespmem:v7+s22+$0x0] =	vst.idx.msk $0xffff, v12  }
0x6b: {  	v10 =	vld.idx.msk [tilespmem:v11+s29+$0x0], $0xffff  }
0x6c: {  	v11 =	vld.idx.msk [tilespmem:v11+s14+$0x0], $0xffff;
	_ =	sdelay $0x4  }
0x6d: {  	[tilespmem:v9+s20+$0x0] =	vst.idx.msk $0xffff, v10  }
0x6e: {  	[tilespmem:v9+s21+$0x0] =	vst.idx.msk $0xffff, v11  }
0x6f: {  	v10 =	vld.idx.msk [tilespmem:v10+s15+$0x0], $0xffff  }
0x70: {  	v12 =	vld.idx.msk [tilespmem:v11+s16+$0x0], $0xffff;
	_ =	sdelay $0x4  }
0x71: {  	v10 =	vadd.f32 v12, v10;
	_ =	sdelay $0x1  }
0x72: {  	v12 =	vmul.f32 $2.000000030e-01, v10  }
0x73: {  	vm14 =	vgt.f32 v10, $0.0e+00  }
0x74: {  	v10 =	vsel vm14, v10, v12  }
0x75: {  	v10 =	vmul.f32 $1.442695020e+00, v10;
	_ =	sdelay $0x1  }
0x76: {  	(erf) = vpow2.f32 v10;
	_ =	sdelay $0x7  }
0x77: {  	v10 =	vadd.s32 s1, v1  }
0x78: {  	vm15 =	vlt.u32 v10, $0x50910;
	v12 =	vpop (erf)  }
0x79: {  	v10 =	vnsel vm15, $0x0, v12  }
0x7a: {  	[tilespmem:v11+s17+$0x0] =	vst.idx.add.f32.msk $0xffff, v10;
	v11 =	vmov s29  }
0x7b: {  	[tilespmem:v9+s22+$0x0] =	vst.idx.msk $0xffff, v10;
	v10 =	vshll.u32 v11, $0x7  }
0x7c: {  	[tilespmem:s24], [sflag:$0x1] =	stream.indirect.gather [hbm4b:s6+s23], $0x80, s20, s23, $0xb8;
	v12 =	vor.u32 v0, v10;
	[tilespmem:$0x197E0] =	vst v63  }
0x7d: {  	_ =	swait.ge [sflag:s25], $0x2000  }
0x7e: {  	[sflag:s25] =	ssyncset.done $0x0  }
0x7f: {  	[sflag:s25] =	ssyncadd.s32 $0xFFFFE000  }
0x80: {  	v15 =	vld.idx.msk [tilespmem:v11+s22+$0x0], $0xffff  }
0x81: {  	v12 =	vld.idx.msk [tilespmem:v12+s24+$0x0], $0xffff  }
0x82: {  	v11 =	vshll.u32 v11, $0x6  }
0x83: {  	v13 =	vor.u32 v0, v11  }
0x84: {  	v14 =	vor.u32 v5, v10;
	_ =	sdelay $0x1  }
0x85: {  	v12 =	vmul.f32 v12, v15;
	_ =	sdelay $0x1  }
0x86: {  	[tilespmem:v13+s26+$0x0] =	vst.idx.msk $0xffff, v12  }
0x87: {  	v12 =	vld.idx.msk [tilespmem:v14+s24+$0x0], $0xffff;
	_ =	sdelay $0x1  }
0x88: {  	v13 =	vor.u32 v5, v11  }
0x89: {  	v14 =	vor.u32 v7, v10;
	_ =	sdelay $0x1  }
0x8a: {  	v12 =	vmul.f32 v12, v15;
	_ =	sdelay $0x1  }
0x8b: {  	[tilespmem:v13+s26+$0x0] =	vst.idx.msk $0xffff, v12  }
0x8c: {  	v12 =	vld.idx.msk [tilespmem:v14+s24+$0x0], $0xffff;
	_ =	sdelay $0x1  }
0x8d: {  	v13 =	vor.u32 v7, v11  }
0x8e: {  	v10 =	vor.u32 v9, v10;
	_ =	sdelay $0x1  }
0x8f: {  	v12 =	vmul.f32 v12, v15;
	_ =	sdelay $0x1  }
0x90: {  	[tilespmem:v13+s26+$0x0] =	vst.idx.msk $0xffff, v12  }
0x91: {  	v16 =	vld.idx.msk [tilespmem:v10+s24+$0x0], $0xffff  }
0x92: {  	s1 =	simm.s32 $0x1  }
0x93: {  	v12 =	vmov s1;
	v13 =	vor.u32 v9, v11  }
0x94: {  	v11 =	vshll.u32 v12, $0x7  }
0x95: {  	v14 =	vor.u32 v0, v11  }
0x96: {  	s31 =	simm.s32 $0x2;
	v10 =	vshll.u32 v12, $0x6;
	v15 =	vmul.f32 v16, v15  }
.LBB2_5:
0x97: {  	_ = 	snop  }
0x98: {  	p0 =	sne.s32 s31, $0x3F;
	s0 =	smov.u32 s31;
	s31 =	sadd.s32 $0x1, s31;
	[tilespmem:v13+s26+$0x0] =	vst.idx.msk $0xffff, v15  }
0x99: {  	v15 =	vld.idx.msk [tilespmem:v12+s22+$0x0], $0xffff  }
0x9a: {  	v12 =	vld.idx.msk [tilespmem:v14+s24+$0x0], $0xffff;
	_ =	sdelay $0x2  }
0x9b: {  	v13 =	vor.u32 v0, v10  }
0x9c: {  	v14 =	vor.u32 v5, v11;
	_ =	sdelay $0x1  }
0x9d: {  	v12 =	vmul.f32 v12, v15;
	_ =	sdelay $0x1  }
0x9e: {  	[tilespmem:v13+s26+$0x0] =	vst.idx.msk $0xffff, v12  }
0x9f: {  	v12 =	vld.idx.msk [tilespmem:v14+s24+$0x0], $0xffff;
	_ =	sdelay $0x2  }
0xa0: {  	v13 =	vor.u32 v5, v10  }
0xa1: {  	v14 =	vor.u32 v7, v11;
	_ =	sdelay $0x1  }
0xa2: {  	v12 =	vmul.f32 v12, v15;
	_ =	sdelay $0x1  }
0xa3: {  	[tilespmem:v13+s26+$0x0] =	vst.idx.msk $0xffff, v12  }
0xa4: {  	v12 =	vld.idx.msk [tilespmem:v14+s24+$0x0], $0xffff;
	_ =	sdelay $0x2  }
0xa5: {  	v13 =	vor.u32 v7, v10  }
0xa6: {  	v11 =	vor.u32 v9, v11;
	_ =	sdelay $0x1  }
0xa7: {  	v12 =	vmul.f32 v12, v15;
	_ =	sdelay $0x1  }
0xa8: {  	[tilespmem:v13+s26+$0x0] =	vst.idx.msk $0xffff, v12  }
0xa9: {  	v16 =	vld.idx.msk [tilespmem:v11+s24+$0x0], $0xffff;
	_ =	sdelay $0x1  }
.Ltmp1:
0xaa: {  	(pc) =	sbr.rel @p0 .LBB2_5-.Ltmp1, $4  }
0xab: {  	v12 =	vmov s0;
	v13 =	vor.u32 v9, v10  }
0xac: {  	v11 =	vshll.u32 v12, $0x7;
	v10 =	vshll.u32 v12, $0x6  }
0xad: {  	v14 =	vor.u32 v0, v11  }
0xae: {  	v15 =	vmul.f32 v16, v15  }
0xaf: {  	_ =	sdelay $0x3  }
0xb0: {  	[tilespmem:v13+s26+$0x0] =	vst.idx.msk $0xffff, v15  }
0xb1: {  	v12 =	vld.idx.msk [tilespmem:v12+s22+$0x0], $0xffff  }
0xb2: {  	v13 =	vld.idx.msk [tilespmem:v14+s24+$0x0], $0xffff;
	_ =	sdelay $0x1  }
0xb3: {  	v59 =	vor.u32 v0, v10  }
0xb4: {  	v60 =	vor.u32 v5, v11;
	_ =	sdelay $0x1  }
0xb5: {  	v13 =	vmul.f32 v13, v12;
	_ =	sdelay $0x1  }
0xb6: {  	[tilespmem:v59+s26+$0x0] =	vst.idx.msk $0xffff, v13  }
0xb7: {  	v13 =	vld.idx.msk [tilespmem:v60+s24+$0x0], $0xffff;
	_ =	sdelay $0x1  }
0xb8: {  	v61 =	vor.u32 v5, v10  }
0xb9: {  	v62 =	vor.u32 v7, v11;
	_ =	sdelay $0x1  }
0xba: {  	v13 =	vmul.f32 v13, v12;
	_ =	sdelay $0x1  }
0xbb: {  	[tilespmem:v61+s26+$0x0] =	vst.idx.msk $0xffff, v13  }
0xbc: {  	v13 =	vld.idx.msk [tilespmem:v62+s24+$0x0], $0xffff;
	_ =	sdelay $0x1  }
0xbd: {  	v63 =	vor.u32 v7, v10  }
0xbe: {  	v11 =	vor.u32 v9, v11;
	_ =	sdelay $0x1  }
0xbf: {  	v13 =	vmul.f32 v13, v12;
	_ =	sdelay $0x1  }
0xc0: {  	[tilespmem:v63+s26+$0x0] =	vst.idx.msk $0xffff, v13  }
0xc1: {  	v11 =	vld.idx.msk [tilespmem:v11+s24+$0x0], $0xffff;
	_ =	sdelay $0x1  }
0xc2: {  	v10 =	vor.u32 v9, v10;
	_ =	sdelay $0x2  }
0xc3: {  	s30 =	sadd.s32 $0x1, s30;
	v11 =	vmul.f32 v11, v12  }
0xc4: {  	p0 =	sne.s32 s30, $0xA2  }
.Ltmp2:
0xc5: {  	[tilespmem:v10+s26+$0x0] =	vst.idx.msk $0xffff, v11;
	(pc) =	sbr.rel @p0 .LBB2_4-.Ltmp2, $4  }
0xc6: {  	[spmem:s2] =	stream.indirect.scatter.add.f32 [tilespmem:s26], [sflag:$0x2], $0x40, s21, s23, $0xb8;
	[tilespmem:$0x197E0] =	vst v63  }
0xc7: {  	_ =	swait.ge [sflag:s13], $0x1000  }
0xc8: {  	[sflag:s13] =	ssyncset.done $0x0  }
0xc9: {  	[sflag:s13] =	ssyncadd.s32 $0xFFFFF000  }
0xca: {  	[hbm4b:s10+s3] =	stream.linear.scatter [tilespmem:s17], [sflag:$0x2], $0x2800, $0x38;
	[tilespmem:$0x197E0] =	vst v63  }
0xcb: {  	_ =	swait.ge [sflag:s13], $0x2800  }
0xcc: {  	s28 =	sadd.s32 $0x1, s28;
	[sflag:s13] =	ssyncset.done $0x0  }
0xcd: {  	p0 =	sne.s32 s28, s12;
	[sflag:s13] =	ssyncadd.s32 $0xFFFFD800  }
.Ltmp3:
0xce: {  	[bflag:$0x0] =	sbarrier.arrive $0xFFFF;
	(pc) =	sbr.rel @p0 .LBB2_1-.Ltmp3, $4  }
0xcf: {  	[hbm:s11], [sflag:s18] =	dma.local [spmem:s19], $0x1400  }
0xd0: {  	_ =	swait.ge [sflag:s13], $0x1400  }
0xd1: {  	[sflag:s13] =	ssyncset.done $0x0  }
0xd2: {  	[sflag:s13] =	ssyncadd.s32 $0xFFFFEC00  }
0xd3: {  	_ =	sfence.sel $0x180000  }
0xd4: {  	[bflag:$0x0] =	sbarrier.arrive $0xFFFF  }
0xd5: {  	_ =	strace $0x90000050  }
0xd6: {  	s0 =	stileid.u32;
	[bflag:$0x2] =	sbarrier.arrive $0xFFFF  }
0xd7: {  	p0 =	sne.s32 s0, $0x0;
	s0 =	rddreg [dreg:$0x3]  }
0xd8: {  	s0 =	sadd.s32 @!p0 $0x100000, s0  }
0xd9: {  	[sflag:s0] =	ssyncadd.tile.s32 @!p0 $0x1;
	_ =	shalt  }
.Lfunc_end2:
_tile_overlayer_lowered:
.L_overlay_start_2:
0xda: {  	(tag) =	ssettag $0x2  }
0xdb: {  	s0 =	rddreg [dreg:$0x0];
	s2 =	stileid.u32  }
0xdc: {  	s1 =	rddreg [dreg:$0x1];
	p0 =	sne.s32 s2, $0x0  }
0xdd: {  	s3 =	rddreg [dreg:$0x2];
	[bflag:$0x3] =	sbarrier.arrive $0xFFFF;
	s2 =	simm.s32 @!p0 $0x1C02  }
0xde: {  	[timem:s3], [sflag:s2] =	dma.local @!p0 [hbm:s0], s1  }
0xdf: {  	s0 =	simm.s32 @!p0 $0x2  }
0xe0: {  	_ =	swait.ge @!p0 [sflag:s0], s1  }
0xe1: {  	s1 =	ssub.s32 @!p0 $0x0, s1;
	[sflag:s0] =	ssyncset.done @!p0 $0x0  }
0xe2: {  	[sflag:s0] =	ssyncadd.s32 @!p0 s1  }
0xe3: {  	[bflag:$0x3] =	sbarrier.arrive $0xFFFF  }
0xe4: {  	_ =	shalt  }

// kernel: kernel.26.cloned.1.call-start
scs
__scs_entry_jumppad:
0x0: {  	(pc) =	sbr.rel $0x88, $3  }
0x1: {  	(tag) =	ssettag $0x0;
	lr =	simm.s32 $0x1  }
0x2: {  	[smem:$0x3F85] =	sst lr;
	_ =	strace $0xD0000000  }
0x3: {  	_ = 	snop  }
0x4: {  	_ = 	snop  }
0x5: {  	_ = 	snop  }
0x6: {  	_ = 	snop  }
0x7: {  	_ = 	snop  }
__scs_overlays_trampoline_lowered:
0x8: {  	[smem:$0x3F94] =	sst s0  }
0x9: {  	[smem:$0x3F95] =	sst s1  }
0xa: {  	[smem:$0x3F96] =	sst s2  }
0xb: {  	[smem:$0x3F97] =	sst s3  }
0xc: {  	[smem:$0x3F98] =	sst s4  }
0xd: {  	[smem:$0x3F99] =	sst s5  }
0xe: {  	[smem:$0x3F9A] =	sst s6  }
0xf: {  	[smem:$0x3F9B] =	sst s7  }
0x10: {  	[smem:$0x3F9C] =	sst s8  }
0x11: {  	[smem:$0x3F9D] =	sst s9;
	s0 =	simm.s32 @!p0 $0x0  }
0x12: {  	s1 =	sld [smem:$0x3F83];
	s0 =	simm.s32 @p0 $0x1  }
0x13: {  	[smem:$0x3F9E] =	sst s0;
	s0 =	simm.s32 @!p1 $0x0  }
0x14: {  	s2 =	sld [smem:$0x3F82];
	s0 =	simm.s32 @p1 $0x1  }
0x15: {  	[smem:$0x3F9F] =	sst s0;
	s0 =	simm.s32 @!p2 $0x0  }
0x16: {  	s3 =	sld [smem:$0x3FDB];
	s0 =	simm.s32 @p2 $0x1  }
0x17: {  	s4 =	simm.s32 $0x1BF5;
	[smem:$0x3FA1] =	sst s0  }
0x18: {  	s0 =	sld [smem:$0x3F84];
	_ =	swait.ge [sflag:s4], $0x0  }
0x19: {  	s7 =	sld [smem:$0x3F85]  }
0x1a: {  	s8 =	sadd.s32 $0xFFFFE003, lr  }
0x1b: {  	s9 =	sadd.s32 $0xFFFFFEF7, lr;
	s5 =	simm.s32 $0xFFFFFFFF;
	p2 =	slt.u32 s8, $0xFFFFF086  }
0x1c: {  	p1 =	slt.u32 s9, $0xF7A;
	s5 =	simm.s32 @!p2 $0x0  }
0x1d: {  	s5 =	simm.s32 @p1 $0x1;
	p0 =	seq.s32 s7, s2  }
0x1e: {  	s7 =	smul.u32 @!p0 $0xF7A, s2;
	p2 =	seq.s32 @!p0 s5, $0x0  }
0x1f: {  	s9 =	smul.u32 $0xF7A, s1;
	s8 =	simm.s32 @!p0 $0x1BF5;
	p2 =	por !p2, p0  }
0x20: {  	[sflag:s8] =	ssyncset.s32 @!p0 $0xFFFFF086;
	s6 =	sadd.s32 @!p0 s3, s7;
	s7 =	simm.s32 @!p0 $0x108  }
0x21: {  	s3 =	sadd.s32 s3, s9;
	s6 =	sadd.s32 @!p0 $0x88, s6;
	s7 =	simm.s32 @p2 $0x1082  }
0x22: {  	[simem:s7], [sflag:s8] =	dma.local @!p0 [hbm:s6], $0xF7A  }
0x23: {  	s9 =	sor.u32 $0xD0000000, s2;
	s6 =	simm.s32 $0x108;
	_ =	swait.ge @!p0 [sflag:s8], $0x0  }
0x24: {  	s3 =	sadd.s32 $0x88, s3;
	s6 =	simm.s32 @!p1 $0x1082;
	[sflag:s4] =	ssyncset.s32 $0xFFFFF086  }
0x25: {  	[simem:s6], [sflag:s4] =	dma.local [hbm:s3], $0xF7A  }
0x26: {  	[smem:$0x3F85] =	sst s1;
	(tag) =	ssettag s2;
	_ =	strace s9  }
0x27: {  	s1 =	sld [smem:$0x3F95]  }
0x28: {  	s2 =	sld [smem:$0x3F96]  }
0x29: {  	s4 =	sld [smem:$0x3F98]  }
0x2a: {  	p0 =	seq.s32 s5, $0x0;
	s5 =	sld [smem:$0x3F99]  }
0x2b: {  	s6 =	sld [smem:$0x3F9A]  }
0x2c: {  	s7 =	sld [smem:$0x3F9B]  }
0x2d: {  	s3 =	simm.s32 $0x108;
	s8 =	sld [smem:$0x3F9C]  }
0x2e: {  	s3 =	simm.s32 @!p0 $0x1082;
	s9 =	sld [smem:$0x3F9D]  }
0x2f: {  	lr =	sadd.s32 s0, s3;
	s0 =	sld [smem:$0x3F94]  }
0x30: {  	s3 =	sld [smem:$0x3F97]  }
0x31: {  	[smem:$0x3FA0] =	sst s10  }
0x32: {  	s10 =	sld [smem:$0x3F9E];
	_ =	sdelay $0x3  }
0x33: {  	p0 =	seq.s32 s10, $0x1;
	s10 =	sld [smem:$0x3FA0];
	_ =	sdelay $0x3  }
0x34: {  	[smem:$0x3FA0] =	sst s10  }
0x35: {  	s10 =	sld [smem:$0x3F9F];
	_ =	sdelay $0x3  }
0x36: {  	p1 =	seq.s32 s10, $0x1;
	s10 =	sld [smem:$0x3FA0];
	_ =	sdelay $0x3  }
0x37: {  	[smem:$0x3FA0] =	sst s10  }
0x38: {  	s10 =	sld [smem:$0x3FA1]  }
0x39: {  	_ = 	snop;
	(pc) =	sbr.ind lr, $3  }
0x3a: {  	_ = 	snop  }
0x3b: {  	_ = 	snop  }
0x3c: {  	p2 =	seq.s32 s10, $0x1;
	s10 =	sld [smem:$0x3FA0]  }
0x3d: {  	_ =	shalt  }
0x3e: {  	_ =	shalt  }
0x3f: {  	_ =	shalt  }
0x40: {  	_ =	shalt  }
0x41: {  	_ =	shalt  }
0x42: {  	_ =	shalt  }
0x43: {  	_ =	shalt  }
0x44: {  	_ =	shalt  }
0x45: {  	_ =	shalt  }
0x46: {  	_ =	shalt  }
0x47: {  	_ =	shalt  }
0x48: {  	_ =	shalt  }
0x49: {  	_ =	shalt  }
0x4a: {  	_ =	shalt  }
0x4b: {  	_ =	shalt  }
0x4c: {  	_ =	shalt  }
0x4d: {  	_ =	shalt  }
0x4e: {  	_ =	shalt  }
0x4f: {  	_ =	shalt  }
0x50: {  	_ =	shalt  }
0x51: {  	_ =	shalt  }
0x52: {  	_ =	shalt  }
0x53: {  	_ =	shalt  }
0x54: {  	_ =	shalt  }
0x55: {  	_ =	shalt  }
0x56: {  	_ =	shalt  }
0x57: {  	_ =	shalt  }
0x58: {  	_ =	shalt  }
0x59: {  	_ =	shalt  }
0x5a: {  	_ =	shalt  }
0x5b: {  	_ =	shalt  }
0x5c: {  	_ =	shalt  }
0x5d: {  	_ =	shalt  }
0x5e: {  	_ =	shalt  }
0x5f: {  	_ =	shalt  }
0x60: {  	_ =	shalt  }
0x61: {  	_ =	shalt  }
0x62: {  	_ =	shalt  }
0x63: {  	_ =	shalt  }
0x64: {  	_ =	shalt  }
0x65: {  	_ =	shalt  }
0x66: {  	_ =	shalt  }
0x67: {  	_ =	shalt  }
0x68: {  	_ =	shalt  }
0x69: {  	_ =	shalt  }
0x6a: {  	_ =	shalt  }
0x6b: {  	_ =	shalt  }
0x6c: {  	_ =	shalt  }
0x6d: {  	_ =	shalt  }
0x6e: {  	_ =	shalt  }
0x6f: {  	_ =	shalt  }
0x70: {  	_ =	shalt  }
0x71: {  	_ =	shalt  }
0x72: {  	_ =	shalt  }
0x73: {  	_ =	shalt  }
0x74: {  	_ =	shalt  }
0x75: {  	_ =	shalt  }
0x76: {  	_ =	shalt  }
0x77: {  	_ =	shalt  }
0x78: {  	_ =	shalt  }
0x79: {  	_ =	shalt  }
0x7a: {  	_ =	shalt  }
0x7b: {  	_ =	shalt  }
0x7c: {  	_ =	shalt  }
0x7d: {  	_ =	shalt  }
0x7e: {  	_ =	shalt  }
0x7f: {  	_ =	shalt  }
0x80: {  	_ =	shalt  }
0x81: {  	_ =	shalt  }
0x82: {  	_ =	shalt  }
0x83: {  	_ =	shalt  }
0x84: {  	_ =	shalt  }
0x85: {  	_ =	shalt  }
0x86: {  	_ =	shalt  }
0x87: {  	_ =	shalt  }
.Lfunc_end0:
.L_simem_size_0:
called_computation.5_lowered:
.L_overlay_start_0:
0x88: {  	s2 =	sld [smem:$0x3FD9]  }
0x89: {  	s3 =	sld [smem:$0x3FFE];
	_ =	sdelay $0x1  }
0x8a: {  	s1 =	srdreg.scid  }
0x8b: {  	s0 =	sand.u32 $0x1, s1  }
0x8c: {  	s17 =	sshll.u32 s0, $0xA;
	s2 =	sadd.s32 s3, s2  }
0x8d: {  	s2 =	sadd.s32 s2, s17  }
0x8e: {  	[smem:$0x3FAC] =	sst s2  }
0x8f: {  	_ = 	snop  }
0x90: {  	s2 =	sld [smem:$0x3FD0];
	(tm) =	ssettm $0x1  }
0x91: {  	s18 =	sld [smem:$0x3FFB];
	_ =	sdelay $0x3  }
0x92: {  	_ =	strace s18  }
0x93: {  	s3 =	sld [smem:$0x3FFC];
	_ =	sdelay $0x3  }
0x94: {  	_ =	strace s3  }
0x95: {  	s3 =	sld [smem:$0x3FFD];
	_ =	sdelay $0x3  }
0x96: {  	_ =	strace s3  }
0x97: {  	_ =	strace $0x8FFFFFFF  }
0x98: {  	s19 =	sld [smem:$0x3FDB];
	_ =	sdelay $0x1  }
0x99: {  	s4 =	simm.s32 $_scs_section_size  }
0x9a: {  	s5 =	simm.s32 $_size__tile_overlayer_lowered;
	s6 =	simm.s32 $_tile_overlayer_lowered  }
0x9b: {  	s22 =	simm.s32 $0x1BFF;
	s21 =	sshll.u32 s6, $0x1;
	s3 =	sadd.s32 s4, s19  }
0x9c: {  	s7 =	simm.s32 $0x0;
	s20 =	sshll.u32 s5, $0x1;
	s5 =	sadd.s32 s21, s3  }
0x9d: {  	[timem:s7], [sflag:s22] =	dma.local [hbm:s5], s20  }
0x9e: {  	_ =	swait.ge [sflag:s22], s20  }
0x9f: {  	s4 =	ssub.s32 $0x0, s20;
	[sflag:s22] =	ssyncset.done $0x0  }
0xa0: {  	[sflag:s22] =	ssyncadd.s32 s4;
	_ =	sdelay $0x1  }
0xa1: {  	s23 =	simm.s32 $0x1B8B  }
0xa2: {  	_ =	swait.ge [sflag:s23], $0x1  }
0xa3: {  	[sflag:s23] =	ssyncset.done $0x0  }
0xa4: {  	s25 =	simm.s32 $0x1B8E;
	s24 =	sld [smem:$0x3FFE];
	[sflag:s23] =	ssyncadd.s32 $0xFFFFFFFF  }
0xa5: {  	s26 =	simm.s32 $execute0_lowered;
	[smem:$0x3FD2] =	sst s25  }
0xa6: {  	s5 =	sshll.u32 s26, $0x1;
	_ =	strace $0x80000052;
	[dreg:$0x1] =	wrdreg $0xFFFFFFFF  }
0xa7: {  	s28 =	simm.s32 $_size_execute0_lowered;
	s3 =	sadd.s32 s3, s5;
	[dreg:$0x0] =	wrdreg $0x0  }
0xa8: {  	s5 =	sshll.u32 s28, $0x1;
	[dreg:$0x2] =	wrdreg s3  }
0xa9: {  	[dreg:$0x3] =	wrdreg s5  }
0xaa: {  	[dreg:$0x4] =	wrdreg $0xC0  }
0xab: {  	_ =	task [dreg:s7], $0x5FFFF  }
0xac: {  	[dreg:$0x1] =	wrdreg $0xFFFFFFFF  }
0xad: {  	[dreg:$0x0] =	wrdreg $0x60  }
0xae: {  	[dreg:$0x2] =	wrdreg s24  }
0xaf: {  	[dreg:$0x3] =	wrdreg s2  }
0xb0: {  	[dreg:$0x4] =	wrdreg $0xF7E00  }
0xb1: {  	[dreg:$0x5] =	wrdreg $0x9  }
0xb2: {  	_ =	task.clear_ibuf [dreg:s7], $0x6FFFF;
	_ =	strace $0x90000052  }
0xb3: {  	s29 =	simm.s32 $0x9;
	_ =	strace $0x80000054  }
0xb4: {  	_ =	swait.ge [sflag:s29], $0x1  }
0xb5: {  	[sflag:s29] =	ssyncadd.s32 $0xFFFFFFFF  }
0xb6: {  	_ =	strace $0x90000054  }
0xb7: {  	_ =	sfence  }
0xb8: {  	s30 =	sld [smem:$0x0];
	_ =	sdelay $0x2  }
0xb9: {  	s31 =	sshll.u32 s1, $0xD;
	s1 =	sshrl.u32 s1, $0x2  }
0xba: {  	s3 =	sand.u32 $0x4000, s31;
	s1 =	sadd.s32 s1, s30  }
0xbb: {  	s0 =	sor.u32 s3, s0;
	s1 =	sshll.u32 s1, $0x11  }
0xbc: {  	s0 =	sor.u32 s1, s0  }
0xbd: {  	s0 =	sadd.s32 $0x8F2B, s0  }
0xbe: {  	[sflag:s0] =	ssyncadd.remote.s32 $0x1  }
0xbf: {  	_ =	sfence.sel $0xFFFF  }
0xc0: {  	[dreg:$0x0] =	wrdreg $0xFFFFFFFF;
	(pc) =	sbr.abs _section_cstart, $3  }
0xc1: {  	[dreg:$0x1] =	wrdreg $0xFFFFFFFF  }
0xc2: {  	_ =	task.clear_ibuf [dreg:s7], $0x2FFFF;
	_ =	strace $0x9FFFFFFF  }
0xc3: {  	(tm) =	ssettm $0x7FFFFFFF  }
tec
execute0_lowered:
.L_overlay_start_1:
0x0: {  	(tag) =	ssettag $0x1  }
0x1: {  	s1 =	srdreg.scid;
	s8 =	rddreg [dreg:$0x0]  }
0x2: {  	s0 =	stileid.u32;
	s11 =	rddreg [dreg:$0x1]  }
0x3: {  	s2 =	rddreg [dreg:$0x2];
	s3 =	simm.s32 $0x0;
	s17 =	simm.s32 $0x9F20  }
0x4: {  	s21 =	simm.s32 $0xF7A0;
	s22 =	simm.s32 $0xF720;
	s23 =	simm.s32 $0x40  }
0x5: {  	s24 =	simm.s32 $0xC720;
	s25 =	simm.s32 $0x1;
	s28 =	simm.s32 $0x0  }
0x6: {  	s7 =	sand.u32 $0x1, s1;
	s26 =	sshll.u32 s0, $0x1;
	[smem:$0x7FF] =	sst s3  }
0x7: {  	s12 =	smul.u32 $0x2800, s0;
	s5 =	sadd.s32 $0x3DC00, s8;
	s6 =	sadd.s32 $0x16400, s8  }
0x8: {  	s13 =	smul.u32 $0xA000, s0;
	s18 =	sshll.u32 s0, $0x6;
	s1 =	sor.u32 s7, s26  }
0x9: {  	s9 =	smul.u32 $0x28000, s7;
	_ =	strace $0x80000053;
	s29 =	ssub.s32 $0x2, s7  }
0xa: {  	s15 =	smul.u32 $0xA0000, s7;
	s7 =	sadd.s32 $0x3E200, s8;
	s18 =	sor.u32 $0x1C02, s18  }
0xb: {  	s26 =	simm.s32 $0xE720;
	s19 =	smul.u32 $0x2880, s1;
	s14 =	sshrl.u32 s29, $0x1  }
0xc: {  	s20 =	sadd.s32 s13, s2;
	s9 =	sadd.s32 s12, s9;
	s12 =	ssub.s32 s29, s14  }
0xd: {  	s30 =	sadd.s32 s13, s15;
	s13 =	simm.s32 $0x2;
	s14 =	simm.s32 $0x2880  }
0xe: {  	s15 =	simm.s32 $0x5100;
	s4 =	sshrl.u32 s19, $0x3;
	s9 =	sshrl.u32 s9, $0x3  }
0xf: {  	v0 =	vlaneseq.u32;
	s31 =	sshrl.u32 s30, $0x3;
	s12 =	smax.u32 s12, $0x1;
	v1 =	vmov s19;
	s19 =	sshrl.u32 s20, $0x3  }
0x10: {  	v2 =	vimm.f32 $0.0e+00;
	v3 =	vor.u32 $0xFFFFFFC8, v0;
	s20 =	simm.s32 $0xF760;
	s10 =	sadd.s32 s4, s8;
	s4 =	sadd.s32 $0x3D600, s8  }
0x11: {  	v4 =	vor.u32 $0xFFFFFFD8, v0;
	v5 =	vor.u32 $0x10, v0;
	v6 =	vor.u32 $0xFFFFFFE8, v0;
	s16 =	sadd.s32 s9, s8;
	s11 =	sadd.s32 s11, s31;
	s8 =	sadd.s32 $0xC200, s10  }
0x12: {  	v7 =	vor.u32 $0x20, v0;
	v8 =	vor.u32 $0xFFFFFFF8, v0;
	v9 =	vor.u32 $0x30, v0;
	s9 =	sadd.s32 $0x2000, s10;
	s10 =	sadd.s32 $0x3F600, s16;
	s16 =	simm.s32 $0x7810  }
.LBB2_1:
0x13: {  	[tilespmem:s3], [sflag:$0x2] =	stream.linear.gather [hbm4b:s8+s3], $0x2880, $0x38;
	[tilespmem:$0x197E0] =	vst v63  }
0x14: {  	_ =	swait.ge [sflag:s13], $0x2880  }
0x15: {  	[sflag:s13] =	ssyncset.done $0x0  }
0x16: {  	[sflag:s13] =	ssyncadd.s32 $0xFFFFD780  }
0x17: {  	[tilespmem:s14], [sflag:$0x2] =	stream.linear.gather [hbm4b:s9+s3], $0x2880, $0x38;
	[tilespmem:$0x197E0] =	vst v63  }
0x18: {  	_ =	swait.ge [sflag:s13], $0x2880  }
0x19: {  	[sflag:s13] =	ssyncset.done $0x0  }
0x1a: {  	[sflag:s13] =	ssyncadd.s32 $0xFFFFD780  }
0x1b: {  	[tilespmem:s15], [sflag:$0x2] =	stream.linear.gather [hbm4b:s4+s3], $0x2710, $0x38;
	[tilespmem:$0x197E0] =	vst v63  }
0x1c: {  	_ =	swait.ge [sflag:s13], $0x2710  }
0x1d: {  	[sflag:s13] =	ssyncset.done $0x0  }
0x1e: {  	[sflag:s13] =	ssyncadd.s32 $0xFFFFD8F0  }
0x1f: {  	[tilespmem:s16], [sflag:$0x2] =	stream.linear.gather [hbm4b:s5+s3], $0x2710, $0x38;
	[tilespmem:$0x197E0] =	vst v63  }
0x20: {  	_ =	swait.ge [sflag:s13], $0x2710  }
0x21: {  	[sflag:s13] =	ssyncset.done $0x0  }
0x22: {  	s29 =	simm.s32 $0x10;
	v10 =	vor.u32 s3, v0;
	[sflag:s13] =	ssyncadd.s32 $0xFFFFD8F0  }
.LBB2_2:
0x23: {  	p0 =	sne.s32 s29, $0x27F0  }
.Ltmp0:
0x24: {  	_ = 	snop;
	(pc) =	sbr.rel @p0 .LBB2_2-.Ltmp0, $3  }
0x25: {  	_ =	sdelay $0x1  }
0x26: {  	[tilespmem:v10+s17+$0x0] =	vst.idx.msk $0xffff, v2;
	s30 =	smov.u32 s29;
	s29 =	sadd.s32 $0x10, s29  }
0x27: {  	v10 =	vor.u32 s30, v0  }
0x28: {  	_ =	sdelay $0x3  }
0x29: {  	[tilespmem:v10+s17+$0x0] =	vst.idx.msk $0xffff, v2  }
0x2a: {  	[spmem:s19], [sflag:s18] =	dma.local [hbm:s7], $0x1400  }
0x2b: {  	_ =	swait.ge [sflag:s13], $0x1400  }
0x2c: {  	[sflag:s13] =	ssyncset.done $0x0  }
0x2d: {  	[sflag:s13] =	ssyncadd.s32 $0xFFFFEC00  }
0x2e: {  	s29 =	simm.s32 $0x0;
	s30 =	simm.s32 $0x0;
	[bflag:$0x0] =	sbarrier.arrive $0xFFFF  }
.LBB2_4:
0x2f: {  	s31 =	sshll.u32 s30, $0x6  }
0x30: {  	v10 =	vor.u32 s31, v0  }
0x31: {  	v10 =	vand.u32 v3, v10;
	_ =	sdelay $0x4  }
0x32: {  	v11 =	vld.idx.msk [tilespmem:v10+s29+$0x0], $0xffff  }
0x33: {  	v10 =	vld.idx.msk [tilespmem:v10+s14+$0x0], $0xffff;
	_ =	sdelay $0x4  }
0x34: {  	[tilespmem:v0+s20+$0x0] =	vst.idx.msk $0xffff, v11  }
0x35: {  	[tilespmem:v0+s21+$0x0] =	vst.idx.msk $0xffff, v10  }
0x36: {  	v11 =	vld.idx.msk [tilespmem:v11+s15+$0x0], $0xffff  }
0x37: {  	v12 =	vld.idx.msk [tilespmem:v10+s16+$0x0], $0xffff;
	_ =	sdelay $0x4  }
0x38: {  	v11 =	vadd.f32 v12, v11;
	_ =	sdelay $0x1  }
0x39: {  	v12 =	vmul.f32 $2.000000030e-01, v11  }
0x3a: {  	vm0 =	vgt.f32 v11, $0.0e+00  }
0x3b: {  	v11 =	vsel vm0, v11, v12  }
0x3c: {  	v11 =	vmul.f32 $1.442695020e+00, v11;
	_ =	sdelay $0x1  }
0x3d: {  	(erf) = vpow2.f32 v11;
	_ =	sdelay $0x5  }
0x3e: {  	s1 =	sor.u32 $0x10, s31  }
0x3f: {  	v11 =	vor.u32 s1, v0  }
0x40: {  	v12 =	vadd.s32 s31, v1;
	v11 =	vand.u32 v4, v11  }
0x41: {  	vm9 =	vlt.u32 v12, $0x50910;
	v13 =	vpop (erf)  }
0x42: {  	v12 =	vnsel vm9, $0x0, v13  }
0x43: {  	[tilespmem:v10+s17+$0x0] =	vst.idx.add.f32.msk $0xffff, v12  }
0x44: {  	[tilespmem:v0+s22+$0x0] =	vst.idx.msk $0xffff, v12  }
0x45: {  	v10 =	vld.idx.msk [tilespmem:v11+s29+$0x0], $0xffff  }
0x46: {  	v11 =	vld.idx.msk [tilespmem:v11+s14+$0x0], $0xffff;
	_ =	sdelay $0x4  }
0x47: {  	[tilespmem:v5+s20+$0x0] =	vst.idx.msk $0xffff, v10  }
0x48: {  	[tilespmem:v5+s21+$0x0] =	vst.idx.msk $0xffff, v11  }
0x49: {  	v10 =	vld.idx.msk [tilespmem:v10+s15+$0x0], $0xffff  }
0x4a: {  	v12 =	vld.idx.msk [tilespmem:v11+s16+$0x0], $0xffff;
	_ =	sdelay $0x4  }
0x4b: {  	v10 =	vadd.f32 v12, v10;
	_ =	sdelay $0x1  }
0x4c: {  	v12 =	vmul.f32 $2.000000030e-01, v10  }
0x4d: {  	vm10 =	vgt.f32 v10, $0.0e+00  }
0x4e: {  	v10 =	vsel vm10, v10, v12  }
0x4f: {  	v10 =	vmul.f32 $1.442695020e+00, v10;
	_ =	sdelay $0x1  }
0x50: {  	(erf) = vpow2.f32 v10;
	_ =	sdelay $0x5  }
0x51: {  	s0 =	sor.u32 $0x20, s31  }
0x52: {  	v10 =	vor.u32 s0, v0  }
0x53: {  	v12 =	vadd.s32 s1, v1;
	v10 =	vand.u32 v6, v10  }
0x54: {  	vm11 =	vlt.u32 v12, $0x50910;
	v13 =	vpop (erf)  }
0x55: {  	v12 =	vnsel vm11, $0x0, v13  }
0x56: {  	[tilespmem:v11+s17+$0x0] =	vst.idx.add.f32.msk $0xffff, v12  }
0x57: {  	[tilespmem:v5+s22+$0x0] =	vst.idx.msk $0xffff, v12  }
0x58: {  	v11 =	vld.idx.msk [tilespmem:v10+s29+$0x0], $0xffff  }
0x59: {  	v10 =	vld.idx.msk [tilespmem:v10+s14+$0x0], $0xffff;
	_ =	sdelay $0x4  }
0x5a: {  	[tilespmem:v7+s20+$0x0] =	vst.idx.msk $0xffff, v11  }
0x5b: {  	[tilespmem:v7+s21+$0x0] =	vst.idx.msk $0xffff, v10  }
0x5c: {  	v11 =	vld.idx.msk [tilespmem:v11+s15+$0x0], $0xffff  }
0x5d: {  	v12 =	vld.idx.msk [tilespmem:v10+s16+$0x0], $0xffff;
	_ =	sdelay $0x4  }
0x5e: {  	v11 =	vadd.f32 v12, v11;
	_ =	sdelay $0x1  }
0x5f: {  	v12 =	vmul.f32 $2.000000030e-01, v11  }
0x60: {  	vm12 =	vgt.f32 v11, $0.0e+00  }
0x61: {  	v11 =	vsel vm12, v11, v12  }
0x62: {  	v11 =	vmul.f32 $1.442695020e+00, v11;
	_ =	sdelay $0x1  }
0x63: {  	(erf) = vpow2.f32 v11;
	_ =	sdelay $0x5  }
0x64: {  	s1 =	sor.u32 $0x30, s31  }
0x65: {  	v11 =	vor.u32 s1, v0  }
0x66: {  	v12 =	vadd.s32 s0, v1;
	v11 =	vand.u32 v8, v11  }
0x67: {  	vm13 =	vlt.u32 v12, $0x50910;
	v13 =	vpop (erf)  }
0x68: {  	v12 =	vnsel vm13, $0x0, v13  }
0x69: {  	[tilespmem:v10+s17+$0x0] =	vst.idx.add.f32.msk $0xffff, v12  }
0x6a: {  	[tilespmem:v7+s22+$0x0] =	vst.idx.msk $0xffff, v12  }
0x6b: {  	v10 =	vld.idx.msk [tilespmem:v11+s29+$0x0], $0xffff  }
0x6c: {  	v11 =	vld.idx.msk [tilespmem:v11+s14+$0x0], $0xffff;
	_ =	sdelay $0x4  }
0x6d: {  	[tilespmem:v9+s20+$0x0] =	vst.idx.msk $0xffff, v10  }
0x6e: {  	[tilespmem:v9+s21+$0x0] =	vst.idx.msk $0xffff, v11  }
0x6f: {  	v10 =	vld.idx.msk [tilespmem:v10+s15+$0x0], $0xffff  }
0x70: {  	v12 =	vld.idx.msk [tilespmem:v11+s16+$0x0], $0xffff;
	_ =	sdelay $0x4  }
0x71: {  	v10 =	vadd.f32 v12, v10;
	_ =	sdelay $0x1  }
0x72: {  	v12 =	vmul.f32 $2.000000030e-01, v10  }
0x73: {  	vm14 =	vgt.f32 v10, $0.0e+00  }
0x74: {  	v10 =	vsel vm14, v10, v12  }
0x75: {  	v10 =	vmul.f32 $1.442695020e+00, v10;
	_ =	sdelay $0x1  }
0x76: {  	(erf) = vpow2.f32 v10;
	_ =	sdelay $0x7  }
0x77: {  	v10 =	vadd.s32 s1, v1  }
0x78: {  	vm15 =	vlt.u32 v10, $0x50910;
	v12 =	vpop (erf)  }
0x79: {  	v10 =	vnsel vm15, $0x0, v12  }
0x7a: {  	[tilespmem:v11+s17+$0x0] =	vst.idx.add.f32.msk $0xffff, v10;
	v11 =	vmov s29  }
0x7b: {  	[tilespmem:v9+s22+$0x0] =	vst.idx.msk $0xffff, v10;
	v10 =	vshll.u32 v11, $0x7  }
0x7c: {  	[tilespmem:s24], [sflag:$0x1] =	stream.indirect.gather [hbm4b:s6+s23], $0x80, s20, s23, $0xb8;
	v12 =	vor.u32 v0, v10;
	[tilespmem:$0x197E0] =	vst v63  }
0x7d: {  	_ =	swait.ge [sflag:s25], $0x2000  }
0x7e: {  	[sflag:s25] =	ssyncset.done $0x0  }
0x7f: {  	[sflag:s25] =	ssyncadd.s32 $0xFFFFE000  }
0x80: {  	v15 =	vld.idx.msk [tilespmem:v11+s22+$0x0], $0xffff  }
0x81: {  	v12 =	vld.idx.msk [tilespmem:v12+s24+$0x0], $0xffff  }
0x82: {  	v11 =	vshll.u32 v11, $0x6  }
0x83: {  	v13 =	vor.u32 v0, v11  }
0x84: {  	v14 =	vor.u32 v5, v10;
	_ =	sdelay $0x1  }
0x85: {  	v12 =	vmul.f32 v12, v15;
	_ =	sdelay $0x1  }
0x86: {  	[tilespmem:v13+s26+$0x0] =	vst.idx.msk $0xffff, v12  }
0x87: {  	v12 =	vld.idx.msk [tilespmem:v14+s24+$0x0], $0xffff;
	_ =	sdelay $0x1  }
0x88: {  	v13 =	vor.u32 v5, v11  }
0x89: {  	v14 =	vor.u32 v7, v10;
	_ =	sdelay $0x1  }
0x8a: {  	v12 =	vmul.f32 v12, v15;
	_ =	sdelay $0x1  }
0x8b: {  	[tilespmem:v13+s26+$0x0] =	vst.idx.msk $0xffff, v12  }
0x8c: {  	v12 =	vld.idx.msk [tilespmem:v14+s24+$0x0], $0xffff;
	_ =	sdelay $0x1  }
0x8d: {  	v13 =	vor.u32 v7, v11  }
0x8e: {  	v10 =	vor.u32 v9, v10;
	_ =	sdelay $0x1  }
0x8f: {  	v12 =	vmul.f32 v12, v15;
	_ =	sdelay $0x1  }
0x90: {  	[tilespmem:v13+s26+$0x0] =	vst.idx.msk $0xffff, v12  }
0x91: {  	v16 =	vld.idx.msk [tilespmem:v10+s24+$0x0], $0xffff  }
0x92: {  	s1 =	simm.s32 $0x1  }
0x93: {  	v12 =	vmov s1;
	v13 =	vor.u32 v9, v11  }
0x94: {  	v11 =	vshll.u32 v12, $0x7  }
0x95: {  	v14 =	vor.u32 v0, v11  }
0x96: {  	s31 =	simm.s32 $0x2;
	v10 =	vshll.u32 v12, $0x6;
	v15 =	vmul.f32 v16, v15  }
.LBB2_5:
0x97: {  	_ = 	snop  }
0x98: {  	p0 =	sne.s32 s31, $0x3F;
	s0 =	smov.u32 s31;
	s31 =	sadd.s32 $0x1, s31;
	[tilespmem:v13+s26+$0x0] =	vst.idx.msk $0xffff, v15  }
0x99: {  	v15 =	vld.idx.msk [tilespmem:v12+s22+$0x0], $0xffff  }
0x9a: {  	v12 =	vld.idx.msk [tilespmem:v14+s24+$0x0], $0xffff;
	_ =	sdelay $0x2  }
0x9b: {  	v13 =	vor.u32 v0, v10  }
0x9c: {  	v14 =	vor.u32 v5, v11;
	_ =	sdelay $0x1  }
0x9d: {  	v12 =	vmul.f32 v12, v15;
	_ =	sdelay $0x1  }
0x9e: {  	[tilespmem:v13+s26+$0x0] =	vst.idx.msk $0xffff, v12  }
0x9f: {  	v12 =	vld.idx.msk [tilespmem:v14+s24+$0x0], $0xffff;
	_ =	sdelay $0x2  }
0xa0: {  	v13 =	vor.u32 v5, v10  }
0xa1: {  	v14 =	vor.u32 v7, v11;
	_ =	sdelay $0x1  }
0xa2: {  	v12 =	vmul.f32 v12, v15;
	_ =	sdelay $0x1  }
0xa3: {  	[tilespmem:v13+s26+$0x0] =	vst.idx.msk $0xffff, v12  }
0xa4: {  	v12 =	vld.idx.msk [tilespmem:v14+s24+$0x0], $0xffff;
	_ =	sdelay $0x2  }
0xa5: {  	v13 =	vor.u32 v7, v10  }
0xa6: {  	v11 =	vor.u32 v9, v11;
	_ =	sdelay $0x1  }
0xa7: {  	v12 =	vmul.f32 v12, v15;
	_ =	sdelay $0x1  }
0xa8: {  	[tilespmem:v13+s26+$0x0] =	vst.idx.msk $0xffff, v12  }
0xa9: {  	v16 =	vld.idx.msk [tilespmem:v11+s24+$0x0], $0xffff;
	_ =	sdelay $0x1  }
.Ltmp1:
0xaa: {  	(pc) =	sbr.rel @p0 .LBB2_5-.Ltmp1, $4  }
0xab: {  	v12 =	vmov s0;
	v13 =	vor.u32 v9, v10  }
0xac: {  	v11 =	vshll.u32 v12, $0x7;
	v10 =	vshll.u32 v12, $0x6  }
0xad: {  	v14 =	vor.u32 v0, v11  }
0xae: {  	v15 =	vmul.f32 v16, v15  }
0xaf: {  	_ =	sdelay $0x3  }
0xb0: {  	[tilespmem:v13+s26+$0x0] =	vst.idx.msk $0xffff, v15  }
0xb1: {  	v12 =	vld.idx.msk [tilespmem:v12+s22+$0x0], $0xffff  }
0xb2: {  	v13 =	vld.idx.msk [tilespmem:v14+s24+$0x0], $0xffff;
	_ =	sdelay $0x1  }
0xb3: {  	v59 =	vor.u32 v0, v10  }
0xb4: {  	v60 =	vor.u32 v5, v11;
	_ =	sdelay $0x1  }
0xb5: {  	v13 =	vmul.f32 v13, v12;
	_ =	sdelay $0x1  }
0xb6: {  	[tilespmem:v59+s26+$0x0] =	vst.idx.msk $0xffff, v13  }
0xb7: {  	v13 =	vld.idx.msk [tilespmem:v60+s24+$0x0], $0xffff;
	_ =	sdelay $0x1  }
0xb8: {  	v61 =	vor.u32 v5, v10  }
0xb9: {  	v62 =	vor.u32 v7, v11;
	_ =	sdelay $0x1  }
0xba: {  	v13 =	vmul.f32 v13, v12;
	_ =	sdelay $0x1  }
0xbb: {  	[tilespmem:v61+s26+$0x0] =	vst.idx.msk $0xffff, v13  }
0xbc: {  	v13 =	vld.idx.msk [tilespmem:v62+s24+$0x0], $0xffff;
	_ =	sdelay $0x1  }
0xbd: {  	v63 =	vor.u32 v7, v10  }
0xbe: {  	v11 =	vor.u32 v9, v11;
	_ =	sdelay $0x1  }
0xbf: {  	v13 =	vmul.f32 v13, v12;
	_ =	sdelay $0x1  }
0xc0: {  	[tilespmem:v63+s26+$0x0] =	vst.idx.msk $0xffff, v13  }
0xc1: {  	v11 =	vld.idx.msk [tilespmem:v11+s24+$0x0], $0xffff;
	_ =	sdelay $0x1  }
0xc2: {  	v10 =	vor.u32 v9, v10;
	_ =	sdelay $0x2  }
0xc3: {  	s30 =	sadd.s32 $0x1, s30;
	v11 =	vmul.f32 v11, v12  }
0xc4: {  	p0 =	sne.s32 s30, $0xA2  }
.Ltmp2:
0xc5: {  	[tilespmem:v10+s26+$0x0] =	vst.idx.msk $0xffff, v11;
	(pc) =	sbr.rel @p0 .LBB2_4-.Ltmp2, $4  }
0xc6: {  	[spmem:s2] =	stream.indirect.scatter.add.f32 [tilespmem:s26], [sflag:$0x2], $0x40, s21, s23, $0xb8;
	[tilespmem:$0x197E0] =	vst v63  }
0xc7: {  	_ =	swait.ge [sflag:s13], $0x1000  }
0xc8: {  	[sflag:s13] =	ssyncset.done $0x0  }
0xc9: {  	[sflag:s13] =	ssyncadd.s32 $0xFFFFF000  }
0xca: {  	[hbm4b:s10+s3] =	stream.linear.scatter [tilespmem:s17], [sflag:$0x2], $0x2800, $0x38;
	[tilespmem:$0x197E0] =	vst v63  }
0xcb: {  	_ =	swait.ge [sflag:s13], $0x2800  }
0xcc: {  	s28 =	sadd.s32 $0x1, s28;
	[sflag:s13] =	ssyncset.done $0x0  }
0xcd: {  	p0 =	sne.s32 s28, s12;
	[sflag:s13] =	ssyncadd.s32 $0xFFFFD800  }
.Ltmp3:
0xce: {  	[bflag:$0x0] =	sbarrier.arrive $0xFFFF;
	(pc) =	sbr.rel @p0 .LBB2_1-.Ltmp3, $4  }
0xcf: {  	[hbm:s11], [sflag:s18] =	dma.local [spmem:s19], $0x1400  }
0xd0: {  	_ =	swait.ge [sflag:s13], $0x1400  }
0xd1: {  	[sflag:s13] =	ssyncset.done $0x0  }
0xd2: {  	[sflag:s13] =	ssyncadd.s32 $0xFFFFEC00  }
0xd3: {  	_ =	sfence.sel $0x180000  }
0xd4: {  	[bflag:$0x0] =	sbarrier.arrive $0xFFFF  }
0xd5: {  	_ =	strace $0x90000053  }
0xd6: {  	s0 =	stileid.u32;
	[bflag:$0x2] =	sbarrier.arrive $0xFFFF  }
0xd7: {  	p0 =	sne.s32 s0, $0x0;
	s0 =	rddreg [dreg:$0x3]  }
0xd8: {  	s0 =	sadd.s32 @!p0 $0x100000, s0  }
0xd9: {  	[sflag:s0] =	ssyncadd.tile.s32 @!p0 $0x1;
	_ =	shalt  }
.Lfunc_end2:
_tile_overlayer_lowered:
.L_overlay_start_2:
0xda: {  	(tag) =	ssettag $0x2  }
0xdb: {  	s0 =	rddreg [dreg:$0x0];
	s2 =	stileid.u32  }
0xdc: {  	s1 =	rddreg [dreg:$0x1];
	p0 =	sne.s32 s2, $0x0  }
0xdd: {  	s3 =	rddreg [dreg:$0x2];
	[bflag:$0x3] =	sbarrier.arrive $0xFFFF;
	s2 =	simm.s32 @!p0 $0x1C02  }
0xde: {  	[timem:s3], [sflag:s2] =	dma.local @!p0 [hbm:s0], s1  }
0xdf: {  	s0 =	simm.s32 @!p0 $0x2  }
0xe0: {  	_ =	swait.ge @!p0 [sflag:s0], s1  }
0xe1: {  	s1 =	ssub.s32 @!p0 $0x0, s1;
	[sflag:s0] =	ssyncset.done @!p0 $0x0  }
0xe2: {  	[sflag:s0] =	ssyncadd.s32 @!p0 s1  }
0xe3: {  	[bflag:$0x3] =	sbarrier.arrive $0xFFFF  }
0xe4: {  	_ =	shalt  }

// kernel: scatter_offload_async_start
scs
__scs_entry_jumppad:
0x0: {  	(pc) =	sbr.rel $0x88, $3  }
0x1: {  	(tag) =	ssettag $0x0;
	lr =	simm.s32 $0x1  }
0x2: {  	[smem:$0x3F85] =	sst lr;
	_ =	strace $0xD0000000  }
0x3: {  	_ = 	snop  }
0x4: {  	_ = 	snop  }
0x5: {  	_ = 	snop  }
0x6: {  	_ = 	snop  }
0x7: {  	_ = 	snop  }
__scs_overlays_trampoline_lowered:
0x8: {  	[smem:$0x3F94] =	sst s0  }
0x9: {  	[smem:$0x3F95] =	sst s1  }
0xa: {  	[smem:$0x3F96] =	sst s2  }
0xb: {  	[smem:$0x3F97] =	sst s3  }
0xc: {  	[smem:$0x3F98] =	sst s4  }
0xd: {  	[smem:$0x3F99] =	sst s5  }
0xe: {  	[smem:$0x3F9A] =	sst s6  }
0xf: {  	[smem:$0x3F9B] =	sst s7  }
0x10: {  	[smem:$0x3F9C] =	sst s8  }
0x11: {  	[smem:$0x3F9D] =	sst s9;
	s0 =	simm.s32 @!p0 $0x0  }
0x12: {  	s1 =	sld [smem:$0x3F83];
	s0 =	simm.s32 @p0 $0x1  }
0x13: {  	[smem:$0x3F9E] =	sst s0;
	s0 =	simm.s32 @!p1 $0x0  }
0x14: {  	s2 =	sld [smem:$0x3F82];
	s0 =	simm.s32 @p1 $0x1  }
0x15: {  	[smem:$0x3F9F] =	sst s0;
	s0 =	simm.s32 @!p2 $0x0  }
0x16: {  	s3 =	sld [smem:$0x3FDB];
	s0 =	simm.s32 @p2 $0x1  }
0x17: {  	s4 =	simm.s32 $0x1BF5;
	[smem:$0x3FA1] =	sst s0  }
0x18: {  	s0 =	sld [smem:$0x3F84];
	_ =	swait.ge [sflag:s4], $0x0  }
0x19: {  	s7 =	sld [smem:$0x3F85]  }
0x1a: {  	s8 =	sadd.s32 $0xFFFFE003, lr  }
0x1b: {  	s9 =	sadd.s32 $0xFFFFFEF7, lr;
	s5 =	simm.s32 $0xFFFFFFFF;
	p2 =	slt.u32 s8, $0xFFFFF086  }
0x1c: {  	p1 =	slt.u32 s9, $0xF7A;
	s5 =	simm.s32 @!p2 $0x0  }
0x1d: {  	s5 =	simm.s32 @p1 $0x1;
	p0 =	seq.s32 s7, s2  }
0x1e: {  	s7 =	smul.u32 @!p0 $0xF7A, s2;
	p2 =	seq.s32 @!p0 s5, $0x0  }
0x1f: {  	s9 =	smul.u32 $0xF7A, s1;
	s8 =	simm.s32 @!p0 $0x1BF5;
	p2 =	por !p2, p0  }
0x20: {  	[sflag:s8] =	ssyncset.s32 @!p0 $0xFFFFF086;
	s6 =	sadd.s32 @!p0 s3, s7;
	s7 =	simm.s32 @!p0 $0x108  }
0x21: {  	s3 =	sadd.s32 s3, s9;
	s6 =	sadd.s32 @!p0 $0x88, s6;
	s7 =	simm.s32 @p2 $0x1082  }
0x22: {  	[simem:s7], [sflag:s8] =	dma.local @!p0 [hbm:s6], $0xF7A  }
0x23: {  	s9 =	sor.u32 $0xD0000000, s2;
	s6 =	simm.s32 $0x108;
	_ =	swait.ge @!p0 [sflag:s8], $0x0  }
0x24: {  	s3 =	sadd.s32 $0x88, s3;
	s6 =	simm.s32 @!p1 $0x1082;
	[sflag:s4] =	ssyncset.s32 $0xFFFFF086  }
0x25: {  	[simem:s6], [sflag:s4] =	dma.local [hbm:s3], $0xF7A  }
0x26: {  	[smem:$0x3F85] =	sst s1;
	(tag) =	ssettag s2;
	_ =	strace s9  }
0x27: {  	s1 =	sld [smem:$0x3F95]  }
0x28: {  	s2 =	sld [smem:$0x3F96]  }
0x29: {  	s4 =	sld [smem:$0x3F98]  }
0x2a: {  	p0 =	seq.s32 s5, $0x0;
	s5 =	sld [smem:$0x3F99]  }
0x2b: {  	s6 =	sld [smem:$0x3F9A]  }
0x2c: {  	s7 =	sld [smem:$0x3F9B]  }
0x2d: {  	s3 =	simm.s32 $0x108;
	s8 =	sld [smem:$0x3F9C]  }
0x2e: {  	s3 =	simm.s32 @!p0 $0x1082;
	s9 =	sld [smem:$0x3F9D]  }
0x2f: {  	lr =	sadd.s32 s0, s3;
	s0 =	sld [smem:$0x3F94]  }
0x30: {  	s3 =	sld [smem:$0x3F97]  }
0x31: {  	[smem:$0x3FA0] =	sst s10  }
0x32: {  	s10 =	sld [smem:$0x3F9E];
	_ =	sdelay $0x3  }
0x33: {  	p0 =	seq.s32 s10, $0x1;
	s10 =	sld [smem:$0x3FA0];
	_ =	sdelay $0x3  }
0x34: {  	[smem:$0x3FA0] =	sst s10  }
0x35: {  	s10 =	sld [smem:$0x3F9F];
	_ =	sdelay $0x3  }
0x36: {  	p1 =	seq.s32 s10, $0x1;
	s10 =	sld [smem:$0x3FA0];
	_ =	sdelay $0x3  }
0x37: {  	[smem:$0x3FA0] =	sst s10  }
0x38: {  	s10 =	sld [smem:$0x3FA1]  }
0x39: {  	_ = 	snop;
	(pc) =	sbr.ind lr, $3  }
0x3a: {  	_ = 	snop  }
0x3b: {  	_ = 	snop  }
0x3c: {  	p2 =	seq.s32 s10, $0x1;
	s10 =	sld [smem:$0x3FA0]  }
0x3d: {  	_ =	shalt  }
0x3e: {  	_ =	shalt  }
0x3f: {  	_ =	shalt  }
0x40: {  	_ =	shalt  }
0x41: {  	_ =	shalt  }
0x42: {  	_ =	shalt  }
0x43: {  	_ =	shalt  }
0x44: {  	_ =	shalt  }
0x45: {  	_ =	shalt  }
0x46: {  	_ =	shalt  }
0x47: {  	_ =	shalt  }
0x48: {  	_ =	shalt  }
0x49: {  	_ =	shalt  }
0x4a: {  	_ =	shalt  }
0x4b: {  	_ =	shalt  }
0x4c: {  	_ =	shalt  }
0x4d: {  	_ =	shalt  }
0x4e: {  	_ =	shalt  }
0x4f: {  	_ =	shalt  }
0x50: {  	_ =	shalt  }
0x51: {  	_ =	shalt  }
0x52: {  	_ =	shalt  }
0x53: {  	_ =	shalt  }
0x54: {  	_ =	shalt  }
0x55: {  	_ =	shalt  }
0x56: {  	_ =	shalt  }
0x57: {  	_ =	shalt  }
0x58: {  	_ =	shalt  }
0x59: {  	_ =	shalt  }
0x5a: {  	_ =	shalt  }
0x5b: {  	_ =	shalt  }
0x5c: {  	_ =	shalt  }
0x5d: {  	_ =	shalt  }
0x5e: {  	_ =	shalt  }
0x5f: {  	_ =	shalt  }
0x60: {  	_ =	shalt  }
0x61: {  	_ =	shalt  }
0x62: {  	_ =	shalt  }
0x63: {  	_ =	shalt  }
0x64: {  	_ =	shalt  }
0x65: {  	_ =	shalt  }
0x66: {  	_ =	shalt  }
0x67: {  	_ =	shalt  }
0x68: {  	_ =	shalt  }
0x69: {  	_ =	shalt  }
0x6a: {  	_ =	shalt  }
0x6b: {  	_ =	shalt  }
0x6c: {  	_ =	shalt  }
0x6d: {  	_ =	shalt  }
0x6e: {  	_ =	shalt  }
0x6f: {  	_ =	shalt  }
0x70: {  	_ =	shalt  }
0x71: {  	_ =	shalt  }
0x72: {  	_ =	shalt  }
0x73: {  	_ =	shalt  }
0x74: {  	_ =	shalt  }
0x75: {  	_ =	shalt  }
0x76: {  	_ =	shalt  }
0x77: {  	_ =	shalt  }
0x78: {  	_ =	shalt  }
0x79: {  	_ =	shalt  }
0x7a: {  	_ =	shalt  }
0x7b: {  	_ =	shalt  }
0x7c: {  	_ =	shalt  }
0x7d: {  	_ =	shalt  }
0x7e: {  	_ =	shalt  }
0x7f: {  	_ =	shalt  }
0x80: {  	_ =	shalt  }
0x81: {  	_ =	shalt  }
0x82: {  	_ =	shalt  }
0x83: {  	_ =	shalt  }
0x84: {  	_ =	shalt  }
0x85: {  	_ =	shalt  }
0x86: {  	_ =	shalt  }
0x87: {  	_ =	shalt  }
.Lfunc_end0:
.L_simem_size_0:
called_computation_lowered:
.L_overlay_start_0:
0x88: {  	s0 =	sld [smem:$0x3FD9]  }
0x89: {  	s1 =	sld [smem:$0x3FFE];
	_ =	sdelay $0x3  }
0x8a: {  	s0 =	sadd.s32 s1, s0  }
0x8b: {  	[smem:$0x3FAC] =	sst s0  }
0x8c: {  	_ = 	snop  }
0x8d: {  	s0 =	sld [smem:$0x3FD0];
	(tm) =	ssettm $0x1  }
0x8e: {  	s16 =	sld [smem:$0x3FFB];
	_ =	sdelay $0x3  }
0x8f: {  	_ =	strace s16  }
0x90: {  	s1 =	sld [smem:$0x3FFC];
	_ =	sdelay $0x3  }
0x91: {  	_ =	strace s1  }
0x92: {  	s1 =	sld [smem:$0x3FFD];
	_ =	sdelay $0x3  }
0x93: {  	_ =	strace s1  }
0x94: {  	_ =	strace $0x8FFFFFFF  }
0x95: {  	s17 =	sld [smem:$0x3FDB];
	_ =	sdelay $0x1  }
0x96: {  	s2 =	simm.s32 $_scs_section_size  }
0x97: {  	s3 =	simm.s32 $_size__tile_overlayer_lowered;
	s4 =	simm.s32 $_tile_overlayer_lowered  }
0x98: {  	s20 =	simm.s32 $0x1BFF;
	s19 =	sshll.u32 s4, $0x1;
	s1 =	sadd.s32 s2, s17  }
0x99: {  	s5 =	simm.s32 $0x0;
	s18 =	sshll.u32 s3, $0x1;
	s3 =	sadd.s32 s19, s1  }
0x9a: {  	[timem:s5], [sflag:s20] =	dma.local [hbm:s3], s18  }
0x9b: {  	_ =	swait.ge [sflag:s20], s18  }
0x9c: {  	s2 =	ssub.s32 $0x0, s18;
	[sflag:s20] =	ssyncset.done $0x0  }
0x9d: {  	[sflag:s20] =	ssyncadd.s32 s2;
	_ =	sdelay $0x1  }
0x9e: {  	s21 =	simm.s32 $0x1B8B  }
0x9f: {  	_ =	swait.ge [sflag:s21], $0x1  }
0xa0: {  	[sflag:s21] =	ssyncset.done $0x0  }
0xa1: {  	s23 =	simm.s32 $0x1B8E;
	s22 =	sld [smem:$0x3FFE];
	[sflag:s21] =	ssyncadd.s32 $0xFFFFFFFF  }
0xa2: {  	s24 =	simm.s32 $execute0_lowered;
	[smem:$0x3FD2] =	sst s23  }
0xa3: {  	s3 =	sshll.u32 s24, $0x1;
	_ =	strace $0x80000055;
	[dreg:$0x1] =	wrdreg $0xFFFFFFFF  }
0xa4: {  	s25 =	simm.s32 $_size_execute0_lowered;
	s1 =	sadd.s32 s1, s3;
	[dreg:$0x0] =	wrdreg $0x0  }
0xa5: {  	s3 =	sshll.u32 s25, $0x1;
	[dreg:$0x2] =	wrdreg s1  }
0xa6: {  	[dreg:$0x3] =	wrdreg s3  }
0xa7: {  	[dreg:$0x4] =	wrdreg $0xC0  }
0xa8: {  	_ =	task [dreg:s5], $0x5FFFF  }
0xa9: {  	[dreg:$0x1] =	wrdreg $0xFFFFFFFF  }
0xaa: {  	[dreg:$0x0] =	wrdreg $0x60  }
0xab: {  	[dreg:$0x2] =	wrdreg s22  }
0xac: {  	[dreg:$0x3] =	wrdreg s0  }
0xad: {  	[dreg:$0x4] =	wrdreg $0x9  }
0xae: {  	_ =	task.clear_ibuf [dreg:s5], $0x5FFFF;
	_ =	strace $0x90000055  }
0xaf: {  	s26 =	simm.s32 $0x9;
	_ =	strace $0x80000057  }
0xb0: {  	_ =	swait.ge [sflag:s26], $0x1  }
0xb1: {  	[sflag:s26] =	ssyncadd.s32 $0xFFFFFFFF  }
0xb2: {  	_ =	strace $0x90000057  }
0xb3: {  	_ =	sfence  }
0xb4: {  	s28 =	sld [smem:$0x0];
	_ =	sdelay $0x1  }
0xb5: {  	s29 =	srdreg.scid  }
0xb6: {  	s30 =	sshll.u32 s29, $0xD;
	s31 =	sshrl.u32 s29, $0x2  }
0xb7: {  	s2 =	sand.u32 $0x4000, s30;
	s1 =	sand.u32 $0x1, s29;
	s0 =	sadd.s32 s31, s28  }
0xb8: {  	s1 =	sor.u32 s2, s1;
	s0 =	sshll.u32 s0, $0x11  }
0xb9: {  	s0 =	sor.u32 s0, s1  }
0xba: {  	s0 =	sadd.s32 $0x8F2B, s0  }
0xbb: {  	[sflag:s0] =	ssyncadd.remote.s32 $0x1  }
0xbc: {  	_ =	sfence.sel $0xFFFF  }
0xbd: {  	[dreg:$0x0] =	wrdreg $0xFFFFFFFF;
	(pc) =	sbr.abs _section_cstart, $3  }
0xbe: {  	[dreg:$0x1] =	wrdreg $0xFFFFFFFF  }
0xbf: {  	_ =	task.clear_ibuf [dreg:s5], $0x2FFFF;
	_ =	strace $0x9FFFFFFF  }
0xc0: {  	(tm) =	ssettm $0x7FFFFFFF  }
0xc1: {  	_ =	shalt  }
tec
execute0_lowered:
.L_overlay_start_1:
0x0: {  	(tag) =	ssettag $0x1  }
0x1: {  	s0 =	rddreg [dreg:$0x0]  }
0x2: {  	s3 =	rddreg [dreg:$0x1];
	_ =	strace $0x80000056;
	s15 =	stileid.u32  }
0x3: {  	s2 =	simm.s32 $0x1;
	s1 =	smin.u32 s15, $0x8;
	s4 =	sshll.u32 s15, $0x1  }
0x4: {  	v1 =	vimm.s32 $0xFFFFFFFF;
	[sflag:s2] =	ssyncpa.u1 $0x0;
	s1 =	sadd.s32 s1, s4  }
0x5: {  	p0 =	slt.u32 s15, $0x8;
	[tilespmem:$0x10] =	vst v1;
	s5 =	smul.u32 $0x1F40, s1;
	s1 =	simm.s32 $0x5DC0  }
0x6: {  	v0 =	vimm.f32 $0.0e+00;
	[tilespmem:$0x20] =	vst v1;
	s1 =	simm.s32 @!p0 $0x3E80  }
0x7: {  	[tilespmem:$0x30] =	vst v0;
	s1 =	sadd.s32 s1, s5  }
0x8: {  	[tilespmem:$0x40] =	vst v0;
	s6 =	smin.u32 s1, $0x4E200  }
0x9: {  	s7 =	simm.s32 $0x2;
	[tilespmem:$0x50] =	vst v0;
	s9 =	ssub.s32 s6, s5  }
0xa: {  	s8 =	simm.s32 $0x8;
	s31 =	simm.s32 $0x9;
	[tilespmem:$0x60] =	vst v1;
	p0 =	sgt.s32 s9, $0x0  }
0xb: {  	s16 =	simm.s32 $0x0;
	s17 =	simm.s32 $0xF0;
	[tilespmem:$0x70] =	vst v1;
	s9 =	simm.s32 @!p0 $0x0  }
0xc: {  	s18 =	simm.s32 $0xFFFFFFFF;
	s19 =	simm.s32 $0xFFFFC280;
	[tilespmem:$0x80] =	vst v1;
	s30 =	smulhi.u32 $0x10624DD3, s9  }
0xd: {  	s20 =	simm.s32 $0xFFFFFFFE;
	s21 =	simm.s32 $0xF;
	s25 =	simm.s32 $0x0;
	v1 =	vimm.s32 $0x0;
	[tilespmem:$0xB0] =	vst v0  }
0xe: {  	s24 =	simm.s32 $0x0;
	s15 =	sshllo.u32 s15, $0x1;
	[tilespmem:$0x90] =	vst v1;
	s10 =	sshrl.u32 s30, $0x9  }
0xf: {  	[tilespmem:$0xA0] =	vst v1;
	[sflag:s7] =	ssyncpa.u1 $0x0;
	s7 =	simm.s32 $0x7;
	s11 =	smul.u32 $0x1F40, s10  }
.Ltmp0:
0x10: {  	s13 =	sor.u32 $0x80, s4;
	[sflag:s7] =	ssyncpa.u1 $0x0;
	(pc) =	sbr.rel .LBB2_1-.Ltmp0, $4  }
0x11: {  	s14 =	sor.u32 $0x81, s4;
	[sflag:s8] =	ssyncpa.u1 $0x0;
	p0 =	sne.s32 s9, s11  }
0x12: {  	s23 =	smov.u32 s5;
	s1 =	sadd.s32 $0xBE00, s0;
	s2 =	simm.s32 @!p0 $0x0  }
0x13: {  	vm0 =	vmmov $0xffff;
	v2 =	vlaneseq.u32;
	[sflag:s31] =	ssyncpa.u1 $0x0;
	s9 =	sadd.s32 $0x2000, s0;
	s10 =	sadd.s32 s2, s10  }
0x14: {  	vm1 =	vmxor vm1, vm1;
	vm2 =	vmmov $0x1;
	vm3 =	vcmask $0x3F3C;
	p0 =	por $0x0, $0x0;
	s11 =	sadd.s32 $0x1, s10;
	s12 =	sadd.s32 $0x2, s10  }
.LBB2_9:
0x15: {  	p1 =	slt.u32 s24, $0x3  }
0x16: {  	s0 =	simm.s32 @!p1 $0x2  }
0x17: {  	_ =	swait.ge @!p1 [sflag:s0], $0x1F40  }
0x18: {  	[sflag:s0] =	ssyncset.done @!p1 $0x0  }
0x19: {  	[sflag:s0] =	ssyncadd.s32 @!p1 $0xFFFFE0C0;
	s0 =	simm.s32 @!p1 $0x9  }
0x1a: {  	_ =	swait.ge @!p1 [sflag:s0], $0x10  }
0x1b: {  	[sflag:s0] =	ssyncset.done @!p1 $0x0  }
0x1c: {  	[sflag:s0] =	ssyncadd.s32 @!p1 $0xFFFFFFF0;
	p1 =	sne.s32 s24, s12  }
.Ltmp1:
0x1d: {  	s2 =	sadd.s32 $0x1F40, s23;
	(pc) =	sbr.rel @!p1 .LBB2_10-.Ltmp1, $4  }
0x1e: {  	s22 =	smov.u32 s5;
	s31 =	sadd.s32 $0x1, s24;
	s17 =	sadd.s32 $0x1F40, s17  }
0x1f: {  	s18 =	sadd.s32 $0x1, s18;
	s25 =	smov.u32 s23;
	p2 =	slt.s32 s2, s6  }
0x20: {  	p0 =	por !p0, !p0;
	s19 =	sadd.s32 $0x1F40, s19;
	s22 =	smov.u32 @p2 s2  }
0x21: {  	s20 =	sadd.s32 $0x1, s20;
	s23 =	smov.u32 s22;
	s24 =	smov.u32 s31  }
.LBB2_1:
0x22: {  	p1 =	sge.u32 s24, s10  }
0x23: {  	s0 =	smulhi.u32 @!p1 $0xAAAAAAAB, s24;
	_ =	sdelay $0x1  }
0x24: {  	s0 =	sshrl.u32 @!p1 s0, $0x1  }
0x25: {  	s0 =	smul.u32 @!p1 $0x3, s0;
	_ =	sdelay $0x1  }
0x26: {  	s0 =	ssub.s32 @!p1 s24, s0  }
0x27: {  	s0 =	smul.u32 @!p1 $0x7D00, s0;
	_ =	sdelay $0x1  }
0x28: {  	s2 =	sshrl.u32 @!p1 s23, $0x3;
	s0 =	sshrl.u32 @!p1 s0, $0x2  }
0x29: {  	s22 =	sand.u32 @!p1 $0x7, s23;
	s2 =	sadd.s32 @!p1 s3, s2;
	s0 =	sadd.s32 @!p1 $0x100, s0  }
0x2a: {  	[tilespmem:s0], [sflag:$0x7] =	stream.linear.gather @!p1 [hbm4b:s2+s22], $0x1F40, $0x38;
	[tilespmem:$0x11A60] =	vst v63  }
0x2b: {  	s0 =	sadd.s32 $0xFFFFFFFF, s24  }
0x2c: {  	p1 =	sge.u32 s0, s10  }
.Ltmp2:
0x2d: {  	_ = 	snop;
	(pc) =	sbr.rel @p1 .LBB2_5-.Ltmp2, $1  }
0x2e: {  	_ =	sdelay $0x3  }
0x2f: {  	s2 =	smulhi.u32 $0xAAAAAAAB, s0;
	_ =	sdelay $0x1  }
0x30: {  	s2 =	sshrl.u32 s2, $0x1  }
0x31: {  	s2 =	smul.u32 $0x3, s2;
	_ =	sdelay $0x1  }
0x32: {  	s2 =	ssub.s32 s0, s2  }
0x33: {  	s2 =	smul.u32 $0x7D00, s2  }
0x34: {  	_ =	swait.ge [sflag:s7], $0x1F40  }
0x35: {  	[sflag:s7] =	ssyncset.done $0x0;
	s2 =	sshrl.u32 s2, $0x2  }
0x36: {  	[sflag:s7] =	ssyncadd.s32 $0xFFFFE0C0;
	(ifvalue) =	ssetifvalue $0xFFFFFFFF;
	v3 =	vld.msk [tilespmem:s2+$0x100 ss:$0x1], $0xffff;
	_ =	sdelay $0x2  }
0x37: {  	s30 =	smulhi.u32 $0xAAAAAAAB, s18;
	p1 =	sne.s32 s24, $0x1  }
0x38: {  	v4 =	vimm.s32 @!p1 $0x0  }
0x39: {  	s2 =	sshrl.u32 s30, $0x1;
	v4 =	vperm.xlane @!p1 v3, v4  }
0x3a: {  	s22 =	sshll.u32 s24, $0x4;
	s2 =	smul.u32 $0xFFFE8900, s2;
	vm4 =	vlt.u32 v3, $0x5F5E400  }
0x3b: {  	s22 =	sand.u32 $0x10, s22;
	v3 =	vnsel vm4, $0xFFFFFFFE, v3;
	vm4 =	vlt.u32 @!p1 v4, $0x5F5E400  }
0x3c: {  	s2 =	sshra.s32 s2, $0x2;
	[tilespmem:s22+$0x60] =	vst v3;
	v3 =	vnsel @!p1 vm4, $0xFFFFFFFE, v4  }
0x3d: {  	s28 =	sadd.s32 s2, s17;
	[tilespmem:$0x80] =	vst @!p1 v3  }
0x3e: {  	v3 =	vld.msk [tilespmem:s28+$0x0 ss:$0x1], $0xffff;
	_ =	sdelay $0x4  }
0x3f: {  	(xrf1) =	vunique.msk.u32 $0xffff, v3;
	_ =	sdelay $0xd  }
0x40: {  	v4 =	vimm.s32 $0xFFFFFFFF;
	v5, _, _ =	vpop (xrf1)  }
0x41: {  	vm5 =	vne.s32 v3, v4;
	vm4 =	veq.s32 v5, v2  }
0x42: {  	vm6 =	vlt.u32 v3, $0x5F5E400;
	vm4 =	vmand vm5, vm4  }
0x43: {  	vm4 =	vmand vm6, vm4  }
0x44: {  	v4 =	vnsel vm4, $0xFFFFFFFF, v3  }
0x45: {  	s31 =	sand.u32 $0x1, s0  }
0x46: {  	s0 =	simm.s32 $0x1F40;
	p1 =	seq.s32 s31, $0x1  }
0x47: {  	s0 =	simm.s32 @!p1 $0x0  }
0x48: {  	s26 =	sadd.s32 $0x7DF0, s0;
	(ifvalue) =	ssetifvalue $0xFFFFFFFF  }
0x49: {  	v3 =	vperm.xlane v3, v1;
	[tilespmem:s26], [sflag:$0x8] =	stream.indirect_vreg.gather [hbm4b:s1+s16], $0x1, v4, vm0, $0x4038;
	v4 =	vnsel vm6, $0xFFFFFFFE, v4;
	[tilespmem:$0x11A60] =	vst v63  }
0x4a: {  	s2 =	simm.s32 $0x0;
	s22 =	sadd.s32 $0xFFFFFFF0, s28;
	[tilespmem:s28+$0x0] =	vst v4  }
.LBB2_3:
0x4b: {  	v4 =	vld.msk [tilespmem:s22+$0x0 ss:$0x1], $0xffff;
	s2 =	sadd.s32 $0x10, s2;
	v5 =	vmov v3;
	s28 =	smov.u32 s22  }
0x4c: {  	p1 =	slt.u32 s2, $0x1F30;
	_ =	sdelay $0x4  }
0x4d: {  	v3 =	vperm.xlane v4, v1;
	(xrf1) =	vunique.msk.u32 $0xffff, v4;
	_ =	sdelay $0xd  }
0x4e: {  	v6, _, _ =	vpop (xrf1)  }
0x4f: {  	vm5 =	vne.s32 v4, v5;
	vm4 =	veq.s32 v6, v2  }
0x50: {  	vm6 =	vlt.u32 v4, $0x5F5E400;
	vm4 =	vmand vm5, vm4  }
0x51: {  	vm4 =	vmand vm6, vm4  }
0x52: {  	v4 =	vnsel vm4, $0xFFFFFFFF, v4  }
.Ltmp3:
0x53: {  	v5 =	vnsel vm6, $0xFFFFFFFE, v4;
	(pc) =	sbr.rel @p1 .LBB2_3-.Ltmp3, $3  }
0x54: {  	_ =	sdelay $0x1  }
0x55: {  	s22 =	sadd.s32 $0xFFFFFFF0, s22;
	s26 =	sadd.s32 $0xFFFFFFF0, s26;
	(ifvalue) =	ssetifvalue $0xFFFFFFFF  }
0x56: {  	[tilespmem:s26], [sflag:$0x8] =	stream.indirect_vreg.gather [hbm4b:s1+s16], $0x1, v4, vm0, $0x4038;
	[tilespmem:s28+$0x0] =	vst v5  }
0x57: {  	s2 =	sshrl.u32 s25, $0x3  }
0x58: {  	s0 =	sadd.s32 $0x9D40, s0;
	s2 =	sadd.s32 s9, s2  }
0x59: {  	[tilespmem:s0], [sflag:$0x8] =	stream.linear.gather [hbm:s2], $0x1F40, $0x38;
	[tilespmem:$0x11A60] =	vst v63  }
.LBB2_5:
0x5a: {  	p1 =	slt.u32 s24, $0x2  }
0x5b: {  	p2 =	sge.u32 @!p1 s24, s12  }
0x5c: {  	p1 =	por p1, p2  }
.Ltmp4:
0x5d: {  	_ = 	snop;
	(pc) =	sbr.rel @p1 .LBB2_9-.Ltmp4, $1  }
0x5e: {  	_ =	sdelay $0x3  }
0x5f: {  	s0 =	sadd.s32 $0xFFFFFFFE, s24  }
0x60: {  	s2 =	smulhi.u32 $0xAAAAAAAB, s0;
	_ =	sdelay $0x1  }
0x61: {  	s2 =	sshrl.u32 s2, $0x1  }
0x62: {  	s2 =	smul.u32 $0x3, s2;
	_ =	sdelay $0x1  }
0x63: {  	s0 =	ssub.s32 s0, s2  }
0x64: {  	_ =	swait.ge [sflag:s8], $0x3E80;
	s0 =	smul.u32 $0x1F40, s0  }
0x65: {  	p1 =	sne.s32 s24, s11;
	[sflag:s8] =	ssyncset.done $0x0  }
0x66: {  	[sflag:s8] =	ssyncadd.s32 $0xFFFFC180;
	s2 =	sadd.s32 @!p1 $0x203F, s0  }
0x67: {  	[spmem:s14] =	stream.linear.scatter @!p1 [tilespmem:s2], [sflag:$0x1], $0x1, $0x38;
	[tilespmem:$0x11A60] =	vst v63  }
0x68: {  	s2 =	simm.s32 @!p1 $0x1  }
0x69: {  	_ =	swait.ge @!p1 [sflag:s2], $0x1  }
0x6a: {  	s22 =	sshll.u32 s24, $0x4;
	[sflag:s2] =	ssyncset.done @!p1 $0x0  }
0x6b: {  	s25 =	sand.u32 $0x10, s22;
	[sflag:s2] =	ssyncadd.s32 @!p1 $0xFFFFFFFF  }
0x6c: {  	s2 =	sxor.u32 $0x10, s25;
	v4 =	vld [tilespmem:s25+$0x10]  }
0x6d: {  	v5 =	vld [tilespmem:s2+$0x60]  }
0x6e: {  	v3 =	vld [tilespmem:$0x80];
	_ =	sdelay $0x2  }
0x6f: {  	(v2sf) =	vpush v4, $0x0  }
0x70: {  	(v2sf) =	vpush v5, $0x0  }
0x71: {  	(v2sf) =	vpush v3, $0x0;
	_ =	sdelay $0xc  }
0x72: {  	s22 =	spop (v2sf)  }
0x73: {  	s26 =	spop (v2sf)  }
0x74: {  	s28 =	spop (v2sf)  }
0x75: {  	p2 =	seq.s32 s22, s26;
	p3 =	seq.s32 s28, s22  }
0x76: {  	p3 =	por p2, p3  }
0x77: {  	s26 =	sand.u32 $0x1, s24;
	v4 =	vpsel p3, $0xFFFFFFFF, v4  }
0x78: {  	s29 =	smul.u32 $0x1F40, s26;
	[tilespmem:s25+$0x10] =	vst.msk $0x1, v4  }
0x79: {  	v4 =	vld [tilespmem:$0x30]  }
0x7a: {  	v5 =	vld [tilespmem:s29+$0x9D40]  }
0x7b: {  	v6 =	vld [tilespmem:s25+$0x40];
	_ =	sdelay $0x3  }
0x7c: {  	vm4 =	vmmov vm1;
	v5 =	vadd.f32 v5, v4  }
0x7d: {  	vm5 =	vmmov vm2;
	vm4 =	vmmov @p2 vm2;
	s22 =	sshll.u32 s26, $0x4;
	v4 =	vadd.f32 v6, v4  }
0x7e: {  	s26 =	sor.u32 $0x11A40, s22;
	vm5 =	vmmov @p3 vm1;
	[tilespmem:s29+$0x9D40] =	vst.msk vm4, v5  }
0x7f: {  	[tilespmem:s26+$0x0] =	vst.msk vm5, v4  }
0x80: {  	v4 =	vld [tilespmem:s29+$0x7DF0];
	_ =	sdelay $0x3  }
0x81: {  	v5 =	vimm.f32 $0.0e+00  }
0x82: {  	v4 =	vshift.insert v4, v5, s21  }
0x83: {  	s22 =	sor.u32 $0x40, s2  }
0x84: {  	[tilespmem:s22+$0x0] =	vst.msk $0x1, v4  }
0x85: {  	[tilespmem:s29+$0x7DFF] =	vst.msk $0x1, v5  }
0x86: {  	v4 =	vld [tilespmem:s0+$0x2030];
	_ =	sdelay $0x1  }
0x87: {  	s22 =	smulhi.u32 $0xAAAAAAAB, s20;
	s0 =	simm.s32 $0x1  }
0x88: {  	s0 =	simm.s32 @!p0 $0x0  }
0x89: {  	s22 =	sshrl.u32 s22, $0x1;
	s0 =	smul.u32 $0x7D00, s0  }
0x8a: {  	s22 =	smul.u32 $0xFFFE8900, s22;
	v4 =	vshift.insert v4, v1, s21  }
0x8b: {  	s0 =	sshrl.u32 s0, $0x2  }
0x8c: {  	s22 =	sshra.s32 s22, $0x2;
	s30 =	sadd.s32 $0x9D40, s0;
	[tilespmem:s2+$0x10] =	vst.msk $0x1, v4  }
0x8d: {  	s22 =	sadd.s32 s22, s19;
	v6 =	vld [tilespmem:s30+$0x0]  }
0x8e: {  	v7 =	vld [tilespmem:s22+$0x0];
	_ =	sdelay $0x3  }
0x8f: {  	v5 =	vadd.f32 v6, v5  }
0x90: {  	vm4 =	vne.s32 v7, $0xFFFFFFFF  }
0x91: {  	(xrf2) =	vadd.seg.scan.f32 vm4, v5;
	_ =	sdelay $0x3  }
0x92: {  	s31 =	sadd.s32 $0x5EC0, s0;
	v5 =	vperm.xlane v4, v1  }
0x93: {  	v6 =	vld [tilespmem:s31+$0x0]  }
0x94: {  	vm5 =	veq.s32 v7, v3;
	vm6 =	veq.s32 v7, v5  }
0x95: {  	vm7 =	vgt.u32 v7, $0xFFFFFFFD;
	vm6 =	vmor vm6, vm5  }
0x96: {  	vm6 =	vmor vm6, vm7  }
0x97: {  	v9 =	vld [tilespmem:$0xA0];
	v7 =	vsel vm6, $0xFFFFFFFF, v7  }
0x98: {  	v10 =	vld [tilespmem:$0x90];
	v6 =	vsel vm5, $0x0, v6;
	v8, _, _ =	vpop (xrf2)  }
0x99: {  	v6 =	vadd.f32 v8, v6  }
0x9a: {  	s0 =	sadd.s32 $0xDBC0, s0  }
0x9b: {  	vm4 =	vmand vm4, vm3;
	[tilespmem:s0+$0x0] =	vst v6;
	(ifvalue) =	ssetifvalue $0xFFFFFFFF  }
0x9c: {  	vm6 =	veq.s32 v9, $0x1;
	[hbm4b:s1+s16] =	stream.indirect_vreg.scatter [tilespmem:s0], [sflag:$0x2], $0x1, v7, vm0, $0x4038;
	v7 =	vsel vm4, $0x0, v8;
	[tilespmem:$0x11A60] =	vst v63  }
0x9d: {  	s2 =	simm.s32 $0x0;
	s22 =	sadd.s32 $0x10, s22;
	vm4 =	vmor vm6, vm5;
	v6 =	vsel vm5, v8, v10;
	v7 =	vshift.insert v7, v0, s21  }
.LBB2_7:
0x9e: {  	v8 =	vld [tilespmem:s22+$0x0];
	s30 =	sadd.s32 $0x10, s30  }
0x9f: {  	s31 =	sadd.s32 $0x10, s31;
	v9 =	vld [tilespmem:s30+$0x0]  }
0xa0: {  	s2 =	sadd.s32 $0x10, s2;
	v10 =	vld [tilespmem:s31+$0x0]  }
0xa1: {  	p2 =	slt.u32 s2, $0x1F30;
	_ =	sdelay $0x2  }
0xa2: {  	v7 =	vadd.f32 v9, v7  }
0xa3: {  	vm5 =	vne.s32 v8, $0xFFFFFFFF  }
0xa4: {  	vm6 =	vmand vm5, vm3;
	(xrf2) =	vadd.seg.scan.f32 vm5, v7;
	_ =	sdelay $0x5  }
0xa5: {  	vm7 =	veq.s32 v8, v5;
	vm5 =	veq.s32 v8, v3  }
0xa6: {  	vm8 =	vgt.u32 v8, $0xFFFFFFFD;
	vm4 =	vmor vm4, vm5;
	vm7 =	vmor vm7, vm5  }
0xa7: {  	vm7 =	vmor vm7, vm8  }
0xa8: {  	v8 =	vsel vm7, $0xFFFFFFFF, v8  }
.Ltmp5:
0xa9: {  	v7 =	vsel vm5, $0x0, v10;
	v9, _, _ =	vpop (xrf2);
	(pc) =	sbr.rel @p2 .LBB2_7-.Ltmp5, $4  }
0xaa: {  	v6 =	vsel vm5, v9, v6;
	v10 =	vadd.f32 v9, v7;
	v7 =	vsel vm6, $0x0, v9  }
0xab: {  	s0 =	sadd.s32 $0x10, s0;
	v7 =	vshift.insert v7, v0, s21  }
0xac: {  	s22 =	sadd.s32 $0x10, s22;
	[tilespmem:s0+$0x0] =	vst v10;
	(ifvalue) =	ssetifvalue $0xFFFFFFFF  }
0xad: {  	[hbm4b:s1+s16] =	stream.indirect_vreg.scatter [tilespmem:s0], [sflag:$0x2], $0x1, v8, vm0, $0x4038;
	[tilespmem:$0x11A60] =	vst v63  }
0xae: {  	v3 =	vld [tilespmem:s29+$0xFAF0];
	_ =	sdelay $0x4  }
0xaf: {  	v3 =	vshift.insert v3, v0, s21  }
0xb0: {  	s0 =	simm.s32 $0x30  }
0xb1: {  	[tilespmem:s0+$0x0] =	vst.msk $0x1, v3  }
0xb2: {  	v3 =	vsel vm4, $0x1, v1;
	[tilespmem:$0x90] =	vst v6  }
0xb3: {  	s0 =	sadd.s32 @!p1 $0xFAFF, s29;
	[tilespmem:$0xA0] =	vst v3  }
0xb4: {  	[spmem:s15] =	stream.linear.scatter @!p1 [tilespmem:s0], [sflag:$0x1], $0x1, $0x38;
	[tilespmem:$0x11A60] =	vst v63  }
0xb5: {  	s0 =	simm.s32 @!p1 $0x1  }
0xb6: {  	v3 =	vmctz.xlane @!p1 vm4;
	_ =	swait.ge @!p1 [sflag:s0], $0x1  }
0xb7: {  	(v2sf) =	vpush @!p1 v4, $0x0  }
0xb8: {  	(v2sf) =	vpush @!p1 v3, $0x0;
	_ =	sdelay $0xd  }
0xb9: {  	s2 =	spop @!p1 (v2sf)  }
0xba: {  	s22 =	spop @!p1 (v2sf)  }
0xbb: {  	p2 =	sne.s32 @!p1 s28, s2;
	p3 =	slt.s32 @!p1 s22, $0xF  }
0xbc: {  	[sflag:s0] =	ssyncset.done @!p1 $0x0;
	p2 =	por p2, p1;
	p3 =	por !p3, p1  }
0xbd: {  	[sflag:s0] =	ssyncadd.s32 @!p1 $0xFFFFFFFF;
	v3 =	vimm.s32 @!p2 $0xFFFFFFFF;
	s22 =	simm.s32 @p3 $0xF  }
0xbe: {  	[tilespmem:$0x80] =	vst @!p2 v3;
	s2 =	sadd.s32 @!p1 $0x90, s22  }
0xbf: {  	[spmem:s4] =	stream.linear.scatter @!p1 [tilespmem:s2], [sflag:$0x1], $0x1, $0x38;
	[tilespmem:$0x11A60] =	vst v63  }
0xc0: {  	_ =	swait.ge @!p1 [sflag:s0], $0x1  }
0xc1: {  	[sflag:s0] =	ssyncset.done @!p1 $0x0  }
0xc2: {  	s2 =	simm.s32 @!p1 $0x80;
	[sflag:s0] =	ssyncadd.s32 @!p1 $0xFFFFFFFF  }
0xc3: {  	[spmem:s13] =	stream.linear.scatter @!p1 [tilespmem:s2], [sflag:$0x1], $0x1, $0x38;
	[tilespmem:$0x11A60] =	vst v63  }
0xc4: {  	_ =	swait.ge @!p1 [sflag:s0], $0x1  }
0xc5: {  	[sflag:s0] =	ssyncset.done @!p1 $0x0  }
0xc6: {  	[sflag:s0] =	ssyncadd.s32 @!p1 $0xFFFFFFFF;
	(ifvalue) =	ssetifvalue $0xFFFFFFFF;
	v3 =	vld [tilespmem:s25+$0x10];
	_ =	sdelay $0x3  }
.Ltmp6:
0xc7: {  	_ = 	snop;
	(pc) =	sbr.rel .LBB2_9-.Ltmp6, $3  }
0xc8: {  	_ =	sdelay $0x1  }
0xc9: {  	(ifvalue) =	ssetifvalue $0xFFFFFFFF  }
0xca: {  	[hbm4b:s1+s16] =	stream.indirect_vreg.scatter [tilespmem:s26], [sflag:$0x9], $0x1, v3, vm0, $0x4038;
	[tilespmem:$0x11A60] =	vst v63  }
.LBB2_10:
0xcb: {  	_ =	sfence.sel $0x180000  }
0xcc: {  	s0 =	simm.s32 $0x7;
	[bflag:$0x0] =	sbarrier.arrive $0xFFFF  }
0xcd: {  	s26 =	simm.s32 $0x8;
	[sflag:s0] =	ssyncpa.u1 $0x1  }
0xce: {  	s28 =	simm.s32 $0x9;
	[sflag:s26] =	ssyncpa.u1 $0x1  }
0xcf: {  	[sflag:s28] =	ssyncpa.u1 $0x1  }
0xd0: {  	_ =	sfence.stream.spmem  }
0xd1: {  	s29 =	simm.s32 $0x3;
	[bflag:$0x0] =	sbarrier.arrive $0xFFFF  }
0xd2: {  	s30 =	simm.s32 $0x4;
	[sflag:s29] =	ssyncpa.u1 $0x1  }
0xd3: {  	s31 =	simm.s32 $0x3C;
	s2 =	stileid.u32;
	[sflag:s30] =	ssyncpa.u1 $0x1  }
0xd4: {  	p0 =	sne.s32 s2, $0x0;
	[sflag:s31] =	ssyncpa.u1 $0x1  }
0xd5: {  	s0 =	simm.s32 @p0 $0x1;
	_ =	sfence @p0  }
0xd6: {  	[sflag:s0] =	ssyncpa.u1 @p0 $0x1;
	s0 =	simm.s32 @p0 $0x2  }
0xd7: {  	[sflag:s0] =	ssyncpa.u1 @p0 $0x1  }
0xd8: {  	_ =	strace @p0 $0x90000056  }
0xd9: {  	[bflag:$0x2] =	sbarrier.arrive @p0 $0xFFFF  }
0xda: {  	_ =	shalt @p0  }
.LBB2_11:
0xdb: {  	_ =	sfence.stream.spmem;
	s0 =	simm.s32 $0x5  }
0xdc: {  	s2 =	simm.s32 $0x80;
	s3 =	simm.s32 $0xC0;
	[sflag:s0] =	ssyncpa.u1 $0x0  }
0xdd: {  	[tilespmem:s3], [sflag:$0x5] =	stream.linear.gather [spmem:s2], $0x20, $0x38;
	[tilespmem:$0x11A60] =	vst v63  }
0xde: {  	s2 =	simm.s32 $0x0;
	s3 =	simm.s32 $0xE0  }
0xdf: {  	[tilespmem:s3], [sflag:$0x5] =	stream.linear.gather [spmem:s2], $0x20, $0x38;
	[tilespmem:$0x11A60] =	vst v63  }
.Ltmp7:
0xe0: {  	_ = 	snop;
	(pc) =	sbr.rel .LBB2_12-.Ltmp7, $4  }
0xe1: {  	_ =	swait.ge [sflag:s0], $0x40  }
0xe2: {  	[sflag:s0] =	ssyncset.done $0x0  }
0xe3: {  	s31 =	simm.s32 $0x6;
	[sflag:s0] =	ssyncadd.s32 $0xFFFFFFC0  }
0xe4: {  	s4 =	simm.s32 $0x0;
	[sflag:s31] =	ssyncpa.u1 $0x0  }
.LBB2_17:
0xe5: {  	p0 =	sgt.u32 s5, $0x5F5E3FF  }
0xe6: {  	s0 =	sshrl.u32 @!p0 s5, $0x3  }
0xe7: {  	s5 =	sand.u32 @!p0 $0x7, s5;
	s6 =	simm.s32 @!p0 $0xB0;
	s0 =	sadd.s32 @!p0 s1, s0  }
0xe8: {  	[tilespmem:s6], [sflag:$0x6] =	stream.linear.gather @!p0 [hbm4b:s0+s5], $0x1, $0x38;
	[tilespmem:$0x11A60] =	vst v63  }
0xe9: {  	s0 =	simm.s32 @!p0 $0x6  }
0xea: {  	_ =	swait.ge @!p0 [sflag:s0], $0x1  }
0xeb: {  	[sflag:s0] =	ssyncset.done @!p0 $0x0  }
0xec: {  	[sflag:s0] =	ssyncadd.s32 @!p0 $0xFFFFFFFF  }
0xed: {  	v2 =	vmov @!p0 s4;
	v1 =	vld.msk @!p0 [tilespmem:$0xB0], $0x1;
	_ =	sdelay $0x3  }
0xee: {  	s0 =	simm.s32 @!p0 $0xE0  }
0xef: {  	[tilespmem:v2+s0+$0x0], v1 =	vst.idx.ret.add.f32.msk @!p0 $0x1, v1  }
0xf0: {  	[tilespmem:s2+$0xC0] =	vst.msk $0x1, v0  }
0xf1: {  	v0 =	vld.msk [tilespmem:s4+$0xE0], $0x1;
	_ =	sdelay $0x4  }
0xf2: {  	[tilespmem:s2+$0xE0] =	vst.msk $0x1, v0;
	s2 =	sadd.s32 $0x1, s2  }
.LBB2_19:
0xf3: {  	s4 =	sadd.s32 $0x1, s4  }
0xf4: {  	p0 =	sne.s32 s4, $0x20  }
.Ltmp8:
0xf5: {  	_ = 	snop;
	(pc) =	sbr.rel @!p0 .LBB2_20-.Ltmp8, $1  }
0xf6: {  	_ =	sdelay $0x3  }
.LBB2_12:
0xf7: {  	v0 =	vld.msk [tilespmem:s4+$0xC0], $0x1;
	_ =	sdelay $0x4  }
0xf8: {  	(v2sf) =	vpush v0, $0x0;
	_ =	sdelay $0xe  }
0xf9: {  	s5 =	spop (v2sf)  }
0xfa: {  	p0 =	seq.s32 s5, $0xFFFFFFFF  }
.Ltmp9:
0xfb: {  	_ = 	snop;
	(pc) =	sbr.rel @p0 .LBB2_19-.Ltmp9, $1  }
0xfc: {  	_ =	sdelay $0x3  }
0xfd: {  	p0 =	slt.s32 s2, $0x1  }
.Ltmp10:
0xfe: {  	_ = 	snop;
	(pc) =	sbr.rel @p0 .LBB2_17-.Ltmp10, $1  }
0xff: {  	_ =	sdelay $0x3  }
0x100: {  	s0 =	simm.s32 $0xC0;
	p0 =	por $0x0, $0x0  }
0x101: {  	v1 =	vld.msk @!p0 [tilespmem:s0+$0x0], $0x1;
	_ =	sdelay $0x4  }
0x102: {  	(v2sf) =	vpush @!p0 v1, $0x0;
	_ =	sdelay $0xd  }
0x103: {  	p2 =	sne.s32 s2, $0x1  }
.Ltmp11:
0x104: {  	s6 =	spop @!p0 (v2sf);
	(pc) =	sbr.rel @!p2 .LBB2_16-.Ltmp11, $4  }
0x105: {  	p1 =	seq.s32 @!p0 s5, s6  }
0x106: {  	s6 =	simm.s32 $0x0;
	p1 =	por !p1, p0  }
0x107: {  	s8 =	simm.s32 $0xFFFFFFFF;
	s6 =	simm.s32 @p1 $0xFFFFFFFF  }
0x108: {  	s7 =	simm.s32 $0x1;
	s6 =	smov.u32 @p0 s8  }
.LBB2_15:
0x109: {  	s8 =	smov.u32 s6;
	p0 =	sne.s32 s6, $0xFFFFFFFF  }
0x10a: {  	s0 =	sadd.s32 $0x1, s0;
	s6 =	smov.u32 s7;
	s7 =	sadd.s32 $0x1, s7  }
0x10b: {  	p1 =	sne.s32 s2, s7;
	v1 =	vld.msk @!p0 [tilespmem:s0+$0x0], $0x1;
	_ =	sdelay $0x4  }
0x10c: {  	(v2sf) =	vpush @!p0 v1, $0x0;
	_ =	sdelay $0xe  }
.Ltmp12:
0x10d: {  	s9 =	spop @!p0 (v2sf);
	(pc) =	sbr.rel @p1 .LBB2_15-.Ltmp12, $4  }
0x10e: {  	p2 =	seq.s32 @!p0 s5, s9  }
0x10f: {  	p2 =	por !p2, p0  }
0x110: {  	s6 =	simm.s32 @p2 $0xFFFFFFFF  }
0x111: {  	s6 =	smov.u32 @p0 s8  }
.LBB2_16:
0x112: {  	p0 =	sne.s32 s6, $0xFFFFFFFF  }
.Ltmp13:
0x113: {  	_ = 	snop;
	(pc) =	sbr.rel @!p0 .LBB2_17-.Ltmp13, $1  }
0x114: {  	_ =	sdelay $0x3  }
0x115: {  	v0 =	vld.msk [tilespmem:s4+$0xE0], $0x1;
	v1 =	vmov s6  }
.Ltmp14:
0x116: {  	_ = 	snop;
	(pc) =	sbr.rel .LBB2_19-.Ltmp14, $2  }
0x117: {  	_ =	sdelay $0x2  }
0x118: {  	[tilespmem:v1+s3+$0x0], v0 =	vst.idx.ret.add.f32.msk $0x1, v0  }
.LBB2_20:
0x119: {  	p0 =	slt.s32 s2, $0x1  }
.Ltmp15:
0x11a: {  	_ = 	snop;
	(pc) =	sbr.rel @p0 .LBB2_24-.Ltmp15, $3  }
0x11b: {  	_ =	sdelay $0x1  }
0x11c: {  	s0 =	simm.s32 $0x6  }
0x11d: {  	s3 =	simm.s32 $0x0;
	[sflag:s0] =	ssyncpa.u1 $0x1  }
0x11e: {  	s0 =	simm.s32 $0xC0  }
0x11f: {  	v0 =	vld.msk [tilespmem:s0+$0x0], $0x1;
	_ =	sdelay $0x4  }
0x120: {  	(v2sf) =	vpush v0, $0x0;
	_ =	sdelay $0xe  }
0x121: {  	s2 =	sadd.s32 $0xFFFFFFFF, s2;
	s4 =	spop (v2sf)  }
0x122: {  	p1 =	sne.s32 s2, $0x0;
	p0 =	sgt.u32 s4, $0x5F5E3FF  }
.Ltmp16:
0x123: {  	s5 =	sshrl.u32 @!p0 s4, $0x3;
	(pc) =	sbr.rel @!p1 .LBB2_23-.Ltmp16, $4  }
0x124: {  	s0 =	simm.s32 $0xE0;
	s4 =	sand.u32 @!p0 $0x7, s4;
	s5 =	sadd.s32 @!p0 s1, s5  }
0x125: {  	[hbm4b:s5+s4] =	stream.linear.scatter @!p0 [tilespmem:s0], [sflag:$0x5], $0x1, $0x38;
	[tilespmem:$0x11A60] =	vst v63  }
0x126: {  	s5 =	simm.s32 $0x0  }
0x127: {  	s4 =	simm.s32 $0xC1;
	s5 =	simm.s32 @!p0 $0x4  }
.LBB2_22:
0x128: {  	v0 =	vld.msk [tilespmem:s4+$0x0], $0x1;
	s2 =	sadd.s32 $0xFFFFFFFF, s2;
	s3 =	sadd.s32 s3, s5  }
0x129: {  	p0 =	sne.s32 s2, $0x0;
	_ =	sdelay $0x3  }
0x12a: {  	(v2sf) =	vpush v0, $0x0;
	_ =	sdelay $0xe  }
.Ltmp17:
0x12b: {  	s6 =	spop (v2sf);
	(pc) =	sbr.rel @p0 .LBB2_22-.Ltmp17, $4  }
0x12c: {  	s5 =	simm.s32 $0x0;
	p1 =	sgt.u32 s6, $0x5F5E3FF  }
0x12d: {  	s0 =	sadd.s32 $0x1, s0;
	s5 =	simm.s32 @!p1 $0x4;
	s7 =	sshrl.u32 @!p1 s6, $0x3  }
0x12e: {  	s4 =	sadd.s32 $0x1, s4;
	s6 =	sand.u32 @!p1 $0x7, s6;
	s7 =	sadd.s32 @!p1 s1, s7  }
0x12f: {  	[hbm4b:s7+s6] =	stream.linear.scatter @!p1 [tilespmem:s0], [sflag:$0x5], $0x1, $0x38;
	[tilespmem:$0x11A60] =	vst v63  }
.LBB2_23:
0x130: {  	s0 =	sadd.s32 s3, s5  }
0x131: {  	s3 =	sshrl.u32 s0, $0x2  }
.LBB2_24:
0x132: {  	s0 =	simm.s32 $0x5  }
0x133: {  	_ =	swait.ge [sflag:s0], s3  }
0x134: {  	s1 =	ssub.s32 $0x0, s3;
	[sflag:s0] =	ssyncset.done $0x0  }
0x135: {  	[sflag:s0] =	ssyncadd.s32 s1  }
0x136: {  	[sflag:s0] =	ssyncpa.u1 $0x1  }
0x137: {  	s29 =	simm.s32 $0x1;
	_ =	sfence  }
0x138: {  	s30 =	simm.s32 $0x2;
	[sflag:s29] =	ssyncpa.u1 $0x1  }
0x139: {  	[sflag:s30] =	ssyncpa.u1 $0x1  }
0x13a: {  	_ =	strace $0x90000056  }
0x13b: {  	[bflag:$0x2] =	sbarrier.arrive $0xFFFF  }
0x13c: {  	s31 =	rddreg [dreg:$0x2]  }
0x13d: {  	s0 =	sadd.s32 $0x100000, s31  }
0x13e: {  	[sflag:s0] =	ssyncadd.tile.s32 $0x1;
	_ =	shalt  }
.Lfunc_end2:
_tile_overlayer_lowered:
.L_overlay_start_2:
0x13f: {  	(tag) =	ssettag $0x2  }
0x140: {  	s0 =	rddreg [dreg:$0x0];
	s2 =	stileid.u32  }
0x141: {  	s1 =	rddreg [dreg:$0x1];
	p0 =	sne.s32 s2, $0x0  }
0x142: {  	s3 =	rddreg [dreg:$0x2];
	[bflag:$0x3] =	sbarrier.arrive $0xFFFF;
	s2 =	simm.s32 @!p0 $0x1C01  }
0x143: {  	[timem:s3], [sflag:s2] =	dma.local @!p0 [hbm:s0], s1  }
0x144: {  	s0 =	simm.s32 @!p0 $0x1  }
0x145: {  	_ =	swait.ge @!p0 [sflag:s0], s1  }
0x146: {  	s1 =	ssub.s32 @!p0 $0x0, s1;
	[sflag:s0] =	ssyncset.done @!p0 $0x0  }
0x147: {  	[sflag:s0] =	ssyncadd.s32 @!p0 s1  }
0x148: {  	[bflag:$0x3] =	sbarrier.arrive $0xFFFF  }
0x149: {  	_ =	shalt  }

</sc_bundles>
